<compile_context>
chip_gen: v7x
topology: tpu7x:2x2x1
jax: 0.10.2.dev20260603
libtpu: 0.0.44.dev20260713+nightly
codegen_flags: <defaults>
</compile_context>

<pallas_src>
import functools

import jax
import jax.numpy as jnp
from jax import lax
from jax.experimental import pallas as pl
from jax.experimental.pallas import tpu as pltpu
from jax.experimental.pallas import tpu_sc as plsc

N = 10000
E = 320000
EP = 327680
D = 128
DE = 16

NWORK = 32
EW = E // NWORK
CH = 200
CHP = 208
NCH = EW // CH
ZR = 64
NH = N // 2
AM = 5120
AQ = 640
NQH = NH // 8
ET = E // 16
NCH3 = ET // CH
L = 16


@functools.cache
def _mesh():
    return plsc.VectorSubcoreMesh(core_axis_name="c", subcore_axis_name="s")



BN = 1000


def _prep_body(x_ref, w1x_ref, w1y_ref, b1_ref, a_ref, b_ref):
    x = x_ref[...]
    a_ref[...] = x @ w1x_ref[...] + b1_ref[...]
    b_ref[...] = x @ w1y_ref[...]


def _prep_call(x, w1x, w1y, b1):
    full = lambda i: (0, 0)
    return pl.pallas_call(
        _prep_body,
        grid=(N // BN,),
        in_specs=[
            pl.BlockSpec((BN, D), lambda i: (i, 0)),
            pl.BlockSpec((D, D), full),
            pl.BlockSpec((D, D), full),
            pl.BlockSpec((1, D), full),
        ],
        out_specs=[
            pl.BlockSpec((BN, D), lambda i: (i, 0)),
            pl.BlockSpec((BN, D), lambda i: (i, 0)),
        ],
        out_shape=[
            jax.ShapeDtypeStruct((N, D), jnp.float32),
            jax.ShapeDtypeStruct((N, D), jnp.float32),
        ],
    )(x, w1x, w1y, b1)



C1 = 80
NC1 = E // (NWORK * C1)


def _gather_body(a_hbm, b_hbm, row_hbm, col_hbm, px_hbm, py_hbm, pz_hbm,
                 g_hbm, dist_hbm, dx_hbm, dy_hbm, dz_hbm,
                 idxr0, idxc0, idxr1, idxc1, bufa0, bufb0, bufa1, bufb1,
                 px, py, pz,
                 dst0, xst0, yst0, zst0, dst1, xst1, yst1, zst1,
                 sem_idx, sem_g0, sem_g1, sem_out):
    c = lax.axis_index("c")
    s = lax.axis_index("s")
    wid = s * 2 + c
    base_w = wid * C1 * NC1

    pltpu.sync_copy(px_hbm, px)
    pltpu.sync_copy(py_hbm, py)
    pltpu.sync_copy(pz_hbm, pz)

    def load_idx(base, st):
        pltpu.async_copy(row_hbm.at[pl.ds(base, C1)], st[0], sem_idx)
        pltpu.async_copy(col_hbm.at[pl.ds(base, C1)], st[1], sem_idx)

    def wait_idx(base, st):
        pltpu.make_async_copy(row_hbm.at[pl.ds(base, C1)], st[0],
                              sem_idx).wait()
        pltpu.make_async_copy(col_hbm.at[pl.ds(base, C1)], st[1],
                              sem_idx).wait()

    def issue_gather(st):
        pltpu.async_copy(a_hbm.at[st[0]], st[2], st[10])
        pltpu.async_copy(b_hbm.at[st[1]], st[3], st[10])

    def wait_gather(st):
        pltpu.make_async_copy(a_hbm.at[st[0]], st[2], st[10]).wait()
        pltpu.make_async_copy(b_hbm.at[st[1]], st[3], st[10]).wait()

    def fire_out(base, st):
        pltpu.async_copy(st[4], dist_hbm.at[pl.ds(base, C1)], sem_out)
        pltpu.async_copy(st[5], dx_hbm.at[pl.ds(base, C1)], sem_out)
        pltpu.async_copy(st[6], dy_hbm.at[pl.ds(base, C1)], sem_out)
        pltpu.async_copy(st[7], dz_hbm.at[pl.ds(base, C1)], sem_out)
        pltpu.async_copy(st[2], g_hbm.at[pl.ds(base, C1)], sem_out)

    def drain_out(base, st):
        pltpu.make_async_copy(st[4], dist_hbm.at[pl.ds(base, C1)],
                              sem_out).wait()
        pltpu.make_async_copy(st[5], dx_hbm.at[pl.ds(base, C1)],
                              sem_out).wait()
        pltpu.make_async_copy(st[6], dy_hbm.at[pl.ds(base, C1)],
                              sem_out).wait()
        pltpu.make_async_copy(st[7], dz_hbm.at[pl.ds(base, C1)],
                              sem_out).wait()
        pltpu.make_async_copy(st[2], g_hbm.at[pl.ds(base, C1)],
                              sem_out).wait()

    def compute(st):
        ir, ic = st[0], st[1]
        bufa, bufb = st[2], st[3]
        dst, xst, yst, zst = st[4], st[5], st[6], st[7]

        def dist_vec(i, carry2):
            sl = pl.ds(i * L, L)
            irv = ir[sl]
            icv = ic[sl]
            dx = plsc.load_gather(px, [irv]) - plsc.load_gather(px, [icv])
            dy = plsc.load_gather(py, [irv]) - plsc.load_gather(py, [icv])
            dz = plsc.load_gather(pz, [irv]) - plsc.load_gather(pz, [icv])
            d2 = dx * dx + dy * dy + dz * dz
            yb = jnp.int32(0x5F3759DF) - lax.shift_right_logical(
                plsc.bitcast(d2, jnp.int32), jnp.int32(1))
            y = plsc.bitcast(yb, jnp.float32)
            for _ in range(3):
                y = y * (1.5 - 0.5 * d2 * y * y)
            dst[sl] = jnp.where(d2 > 0.0, d2 * y, 0.0)
            xst[sl] = dx
            yst[sl] = dy
            zst[sl] = dz
            return carry2

        lax.fori_loop(0, C1 // L, dist_vec, 0)

        def add_rows(r2, carry2):
            for k in range(2):
                r = r2 * 2 + k
                for j in range(D // L):
                    sl = pl.ds(j * L, L)
                    bufa[r, sl] = bufa[r, sl] + bufb[r, sl]
            return carry2

        lax.fori_loop(0, C1 // 2, add_rows, 0)

    def chunk(k, st, ost, peel):
        base = base_w + k * C1
        wait_gather(st)
        compute(st)
        fire_out(base, st)
        if not peel:
            drain_out(base - C1, ost)
        nxt = base_w + lax.rem(k + 1, NC1) * C1
        wait_idx(nxt, ost)
        issue_gather(ost)
        nxt2 = base_w + lax.rem(k + 2, NC1) * C1
        load_idx(nxt2, st)

    set0 = (idxr0, idxc0, bufa0, bufb0, dst0, xst0, yst0, zst0, None, None,
            sem_g0)
    set1 = (idxr1, idxc1, bufa1, bufb1, dst1, xst1, yst1, zst1, None, None,
            sem_g1)

    load_idx(base_w, set0)
    wait_idx(base_w, set0)
    issue_gather(set0)
    load_idx(base_w + C1, set1)

    chunk(0, set0, set1, peel=True)
    chunk(1, set1, set0, peel=False)

    def body(ci, carry):
        chunk2 = 2 * ci
        base = base_w + chunk2 * C1
        for (k_off, st, ost) in ((0, set0, set1), (1, set1, set0)):
            bk = base + k_off * C1
            wait_gather(st)
            compute(st)
            fire_out(bk, st)
            drain_out(bk - C1, ost)
            nxt = base_w + lax.rem(chunk2 + k_off + 1, NC1) * C1
            wait_idx(nxt, ost)
            issue_gather(ost)
            nxt2 = base_w + lax.rem(chunk2 + k_off + 2, NC1) * C1
            load_idx(nxt2, st)
        return carry

    lax.fori_loop(1, NC1 // 2, body, 0)

    kf = NC1 - 1
    basef = base_w + kf * C1
    wait_gather(set0)
    compute(set0)
    fire_out(basef, set0)
    drain_out(basef - C1, set1)
    drain_out(basef, set0)
    wait_idx(base_w, set1)


def _gather_call(a, b, row, col, px, py, pz):
    return pl.kernel(
        _gather_body,
        out_type=[
            jax.ShapeDtypeStruct((EP, D), jnp.float32),
            jax.ShapeDtypeStruct((E,), jnp.float32),
            jax.ShapeDtypeStruct((E,), jnp.float32),
            jax.ShapeDtypeStruct((E,), jnp.float32),
            jax.ShapeDtypeStruct((E,), jnp.float32),
        ],
        mesh=_mesh(),
        compiler_params=pltpu.CompilerParams(needs_layout_passes=False),
        scratch_types=[
            pltpu.VMEM((C1,), jnp.int32),
            pltpu.VMEM((C1,), jnp.int32),
            pltpu.VMEM((C1,), jnp.int32),
            pltpu.VMEM((C1,), jnp.int32),
            pltpu.VMEM((C1, D), jnp.float32),
            pltpu.VMEM((C1, D), jnp.float32),
            pltpu.VMEM((C1, D), jnp.float32),
            pltpu.VMEM((C1, D), jnp.float32),
            pltpu.VMEM((N,), jnp.float32),
            pltpu.VMEM((N,), jnp.float32),
            pltpu.VMEM((N,), jnp.float32),
            pltpu.VMEM((C1,), jnp.float32),
            pltpu.VMEM((C1,), jnp.float32),
            pltpu.VMEM((C1,), jnp.float32),
            pltpu.VMEM((C1,), jnp.float32),
            pltpu.VMEM((C1,), jnp.float32),
            pltpu.VMEM((C1,), jnp.float32),
            pltpu.VMEM((C1,), jnp.float32),
            pltpu.VMEM((C1,), jnp.float32),
            pltpu.SemaphoreType.DMA,
            pltpu.SemaphoreType.DMA,
            pltpu.SemaphoreType.DMA,
            pltpu.SemaphoreType.DMA,
        ],
    )(a, b, row, col, px, py, pz)



BE = 2048


def _edge_body(g_ref, da_ref, w1ed_ref, w2_ref, b2_ref,
               wc1_ref, bc1_ref, wc2_ref, bc2_ref, m_ref, cw_ref):
    pre = g_ref[...] + da_ref[...] @ w1ed_ref[...]
    m1 = jax.nn.silu(pre)
    msg = jax.nn.silu(m1 @ w2_ref[...] + b2_ref[...])
    m_ref[...] = msg
    t = jax.nn.silu(msg @ wc1_ref[...] + bc1_ref[...])
    w = wc2_ref[...]
    rows = [jnp.sum(t[k * D:(k + 1) * D, :] * w, axis=1).reshape(1, D)
            for k in range(BE // D)]
    cw_ref[...] = jnp.concatenate(rows, axis=0) + bc2_ref[...]


def _edge_call(g, da, w1ed, w2, b2, wc1, bc1, wc2, bc2):
    full = lambda i: (0, 0)
    return pl.pallas_call(
        _edge_body,
        grid=(EP // BE,),
        in_specs=[
            pl.BlockSpec((BE, D), lambda i: (i, 0)),
            pl.BlockSpec((BE, DE + 1), lambda i: (i, 0)),
            pl.BlockSpec((DE + 1, D), full),
            pl.BlockSpec((D, D), full),
            pl.BlockSpec((1, D), full),
            pl.BlockSpec((D, D), full),
            pl.BlockSpec((1, D), full),
            pl.BlockSpec((1, D), full),
            pl.BlockSpec((1, 1), full),
        ],
        out_specs=[
            pl.BlockSpec((BE, D), lambda i: (i, 0)),
            pl.BlockSpec((BE // D, D), lambda i: (i, 0)),
        ],
        out_shape=[
            jax.ShapeDtypeStruct((EP, D), jnp.float32),
            jax.ShapeDtypeStruct((EP // D, D), jnp.float32),
        ],
    )(g, da, w1ed, w2, b2, wc1, bc1, wc2, bc2)



def _scatter_body(m_hbm, row_hbm, cw_hbm, dx_hbm, dy_hbm, dz_hbm,
                  p_hbm, q_hbm,
                  idxr0, cwb0, dxb0, dyb0, dzb0, bufm0,
                  idxr1, cwb1, dxb1, dyb1, dzb1, bufm1,
                  idxl, idxq, stage, accm, accq, sem_ld):
    c = lax.axis_index("c")
    s = lax.axis_index("s")

    def zstage(r, carry):
        for j in range(D // L):
            stage[r, pl.ds(j * L, L)] = jnp.zeros((L,), jnp.float32)
        return carry

    lax.fori_loop(0, CHP, zstage, 0)

    zi = jnp.zeros((L,), jnp.int32)
    zf = jnp.zeros((L,), jnp.float32)
    for (ir, cw, dx, dy, dz) in ((idxr0, cwb0, dxb0, dyb0, dzb0),
                                 (idxr1, cwb1, dxb1, dyb1, dzb1)):
        ir[pl.ds(CHP - L, L)] = zi
        cw[pl.ds(CHP - L, L)] = zf
        dx[pl.ds(CHP - L, L)] = zf
        dy[pl.ds(CHP - L, L)] = zf
        dz[pl.ds(CHP - L, L)] = zf

    def ztail(r, carry):
        for j in range(D // L):
            sl = pl.ds(j * L, L)
            bufm0[CH + r, sl] = jnp.zeros((L,), jnp.float32)
            bufm1[CH + r, sl] = jnp.zeros((L,), jnp.float32)
        return carry

    lax.fori_loop(0, CHP - CH, ztail, 0)

    mb = pl.multiple_of(s * (AM // 16), 8)
    pltpu.sync_copy(stage, accm.at[pl.ds(mb, CHP)])
    pltpu.sync_copy(stage.at[pl.ds(0, AM // 16 - CHP)],
                    accm.at[pl.ds(mb + CHP, AM // 16 - CHP)])
    qb = pl.multiple_of(s * (AQ // 16), 8)
    pltpu.sync_copy(stage.at[pl.ds(0, AQ // 16)], accq.at[pl.ds(qb, AQ // 16)])

    plsc.subcore_barrier()

    lanes = lax.iota(jnp.int32, L)
    lo = c * NH

    def load_chunk(base, ir, cw, dx, dy, dz, bm):
        pltpu.async_copy(row_hbm.at[pl.ds(base, CH)], ir.at[pl.ds(0, CH)],
                         sem_ld)
        pltpu.async_copy(cw_hbm.at[pl.ds(base, CH)], cw.at[pl.ds(0, CH)],
                         sem_ld)
        pltpu.async_copy(dx_hbm.at[pl.ds(base, CH)], dx.at[pl.ds(0, CH)],
                         sem_ld)
        pltpu.async_copy(dy_hbm.at[pl.ds(base, CH)], dy.at[pl.ds(0, CH)],
                         sem_ld)
        pltpu.async_copy(dz_hbm.at[pl.ds(base, CH)], dz.at[pl.ds(0, CH)],
                         sem_ld)
        pltpu.async_copy(m_hbm.at[pl.ds(base, CH)], bm.at[pl.ds(0, CH)],
                         sem_ld)

    def wait_chunk(base, ir, cw, dx, dy, dz, bm):
        pltpu.make_async_copy(row_hbm.at[pl.ds(base, CH)],
                              ir.at[pl.ds(0, CH)], sem_ld).wait()
        pltpu.make_async_copy(cw_hbm.at[pl.ds(base, CH)],
                              cw.at[pl.ds(0, CH)], sem_ld).wait()
        pltpu.make_async_copy(dx_hbm.at[pl.ds(base, CH)],
                              dx.at[pl.ds(0, CH)], sem_ld).wait()
        pltpu.make_async_copy(dy_hbm.at[pl.ds(base, CH)],
                              dy.at[pl.ds(0, CH)], sem_ld).wait()
        pltpu.make_async_copy(dz_hbm.at[pl.ds(base, CH)],
                              dz.at[pl.ds(0, CH)], sem_ld).wait()
        pltpu.make_async_copy(m_hbm.at[pl.ds(base, CH)],
                              bm.at[pl.ds(0, CH)], sem_ld).wait()

    def chunk(base, nbase, cur, nxt):
        ir, cw, dx, dy, dz, bm = cur
        wait_chunk(base, *cur)
        load_chunk(nbase, *nxt)

        def localize(i, carry2):
            sl = pl.ds(i * L, L)
            irv = ir[sl]
            loc = irv - lo
            valid = (loc >= 0) & (loc < NH)
            idxl[sl] = jnp.where(valid, loc, NH)
            idxq[sl] = jnp.where(valid, loc // 8, NQH)
            return carry2

        lax.fori_loop(0, CHP // L, localize, 0)
        pltpu.sync_copy(bm, accm.at[idxl], add=True)

        def coord_vec(i, carry2):
            sl = pl.ds(i * L, L)
            irv = ir[sl]
            cwv = cw[sl]
            rr = i * L + lanes
            cc = (irv % 8) * L
            plsc.store_scatter(stage, [rr, cc], dx[sl] * cwv)
            plsc.store_scatter(stage, [rr, cc + 1], dy[sl] * cwv)
            plsc.store_scatter(stage, [rr, cc + 2], dz[sl] * cwv)
            return carry2

        lax.fori_loop(0, CHP // L, coord_vec, 0)
        pltpu.sync_copy(stage, accq.at[idxq], add=True)

        def rezero_vec(i, carry2):
            sl = pl.ds(i * L, L)
            irv = ir[sl]
            rr = i * L + lanes
            cc = (irv % 8) * L
            zero = jnp.zeros((L,), jnp.float32)
            plsc.store_scatter(stage, [rr, cc], zero)
            plsc.store_scatter(stage, [rr, cc + 1], zero)
            plsc.store_scatter(stage, [rr, cc + 2], zero)
            return carry2

        lax.fori_loop(0, CHP // L, rezero_vec, 0)

    set0 = (idxr0, cwb0, dxb0, dyb0, dzb0, bufm0)
    set1 = (idxr1, cwb1, dxb1, dyb1, dzb1, bufm1)
    sbase = s * ET
    load_chunk(sbase, *set0)

    def body(ci, carry):
        baseA = sbase + (2 * ci) * CH
        baseB = baseA + CH
        chunk(baseA, baseB, set0, set1)
        nxt = lax.rem(2 * ci + 2, NCH3)
        chunk(baseB, sbase + nxt * CH, set1, set0)
        return carry

    lax.fori_loop(0, NCH3 // 2, body, 0)
    wait_chunk(sbase, *set0)
    plsc.subcore_barrier()

    mb2 = pl.multiple_of(s * (AM // 16), 8)
    pltpu.sync_copy(accm.at[pl.ds(mb2, AM // 16)],
                    p_hbm.at[c, pl.ds(mb2, AM // 16)])
    qb2 = pl.multiple_of(s * (AQ // 16), 8)
    pltpu.sync_copy(accq.at[pl.ds(qb2, AQ // 16)],
                    q_hbm.at[c, pl.ds(qb2, AQ // 16)])


def _scatter_call(m, row, cw, dx, dy, dz):
    return pl.kernel(
        _scatter_body,
        out_type=[
            jax.ShapeDtypeStruct((2, AM, D), jnp.float32),
            jax.ShapeDtypeStruct((2, AQ, D), jnp.float32),
        ],
        mesh=_mesh(),
        compiler_params=pltpu.CompilerParams(needs_layout_passes=False),
        scratch_types=[
            pltpu.VMEM((CHP,), jnp.int32),
            pltpu.VMEM((CHP,), jnp.float32),
            pltpu.VMEM((CHP,), jnp.float32),
            pltpu.VMEM((CHP,), jnp.float32),
            pltpu.VMEM((CHP,), jnp.float32),
            pltpu.VMEM((CHP, D), jnp.float32),
            pltpu.VMEM((CHP,), jnp.int32),
            pltpu.VMEM((CHP,), jnp.float32),
            pltpu.VMEM((CHP,), jnp.float32),
            pltpu.VMEM((CHP,), jnp.float32),
            pltpu.VMEM((CHP,), jnp.float32),
            pltpu.VMEM((CHP, D), jnp.float32),
            pltpu.VMEM((CHP,), jnp.int32),
            pltpu.VMEM((CHP,), jnp.int32),
            pltpu.VMEM((CHP, D), jnp.float32),
            pltpu.VMEM_SHARED((AM, D), jnp.float32),
            pltpu.VMEM_SHARED((AQ, D), jnp.float32),
            pltpu.SemaphoreType.DMA,
        ],
    )(m, row, cw, dx, dy, dz)



def _node_body(x_ref, pos_ref, agg_ref, cd_ref,
               wn1x_ref, wn1a_ref, bn1_ref, wn2_ref, bn2_ref,
               xn_ref, pn_ref):
    x = x_ref[...]
    h = jax.nn.silu(x @ wn1x_ref[...] + agg_ref[...] @ wn1a_ref[...]
                    + bn1_ref[...])
    xn_ref[...] = h @ wn2_ref[...] + bn2_ref[...]
    pn_ref[...] = pos_ref[...] + cd_ref[...]


def _node_call(x, pos16, agg, cd16, wn1x, wn1a, bn1, wn2, bn2):
    full = lambda i: (0, 0)
    return pl.pallas_call(
        _node_body,
        grid=(N // BN,),
        in_specs=[
            pl.BlockSpec((BN, D), lambda i: (i, 0)),
            pl.BlockSpec((BN, 16), lambda i: (i, 0)),
            pl.BlockSpec((BN, D), lambda i: (i, 0)),
            pl.BlockSpec((BN, 16), lambda i: (i, 0)),
            pl.BlockSpec((D, D), full),
            pl.BlockSpec((D, D), full),
            pl.BlockSpec((1, D), full),
            pl.BlockSpec((D, D), full),
            pl.BlockSpec((1, D), full),
        ],
        out_specs=[
            pl.BlockSpec((BN, D), lambda i: (i, 0)),
            pl.BlockSpec((BN, 16), lambda i: (i, 0)),
        ],
        out_shape=[
            jax.ShapeDtypeStruct((N, D), jnp.float32),
            jax.ShapeDtypeStruct((N, 16), jnp.float32),
        ],
    )(x, pos16, agg, cd16, wn1x, wn1a, bn1, wn2, bn2)



def kernel(x, pos, edge_index, edge_attr,
           W1, b1, W2, b2, Wn1, bn1, Wn2, bn2, Wc1, bc1, Wc2, bc2):
    row = edge_index[0].astype(jnp.int32)
    col = edge_index[1].astype(jnp.int32)
    px = pos[:, 0]
    py = pos[:, 1]
    pz = pos[:, 2]
    pos16 = jnp.pad(pos, ((0, 0), (0, 16 - pos.shape[1])))

    w1x = W1[:D]
    w1y = W1[D:2 * D]
    w1d = W1[2 * D:2 * D + 1]
    w1e = W1[2 * D + 1:]

    a, b = _prep_call(x, w1x, w1y, b1.reshape(1, D))
    g, dist, dxe, dye, dze = _gather_call(a, b, row, col, px, py, pz)
    da = jnp.concatenate([edge_attr, dist[:, None]], axis=1)
    da = jnp.pad(da, ((0, EP - E), (0, 0)))
    w1ed = jnp.concatenate([w1e, w1d], axis=0)
    m, cw8 = _edge_call(g, da, w1ed,
                        W2, b2.reshape(1, D), Wc1, bc1.reshape(1, D),
                        Wc2.reshape(1, D), bc2.reshape(1, 1))
    p, q = _scatter_call(m, row, cw8.reshape(EP), dxe, dye, dze)
    agg = jnp.concatenate([p[0, :NH], p[1, :NH]], axis=0)
    cd16 = jnp.concatenate([q[0, :NQH], q[1, :NQH]], axis=0).reshape(N, 16)
    xn, pn16 = _node_call(x, pos16, agg, cd16,
                          Wn1[:D], Wn1[D:], bn1.reshape(1, D),
                          Wn2, bn2.reshape(1, D))
    return xn, pn16[:, :3]

# --- scband reference (transcript-rebuilt; emitter-appended) ---
"""Pipeline reference for scband-egnnlayer-7541962572405 (READ-ONLY COPY).

The authoritative reference and input builder live on the scoring server;
editing this copy changes nothing except your own understanding.
"""

import jax, jax.numpy as jnp
import numpy as np

N = 10000
E = 320000
D = 128
H = 128
DE = 16


def _linear_params(key, fan_in, fan_out):
    kw, kb = jax.random.split(key)
    scale = 1.0 / np.sqrt(fan_in)
    W = jax.random.uniform(kw, (fan_in, fan_out), jnp.float32, -scale, scale)
    b = jax.random.uniform(kb, (fan_out,), jnp.float32, -scale, scale)
    return W, b


def setup_inputs(seed: int = 0) -> dict:
    key = jax.random.key(seed)
    ks = jax.random.split(key, 12)
    x = jax.random.normal(ks[0], (N, D), jnp.float32)
    pos = jax.random.normal(ks[1], (N, 3), jnp.float32)
    edge_index = jax.random.randint(ks[2], (2, E), 0, N, jnp.int64 if jax.config.jax_enable_x64 else jnp.int32)
    edge_attr = jax.random.normal(ks[3], (E, DE), jnp.float32)
    W1, b1 = _linear_params(ks[4], 2 * D + 1 + DE, H)
    W2, b2 = _linear_params(ks[5], H, H)
    Wn1, bn1 = _linear_params(ks[6], D + H, H)
    Wn2, bn2 = _linear_params(ks[7], H, D)
    Wc1, bc1 = _linear_params(ks[8], H, H)
    Wc2, bc2 = _linear_params(ks[9], H, 1)
    return {
        "x": x, "pos": pos, "edge_index": edge_index, "edge_attr": edge_attr,
        "W1": W1, "b1": b1, "W2": W2, "b2": b2,
        "Wn1": Wn1, "bn1": bn1, "Wn2": Wn2, "bn2": bn2,
        "Wc1": Wc1, "bc1": bc1, "Wc2": Wc2, "bc2": bc2,
    }


def reference(x, pos, edge_index, edge_attr,
              W1, b1, W2, b2, Wn1, bn1, Wn2, bn2, Wc1, bc1, Wc2, bc2):
    row = edge_index[0]
    col = edge_index[1]
    diff = pos[row] - pos[col]
    dist = jnp.linalg.norm(diff, axis=-1, keepdims=True)
    msg_input = jnp.concatenate([x[row], x[col], dist, edge_attr], axis=-1)
    msg = jax.nn.silu(msg_input @ W1 + b1)
    msg = jax.nn.silu(msg @ W2 + b2)
    agg = jax.ops.segment_sum(msg, row, num_segments=x.shape[0])
    x_new = jax.nn.silu(jnp.concatenate([x, agg], axis=-1) @ Wn1 + bn1) @ Wn2 + bn2
    coord_weights = jax.nn.silu(msg @ Wc1 + bc1) @ Wc2 + bc2
    coord_diff = diff * coord_weights
    coord_agg = jax.ops.segment_sum(coord_diff, row, num_segments=pos.shape[0])
    pos_new = pos + coord_agg
    return (x_new, pos_new)

if __name__ == "__main__":
    import jax
    _d = setup_inputs()
    print(jax.jit(kernel)(*tuple(_d.values())))

</pallas_src>

<mosaic_0001>
#map = affine_map<(d0, d1) -> (0, 0)>
#map1 = affine_map<(d0, d1) -> (0)>
module attributes {stable_mosaic.version = 14 : i64} {
  func.func @_gather_body(%arg0: i32, %arg1: i32, %arg2: memref<10000x128xf32, #tpu.memory_space<hbm>>, %arg3: memref<10000x128xf32, #tpu.memory_space<hbm>>, %arg4: memref<320000xi32, #tpu.memory_space<hbm>>, %arg5: memref<320000xi32, #tpu.memory_space<hbm>>, %arg6: memref<10000xf32, #tpu.memory_space<hbm>>, %arg7: memref<10000xf32, #tpu.memory_space<hbm>>, %arg8: memref<10000xf32, #tpu.memory_space<hbm>>, %arg9: memref<327680x128xf32, #tpu.memory_space<hbm>>, %arg10: memref<320000xf32, #tpu.memory_space<hbm>>, %arg11: memref<320000xf32, #tpu.memory_space<hbm>>, %arg12: memref<320000xf32, #tpu.memory_space<hbm>>, %arg13: memref<320000xf32, #tpu.memory_space<hbm>>, %arg14: memref<80xi32, #tpu.memory_space<vmem>>, %arg15: memref<80xi32, #tpu.memory_space<vmem>>, %arg16: memref<80xi32, #tpu.memory_space<vmem>>, %arg17: memref<80xi32, #tpu.memory_space<vmem>>, %arg18: memref<80x128xf32, #tpu.memory_space<vmem>>, %arg19: memref<80x128xf32, #tpu.memory_space<vmem>>, %arg20: memref<80x128xf32, #tpu.memory_space<vmem>>, %arg21: memref<80x128xf32, #tpu.memory_space<vmem>>, %arg22: memref<10000xf32, #tpu.memory_space<vmem>>, %arg23: memref<10000xf32, #tpu.memory_space<vmem>>, %arg24: memref<10000xf32, #tpu.memory_space<vmem>>, %arg25: memref<80xf32, #tpu.memory_space<vmem>>, %arg26: memref<80xf32, #tpu.memory_space<vmem>>, %arg27: memref<80xf32, #tpu.memory_space<vmem>>, %arg28: memref<80xf32, #tpu.memory_space<vmem>>, %arg29: memref<80xf32, #tpu.memory_space<vmem>>, %arg30: memref<80xf32, #tpu.memory_space<vmem>>, %arg31: memref<80xf32, #tpu.memory_space<vmem>>, %arg32: memref<80xf32, #tpu.memory_space<vmem>>, %arg33: memref<!tpu.dma_semaphore, #tpu.memory_space<semaphore_mem>>, %arg34: memref<!tpu.dma_semaphore, #tpu.memory_space<semaphore_mem>>, %arg35: memref<!tpu.dma_semaphore, #tpu.memory_space<semaphore_mem>>, %arg36: memref<!tpu.dma_semaphore, #tpu.memory_space<semaphore_mem>>) attributes {dimension_semantics = [#tpu.dimension_semantics<core_parallel>, #tpu.dimension_semantics<subcore_parallel>], iteration_bounds = array<i64: 2, 16>, scalar_prefetch = 0 : i64, scratch_operands = 23 : i64, tpu.core_type = #tpu.core_type<sc_vector_subcore>, window_params = [{transform_indices = #map}, {transform_indices = #map}, {transform_indices = #map1}, {transform_indices = #map1}, {transform_indices = #map1}, {transform_indices = #map1}, {transform_indices = #map1}, {transform_indices = #map}, {transform_indices = #map1}, {transform_indices = #map1}, {transform_indices = #map1}, {transform_indices = #map1}]} {
    %mul3A = arith.constant 2 : i32
    %mul3A_0 = arith.muli %arg1, %mul3A : i32
    %add3A = arith.addi %mul3A_0, %arg0 : i32
    %mul3A_1 = arith.constant 80 : i32
    %mul3A_2 = arith.muli %add3A, %mul3A_1 : i32
    %mul3A_3 = arith.constant 125 : i32
    %mul3A_4 = arith.muli %mul3A_2, %mul3A_3 : i32
    "tpu.region"() ({
      %run_scoped3A = tpu.sem_alloc : memref<!tpu.dma_semaphore, #tpu.memory_space<semaphore_mem>>
      tpu.enqueue_dma source(%arg6 : memref<10000xf32, #tpu.memory_space<hbm>>) target(%arg22 : memref<10000xf32, #tpu.memory_space<vmem>>) target_semaphore(%run_scoped3A : memref<!tpu.dma_semaphore, #tpu.memory_space<semaphore_mem>>)
      tpu.wait_dma2 semaphore(%run_scoped3A : memref<!tpu.dma_semaphore, #tpu.memory_space<semaphore_mem>>) src(%arg6 : memref<10000xf32, #tpu.memory_space<hbm>>) dst(%arg22 : memref<10000xf32, #tpu.memory_space<vmem>>)
      tpu.yield
    }) : () -> ()
    "tpu.region"() ({
      %run_scoped3A = tpu.sem_alloc : memref<!tpu.dma_semaphore, #tpu.memory_space<semaphore_mem>>
      tpu.enqueue_dma source(%arg7 : memref<10000xf32, #tpu.memory_space<hbm>>) target(%arg23 : memref<10000xf32, #tpu.memory_space<vmem>>) target_semaphore(%run_scoped3A : memref<!tpu.dma_semaphore, #tpu.memory_space<semaphore_mem>>)
      tpu.wait_dma2 semaphore(%run_scoped3A : memref<!tpu.dma_semaphore, #tpu.memory_space<semaphore_mem>>) src(%arg7 : memref<10000xf32, #tpu.memory_space<hbm>>) dst(%arg23 : memref<10000xf32, #tpu.memory_space<vmem>>)
      tpu.yield
    }) : () -> ()
    "tpu.region"() ({
      %run_scoped3A = tpu.sem_alloc : memref<!tpu.dma_semaphore, #tpu.memory_space<semaphore_mem>>
      tpu.enqueue_dma source(%arg8 : memref<10000xf32, #tpu.memory_space<hbm>>) target(%arg24 : memref<10000xf32, #tpu.memory_space<vmem>>) target_semaphore(%run_scoped3A : memref<!tpu.dma_semaphore, #tpu.memory_space<semaphore_mem>>)
      tpu.wait_dma2 semaphore(%run_scoped3A : memref<!tpu.dma_semaphore, #tpu.memory_space<semaphore_mem>>) src(%arg8 : memref<10000xf32, #tpu.memory_space<hbm>>) dst(%arg24 : memref<10000xf32, #tpu.memory_space<vmem>>)
      tpu.yield
    }) : () -> ()
    %dma_start3A = tpu.memref_slice %arg4[%mul3A_4] : memref<320000xi32, #tpu.memory_space<hbm>> -> memref<80xi32, #tpu.memory_space<hbm>>
    %dma_start3A_5 = tpu.memref_slice %arg4[%mul3A_4] : memref<320000xi32, #tpu.memory_space<hbm>> -> memref<80xi32, #tpu.memory_space<hbm>>
    tpu.enqueue_dma source(%dma_start3A_5 : memref<80xi32, #tpu.memory_space<hbm>>) target(%arg14 : memref<80xi32, #tpu.memory_space<vmem>>) target_semaphore(%arg33 : memref<!tpu.dma_semaphore, #tpu.memory_space<semaphore_mem>>)
    %dma_start3A_6 = tpu.memref_slice %arg5[%mul3A_4] : memref<320000xi32, #tpu.memory_space<hbm>> -> memref<80xi32, #tpu.memory_space<hbm>>
    %dma_start3A_7 = tpu.memref_slice %arg5[%mul3A_4] : memref<320000xi32, #tpu.memory_space<hbm>> -> memref<80xi32, #tpu.memory_space<hbm>>
    tpu.enqueue_dma source(%dma_start3A_7 : memref<80xi32, #tpu.memory_space<hbm>>) target(%arg15 : memref<80xi32, #tpu.memory_space<vmem>>) target_semaphore(%arg33 : memref<!tpu.dma_semaphore, #tpu.memory_space<semaphore_mem>>)
    %dma_wait3A = tpu.memref_slice %arg4[%mul3A_4] : memref<320000xi32, #tpu.memory_space<hbm>> -> memref<80xi32, #tpu.memory_space<hbm>>
    %dma_wait3A_8 = tpu.memref_slice %arg4[%mul3A_4] : memref<320000xi32, #tpu.memory_space<hbm>> -> memref<80xi32, #tpu.memory_space<hbm>>
    tpu.wait_dma2 semaphore(%arg33 : memref<!tpu.dma_semaphore, #tpu.memory_space<semaphore_mem>>) src(%dma_wait3A_8 : memref<80xi32, #tpu.memory_space<hbm>>) dst(%arg14 : memref<80xi32, #tpu.memory_space<vmem>>)
    %dma_wait3A_9 = tpu.memref_slice %arg5[%mul3A_4] : memref<320000xi32, #tpu.memory_space<hbm>> -> memref<80xi32, #tpu.memory_space<hbm>>
    %dma_wait3A_10 = tpu.memref_slice %arg5[%mul3A_4] : memref<320000xi32, #tpu.memory_space<hbm>> -> memref<80xi32, #tpu.memory_space<hbm>>
    tpu.wait_dma2 semaphore(%arg33 : memref<!tpu.dma_semaphore, #tpu.memory_space<semaphore_mem>>) src(%dma_wait3A_10 : memref<80xi32, #tpu.memory_space<hbm>>) dst(%arg15 : memref<80xi32, #tpu.memory_space<vmem>>)
    %dma_start3A_11 = arith.constant 0 : i32
    %dma_start3A_12 = arith.constant 0 : i32
    %dma_start3A_13 = tpu.memref_slice %arg2[%dma_start3A_11, %dma_start3A_12] : memref<10000x128xf32, #tpu.memory_space<hbm>> -> memref<10000x128xf32, #tpu.memory_space<hbm>>
    tpu.enqueue_indirect_dma source(%dma_start3A_13 : memref<10000x128xf32, #tpu.memory_space<hbm>>) target(%arg18 : memref<80x128xf32, #tpu.memory_space<vmem>>) offsets(%arg14 : memref<80xi32, #tpu.memory_space<vmem>>) semaphore(%arg34 : memref<!tpu.dma_semaphore, #tpu.memory_space<semaphore_mem>>)
    %dma_start3A_14 = arith.constant 0 : i32
    %dma_start3A_15 = arith.constant 0 : i32
    %dma_start3A_16 = tpu.memref_slice %arg3[%dma_start3A_14, %dma_start3A_15] : memref<10000x128xf32, #tpu.memory_space<hbm>> -> memref<10000x128xf32, #tpu.memory_space<hbm>>
    tpu.enqueue_indirect_dma source(%dma_start3A_16 : memref<10000x128xf32, #tpu.memory_space<hbm>>) target(%arg19 : memref<80x128xf32, #tpu.memory_space<vmem>>) offsets(%arg15 : memref<80xi32, #tpu.memory_space<vmem>>) semaphore(%arg34 : memref<!tpu.dma_semaphore, #tpu.memory_space<semaphore_mem>>)
    %add3A_17 = arith.constant 80 : i32
    %add3A_18 = arith.addi %mul3A_4, %add3A_17 : i32
    %dma_start3A_19 = tpu.memref_slice %arg4[%add3A_18] : memref<320000xi32, #tpu.memory_space<hbm>> -> memref<80xi32, #tpu.memory_space<hbm>>
    %dma_start3A_20 = tpu.memref_slice %arg4[%add3A_18] : memref<320000xi32, #tpu.memory_space<hbm>> -> memref<80xi32, #tpu.memory_space<hbm>>
    tpu.enqueue_dma source(%dma_start3A_20 : memref<80xi32, #tpu.memory_space<hbm>>) target(%arg16 : memref<80xi32, #tpu.memory_space<vmem>>) target_semaphore(%arg33 : memref<!tpu.dma_semaphore, #tpu.memory_space<semaphore_mem>>)
    %dma_start3A_21 = tpu.memref_slice %arg5[%add3A_18] : memref<320000xi32, #tpu.memory_space<hbm>> -> memref<80xi32, #tpu.memory_space<hbm>>
    %dma_start3A_22 = tpu.memref_slice %arg5[%add3A_18] : memref<320000xi32, #tpu.memory_space<hbm>> -> memref<80xi32, #tpu.memory_space<hbm>>
    tpu.enqueue_dma source(%dma_start3A_22 : memref<80xi32, #tpu.memory_space<hbm>>) target(%arg17 : memref<80xi32, #tpu.memory_space<vmem>>) target_semaphore(%arg33 : memref<!tpu.dma_semaphore, #tpu.memory_space<semaphore_mem>>)
    %add3A_23 = arith.constant 0 : i32
    %add3A_24 = arith.addi %mul3A_4, %add3A_23 : i32
    %dma_wait3A_25 = arith.constant 0 : i32
    %dma_wait3A_26 = arith.constant 0 : i32
    %dma_wait3A_27 = tpu.memref_slice %arg2[%dma_wait3A_25, %dma_wait3A_26] : memref<10000x128xf32, #tpu.memory_space<hbm>> -> memref<10000x128xf32, #tpu.memory_space<hbm>>
    tpu.wait_indirect_dma semaphore(%arg34 : memref<!tpu.dma_semaphore, #tpu.memory_space<semaphore_mem>>) src(%dma_wait3A_27 : memref<10000x128xf32, #tpu.memory_space<hbm>>) dst(%arg18 : memref<80x128xf32, #tpu.memory_space<vmem>>)
    %dma_wait3A_28 = arith.constant 0 : i32
    %dma_wait3A_29 = arith.constant 0 : i32
    %dma_wait3A_30 = tpu.memref_slice %arg3[%dma_wait3A_28, %dma_wait3A_29] : memref<10000x128xf32, #tpu.memory_space<hbm>> -> memref<10000x128xf32, #tpu.memory_space<hbm>>
    tpu.wait_indirect_dma semaphore(%arg34 : memref<!tpu.dma_semaphore, #tpu.memory_space<semaphore_mem>>) src(%dma_wait3A_30 : memref<10000x128xf32, #tpu.memory_space<hbm>>) dst(%arg19 : memref<80x128xf32, #tpu.memory_space<vmem>>)
    %scan3A = arith.constant 0 : i32
    %scan3A_31 = arith.constant 0 : i32
    %scan3A_32 = arith.constant 5 : i32
    %scan3A_33 = arith.addi %scan3A_31, %scan3A_32 : i32
    %scan3A_34 = arith.constant 1 : i32
    scf.for %scan3A_218 = %scan3A_31 to %scan3A_33 step %scan3A_34  : i32 {
      %mul3A_219 = arith.constant 16 : i32
      %mul3A_220 = arith.muli %scan3A_218, %mul3A_219 : i32
      %get3A = arith.index_cast %mul3A_220 : i32 to index
      %get3A_221 = tpu.vector_load %arg14[%get3A] {strides = array<i32>} : memref<80xi32, #tpu.memory_space<vmem>>, vector<16xi32>,
      %get3A_222 = arith.index_cast %mul3A_220 : i32 to index
      %get3A_223 = tpu.vector_load %arg15[%get3A_222] {strides = array<i32>} : memref<80xi32, #tpu.memory_space<vmem>>, vector<16xi32>,
      %gather3A = tpu.vector_load_idx %arg22[%get3A_221] : memref<10000xf32, #tpu.memory_space<vmem>>[vector<16xi32>], vector<16xf32>,
      %gather3A_224 = tpu.vector_load_idx %arg22[%get3A_223] : memref<10000xf32, #tpu.memory_space<vmem>>[vector<16xi32>], vector<16xf32>,
      %sub3A_225 = arith.subf %gather3A, %gather3A_224 : vector<16xf32>
      %gather3A_226 = tpu.vector_load_idx %arg23[%get3A_221] : memref<10000xf32, #tpu.memory_space<vmem>>[vector<16xi32>], vector<16xf32>,
      %gather3A_227 = tpu.vector_load_idx %arg23[%get3A_223] : memref<10000xf32, #tpu.memory_space<vmem>>[vector<16xi32>], vector<16xf32>,
      %sub3A_228 = arith.subf %gather3A_226, %gather3A_227 : vector<16xf32>
      %gather3A_229 = tpu.vector_load_idx %arg24[%get3A_221] : memref<10000xf32, #tpu.memory_space<vmem>>[vector<16xi32>], vector<16xf32>,
      %gather3A_230 = tpu.vector_load_idx %arg24[%get3A_223] : memref<10000xf32, #tpu.memory_space<vmem>>[vector<16xi32>], vector<16xf32>,
      %sub3A_231 = arith.subf %gather3A_229, %gather3A_230 : vector<16xf32>
      %mul3A_232 = arith.mulf %sub3A_225, %sub3A_225 : vector<16xf32>
      %mul3A_233 = arith.mulf %sub3A_228, %sub3A_228 : vector<16xf32>
      %add3A_234 = arith.addf %mul3A_232, %mul3A_233 : vector<16xf32>
      %mul3A_235 = arith.mulf %sub3A_231, %sub3A_231 : vector<16xf32>
      %add3A_236 = arith.addf %add3A_234, %mul3A_235 : vector<16xf32>
      %bitcast3A = vector.bitcast %add3A_236 : vector<16xf32> to vector<16xi32>
      %shift_right_logical3A = arith.constant 1 : i32
      %shift_right_logical3A_237 = vector.broadcast %shift_right_logical3A : i32 to vector<16xi32>
      %shift_right_logical3A_238 = arith.shrui %bitcast3A, %shift_right_logical3A_237 : vector<16xi32>
      %sub3A_239 = arith.constant 1597463007 : i32
      %sub3A_240 = vector.broadcast %sub3A_239 : i32 to vector<16xi32>
      %sub3A_241 = arith.subi %sub3A_240, %shift_right_logical3A_238 : vector<16xi32>
      %bitcast3A_242 = vector.bitcast %sub3A_241 : vector<16xi32> to vector<16xf32>
      %mul3A_243 = arith.constant 5.000000e-01 : f32
      %mul3A_244 = vector.broadcast %mul3A_243 : f32 to vector<16xf32>
      %mul3A_245 = arith.mulf %mul3A_244, %add3A_236 : vector<16xf32>
      %mul3A_246 = arith.mulf %mul3A_245, %bitcast3A_242 : vector<16xf32>
      %mul3A_247 = arith.mulf %mul3A_246, %bitcast3A_242 : vector<16xf32>
      %sub3A_248 = arith.constant 1.500000e+00 : f32
      %sub3A_249 = vector.broadcast %sub3A_248 : f32 to vector<16xf32>
      %sub3A_250 = arith.subf %sub3A_249, %mul3A_247 : vector<16xf32>
      %mul3A_251 = arith.mulf %bitcast3A_242, %sub3A_250 : vector<16xf32>
      %mul3A_252 = arith.constant 5.000000e-01 : f32
      %mul3A_253 = vector.broadcast %mul3A_252 : f32 to vector<16xf32>
      %mul3A_254 = arith.mulf %mul3A_253, %add3A_236 : vector<16xf32>
      %mul3A_255 = arith.mulf %mul3A_254, %mul3A_251 : vector<16xf32>
      %mul3A_256 = arith.mulf %mul3A_255, %mul3A_251 : vector<16xf32>
      %sub3A_257 = arith.constant 1.500000e+00 : f32
      %sub3A_258 = vector.broadcast %sub3A_257 : f32 to vector<16xf32>
      %sub3A_259 = arith.subf %sub3A_258, %mul3A_256 : vector<16xf32>
      %mul3A_260 = arith.mulf %mul3A_251, %sub3A_259 : vector<16xf32>
      %mul3A_261 = arith.constant 5.000000e-01 : f32
      %mul3A_262 = vector.broadcast %mul3A_261 : f32 to vector<16xf32>
      %mul3A_263 = arith.mulf %mul3A_262, %add3A_236 : vector<16xf32>
      %mul3A_264 = arith.mulf %mul3A_263, %mul3A_260 : vector<16xf32>
      %mul3A_265 = arith.mulf %mul3A_264, %mul3A_260 : vector<16xf32>
      %sub3A_266 = arith.constant 1.500000e+00 : f32
      %sub3A_267 = vector.broadcast %sub3A_266 : f32 to vector<16xf32>
      %sub3A_268 = arith.subf %sub3A_267, %mul3A_265 : vector<16xf32>
      %mul3A_269 = arith.mulf %mul3A_260, %sub3A_268 : vector<16xf32>
      %gt3A = arith.constant 0.000000e+00 : f32
      %gt3A_270 = vector.broadcast %gt3A : f32 to vector<16xf32>
      %gt3A_271 = arith.cmpf ogt, %add3A_236, %gt3A_270 : vector<16xf32>
      %mul3A_272 = arith.mulf %add3A_236, %mul3A_269 : vector<16xf32>
      %jit3A = arith.constant 0.000000e+00 : f32
      %broadcast_in_dim3A = vector.broadcast %jit3A : f32 to vector<16xf32>
      %select_n3A = arith.select %gt3A_271, %mul3A_272, %broadcast_in_dim3A : vector<16xi1>, vector<16xf32>
      %swap3A = arith.index_cast %mul3A_220 : i32 to index
      %swap3A_273 = tpu.vector_load %arg25[%swap3A] {strides = array<i32>} : memref<80xf32, #tpu.memory_space<vmem>>, vector<16xf32>,
      tpu.vector_store %arg25[%swap3A], %select_n3A {strides = array<i32>} : memref<80xf32, #tpu.memory_space<vmem>>, vector<16xf32>,
      %swap3A_274 = arith.index_cast %mul3A_220 : i32 to index
      %swap3A_275 = tpu.vector_load %arg26[%swap3A_274] {strides = array<i32>} : memref<80xf32, #tpu.memory_space<vmem>>, vector<16xf32>,
      tpu.vector_store %arg26[%swap3A_274], %sub3A_225 {strides = array<i32>} : memref<80xf32, #tpu.memory_space<vmem>>, vector<16xf32>,
      %swap3A_276 = arith.index_cast %mul3A_220 : i32 to index
      %swap3A_277 = tpu.vector_load %arg27[%swap3A_276] {strides = array<i32>} : memref<80xf32, #tpu.memory_space<vmem>>, vector<16xf32>,
      tpu.vector_store %arg27[%swap3A_276], %sub3A_228 {strides = array<i32>} : memref<80xf32, #tpu.memory_space<vmem>>, vector<16xf32>,
      %swap3A_278 = arith.index_cast %mul3A_220 : i32 to index
      %swap3A_279 = tpu.vector_load %arg28[%swap3A_278] {strides = array<i32>} : memref<80xf32, #tpu.memory_space<vmem>>, vector<16xf32>,
      tpu.vector_store %arg28[%swap3A_278], %sub3A_231 {strides = array<i32>} : memref<80xf32, #tpu.memory_space<vmem>>, vector<16xf32>,
    }
    %scan3A_35 = arith.constant 5 : i32
    %scan3A_36 = arith.constant 0 : i32
    %scan3A_37 = arith.constant 0 : i32
    %scan3A_38 = arith.constant 40 : i32
    %scan3A_39 = arith.addi %scan3A_37, %scan3A_38 : i32
    %scan3A_40 = arith.constant 1 : i32
    scf.for %scan3A_218 = %scan3A_37 to %scan3A_39 step %scan3A_40  : i32 {
      %mul3A_219 = arith.constant 2 : i32
      %mul3A_220 = arith.muli %scan3A_218, %mul3A_219 : i32
      %add3A_221 = arith.constant 0 : i32
      %add3A_222 = arith.addi %mul3A_220, %add3A_221 : i32
      %get3A = arith.index_cast %add3A_222 : i32 to index
      %get3A_223 = arith.constant 0 : index
      %get3A_224 = tpu.vector_load %arg18[%get3A, %get3A_223] {strides = array<i32>} : memref<80x128xf32, #tpu.memory_space<vmem>>, vector<16xf32>,
      %get3A_225 = arith.index_cast %add3A_222 : i32 to index
      %get3A_226 = arith.constant 0 : index
      %get3A_227 = tpu.vector_load %arg19[%get3A_225, %get3A_226] {strides = array<i32>} : memref<80x128xf32, #tpu.memory_space<vmem>>, vector<16xf32>,
      %add3A_228 = arith.addf %get3A_224, %get3A_227 : vector<16xf32>
      %swap3A = arith.index_cast %add3A_222 : i32 to index
      %swap3A_229 = arith.constant 0 : index
      %swap3A_230 = tpu.vector_load %arg18[%swap3A, %swap3A_229] {strides = array<i32>} : memref<80x128xf32, #tpu.memory_space<vmem>>, vector<16xf32>,
      tpu.vector_store %arg18[%swap3A, %swap3A_229], %add3A_228 {strides = array<i32>} : memref<80x128xf32, #tpu.memory_space<vmem>>, vector<16xf32>,
      %get3A_231 = arith.index_cast %add3A_222 : i32 to index
      %get3A_232 = arith.constant 16 : index
      %get3A_233 = tpu.vector_load %arg18[%get3A_231, %get3A_232] {strides = array<i32>} : memref<80x128xf32, #tpu.memory_space<vmem>>, vector<16xf32>,
      %get3A_234 = arith.index_cast %add3A_222 : i32 to index
      %get3A_235 = arith.constant 16 : index
      %get3A_236 = tpu.vector_load %arg19[%get3A_234, %get3A_235] {strides = array<i32>} : memref<80x128xf32, #tpu.memory_space<vmem>>, vector<16xf32>,
      %add3A_237 = arith.addf %get3A_233, %get3A_236 : vector<16xf32>
      %swap3A_238 = arith.index_cast %add3A_222 : i32 to index
      %swap3A_239 = arith.constant 16 : index
      %swap3A_240 = tpu.vector_load %arg18[%swap3A_238, %swap3A_239] {strides = array<i32>} : memref<80x128xf32, #tpu.memory_space<vmem>>, vector<16xf32>,
      tpu.vector_store %arg18[%swap3A_238, %swap3A_239], %add3A_237 {strides = array<i32>} : memref<80x128xf32, #tpu.memory_space<vmem>>, vector<16xf32>,
      %get3A_241 = arith.index_cast %add3A_222 : i32 to index
      %get3A_242 = arith.constant 32 : index
      %get3A_243 = tpu.vector_load %arg18[%get3A_241, %get3A_242] {strides = array<i32>} : memref<80x128xf32, #tpu.memory_space<vmem>>, vector<16xf32>,
      %get3A_244 = arith.index_cast %add3A_222 : i32 to index
      %get3A_245 = arith.constant 32 : index
      %get3A_246 = tpu.vector_load %arg19[%get3A_244, %get3A_245] {strides = array<i32>} : memref<80x128xf32, #tpu.memory_space<vmem>>, vector<16xf32>,
      %add3A_247 = arith.addf %get3A_243, %get3A_246 : vector<16xf32>
      %swap3A_248 = arith.index_cast %add3A_222 : i32 to index
      %swap3A_249 = arith.constant 32 : index
      %swap3A_250 = tpu.vector_load %arg18[%swap3A_248, %swap3A_249] {strides = array<i32>} : memref<80x128xf32, #tpu.memory_space<vmem>>, vector<16xf32>,
      tpu.vector_store %arg18[%swap3A_248, %swap3A_249], %add3A_247 {strides = array<i32>} : memref<80x128xf32, #tpu.memory_space<vmem>>, vector<16xf32>,
      %get3A_251 = arith.index_cast %add3A_222 : i32 to index
      %get3A_252 = arith.constant 48 : index
      %get3A_253 = tpu.vector_load %arg18[%get3A_251, %get3A_252] {strides = array<i32>} : memref<80x128xf32, #tpu.memory_space<vmem>>, vector<16xf32>,
      %get3A_254 = arith.index_cast %add3A_222 : i32 to index
      %get3A_255 = arith.constant 48 : index
      %get3A_256 = tpu.vector_load %arg19[%get3A_254, %get3A_255] {strides = array<i32>} : memref<80x128xf32, #tpu.memory_space<vmem>>, vector<16xf32>,
      %add3A_257 = arith.addf %get3A_253, %get3A_256 : vector<16xf32>
      %swap3A_258 = arith.index_cast %add3A_222 : i32 to index
      %swap3A_259 = arith.constant 48 : index
      %swap3A_260 = tpu.vector_load %arg18[%swap3A_258, %swap3A_259] {strides = array<i32>} : memref<80x128xf32, #tpu.memory_space<vmem>>, vector<16xf32>,
      tpu.vector_store %arg18[%swap3A_258, %swap3A_259], %add3A_257 {strides = array<i32>} : memref<80x128xf32, #tpu.memory_space<vmem>>, vector<16xf32>,
      %get3A_261 = arith.index_cast %add3A_222 : i32 to index
      %get3A_262 = arith.constant 64 : index
      %get3A_263 = tpu.vector_load %arg18[%get3A_261, %get3A_262] {strides = array<i32>} : memref<80x128xf32, #tpu.memory_space<vmem>>, vector<16xf32>,
      %get3A_264 = arith.index_cast %add3A_222 : i32 to index
      %get3A_265 = arith.constant 64 : index
      %get3A_266 = tpu.vector_load %arg19[%get3A_264, %get3A_265] {strides = array<i32>} : memref<80x128xf32, #tpu.memory_space<vmem>>, vector<16xf32>,
      %add3A_267 = arith.addf %get3A_263, %get3A_266 : vector<16xf32>
      %swap3A_268 = arith.index_cast %add3A_222 : i32 to index
      %swap3A_269 = arith.constant 64 : index
      %swap3A_270 = tpu.vector_load %arg18[%swap3A_268, %swap3A_269] {strides = array<i32>} : memref<80x128xf32, #tpu.memory_space<vmem>>, vector<16xf32>,
      tpu.vector_store %arg18[%swap3A_268, %swap3A_269], %add3A_267 {strides = array<i32>} : memref<80x128xf32, #tpu.memory_space<vmem>>, vector<16xf32>,
      %get3A_271 = arith.index_cast %add3A_222 : i32 to index
      %get3A_272 = arith.constant 80 : index
      %get3A_273 = tpu.vector_load %arg18[%get3A_271, %get3A_272] {strides = array<i32>} : memref<80x128xf32, #tpu.memory_space<vmem>>, vector<16xf32>,
      %get3A_274 = arith.index_cast %add3A_222 : i32 to index
      %get3A_275 = arith.constant 80 : index
      %get3A_276 = tpu.vector_load %arg19[%get3A_274, %get3A_275] {strides = array<i32>} : memref<80x128xf32, #tpu.memory_space<vmem>>, vector<16xf32>,
      %add3A_277 = arith.addf %get3A_273, %get3A_276 : vector<16xf32>
      %swap3A_278 = arith.index_cast %add3A_222 : i32 to index
      %swap3A_279 = arith.constant 80 : index
      %swap3A_280 = tpu.vector_load %arg18[%swap3A_278, %swap3A_279] {strides = array<i32>} : memref<80x128xf32, #tpu.memory_space<vmem>>, vector<16xf32>,
      tpu.vector_store %arg18[%swap3A_278, %swap3A_279], %add3A_277 {strides = array<i32>} : memref<80x128xf32, #tpu.memory_space<vmem>>, vector<16xf32>,
      %get3A_281 = arith.index_cast %add3A_222 : i32 to index
      %get3A_282 = arith.constant 96 : index
      %get3A_283 = tpu.vector_load %arg18[%get3A_281, %get3A_282] {strides = array<i32>} : memref<80x128xf32, #tpu.memory_space<vmem>>, vector<16xf32>,
      %get3A_284 = arith.index_cast %add3A_222 : i32 to index
      %get3A_285 = arith.constant 96 : index
      %get3A_286 = tpu.vector_load %arg19[%get3A_284, %get3A_285] {strides = array<i32>} : memref<80x128xf32, #tpu.memory_space<vmem>>, vector<16xf32>,
      %add3A_287 = arith.addf %get3A_283, %get3A_286 : vector<16xf32>
      %swap3A_288 = arith.index_cast %add3A_222 : i32 to index
      %swap3A_289 = arith.constant 96 : index
      %swap3A_290 = tpu.vector_load %arg18[%swap3A_288, %swap3A_289] {strides = array<i32>} : memref<80x128xf32, #tpu.memory_space<vmem>>, vector<16xf32>,
      tpu.vector_store %arg18[%swap3A_288, %swap3A_289], %add3A_287 {strides = array<i32>} : memref<80x128xf32, #tpu.memory_space<vmem>>, vector<16xf32>,
      %get3A_291 = arith.index_cast %add3A_222 : i32 to index
      %get3A_292 = arith.constant 112 : index
      %get3A_293 = tpu.vector_load %arg18[%get3A_291, %get3A_292] {strides = array<i32>} : memref<80x128xf32, #tpu.memory_space<vmem>>, vector<16xf32>,
      %get3A_294 = arith.index_cast %add3A_222 : i32 to index
      %get3A_295 = arith.constant 112 : index
      %get3A_296 = tpu.vector_load %arg19[%get3A_294, %get3A_295] {strides = array<i32>} : memref<80x128xf32, #tpu.memory_space<vmem>>, vector<16xf32>,
      %add3A_297 = arith.addf %get3A_293, %get3A_296 : vector<16xf32>
      %swap3A_298 = arith.index_cast %add3A_222 : i32 to index
      %swap3A_299 = arith.constant 112 : index
      %swap3A_300 = tpu.vector_load %arg18[%swap3A_298, %swap3A_299] {strides = array<i32>} : memref<80x128xf32, #tpu.memory_space<vmem>>, vector<16xf32>,
      tpu.vector_store %arg18[%swap3A_298, %swap3A_299], %add3A_297 {strides = array<i32>} : memref<80x128xf32, #tpu.memory_space<vmem>>, vector<16xf32>,
      %mul3A_301 = arith.constant 2 : i32
      %mul3A_302 = arith.muli %scan3A_218, %mul3A_301 : i32
      %add3A_303 = arith.constant 1 : i32
      %add3A_304 = arith.addi %mul3A_302, %add3A_303 : i32
      %get3A_305 = arith.index_cast %add3A_304 : i32 to index
      %get3A_306 = arith.constant 0 : index
      %get3A_307 = tpu.vector_load %arg18[%get3A_305, %get3A_306] {strides = array<i32>} : memref<80x128xf32, #tpu.memory_space<vmem>>, vector<16xf32>,
      %get3A_308 = arith.index_cast %add3A_304 : i32 to index
      %get3A_309 = arith.constant 0 : index
      %get3A_310 = tpu.vector_load %arg19[%get3A_308, %get3A_309] {strides = array<i32>} : memref<80x128xf32, #tpu.memory_space<vmem>>, vector<16xf32>,
      %add3A_311 = arith.addf %get3A_307, %get3A_310 : vector<16xf32>
      %swap3A_312 = arith.index_cast %add3A_304 : i32 to index
      %swap3A_313 = arith.constant 0 : index
      %swap3A_314 = tpu.vector_load %arg18[%swap3A_312, %swap3A_313] {strides = array<i32>} : memref<80x128xf32, #tpu.memory_space<vmem>>, vector<16xf32>,
      tpu.vector_store %arg18[%swap3A_312, %swap3A_313], %add3A_311 {strides = array<i32>} : memref<80x128xf32, #tpu.memory_space<vmem>>, vector<16xf32>,
      %get3A_315 = arith.index_cast %add3A_304 : i32 to index
      %get3A_316 = arith.constant 16 : index
      %get3A_317 = tpu.vector_load %arg18[%get3A_315, %get3A_316] {strides = array<i32>} : memref<80x128xf32, #tpu.memory_space<vmem>>, vector<16xf32>,
      %get3A_318 = arith.index_cast %add3A_304 : i32 to index
      %get3A_319 = arith.constant 16 : index
      %get3A_320 = tpu.vector_load %arg19[%get3A_318, %get3A_319] {strides = array<i32>} : memref<80x128xf32, #tpu.memory_space<vmem>>, vector<16xf32>,
      %add3A_321 = arith.addf %get3A_317, %get3A_320 : vector<16xf32>
      %swap3A_322 = arith.index_cast %add3A_304 : i32 to index
      %swap3A_323 = arith.constant 16 : index
      %swap3A_324 = tpu.vector_load %arg18[%swap3A_322, %swap3A_323] {strides = array<i32>} : memref<80x128xf32, #tpu.memory_space<vmem>>, vector<16xf32>,
      tpu.vector_store %arg18[%swap3A_322, %swap3A_323], %add3A_321 {strides = array<i32>} : memref<80x128xf32, #tpu.memory_space<vmem>>, vector<16xf32>,
      %get3A_325 = arith.index_cast %add3A_304 : i32 to index
      %get3A_326 = arith.constant 32 : index
      %get3A_327 = tpu.vector_load %arg18[%get3A_325, %get3A_326] {strides = array<i32>} : memref<80x128xf32, #tpu.memory_space<vmem>>, vector<16xf32>,
      %get3A_328 = arith.index_cast %add3A_304 : i32 to index
      %get3A_329 = arith.constant 32 : index
      %get3A_330 = tpu.vector_load %arg19[%get3A_328, %get3A_329] {strides = array<i32>} : memref<80x128xf32, #tpu.memory_space<vmem>>, vector<16xf32>,
      %add3A_331 = arith.addf %get3A_327, %get3A_330 : vector<16xf32>
      %swap3A_332 = arith.index_cast %add3A_304 : i32 to index
      %swap3A_333 = arith.constant 32 : index
      %swap3A_334 = tpu.vector_load %arg18[%swap3A_332, %swap3A_333] {strides = array<i32>} : memref<80x128xf32, #tpu.memory_space<vmem>>, vector<16xf32>,
      tpu.vector_store %arg18[%swap3A_332, %swap3A_333], %add3A_331 {strides = array<i32>} : memref<80x128xf32, #tpu.memory_space<vmem>>, vector<16xf32>,
      %get3A_335 = arith.index_cast %add3A_304 : i32 to index
      %get3A_336 = arith.constant 48 : index
      %get3A_337 = tpu.vector_load %arg18[%get3A_335, %get3A_336] {strides = array<i32>} : memref<80x128xf32, #tpu.memory_space<vmem>>, vector<16xf32>,
      %get3A_338 = arith.index_cast %add3A_304 : i32 to index
      %get3A_339 = arith.constant 48 : index
      %get3A_340 = tpu.vector_load %arg19[%get3A_338, %get3A_339] {strides = array<i32>} : memref<80x128xf32, #tpu.memory_space<vmem>>, vector<16xf32>,
      %add3A_341 = arith.addf %get3A_337, %get3A_340 : vector<16xf32>
      %swap3A_342 = arith.index_cast %add3A_304 : i32 to index
      %swap3A_343 = arith.constant 48 : index
      %swap3A_344 = tpu.vector_load %arg18[%swap3A_342, %swap3A_343] {strides = array<i32>} : memref<80x128xf32, #tpu.memory_space<vmem>>, vector<16xf32>,
      tpu.vector_store %arg18[%swap3A_342, %swap3A_343], %add3A_341 {strides = array<i32>} : memref<80x128xf32, #tpu.memory_space<vmem>>, vector<16xf32>,
      %get3A_345 = arith.index_cast %add3A_304 : i32 to index
      %get3A_346 = arith.constant 64 : index
      %get3A_347 = tpu.vector_load %arg18[%get3A_345, %get3A_346] {strides = array<i32>} : memref<80x128xf32, #tpu.memory_space<vmem>>, vector<16xf32>,
      %get3A_348 = arith.index_cast %add3A_304 : i32 to index
      %get3A_349 = arith.constant 64 : index
      %get3A_350 = tpu.vector_load %arg19[%get3A_348, %get3A_349] {strides = array<i32>} : memref<80x128xf32, #tpu.memory_space<vmem>>, vector<16xf32>,
      %add3A_351 = arith.addf %get3A_347, %get3A_350 : vector<16xf32>
      %swap3A_352 = arith.index_cast %add3A_304 : i32 to index
      %swap3A_353 = arith.constant 64 : index
      %swap3A_354 = tpu.vector_load %arg18[%swap3A_352, %swap3A_353] {strides = array<i32>} : memref<80x128xf32, #tpu.memory_space<vmem>>, vector<16xf32>,
      tpu.vector_store %arg18[%swap3A_352, %swap3A_353], %add3A_351 {strides = array<i32>} : memref<80x128xf32, #tpu.memory_space<vmem>>, vector<16xf32>,
      %get3A_355 = arith.index_cast %add3A_304 : i32 to index
      %get3A_356 = arith.constant 80 : index
      %get3A_357 = tpu.vector_load %arg18[%get3A_355, %get3A_356] {strides = array<i32>} : memref<80x128xf32, #tpu.memory_space<vmem>>, vector<16xf32>,
      %get3A_358 = arith.index_cast %add3A_304 : i32 to index
      %get3A_359 = arith.constant 80 : index
      %get3A_360 = tpu.vector_load %arg19[%get3A_358, %get3A_359] {strides = array<i32>} : memref<80x128xf32, #tpu.memory_space<vmem>>, vector<16xf32>,
      %add3A_361 = arith.addf %get3A_357, %get3A_360 : vector<16xf32>
      %swap3A_362 = arith.index_cast %add3A_304 : i32 to index
      %swap3A_363 = arith.constant 80 : index
      %swap3A_364 = tpu.vector_load %arg18[%swap3A_362, %swap3A_363] {strides = array<i32>} : memref<80x128xf32, #tpu.memory_space<vmem>>, vector<16xf32>,
      tpu.vector_store %arg18[%swap3A_362, %swap3A_363], %add3A_361 {strides = array<i32>} : memref<80x128xf32, #tpu.memory_space<vmem>>, vector<16xf32>,
      %get3A_365 = arith.index_cast %add3A_304 : i32 to index
      %get3A_366 = arith.constant 96 : index
      %get3A_367 = tpu.vector_load %arg18[%get3A_365, %get3A_366] {strides = array<i32>} : memref<80x128xf32, #tpu.memory_space<vmem>>, vector<16xf32>,
      %get3A_368 = arith.index_cast %add3A_304 : i32 to index
      %get3A_369 = arith.constant 96 : index
      %get3A_370 = tpu.vector_load %arg19[%get3A_368, %get3A_369] {strides = array<i32>} : memref<80x128xf32, #tpu.memory_space<vmem>>, vector<16xf32>,
      %add3A_371 = arith.addf %get3A_367, %get3A_370 : vector<16xf32>
      %swap3A_372 = arith.index_cast %add3A_304 : i32 to index
      %swap3A_373 = arith.constant 96 : index
      %swap3A_374 = tpu.vector_load %arg18[%swap3A_372, %swap3A_373] {strides = array<i32>} : memref<80x128xf32, #tpu.memory_space<vmem>>, vector<16xf32>,
      tpu.vector_store %arg18[%swap3A_372, %swap3A_373], %add3A_371 {strides = array<i32>} : memref<80x128xf32, #tpu.memory_space<vmem>>, vector<16xf32>,
      %get3A_375 = arith.index_cast %add3A_304 : i32 to index
      %get3A_376 = arith.constant 112 : index
      %get3A_377 = tpu.vector_load %arg18[%get3A_375, %get3A_376] {strides = array<i32>} : memref<80x128xf32, #tpu.memory_space<vmem>>, vector<16xf32>,
      %get3A_378 = arith.index_cast %add3A_304 : i32 to index
      %get3A_379 = arith.constant 112 : index
      %get3A_380 = tpu.vector_load %arg19[%get3A_378, %get3A_379] {strides = array<i32>} : memref<80x128xf32, #tpu.memory_space<vmem>>, vector<16xf32>,
      %add3A_381 = arith.addf %get3A_377, %get3A_380 : vector<16xf32>
      %swap3A_382 = arith.index_cast %add3A_304 : i32 to index
      %swap3A_383 = arith.constant 112 : index
      %swap3A_384 = tpu.vector_load %arg18[%swap3A_382, %swap3A_383] {strides = array<i32>} : memref<80x128xf32, #tpu.memory_space<vmem>>, vector<16xf32>,
      tpu.vector_store %arg18[%swap3A_382, %swap3A_383], %add3A_381 {strides = array<i32>} : memref<80x128xf32, #tpu.memory_space<vmem>>, vector<16xf32>,
    }
    %scan3A_41 = arith.constant 40 : i32
    %dma_start3A_42 = tpu.memref_slice %arg10[%add3A_24] : memref<320000xf32, #tpu.memory_space<hbm>> -> memref<80xf32, #tpu.memory_space<hbm>>
    %dma_start3A_43 = tpu.memref_slice %arg10[%add3A_24] : memref<320000xf32, #tpu.memory_space<hbm>> -> memref<80xf32, #tpu.memory_space<hbm>>
    tpu.enqueue_dma source(%arg25 : memref<80xf32, #tpu.memory_space<vmem>>) target(%dma_start3A_43 : memref<80xf32, #tpu.memory_space<hbm>>) target_semaphore(%arg36 : memref<!tpu.dma_semaphore, #tpu.memory_space<semaphore_mem>>)
    %dma_start3A_44 = tpu.memref_slice %arg11[%add3A_24] : memref<320000xf32, #tpu.memory_space<hbm>> -> memref<80xf32, #tpu.memory_space<hbm>>
    %dma_start3A_45 = tpu.memref_slice %arg11[%add3A_24] : memref<320000xf32, #tpu.memory_space<hbm>> -> memref<80xf32, #tpu.memory_space<hbm>>
    tpu.enqueue_dma source(%arg26 : memref<80xf32, #tpu.memory_space<vmem>>) target(%dma_start3A_45 : memref<80xf32, #tpu.memory_space<hbm>>) target_semaphore(%arg36 : memref<!tpu.dma_semaphore, #tpu.memory_space<semaphore_mem>>)
    %dma_start3A_46 = tpu.memref_slice %arg12[%add3A_24] : memref<320000xf32, #tpu.memory_space<hbm>> -> memref<80xf32, #tpu.memory_space<hbm>>
    %dma_start3A_47 = tpu.memref_slice %arg12[%add3A_24] : memref<320000xf32, #tpu.memory_space<hbm>> -> memref<80xf32, #tpu.memory_space<hbm>>
    tpu.enqueue_dma source(%arg27 : memref<80xf32, #tpu.memory_space<vmem>>) target(%dma_start3A_47 : memref<80xf32, #tpu.memory_space<hbm>>) target_semaphore(%arg36 : memref<!tpu.dma_semaphore, #tpu.memory_space<semaphore_mem>>)
    %dma_start3A_48 = tpu.memref_slice %arg13[%add3A_24] : memref<320000xf32, #tpu.memory_space<hbm>> -> memref<80xf32, #tpu.memory_space<hbm>>
    %dma_start3A_49 = tpu.memref_slice %arg13[%add3A_24] : memref<320000xf32, #tpu.memory_space<hbm>> -> memref<80xf32, #tpu.memory_space<hbm>>
    tpu.enqueue_dma source(%arg28 : memref<80xf32, #tpu.memory_space<vmem>>) target(%dma_start3A_49 : memref<80xf32, #tpu.memory_space<hbm>>) target_semaphore(%arg36 : memref<!tpu.dma_semaphore, #tpu.memory_space<semaphore_mem>>)
    %dma_start3A_50 = arith.constant 0 : i32
    %dma_start3A_51 = tpu.memref_slice %arg9[%add3A_24, %dma_start3A_50] : memref<327680x128xf32, #tpu.memory_space<hbm>> -> memref<80x128xf32, #tpu.memory_space<hbm>>
    %dma_start3A_52 = arith.constant 0 : i32
    %dma_start3A_53 = tpu.memref_slice %arg9[%add3A_24, %dma_start3A_52] : memref<327680x128xf32, #tpu.memory_space<hbm>> -> memref<80x128xf32, #tpu.memory_space<hbm>>
    tpu.enqueue_dma source(%arg18 : memref<80x128xf32, #tpu.memory_space<vmem>>) target(%dma_start3A_53 : memref<80x128xf32, #tpu.memory_space<hbm>>) target_semaphore(%arg36 : memref<!tpu.dma_semaphore, #tpu.memory_space<semaphore_mem>>)
    %rem3A = arith.constant 1 : i32
    %rem3A_54 = arith.constant 125 : i32
    %rem3A_55 = arith.remsi %rem3A, %rem3A_54 : i32
    %mul3A_56 = arith.constant 80 : i32
    %mul3A_57 = arith.muli %rem3A_55, %mul3A_56 : i32
    %add3A_58 = arith.addi %mul3A_4, %mul3A_57 : i32
    %dma_wait3A_59 = tpu.memref_slice %arg4[%add3A_58] : memref<320000xi32, #tpu.memory_space<hbm>> -> memref<80xi32, #tpu.memory_space<hbm>>
    %dma_wait3A_60 = tpu.memref_slice %arg4[%add3A_58] : memref<320000xi32, #tpu.memory_space<hbm>> -> memref<80xi32, #tpu.memory_space<hbm>>
    tpu.wait_dma2 semaphore(%arg33 : memref<!tpu.dma_semaphore, #tpu.memory_space<semaphore_mem>>) src(%dma_wait3A_60 : memref<80xi32, #tpu.memory_space<hbm>>) dst(%arg16 : memref<80xi32, #tpu.memory_space<vmem>>)
    %dma_wait3A_61 = tpu.memref_slice %arg5[%add3A_58] : memref<320000xi32, #tpu.memory_space<hbm>> -> memref<80xi32, #tpu.memory_space<hbm>>
    %dma_wait3A_62 = tpu.memref_slice %arg5[%add3A_58] : memref<320000xi32, #tpu.memory_space<hbm>> -> memref<80xi32, #tpu.memory_space<hbm>>
    tpu.wait_dma2 semaphore(%arg33 : memref<!tpu.dma_semaphore, #tpu.memory_space<semaphore_mem>>) src(%dma_wait3A_62 : memref<80xi32, #tpu.memory_space<hbm>>) dst(%arg17 : memref<80xi32, #tpu.memory_space<vmem>>)
    %dma_start3A_63 = arith.constant 0 : i32
    %dma_start3A_64 = arith.constant 0 : i32
    %dma_start3A_65 = tpu.memref_slice %arg2[%dma_start3A_63, %dma_start3A_64] : memref<10000x128xf32, #tpu.memory_space<hbm>> -> memref<10000x128xf32, #tpu.memory_space<hbm>>
    tpu.enqueue_indirect_dma source(%dma_start3A_65 : memref<10000x128xf32, #tpu.memory_space<hbm>>) target(%arg20 : memref<80x128xf32, #tpu.memory_space<vmem>>) offsets(%arg16 : memref<80xi32, #tpu.memory_space<vmem>>) semaphore(%arg35 : memref<!tpu.dma_semaphore, #tpu.memory_space<semaphore_mem>>)
    %dma_start3A_66 = arith.constant 0 : i32
    %dma_start3A_67 = arith.constant 0 : i32
    %dma_start3A_68 = tpu.memref_slice %arg3[%dma_start3A_66, %dma_start3A_67] : memref<10000x128xf32, #tpu.memory_space<hbm>> -> memref<10000x128xf32, #tpu.memory_space<hbm>>
    tpu.enqueue_indirect_dma source(%dma_start3A_68 : memref<10000x128xf32, #tpu.memory_space<hbm>>) target(%arg21 : memref<80x128xf32, #tpu.memory_space<vmem>>) offsets(%arg17 : memref<80xi32, #tpu.memory_space<vmem>>) semaphore(%arg35 : memref<!tpu.dma_semaphore, #tpu.memory_space<semaphore_mem>>)
    %rem3A_69 = arith.constant 2 : i32
    %rem3A_70 = arith.constant 125 : i32
    %rem3A_71 = arith.remsi %rem3A_69, %rem3A_70 : i32
    %mul3A_72 = arith.constant 80 : i32
    %mul3A_73 = arith.muli %rem3A_71, %mul3A_72 : i32
    %add3A_74 = arith.addi %mul3A_4, %mul3A_73 : i32
    %dma_start3A_75 = tpu.memref_slice %arg4[%add3A_74] : memref<320000xi32, #tpu.memory_space<hbm>> -> memref<80xi32, #tpu.memory_space<hbm>>
    %dma_start3A_76 = tpu.memref_slice %arg4[%add3A_74] : memref<320000xi32, #tpu.memory_space<hbm>> -> memref<80xi32, #tpu.memory_space<hbm>>
    tpu.enqueue_dma source(%dma_start3A_76 : memref<80xi32, #tpu.memory_space<hbm>>) target(%arg14 : memref<80xi32, #tpu.memory_space<vmem>>) target_semaphore(%arg33 : memref<!tpu.dma_semaphore, #tpu.memory_space<semaphore_mem>>)
    %dma_start3A_77 = tpu.memref_slice %arg5[%add3A_74] : memref<320000xi32, #tpu.memory_space<hbm>> -> memref<80xi32, #tpu.memory_space<hbm>>
    %dma_start3A_78 = tpu.memref_slice %arg5[%add3A_74] : memref<320000xi32, #tpu.memory_space<hbm>> -> memref<80xi32, #tpu.memory_space<hbm>>
    tpu.enqueue_dma source(%dma_start3A_78 : memref<80xi32, #tpu.memory_space<hbm>>) target(%arg15 : memref<80xi32, #tpu.memory_space<vmem>>) target_semaphore(%arg33 : memref<!tpu.dma_semaphore, #tpu.memory_space<semaphore_mem>>)
    %add3A_79 = arith.constant 80 : i32
    %add3A_80 = arith.addi %mul3A_4, %add3A_79 : i32
    %dma_wait3A_81 = arith.constant 0 : i32
    %dma_wait3A_82 = arith.constant 0 : i32
    %dma_wait3A_83 = tpu.memref_slice %arg2[%dma_wait3A_81, %dma_wait3A_82] : memref<10000x128xf32, #tpu.memory_space<hbm>> -> memref<10000x128xf32, #tpu.memory_space<hbm>>
    tpu.wait_indirect_dma semaphore(%arg35 : memref<!tpu.dma_semaphore, #tpu.memory_space<semaphore_mem>>) src(%dma_wait3A_83 : memref<10000x128xf32, #tpu.memory_space<hbm>>) dst(%arg20 : memref<80x128xf32, #tpu.memory_space<vmem>>)
    %dma_wait3A_84 = arith.constant 0 : i32
    %dma_wait3A_85 = arith.constant 0 : i32
    %dma_wait3A_86 = tpu.memref_slice %arg3[%dma_wait3A_84, %dma_wait3A_85] : memref<10000x128xf32, #tpu.memory_space<hbm>> -> memref<10000x128xf32, #tpu.memory_space<hbm>>
    tpu.wait_indirect_dma semaphore(%arg35 : memref<!tpu.dma_semaphore, #tpu.memory_space<semaphore_mem>>) src(%dma_wait3A_86 : memref<10000x128xf32, #tpu.memory_space<hbm>>) dst(%arg21 : memref<80x128xf32, #tpu.memory_space<vmem>>)
    %scan3A_87 = arith.constant 0 : i32
    %scan3A_88 = arith.constant 0 : i32
    %scan3A_89 = arith.constant 5 : i32
    %scan3A_90 = arith.addi %scan3A_88, %scan3A_89 : i32
    %scan3A_91 = arith.constant 1 : i32
    scf.for %scan3A_218 = %scan3A_88 to %scan3A_90 step %scan3A_91  : i32 {
      %mul3A_219 = arith.constant 16 : i32
      %mul3A_220 = arith.muli %scan3A_218, %mul3A_219 : i32
      %get3A = arith.index_cast %mul3A_220 : i32 to index
      %get3A_221 = tpu.vector_load %arg16[%get3A] {strides = array<i32>} : memref<80xi32, #tpu.memory_space<vmem>>, vector<16xi32>,
      %get3A_222 = arith.index_cast %mul3A_220 : i32 to index
      %get3A_223 = tpu.vector_load %arg17[%get3A_222] {strides = array<i32>} : memref<80xi32, #tpu.memory_space<vmem>>, vector<16xi32>,
      %gather3A = tpu.vector_load_idx %arg22[%get3A_221] : memref<10000xf32, #tpu.memory_space<vmem>>[vector<16xi32>], vector<16xf32>,
      %gather3A_224 = tpu.vector_load_idx %arg22[%get3A_223] : memref<10000xf32, #tpu.memory_space<vmem>>[vector<16xi32>], vector<16xf32>,
      %sub3A_225 = arith.subf %gather3A, %gather3A_224 : vector<16xf32>
      %gather3A_226 = tpu.vector_load_idx %arg23[%get3A_221] : memref<10000xf32, #tpu.memory_space<vmem>>[vector<16xi32>], vector<16xf32>,
      %gather3A_227 = tpu.vector_load_idx %arg23[%get3A_223] : memref<10000xf32, #tpu.memory_space<vmem>>[vector<16xi32>], vector<16xf32>,
      %sub3A_228 = arith.subf %gather3A_226, %gather3A_227 : vector<16xf32>
      %gather3A_229 = tpu.vector_load_idx %arg24[%get3A_221] : memref<10000xf32, #tpu.memory_space<vmem>>[vector<16xi32>], vector<16xf32>,
      %gather3A_230 = tpu.vector_load_idx %arg24[%get3A_223] : memref<10000xf32, #tpu.memory_space<vmem>>[vector<16xi32>], vector<16xf32>,
      %sub3A_231 = arith.subf %gather3A_229, %gather3A_230 : vector<16xf32>
      %mul3A_232 = arith.mulf %sub3A_225, %sub3A_225 : vector<16xf32>
      %mul3A_233 = arith.mulf %sub3A_228, %sub3A_228 : vector<16xf32>
      %add3A_234 = arith.addf %mul3A_232, %mul3A_233 : vector<16xf32>
      %mul3A_235 = arith.mulf %sub3A_231, %sub3A_231 : vector<16xf32>
      %add3A_236 = arith.addf %add3A_234, %mul3A_235 : vector<16xf32>
      %bitcast3A = vector.bitcast %add3A_236 : vector<16xf32> to vector<16xi32>
      %shift_right_logical3A = arith.constant 1 : i32
      %shift_right_logical3A_237 = vector.broadcast %shift_right_logical3A : i32 to vector<16xi32>
      %shift_right_logical3A_238 = arith.shrui %bitcast3A, %shift_right_logical3A_237 : vector<16xi32>
      %sub3A_239 = arith.constant 1597463007 : i32
      %sub3A_240 = vector.broadcast %sub3A_239 : i32 to vector<16xi32>
      %sub3A_241 = arith.subi %sub3A_240, %shift_right_logical3A_238 : vector<16xi32>
      %bitcast3A_242 = vector.bitcast %sub3A_241 : vector<16xi32> to vector<16xf32>
      %mul3A_243 = arith.constant 5.000000e-01 : f32
      %mul3A_244 = vector.broadcast %mul3A_243 : f32 to vector<16xf32>
      %mul3A_245 = arith.mulf %mul3A_244, %add3A_236 : vector<16xf32>
      %mul3A_246 = arith.mulf %mul3A_245, %bitcast3A_242 : vector<16xf32>
      %mul3A_247 = arith.mulf %mul3A_246, %bitcast3A_242 : vector<16xf32>
      %sub3A_248 = arith.constant 1.500000e+00 : f32
      %sub3A_249 = vector.broadcast %sub3A_248 : f32 to vector<16xf32>
      %sub3A_250 = arith.subf %sub3A_249, %mul3A_247 : vector<16xf32>
      %mul3A_251 = arith.mulf %bitcast3A_242, %sub3A_250 : vector<16xf32>
      %mul3A_252 = arith.constant 5.000000e-01 : f32
      %mul3A_253 = vector.broadcast %mul3A_252 : f32 to vector<16xf32>
      %mul3A_254 = arith.mulf %mul3A_253, %add3A_236 : vector<16xf32>
      %mul3A_255 = arith.mulf %mul3A_254, %mul3A_251 : vector<16xf32>
      %mul3A_256 = arith.mulf %mul3A_255, %mul3A_251 : vector<16xf32>
      %sub3A_257 = arith.constant 1.500000e+00 : f32
      %sub3A_258 = vector.broadcast %sub3A_257 : f32 to vector<16xf32>
      %sub3A_259 = arith.subf %sub3A_258, %mul3A_256 : vector<16xf32>
      %mul3A_260 = arith.mulf %mul3A_251, %sub3A_259 : vector<16xf32>
      %mul3A_261 = arith.constant 5.000000e-01 : f32
      %mul3A_262 = vector.broadcast %mul3A_261 : f32 to vector<16xf32>
      %mul3A_263 = arith.mulf %mul3A_262, %add3A_236 : vector<16xf32>
      %mul3A_264 = arith.mulf %mul3A_263, %mul3A_260 : vector<16xf32>
      %mul3A_265 = arith.mulf %mul3A_264, %mul3A_260 : vector<16xf32>
      %sub3A_266 = arith.constant 1.500000e+00 : f32
      %sub3A_267 = vector.broadcast %sub3A_266 : f32 to vector<16xf32>
      %sub3A_268 = arith.subf %sub3A_267, %mul3A_265 : vector<16xf32>
      %mul3A_269 = arith.mulf %mul3A_260, %sub3A_268 : vector<16xf32>
      %gt3A = arith.constant 0.000000e+00 : f32
      %gt3A_270 = vector.broadcast %gt3A : f32 to vector<16xf32>
      %gt3A_271 = arith.cmpf ogt, %add3A_236, %gt3A_270 : vector<16xf32>
      %mul3A_272 = arith.mulf %add3A_236, %mul3A_269 : vector<16xf32>
      %jit3A = arith.constant 0.000000e+00 : f32
      %broadcast_in_dim3A = vector.broadcast %jit3A : f32 to vector<16xf32>
      %select_n3A = arith.select %gt3A_271, %mul3A_272, %broadcast_in_dim3A : vector<16xi1>, vector<16xf32>
      %swap3A = arith.index_cast %mul3A_220 : i32 to index
      %swap3A_273 = tpu.vector_load %arg29[%swap3A] {strides = array<i32>} : memref<80xf32, #tpu.memory_space<vmem>>, vector<16xf32>,
      tpu.vector_store %arg29[%swap3A], %select_n3A {strides = array<i32>} : memref<80xf32, #tpu.memory_space<vmem>>, vector<16xf32>,
      %swap3A_274 = arith.index_cast %mul3A_220 : i32 to index
      %swap3A_275 = tpu.vector_load %arg30[%swap3A_274] {strides = array<i32>} : memref<80xf32, #tpu.memory_space<vmem>>, vector<16xf32>,
      tpu.vector_store %arg30[%swap3A_274], %sub3A_225 {strides = array<i32>} : memref<80xf32, #tpu.memory_space<vmem>>, vector<16xf32>,
      %swap3A_276 = arith.index_cast %mul3A_220 : i32 to index
      %swap3A_277 = tpu.vector_load %arg31[%swap3A_276] {strides = array<i32>} : memref<80xf32, #tpu.memory_space<vmem>>, vector<16xf32>,
      tpu.vector_store %arg31[%swap3A_276], %sub3A_228 {strides = array<i32>} : memref<80xf32, #tpu.memory_space<vmem>>, vector<16xf32>,
      %swap3A_278 = arith.index_cast %mul3A_220 : i32 to index
      %swap3A_279 = tpu.vector_load %arg32[%swap3A_278] {strides = array<i32>} : memref<80xf32, #tpu.memory_space<vmem>>, vector<16xf32>,
      tpu.vector_store %arg32[%swap3A_278], %sub3A_231 {strides = array<i32>} : memref<80xf32, #tpu.memory_space<vmem>>, vector<16xf32>,
    }
    %scan3A_92 = arith.constant 5 : i32
    %scan3A_93 = arith.constant 0 : i32
    %scan3A_94 = arith.constant 0 : i32
    %scan3A_95 = arith.constant 40 : i32
    %scan3A_96 = arith.addi %scan3A_94, %scan3A_95 : i32
    %scan3A_97 = arith.constant 1 : i32
    scf.for %scan3A_218 = %scan3A_94 to %scan3A_96 step %scan3A_97  : i32 {
      %mul3A_219 = arith.constant 2 : i32
      %mul3A_220 = arith.muli %scan3A_218, %mul3A_219 : i32
      %add3A_221 = arith.constant 0 : i32
      %add3A_222 = arith.addi %mul3A_220, %add3A_221 : i32
      %get3A = arith.index_cast %add3A_222 : i32 to index
      %get3A_223 = arith.constant 0 : index
      %get3A_224 = tpu.vector_load %arg20[%get3A, %get3A_223] {strides = array<i32>} : memref<80x128xf32, #tpu.memory_space<vmem>>, vector<16xf32>,
      %get3A_225 = arith.index_cast %add3A_222 : i32 to index
      %get3A_226 = arith.constant 0 : index
      %get3A_227 = tpu.vector_load %arg21[%get3A_225, %get3A_226] {strides = array<i32>} : memref<80x128xf32, #tpu.memory_space<vmem>>, vector<16xf32>,
      %add3A_228 = arith.addf %get3A_224, %get3A_227 : vector<16xf32>
      %swap3A = arith.index_cast %add3A_222 : i32 to index
      %swap3A_229 = arith.constant 0 : index
      %swap3A_230 = tpu.vector_load %arg20[%swap3A, %swap3A_229] {strides = array<i32>} : memref<80x128xf32, #tpu.memory_space<vmem>>, vector<16xf32>,
      tpu.vector_store %arg20[%swap3A, %swap3A_229], %add3A_228 {strides = array<i32>} : memref<80x128xf32, #tpu.memory_space<vmem>>, vector<16xf32>,
      %get3A_231 = arith.index_cast %add3A_222 : i32 to index
      %get3A_232 = arith.constant 16 : index
      %get3A_233 = tpu.vector_load %arg20[%get3A_231, %get3A_232] {strides = array<i32>} : memref<80x128xf32, #tpu.memory_space<vmem>>, vector<16xf32>,
      %get3A_234 = arith.index_cast %add3A_222 : i32 to index
      %get3A_235 = arith.constant 16 : index
      %get3A_236 = tpu.vector_load %arg21[%get3A_234, %get3A_235] {strides = array<i32>} : memref<80x128xf32, #tpu.memory_space<vmem>>, vector<16xf32>,
      %add3A_237 = arith.addf %get3A_233, %get3A_236 : vector<16xf32>
      %swap3A_238 = arith.index_cast %add3A_222 : i32 to index
      %swap3A_239 = arith.constant 16 : index
      %swap3A_240 = tpu.vector_load %arg20[%swap3A_238, %swap3A_239] {strides = array<i32>} : memref<80x128xf32, #tpu.memory_space<vmem>>, vector<16xf32>,
      tpu.vector_store %arg20[%swap3A_238, %swap3A_239], %add3A_237 {strides = array<i32>} : memref<80x128xf32, #tpu.memory_space<vmem>>, vector<16xf32>,
      %get3A_241 = arith.index_cast %add3A_222 : i32 to index
      %get3A_242 = arith.constant 32 : index
      %get3A_243 = tpu.vector_load %arg20[%get3A_241, %get3A_242] {strides = array<i32>} : memref<80x128xf32, #tpu.memory_space<vmem>>, vector<16xf32>,
      %get3A_244 = arith.index_cast %add3A_222 : i32 to index
      %get3A_245 = arith.constant 32 : index
      %get3A_246 = tpu.vector_load %arg21[%get3A_244, %get3A_245] {strides = array<i32>} : memref<80x128xf32, #tpu.memory_space<vmem>>, vector<16xf32>,
      %add3A_247 = arith.addf %get3A_243, %get3A_246 : vector<16xf32>
      %swap3A_248 = arith.index_cast %add3A_222 : i32 to index
      %swap3A_249 = arith.constant 32 : index
      %swap3A_250 = tpu.vector_load %arg20[%swap3A_248, %swap3A_249] {strides = array<i32>} : memref<80x128xf32, #tpu.memory_space<vmem>>, vector<16xf32>,
      tpu.vector_store %arg20[%swap3A_248, %swap3A_249], %add3A_247 {strides = array<i32>} : memref<80x128xf32, #tpu.memory_space<vmem>>, vector<16xf32>,
      %get3A_251 = arith.index_cast %add3A_222 : i32 to index
      %get3A_252 = arith.constant 48 : index
      %get3A_253 = tpu.vector_load %arg20[%get3A_251, %get3A_252] {strides = array<i32>} : memref<80x128xf32, #tpu.memory_space<vmem>>, vector<16xf32>,
      %get3A_254 = arith.index_cast %add3A_222 : i32 to index
      %get3A_255 = arith.constant 48 : index
      %get3A_256 = tpu.vector_load %arg21[%get3A_254, %get3A_255] {strides = array<i32>} : memref<80x128xf32, #tpu.memory_space<vmem>>, vector<16xf32>,
      %add3A_257 = arith.addf %get3A_253, %get3A_256 : vector<16xf32>
      %swap3A_258 = arith.index_cast %add3A_222 : i32 to index
      %swap3A_259 = arith.constant 48 : index
      %swap3A_260 = tpu.vector_load %arg20[%swap3A_258, %swap3A_259] {strides = array<i32>} : memref<80x128xf32, #tpu.memory_space<vmem>>, vector<16xf32>,
      tpu.vector_store %arg20[%swap3A_258, %swap3A_259], %add3A_257 {strides = array<i32>} : memref<80x128xf32, #tpu.memory_space<vmem>>, vector<16xf32>,
      %get3A_261 = arith.index_cast %add3A_222 : i32 to index
      %get3A_262 = arith.constant 64 : index
      %get3A_263 = tpu.vector_load %arg20[%get3A_261, %get3A_262] {strides = array<i32>} : memref<80x128xf32, #tpu.memory_space<vmem>>, vector<16xf32>,
      %get3A_264 = arith.index_cast %add3A_222 : i32 to index
      %get3A_265 = arith.constant 64 : index
      %get3A_266 = tpu.vector_load %arg21[%get3A_264, %get3A_265] {strides = array<i32>} : memref<80x128xf32, #tpu.memory_space<vmem>>, vector<16xf32>,
      %add3A_267 = arith.addf %get3A_263, %get3A_266 : vector<16xf32>
      %swap3A_268 = arith.index_cast %add3A_222 : i32 to index
      %swap3A_269 = arith.constant 64 : index
      %swap3A_270 = tpu.vector_load %arg20[%swap3A_268, %swap3A_269] {strides = array<i32>} : memref<80x128xf32, #tpu.memory_space<vmem>>, vector<16xf32>,
      tpu.vector_store %arg20[%swap3A_268, %swap3A_269], %add3A_267 {strides = array<i32>} : memref<80x128xf32, #tpu.memory_space<vmem>>, vector<16xf32>,
      %get3A_271 = arith.index_cast %add3A_222 : i32 to index
      %get3A_272 = arith.constant 80 : index
      %get3A_273 = tpu.vector_load %arg20[%get3A_271, %get3A_272] {strides = array<i32>} : memref<80x128xf32, #tpu.memory_space<vmem>>, vector<16xf32>,
      %get3A_274 = arith.index_cast %add3A_222 : i32 to index
      %get3A_275 = arith.constant 80 : index
      %get3A_276 = tpu.vector_load %arg21[%get3A_274, %get3A_275] {strides = array<i32>} : memref<80x128xf32, #tpu.memory_space<vmem>>, vector<16xf32>,
      %add3A_277 = arith.addf %get3A_273, %get3A_276 : vector<16xf32>
      %swap3A_278 = arith.index_cast %add3A_222 : i32 to index
      %swap3A_279 = arith.constant 80 : index
      %swap3A_280 = tpu.vector_load %arg20[%swap3A_278, %swap3A_279] {strides = array<i32>} : memref<80x128xf32, #tpu.memory_space<vmem>>, vector<16xf32>,
      tpu.vector_store %arg20[%swap3A_278, %swap3A_279], %add3A_277 {strides = array<i32>} : memref<80x128xf32, #tpu.memory_space<vmem>>, vector<16xf32>,
      %get3A_281 = arith.index_cast %add3A_222 : i32 to index
      %get3A_282 = arith.constant 96 : index
      %get3A_283 = tpu.vector_load %arg20[%get3A_281, %get3A_282] {strides = array<i32>} : memref<80x128xf32, #tpu.memory_space<vmem>>, vector<16xf32>,
      %get3A_284 = arith.index_cast %add3A_222 : i32 to index
      %get3A_285 = arith.constant 96 : index
      %get3A_286 = tpu.vector_load %arg21[%get3A_284, %get3A_285] {strides = array<i32>} : memref<80x128xf32, #tpu.memory_space<vmem>>, vector<16xf32>,
      %add3A_287 = arith.addf %get3A_283, %get3A_286 : vector<16xf32>
      %swap3A_288 = arith.index_cast %add3A_222 : i32 to index
      %swap3A_289 = arith.constant 96 : index
      %swap3A_290 = tpu.vector_load %arg20[%swap3A_288, %swap3A_289] {strides = array<i32>} : memref<80x128xf32, #tpu.memory_space<vmem>>, vector<16xf32>,
      tpu.vector_store %arg20[%swap3A_288, %swap3A_289], %add3A_287 {strides = array<i32>} : memref<80x128xf32, #tpu.memory_space<vmem>>, vector<16xf32>,
      %get3A_291 = arith.index_cast %add3A_222 : i32 to index
      %get3A_292 = arith.constant 112 : index
      %get3A_293 = tpu.vector_load %arg20[%get3A_291, %get3A_292] {strides = array<i32>} : memref<80x128xf32, #tpu.memory_space<vmem>>, vector<16xf32>,
      %get3A_294 = arith.index_cast %add3A_222 : i32 to index
      %get3A_295 = arith.constant 112 : index
      %get3A_296 = tpu.vector_load %arg21[%get3A_294, %get3A_295] {strides = array<i32>} : memref<80x128xf32, #tpu.memory_space<vmem>>, vector<16xf32>,
      %add3A_297 = arith.addf %get3A_293, %get3A_296 : vector<16xf32>
      %swap3A_298 = arith.index_cast %add3A_222 : i32 to index
      %swap3A_299 = arith.constant 112 : index
      %swap3A_300 = tpu.vector_load %arg20[%swap3A_298, %swap3A_299] {strides = array<i32>} : memref<80x128xf32, #tpu.memory_space<vmem>>, vector<16xf32>,
      tpu.vector_store %arg20[%swap3A_298, %swap3A_299], %add3A_297 {strides = array<i32>} : memref<80x128xf32, #tpu.memory_space<vmem>>, vector<16xf32>,
      %mul3A_301 = arith.constant 2 : i32
      %mul3A_302 = arith.muli %scan3A_218, %mul3A_301 : i32
      %add3A_303 = arith.constant 1 : i32
      %add3A_304 = arith.addi %mul3A_302, %add3A_303 : i32
      %get3A_305 = arith.index_cast %add3A_304 : i32 to index
      %get3A_306 = arith.constant 0 : index
      %get3A_307 = tpu.vector_load %arg20[%get3A_305, %get3A_306] {strides = array<i32>} : memref<80x128xf32, #tpu.memory_space<vmem>>, vector<16xf32>,
      %get3A_308 = arith.index_cast %add3A_304 : i32 to index
      %get3A_309 = arith.constant 0 : index
      %get3A_310 = tpu.vector_load %arg21[%get3A_308, %get3A_309] {strides = array<i32>} : memref<80x128xf32, #tpu.memory_space<vmem>>, vector<16xf32>,
      %add3A_311 = arith.addf %get3A_307, %get3A_310 : vector<16xf32>
      %swap3A_312 = arith.index_cast %add3A_304 : i32 to index
      %swap3A_313 = arith.constant 0 : index
      %swap3A_314 = tpu.vector_load %arg20[%swap3A_312, %swap3A_313] {strides = array<i32>} : memref<80x128xf32, #tpu.memory_space<vmem>>, vector<16xf32>,
      tpu.vector_store %arg20[%swap3A_312, %swap3A_313], %add3A_311 {strides = array<i32>} : memref<80x128xf32, #tpu.memory_space<vmem>>, vector<16xf32>,
      %get3A_315 = arith.index_cast %add3A_304 : i32 to index
      %get3A_316 = arith.constant 16 : index
      %get3A_317 = tpu.vector_load %arg20[%get3A_315, %get3A_316] {strides = array<i32>} : memref<80x128xf32, #tpu.memory_space<vmem>>, vector<16xf32>,
      %get3A_318 = arith.index_cast %add3A_304 : i32 to index
      %get3A_319 = arith.constant 16 : index
      %get3A_320 = tpu.vector_load %arg21[%get3A_318, %get3A_319] {strides = array<i32>} : memref<80x128xf32, #tpu.memory_space<vmem>>, vector<16xf32>,
      %add3A_321 = arith.addf %get3A_317, %get3A_320 : vector<16xf32>
      %swap3A_322 = arith.index_cast %add3A_304 : i32 to index
      %swap3A_323 = arith.constant 16 : index
      %swap3A_324 = tpu.vector_load %arg20[%swap3A_322, %swap3A_323] {strides = array<i32>} : memref<80x128xf32, #tpu.memory_space<vmem>>, vector<16xf32>,
      tpu.vector_store %arg20[%swap3A_322, %swap3A_323], %add3A_321 {strides = array<i32>} : memref<80x128xf32, #tpu.memory_space<vmem>>, vector<16xf32>,
      %get3A_325 = arith.index_cast %add3A_304 : i32 to index
      %get3A_326 = arith.constant 32 : index
      %get3A_327 = tpu.vector_load %arg20[%get3A_325, %get3A_326] {strides = array<i32>} : memref<80x128xf32, #tpu.memory_space<vmem>>, vector<16xf32>,
      %get3A_328 = arith.index_cast %add3A_304 : i32 to index
      %get3A_329 = arith.constant 32 : index
      %get3A_330 = tpu.vector_load %arg21[%get3A_328, %get3A_329] {strides = array<i32>} : memref<80x128xf32, #tpu.memory_space<vmem>>, vector<16xf32>,
      %add3A_331 = arith.addf %get3A_327, %get3A_330 : vector<16xf32>
      %swap3A_332 = arith.index_cast %add3A_304 : i32 to index
      %swap3A_333 = arith.constant 32 : index
      %swap3A_334 = tpu.vector_load %arg20[%swap3A_332, %swap3A_333] {strides = array<i32>} : memref<80x128xf32, #tpu.memory_space<vmem>>, vector<16xf32>,
      tpu.vector_store %arg20[%swap3A_332, %swap3A_333], %add3A_331 {strides = array<i32>} : memref<80x128xf32, #tpu.memory_space<vmem>>, vector<16xf32>,
      %get3A_335 = arith.index_cast %add3A_304 : i32 to index
      %get3A_336 = arith.constant 48 : index
      %get3A_337 = tpu.vector_load %arg20[%get3A_335, %get3A_336] {strides = array<i32>} : memref<80x128xf32, #tpu.memory_space<vmem>>, vector<16xf32>,
      %get3A_338 = arith.index_cast %add3A_304 : i32 to index
      %get3A_339 = arith.constant 48 : index
      %get3A_340 = tpu.vector_load %arg21[%get3A_338, %get3A_339] {strides = array<i32>} : memref<80x128xf32, #tpu.memory_space<vmem>>, vector<16xf32>,
      %add3A_341 = arith.addf %get3A_337, %get3A_340 : vector<16xf32>
      %swap3A_342 = arith.index_cast %add3A_304 : i32 to index
      %swap3A_343 = arith.constant 48 : index
      %swap3A_344 = tpu.vector_load %arg20[%swap3A_342, %swap3A_343] {strides = array<i32>} : memref<80x128xf32, #tpu.memory_space<vmem>>, vector<16xf32>,
      tpu.vector_store %arg20[%swap3A_342, %swap3A_343], %add3A_341 {strides = array<i32>} : memref<80x128xf32, #tpu.memory_space<vmem>>, vector<16xf32>,
      %get3A_345 = arith.index_cast %add3A_304 : i32 to index
      %get3A_346 = arith.constant 64 : index
      %get3A_347 = tpu.vector_load %arg20[%get3A_345, %get3A_346] {strides = array<i32>} : memref<80x128xf32, #tpu.memory_space<vmem>>, vector<16xf32>,
      %get3A_348 = arith.index_cast %add3A_304 : i32 to index
      %get3A_349 = arith.constant 64 : index
      %get3A_350 = tpu.vector_load %arg21[%get3A_348, %get3A_349] {strides = array<i32>} : memref<80x128xf32, #tpu.memory_space<vmem>>, vector<16xf32>,
      %add3A_351 = arith.addf %get3A_347, %get3A_350 : vector<16xf32>
      %swap3A_352 = arith.index_cast %add3A_304 : i32 to index
      %swap3A_353 = arith.constant 64 : index
      %swap3A_354 = tpu.vector_load %arg20[%swap3A_352, %swap3A_353] {strides = array<i32>} : memref<80x128xf32, #tpu.memory_space<vmem>>, vector<16xf32>,
      tpu.vector_store %arg20[%swap3A_352, %swap3A_353], %add3A_351 {strides = array<i32>} : memref<80x128xf32, #tpu.memory_space<vmem>>, vector<16xf32>,
      %get3A_355 = arith.index_cast %add3A_304 : i32 to index
      %get3A_356 = arith.constant 80 : index
      %get3A_357 = tpu.vector_load %arg20[%get3A_355, %get3A_356] {strides = array<i32>} : memref<80x128xf32, #tpu.memory_space<vmem>>, vector<16xf32>,
      %get3A_358 = arith.index_cast %add3A_304 : i32 to index
      %get3A_359 = arith.constant 80 : index
      %get3A_360 = tpu.vector_load %arg21[%get3A_358, %get3A_359] {strides = array<i32>} : memref<80x128xf32, #tpu.memory_space<vmem>>, vector<16xf32>,
      %add3A_361 = arith.addf %get3A_357, %get3A_360 : vector<16xf32>
      %swap3A_362 = arith.index_cast %add3A_304 : i32 to index
      %swap3A_363 = arith.constant 80 : index
      %swap3A_364 = tpu.vector_load %arg20[%swap3A_362, %swap3A_363] {strides = array<i32>} : memref<80x128xf32, #tpu.memory_space<vmem>>, vector<16xf32>,
      tpu.vector_store %arg20[%swap3A_362, %swap3A_363], %add3A_361 {strides = array<i32>} : memref<80x128xf32, #tpu.memory_space<vmem>>, vector<16xf32>,
      %get3A_365 = arith.index_cast %add3A_304 : i32 to index
      %get3A_366 = arith.constant 96 : index
      %get3A_367 = tpu.vector_load %arg20[%get3A_365, %get3A_366] {strides = array<i32>} : memref<80x128xf32, #tpu.memory_space<vmem>>, vector<16xf32>,
      %get3A_368 = arith.index_cast %add3A_304 : i32 to index
      %get3A_369 = arith.constant 96 : index
      %get3A_370 = tpu.vector_load %arg21[%get3A_368, %get3A_369] {strides = array<i32>} : memref<80x128xf32, #tpu.memory_space<vmem>>, vector<16xf32>,
      %add3A_371 = arith.addf %get3A_367, %get3A_370 : vector<16xf32>
      %swap3A_372 = arith.index_cast %add3A_304 : i32 to index
      %swap3A_373 = arith.constant 96 : index
      %swap3A_374 = tpu.vector_load %arg20[%swap3A_372, %swap3A_373] {strides = array<i32>} : memref<80x128xf32, #tpu.memory_space<vmem>>, vector<16xf32>,
      tpu.vector_store %arg20[%swap3A_372, %swap3A_373], %add3A_371 {strides = array<i32>} : memref<80x128xf32, #tpu.memory_space<vmem>>, vector<16xf32>,
      %get3A_375 = arith.index_cast %add3A_304 : i32 to index
      %get3A_376 = arith.constant 112 : index
      %get3A_377 = tpu.vector_load %arg20[%get3A_375, %get3A_376] {strides = array<i32>} : memref<80x128xf32, #tpu.memory_space<vmem>>, vector<16xf32>,
      %get3A_378 = arith.index_cast %add3A_304 : i32 to index
      %get3A_379 = arith.constant 112 : index
      %get3A_380 = tpu.vector_load %arg21[%get3A_378, %get3A_379] {strides = array<i32>} : memref<80x128xf32, #tpu.memory_space<vmem>>, vector<16xf32>,
      %add3A_381 = arith.addf %get3A_377, %get3A_380 : vector<16xf32>
      %swap3A_382 = arith.index_cast %add3A_304 : i32 to index
      %swap3A_383 = arith.constant 112 : index
      %swap3A_384 = tpu.vector_load %arg20[%swap3A_382, %swap3A_383] {strides = array<i32>} : memref<80x128xf32, #tpu.memory_space<vmem>>, vector<16xf32>,
      tpu.vector_store %arg20[%swap3A_382, %swap3A_383], %add3A_381 {strides = array<i32>} : memref<80x128xf32, #tpu.memory_space<vmem>>, vector<16xf32>,
    }
    %scan3A_98 = arith.constant 40 : i32
    %dma_start3A_99 = tpu.memref_slice %arg10[%add3A_80] : memref<320000xf32, #tpu.memory_space<hbm>> -> memref<80xf32, #tpu.memory_space<hbm>>
    %dma_start3A_100 = tpu.memref_slice %arg10[%add3A_80] : memref<320000xf32, #tpu.memory_space<hbm>> -> memref<80xf32, #tpu.memory_space<hbm>>
    tpu.enqueue_dma source(%arg29 : memref<80xf32, #tpu.memory_space<vmem>>) target(%dma_start3A_100 : memref<80xf32, #tpu.memory_space<hbm>>) target_semaphore(%arg36 : memref<!tpu.dma_semaphore, #tpu.memory_space<semaphore_mem>>)
    %dma_start3A_101 = tpu.memref_slice %arg11[%add3A_80] : memref<320000xf32, #tpu.memory_space<hbm>> -> memref<80xf32, #tpu.memory_space<hbm>>
    %dma_start3A_102 = tpu.memref_slice %arg11[%add3A_80] : memref<320000xf32, #tpu.memory_space<hbm>> -> memref<80xf32, #tpu.memory_space<hbm>>
    tpu.enqueue_dma source(%arg30 : memref<80xf32, #tpu.memory_space<vmem>>) target(%dma_start3A_102 : memref<80xf32, #tpu.memory_space<hbm>>) target_semaphore(%arg36 : memref<!tpu.dma_semaphore, #tpu.memory_space<semaphore_mem>>)
    %dma_start3A_103 = tpu.memref_slice %arg12[%add3A_80] : memref<320000xf32, #tpu.memory_space<hbm>> -> memref<80xf32, #tpu.memory_space<hbm>>
    %dma_start3A_104 = tpu.memref_slice %arg12[%add3A_80] : memref<320000xf32, #tpu.memory_space<hbm>> -> memref<80xf32, #tpu.memory_space<hbm>>
    tpu.enqueue_dma source(%arg31 : memref<80xf32, #tpu.memory_space<vmem>>) target(%dma_start3A_104 : memref<80xf32, #tpu.memory_space<hbm>>) target_semaphore(%arg36 : memref<!tpu.dma_semaphore, #tpu.memory_space<semaphore_mem>>)
    %dma_start3A_105 = tpu.memref_slice %arg13[%add3A_80] : memref<320000xf32, #tpu.memory_space<hbm>> -> memref<80xf32, #tpu.memory_space<hbm>>
    %dma_start3A_106 = tpu.memref_slice %arg13[%add3A_80] : memref<320000xf32, #tpu.memory_space<hbm>> -> memref<80xf32, #tpu.memory_space<hbm>>
    tpu.enqueue_dma source(%arg32 : memref<80xf32, #tpu.memory_space<vmem>>) target(%dma_start3A_106 : memref<80xf32, #tpu.memory_space<hbm>>) target_semaphore(%arg36 : memref<!tpu.dma_semaphore, #tpu.memory_space<semaphore_mem>>)
    %dma_start3A_107 = arith.constant 0 : i32
    %dma_start3A_108 = tpu.memref_slice %arg9[%add3A_80, %dma_start3A_107] : memref<327680x128xf32, #tpu.memory_space<hbm>> -> memref<80x128xf32, #tpu.memory_space<hbm>>
    %dma_start3A_109 = arith.constant 0 : i32
    %dma_start3A_110 = tpu.memref_slice %arg9[%add3A_80, %dma_start3A_109] : memref<327680x128xf32, #tpu.memory_space<hbm>> -> memref<80x128xf32, #tpu.memory_space<hbm>>
    tpu.enqueue_dma source(%arg20 : memref<80x128xf32, #tpu.memory_space<vmem>>) target(%dma_start3A_110 : memref<80x128xf32, #tpu.memory_space<hbm>>) target_semaphore(%arg36 : memref<!tpu.dma_semaphore, #tpu.memory_space<semaphore_mem>>)
    %sub3A = arith.constant 80 : i32
    %sub3A_111 = arith.subi %add3A_80, %sub3A : i32
    %dma_wait3A_112 = tpu.memref_slice %arg10[%sub3A_111] : memref<320000xf32, #tpu.memory_space<hbm>> -> memref<80xf32, #tpu.memory_space<hbm>>
    %dma_wait3A_113 = tpu.memref_slice %arg10[%sub3A_111] : memref<320000xf32, #tpu.memory_space<hbm>> -> memref<80xf32, #tpu.memory_space<hbm>>
    tpu.wait_dma2 semaphore(%arg36 : memref<!tpu.dma_semaphore, #tpu.memory_space<semaphore_mem>>) src(%arg25 : memref<80xf32, #tpu.memory_space<vmem>>) dst(%dma_wait3A_113 : memref<80xf32, #tpu.memory_space<hbm>>)
    %dma_wait3A_114 = tpu.memref_slice %arg11[%sub3A_111] : memref<320000xf32, #tpu.memory_space<hbm>> -> memref<80xf32, #tpu.memory_space<hbm>>
    %dma_wait3A_115 = tpu.memref_slice %arg11[%sub3A_111] : memref<320000xf32, #tpu.memory_space<hbm>> -> memref<80xf32, #tpu.memory_space<hbm>>
    tpu.wait_dma2 semaphore(%arg36 : memref<!tpu.dma_semaphore, #tpu.memory_space<semaphore_mem>>) src(%arg26 : memref<80xf32, #tpu.memory_space<vmem>>) dst(%dma_wait3A_115 : memref<80xf32, #tpu.memory_space<hbm>>)
    %dma_wait3A_116 = tpu.memref_slice %arg12[%sub3A_111] : memref<320000xf32, #tpu.memory_space<hbm>> -> memref<80xf32, #tpu.memory_space<hbm>>
    %dma_wait3A_117 = tpu.memref_slice %arg12[%sub3A_111] : memref<320000xf32, #tpu.memory_space<hbm>> -> memref<80xf32, #tpu.memory_space<hbm>>
    tpu.wait_dma2 semaphore(%arg36 : memref<!tpu.dma_semaphore, #tpu.memory_space<semaphore_mem>>) src(%arg27 : memref<80xf32, #tpu.memory_space<vmem>>) dst(%dma_wait3A_117 : memref<80xf32, #tpu.memory_space<hbm>>)
    %dma_wait3A_118 = tpu.memref_slice %arg13[%sub3A_111] : memref<320000xf32, #tpu.memory_space<hbm>> -> memref<80xf32, #tpu.memory_space<hbm>>
    %dma_wait3A_119 = tpu.memref_slice %arg13[%sub3A_111] : memref<320000xf32, #tpu.memory_space<hbm>> -> memref<80xf32, #tpu.memory_space<hbm>>
    tpu.wait_dma2 semaphore(%arg36 : memref<!tpu.dma_semaphore, #tpu.memory_space<semaphore_mem>>) src(%arg28 : memref<80xf32, #tpu.memory_space<vmem>>) dst(%dma_wait3A_119 : memref<80xf32, #tpu.memory_space<hbm>>)
    %dma_wait3A_120 = arith.constant 0 : i32
    %dma_wait3A_121 = tpu.memref_slice %arg9[%sub3A_111, %dma_wait3A_120] : memref<327680x128xf32, #tpu.memory_space<hbm>> -> memref<80x128xf32, #tpu.memory_space<hbm>>
    %dma_wait3A_122 = arith.constant 0 : i32
    %dma_wait3A_123 = tpu.memref_slice %arg9[%sub3A_111, %dma_wait3A_122] : memref<327680x128xf32, #tpu.memory_space<hbm>> -> memref<80x128xf32, #tpu.memory_space<hbm>>
    tpu.wait_dma2 semaphore(%arg36 : memref<!tpu.dma_semaphore, #tpu.memory_space<semaphore_mem>>) src(%arg18 : memref<80x128xf32, #tpu.memory_space<vmem>>) dst(%dma_wait3A_123 : memref<80x128xf32, #tpu.memory_space<hbm>>)
    %rem3A_124 = arith.constant 2 : i32
    %rem3A_125 = arith.constant 125 : i32
    %rem3A_126 = arith.remsi %rem3A_124, %rem3A_125 : i32
    %mul3A_127 = arith.constant 80 : i32
    %mul3A_128 = arith.muli %rem3A_126, %mul3A_127 : i32
    %add3A_129 = arith.addi %mul3A_4, %mul3A_128 : i32
    %dma_wait3A_130 = tpu.memref_slice %arg4[%add3A_129] : memref<320000xi32, #tpu.memory_space<hbm>> -> memref<80xi32, #tpu.memory_space<hbm>>
    %dma_wait3A_131 = tpu.memref_slice %arg4[%add3A_129] : memref<320000xi32, #tpu.memory_space<hbm>> -> memref<80xi32, #tpu.memory_space<hbm>>
    tpu.wait_dma2 semaphore(%arg33 : memref<!tpu.dma_semaphore, #tpu.memory_space<semaphore_mem>>) src(%dma_wait3A_131 : memref<80xi32, #tpu.memory_space<hbm>>) dst(%arg14 : memref<80xi32, #tpu.memory_space<vmem>>)
    %dma_wait3A_132 = tpu.memref_slice %arg5[%add3A_129] : memref<320000xi32, #tpu.memory_space<hbm>> -> memref<80xi32, #tpu.memory_space<hbm>>
    %dma_wait3A_133 = tpu.memref_slice %arg5[%add3A_129] : memref<320000xi32, #tpu.memory_space<hbm>> -> memref<80xi32, #tpu.memory_space<hbm>>
    tpu.wait_dma2 semaphore(%arg33 : memref<!tpu.dma_semaphore, #tpu.memory_space<semaphore_mem>>) src(%dma_wait3A_133 : memref<80xi32, #tpu.memory_space<hbm>>) dst(%arg15 : memref<80xi32, #tpu.memory_space<vmem>>)
    %dma_start3A_134 = arith.constant 0 : i32
    %dma_start3A_135 = arith.constant 0 : i32
    %dma_start3A_136 = tpu.memref_slice %arg2[%dma_start3A_134, %dma_start3A_135] : memref<10000x128xf32, #tpu.memory_space<hbm>> -> memref<10000x128xf32, #tpu.memory_space<hbm>>
    tpu.enqueue_indirect_dma source(%dma_start3A_136 : memref<10000x128xf32, #tpu.memory_space<hbm>>) target(%arg18 : memref<80x128xf32, #tpu.memory_space<vmem>>) offsets(%arg14 : memref<80xi32, #tpu.memory_space<vmem>>) semaphore(%arg34 : memref<!tpu.dma_semaphore, #tpu.memory_space<semaphore_mem>>)
    %dma_start3A_137 = arith.constant 0 : i32
    %dma_start3A_138 = arith.constant 0 : i32
    %dma_start3A_139 = tpu.memref_slice %arg3[%dma_start3A_137, %dma_start3A_138] : memref<10000x128xf32, #tpu.memory_space<hbm>> -> memref<10000x128xf32, #tpu.memory_space<hbm>>
    tpu.enqueue_indirect_dma source(%dma_start3A_139 : memref<10000x128xf32, #tpu.memory_space<hbm>>) target(%arg19 : memref<80x128xf32, #tpu.memory_space<vmem>>) offsets(%arg15 : memref<80xi32, #tpu.memory_space<vmem>>) semaphore(%arg34 : memref<!tpu.dma_semaphore, #tpu.memory_space<semaphore_mem>>)
    %rem3A_140 = arith.constant 3 : i32
    %rem3A_141 = arith.constant 125 : i32
    %rem3A_142 = arith.remsi %rem3A_140, %rem3A_141 : i32
    %mul3A_143 = arith.constant 80 : i32
    %mul3A_144 = arith.muli %rem3A_142, %mul3A_143 : i32
    %add3A_145 = arith.addi %mul3A_4, %mul3A_144 : i32
    %dma_start3A_146 = tpu.memref_slice %arg4[%add3A_145] : memref<320000xi32, #tpu.memory_space<hbm>> -> memref<80xi32, #tpu.memory_space<hbm>>
    %dma_start3A_147 = tpu.memref_slice %arg4[%add3A_145] : memref<320000xi32, #tpu.memory_space<hbm>> -> memref<80xi32, #tpu.memory_space<hbm>>
    tpu.enqueue_dma source(%dma_start3A_147 : memref<80xi32, #tpu.memory_space<hbm>>) target(%arg16 : memref<80xi32, #tpu.memory_space<vmem>>) target_semaphore(%arg33 : memref<!tpu.dma_semaphore, #tpu.memory_space<semaphore_mem>>)
    %dma_start3A_148 = tpu.memref_slice %arg5[%add3A_145] : memref<320000xi32, #tpu.memory_space<hbm>> -> memref<80xi32, #tpu.memory_space<hbm>>
    %dma_start3A_149 = tpu.memref_slice %arg5[%add3A_145] : memref<320000xi32, #tpu.memory_space<hbm>> -> memref<80xi32, #tpu.memory_space<hbm>>
    tpu.enqueue_dma source(%dma_start3A_149 : memref<80xi32, #tpu.memory_space<hbm>>) target(%arg17 : memref<80xi32, #tpu.memory_space<vmem>>) target_semaphore(%arg33 : memref<!tpu.dma_semaphore, #tpu.memory_space<semaphore_mem>>)
    %scan3A_150 = arith.constant 0 : i32
    %scan3A_151 = arith.constant 1 : i32
    %scan3A_152 = arith.constant 61 : i32
    %scan3A_153 = arith.addi %scan3A_151, %scan3A_152 : i32
    %scan3A_154 = arith.constant 1 : i32
    scf.for %scan3A_218 = %scan3A_151 to %scan3A_153 step %scan3A_154  : i32 {
      %mul3A_219 = arith.constant 2 : i32
      %mul3A_220 = arith.muli %mul3A_219, %scan3A_218 : i32
      %mul3A_221 = arith.constant 80 : i32
      %mul3A_222 = arith.muli %mul3A_220, %mul3A_221 : i32
      %add3A_223 = arith.addi %mul3A_4, %mul3A_222 : i32
      %add3A_224 = arith.constant 0 : i32
      %add3A_225 = arith.addi %add3A_223, %add3A_224 : i32
      %dma_wait3A_226 = arith.constant 0 : i32
      %dma_wait3A_227 = arith.constant 0 : i32
      %dma_wait3A_228 = tpu.memref_slice %arg2[%dma_wait3A_226, %dma_wait3A_227] : memref<10000x128xf32, #tpu.memory_space<hbm>> -> memref<10000x128xf32, #tpu.memory_space<hbm>>
      tpu.wait_indirect_dma semaphore(%arg34 : memref<!tpu.dma_semaphore, #tpu.memory_space<semaphore_mem>>) src(%dma_wait3A_228 : memref<10000x128xf32, #tpu.memory_space<hbm>>) dst(%arg18 : memref<80x128xf32, #tpu.memory_space<vmem>>)
      %dma_wait3A_229 = arith.constant 0 : i32
      %dma_wait3A_230 = arith.constant 0 : i32
      %dma_wait3A_231 = tpu.memref_slice %arg3[%dma_wait3A_229, %dma_wait3A_230] : memref<10000x128xf32, #tpu.memory_space<hbm>> -> memref<10000x128xf32, #tpu.memory_space<hbm>>
      tpu.wait_indirect_dma semaphore(%arg34 : memref<!tpu.dma_semaphore, #tpu.memory_space<semaphore_mem>>) src(%dma_wait3A_231 : memref<10000x128xf32, #tpu.memory_space<hbm>>) dst(%arg19 : memref<80x128xf32, #tpu.memory_space<vmem>>)
      %scan3A_232 = arith.constant 0 : i32
      %scan3A_233 = arith.constant 0 : i32
      %scan3A_234 = arith.constant 5 : i32
      %scan3A_235 = arith.addi %scan3A_233, %scan3A_234 : i32
      %scan3A_236 = arith.constant 1 : i32
      scf.for %scan3A_380 = %scan3A_233 to %scan3A_235 step %scan3A_236  : i32 {
        %mul3A_381 = arith.constant 16 : i32
        %mul3A_382 = arith.muli %scan3A_380, %mul3A_381 : i32
        %get3A = arith.index_cast %mul3A_382 : i32 to index
        %get3A_383 = tpu.vector_load %arg14[%get3A] {strides = array<i32>} : memref<80xi32, #tpu.memory_space<vmem>>, vector<16xi32>,
        %get3A_384 = arith.index_cast %mul3A_382 : i32 to index
        %get3A_385 = tpu.vector_load %arg15[%get3A_384] {strides = array<i32>} : memref<80xi32, #tpu.memory_space<vmem>>, vector<16xi32>,
        %gather3A = tpu.vector_load_idx %arg22[%get3A_383] : memref<10000xf32, #tpu.memory_space<vmem>>[vector<16xi32>], vector<16xf32>,
        %gather3A_386 = tpu.vector_load_idx %arg22[%get3A_385] : memref<10000xf32, #tpu.memory_space<vmem>>[vector<16xi32>], vector<16xf32>,
        %sub3A_387 = arith.subf %gather3A, %gather3A_386 : vector<16xf32>
        %gather3A_388 = tpu.vector_load_idx %arg23[%get3A_383] : memref<10000xf32, #tpu.memory_space<vmem>>[vector<16xi32>], vector<16xf32>,
        %gather3A_389 = tpu.vector_load_idx %arg23[%get3A_385] : memref<10000xf32, #tpu.memory_space<vmem>>[vector<16xi32>], vector<16xf32>,
        %sub3A_390 = arith.subf %gather3A_388, %gather3A_389 : vector<16xf32>
        %gather3A_391 = tpu.vector_load_idx %arg24[%get3A_383] : memref<10000xf32, #tpu.memory_space<vmem>>[vector<16xi32>], vector<16xf32>,
        %gather3A_392 = tpu.vector_load_idx %arg24[%get3A_385] : memref<10000xf32, #tpu.memory_space<vmem>>[vector<16xi32>], vector<16xf32>,
        %sub3A_393 = arith.subf %gather3A_391, %gather3A_392 : vector<16xf32>
        %mul3A_394 = arith.mulf %sub3A_387, %sub3A_387 : vector<16xf32>
        %mul3A_395 = arith.mulf %sub3A_390, %sub3A_390 : vector<16xf32>
        %add3A_396 = arith.addf %mul3A_394, %mul3A_395 : vector<16xf32>
        %mul3A_397 = arith.mulf %sub3A_393, %sub3A_393 : vector<16xf32>
        %add3A_398 = arith.addf %add3A_396, %mul3A_397 : vector<16xf32>
        %bitcast3A = vector.bitcast %add3A_398 : vector<16xf32> to vector<16xi32>
        %shift_right_logical3A = arith.constant 1 : i32
        %shift_right_logical3A_399 = vector.broadcast %shift_right_logical3A : i32 to vector<16xi32>
        %shift_right_logical3A_400 = arith.shrui %bitcast3A, %shift_right_logical3A_399 : vector<16xi32>
        %sub3A_401 = arith.constant 1597463007 : i32
        %sub3A_402 = vector.broadcast %sub3A_401 : i32 to vector<16xi32>
        %sub3A_403 = arith.subi %sub3A_402, %shift_right_logical3A_400 : vector<16xi32>
        %bitcast3A_404 = vector.bitcast %sub3A_403 : vector<16xi32> to vector<16xf32>
        %mul3A_405 = arith.constant 5.000000e-01 : f32
        %mul3A_406 = vector.broadcast %mul3A_405 : f32 to vector<16xf32>
        %mul3A_407 = arith.mulf %mul3A_406, %add3A_398 : vector<16xf32>
        %mul3A_408 = arith.mulf %mul3A_407, %bitcast3A_404 : vector<16xf32>
        %mul3A_409 = arith.mulf %mul3A_408, %bitcast3A_404 : vector<16xf32>
        %sub3A_410 = arith.constant 1.500000e+00 : f32
        %sub3A_411 = vector.broadcast %sub3A_410 : f32 to vector<16xf32>
        %sub3A_412 = arith.subf %sub3A_411, %mul3A_409 : vector<16xf32>
        %mul3A_413 = arith.mulf %bitcast3A_404, %sub3A_412 : vector<16xf32>
        %mul3A_414 = arith.constant 5.000000e-01 : f32
        %mul3A_415 = vector.broadcast %mul3A_414 : f32 to vector<16xf32>
        %mul3A_416 = arith.mulf %mul3A_415, %add3A_398 : vector<16xf32>
        %mul3A_417 = arith.mulf %mul3A_416, %mul3A_413 : vector<16xf32>
        %mul3A_418 = arith.mulf %mul3A_417, %mul3A_413 : vector<16xf32>
        %sub3A_419 = arith.constant 1.500000e+00 : f32
        %sub3A_420 = vector.broadcast %sub3A_419 : f32 to vector<16xf32>
        %sub3A_421 = arith.subf %sub3A_420, %mul3A_418 : vector<16xf32>
        %mul3A_422 = arith.mulf %mul3A_413, %sub3A_421 : vector<16xf32>
        %mul3A_423 = arith.constant 5.000000e-01 : f32
        %mul3A_424 = vector.broadcast %mul3A_423 : f32 to vector<16xf32>
        %mul3A_425 = arith.mulf %mul3A_424, %add3A_398 : vector<16xf32>
        %mul3A_426 = arith.mulf %mul3A_425, %mul3A_422 : vector<16xf32>
        %mul3A_427 = arith.mulf %mul3A_426, %mul3A_422 : vector<16xf32>
        %sub3A_428 = arith.constant 1.500000e+00 : f32
        %sub3A_429 = vector.broadcast %sub3A_428 : f32 to vector<16xf32>
        %sub3A_430 = arith.subf %sub3A_429, %mul3A_427 : vector<16xf32>
        %mul3A_431 = arith.mulf %mul3A_422, %sub3A_430 : vector<16xf32>
        %gt3A = arith.constant 0.000000e+00 : f32
        %gt3A_432 = vector.broadcast %gt3A : f32 to vector<16xf32>
        %gt3A_433 = arith.cmpf ogt, %add3A_398, %gt3A_432 : vector<16xf32>
        %mul3A_434 = arith.mulf %add3A_398, %mul3A_431 : vector<16xf32>
        %jit3A = arith.constant 0.000000e+00 : f32
        %broadcast_in_dim3A = vector.broadcast %jit3A : f32 to vector<16xf32>
        %select_n3A = arith.select %gt3A_433, %mul3A_434, %broadcast_in_dim3A : vector<16xi1>, vector<16xf32>
        %swap3A = arith.index_cast %mul3A_382 : i32 to index
        %swap3A_435 = tpu.vector_load %arg25[%swap3A] {strides = array<i32>} : memref<80xf32, #tpu.memory_space<vmem>>, vector<16xf32>,
        tpu.vector_store %arg25[%swap3A], %select_n3A {strides = array<i32>} : memref<80xf32, #tpu.memory_space<vmem>>, vector<16xf32>,
        %swap3A_436 = arith.index_cast %mul3A_382 : i32 to index
        %swap3A_437 = tpu.vector_load %arg26[%swap3A_436] {strides = array<i32>} : memref<80xf32, #tpu.memory_space<vmem>>, vector<16xf32>,
        tpu.vector_store %arg26[%swap3A_436], %sub3A_387 {strides = array<i32>} : memref<80xf32, #tpu.memory_space<vmem>>, vector<16xf32>,
        %swap3A_438 = arith.index_cast %mul3A_382 : i32 to index
        %swap3A_439 = tpu.vector_load %arg27[%swap3A_438] {strides = array<i32>} : memref<80xf32, #tpu.memory_space<vmem>>, vector<16xf32>,
        tpu.vector_store %arg27[%swap3A_438], %sub3A_390 {strides = array<i32>} : memref<80xf32, #tpu.memory_space<vmem>>, vector<16xf32>,
        %swap3A_440 = arith.index_cast %mul3A_382 : i32 to index
        %swap3A_441 = tpu.vector_load %arg28[%swap3A_440] {strides = array<i32>} : memref<80xf32, #tpu.memory_space<vmem>>, vector<16xf32>,
        tpu.vector_store %arg28[%swap3A_440], %sub3A_393 {strides = array<i32>} : memref<80xf32, #tpu.memory_space<vmem>>, vector<16xf32>,
      }
      %scan3A_237 = arith.constant 5 : i32
      %scan3A_238 = arith.constant 0 : i32
      %scan3A_239 = arith.constant 0 : i32
      %scan3A_240 = arith.constant 40 : i32
      %scan3A_241 = arith.addi %scan3A_239, %scan3A_240 : i32
      %scan3A_242 = arith.constant 1 : i32
      scf.for %scan3A_380 = %scan3A_239 to %scan3A_241 step %scan3A_242  : i32 {
        %mul3A_381 = arith.constant 2 : i32
        %mul3A_382 = arith.muli %scan3A_380, %mul3A_381 : i32
        %add3A_383 = arith.constant 0 : i32
        %add3A_384 = arith.addi %mul3A_382, %add3A_383 : i32
        %get3A = arith.index_cast %add3A_384 : i32 to index
        %get3A_385 = arith.constant 0 : index
        %get3A_386 = tpu.vector_load %arg18[%get3A, %get3A_385] {strides = array<i32>} : memref<80x128xf32, #tpu.memory_space<vmem>>, vector<16xf32>,
        %get3A_387 = arith.index_cast %add3A_384 : i32 to index
        %get3A_388 = arith.constant 0 : index
        %get3A_389 = tpu.vector_load %arg19[%get3A_387, %get3A_388] {strides = array<i32>} : memref<80x128xf32, #tpu.memory_space<vmem>>, vector<16xf32>,
        %add3A_390 = arith.addf %get3A_386, %get3A_389 : vector<16xf32>
        %swap3A = arith.index_cast %add3A_384 : i32 to index
        %swap3A_391 = arith.constant 0 : index
        %swap3A_392 = tpu.vector_load %arg18[%swap3A, %swap3A_391] {strides = array<i32>} : memref<80x128xf32, #tpu.memory_space<vmem>>, vector<16xf32>,
        tpu.vector_store %arg18[%swap3A, %swap3A_391], %add3A_390 {strides = array<i32>} : memref<80x128xf32, #tpu.memory_space<vmem>>, vector<16xf32>,
        %get3A_393 = arith.index_cast %add3A_384 : i32 to index
        %get3A_394 = arith.constant 16 : index
        %get3A_395 = tpu.vector_load %arg18[%get3A_393, %get3A_394] {strides = array<i32>} : memref<80x128xf32, #tpu.memory_space<vmem>>, vector<16xf32>,
        %get3A_396 = arith.index_cast %add3A_384 : i32 to index
        %get3A_397 = arith.constant 16 : index
        %get3A_398 = tpu.vector_load %arg19[%get3A_396, %get3A_397] {strides = array<i32>} : memref<80x128xf32, #tpu.memory_space<vmem>>, vector<16xf32>,
        %add3A_399 = arith.addf %get3A_395, %get3A_398 : vector<16xf32>
        %swap3A_400 = arith.index_cast %add3A_384 : i32 to index
        %swap3A_401 = arith.constant 16 : index
        %swap3A_402 = tpu.vector_load %arg18[%swap3A_400, %swap3A_401] {strides = array<i32>} : memref<80x128xf32, #tpu.memory_space<vmem>>, vector<16xf32>,
        tpu.vector_store %arg18[%swap3A_400, %swap3A_401], %add3A_399 {strides = array<i32>} : memref<80x128xf32, #tpu.memory_space<vmem>>, vector<16xf32>,
        %get3A_403 = arith.index_cast %add3A_384 : i32 to index
        %get3A_404 = arith.constant 32 : index
        %get3A_405 = tpu.vector_load %arg18[%get3A_403, %get3A_404] {strides = array<i32>} : memref<80x128xf32, #tpu.memory_space<vmem>>, vector<16xf32>,
        %get3A_406 = arith.index_cast %add3A_384 : i32 to index
        %get3A_407 = arith.constant 32 : index
        %get3A_408 = tpu.vector_load %arg19[%get3A_406, %get3A_407] {strides = array<i32>} : memref<80x128xf32, #tpu.memory_space<vmem>>, vector<16xf32>,
        %add3A_409 = arith.addf %get3A_405, %get3A_408 : vector<16xf32>
        %swap3A_410 = arith.index_cast %add3A_384 : i32 to index
        %swap3A_411 = arith.constant 32 : index
        %swap3A_412 = tpu.vector_load %arg18[%swap3A_410, %swap3A_411] {strides = array<i32>} : memref<80x128xf32, #tpu.memory_space<vmem>>, vector<16xf32>,
        tpu.vector_store %arg18[%swap3A_410, %swap3A_411], %add3A_409 {strides = array<i32>} : memref<80x128xf32, #tpu.memory_space<vmem>>, vector<16xf32>,
        %get3A_413 = arith.index_cast %add3A_384 : i32 to index
        %get3A_414 = arith.constant 48 : index
        %get3A_415 = tpu.vector_load %arg18[%get3A_413, %get3A_414] {strides = array<i32>} : memref<80x128xf32, #tpu.memory_space<vmem>>, vector<16xf32>,
        %get3A_416 = arith.index_cast %add3A_384 : i32 to index
        %get3A_417 = arith.constant 48 : index
        %get3A_418 = tpu.vector_load %arg19[%get3A_416, %get3A_417] {strides = array<i32>} : memref<80x128xf32, #tpu.memory_space<vmem>>, vector<16xf32>,
        %add3A_419 = arith.addf %get3A_415, %get3A_418 : vector<16xf32>
        %swap3A_420 = arith.index_cast %add3A_384 : i32 to index
        %swap3A_421 = arith.constant 48 : index
        %swap3A_422 = tpu.vector_load %arg18[%swap3A_420, %swap3A_421] {strides = array<i32>} : memref<80x128xf32, #tpu.memory_space<vmem>>, vector<16xf32>,
        tpu.vector_store %arg18[%swap3A_420, %swap3A_421], %add3A_419 {strides = array<i32>} : memref<80x128xf32, #tpu.memory_space<vmem>>, vector<16xf32>,
        %get3A_423 = arith.index_cast %add3A_384 : i32 to index
        %get3A_424 = arith.constant 64 : index
        %get3A_425 = tpu.vector_load %arg18[%get3A_423, %get3A_424] {strides = array<i32>} : memref<80x128xf32, #tpu.memory_space<vmem>>, vector<16xf32>,
        %get3A_426 = arith.index_cast %add3A_384 : i32 to index
        %get3A_427 = arith.constant 64 : index
        %get3A_428 = tpu.vector_load %arg19[%get3A_426, %get3A_427] {strides = array<i32>} : memref<80x128xf32, #tpu.memory_space<vmem>>, vector<16xf32>,
        %add3A_429 = arith.addf %get3A_425, %get3A_428 : vector<16xf32>
        %swap3A_430 = arith.index_cast %add3A_384 : i32 to index
        %swap3A_431 = arith.constant 64 : index
        %swap3A_432 = tpu.vector_load %arg18[%swap3A_430, %swap3A_431] {strides = array<i32>} : memref<80x128xf32, #tpu.memory_space<vmem>>, vector<16xf32>,
        tpu.vector_store %arg18[%swap3A_430, %swap3A_431], %add3A_429 {strides = array<i32>} : memref<80x128xf32, #tpu.memory_space<vmem>>, vector<16xf32>,
        %get3A_433 = arith.index_cast %add3A_384 : i32 to index
        %get3A_434 = arith.constant 80 : index
        %get3A_435 = tpu.vector_load %arg18[%get3A_433, %get3A_434] {strides = array<i32>} : memref<80x128xf32, #tpu.memory_space<vmem>>, vector<16xf32>,
        %get3A_436 = arith.index_cast %add3A_384 : i32 to index
        %get3A_437 = arith.constant 80 : index
        %get3A_438 = tpu.vector_load %arg19[%get3A_436, %get3A_437] {strides = array<i32>} : memref<80x128xf32, #tpu.memory_space<vmem>>, vector<16xf32>,
        %add3A_439 = arith.addf %get3A_435, %get3A_438 : vector<16xf32>
        %swap3A_440 = arith.index_cast %add3A_384 : i32 to index
        %swap3A_441 = arith.constant 80 : index
        %swap3A_442 = tpu.vector_load %arg18[%swap3A_440, %swap3A_441] {strides = array<i32>} : memref<80x128xf32, #tpu.memory_space<vmem>>, vector<16xf32>,
        tpu.vector_store %arg18[%swap3A_440, %swap3A_441], %add3A_439 {strides = array<i32>} : memref<80x128xf32, #tpu.memory_space<vmem>>, vector<16xf32>,
        %get3A_443 = arith.index_cast %add3A_384 : i32 to index
        %get3A_444 = arith.constant 96 : index
        %get3A_445 = tpu.vector_load %arg18[%get3A_443, %get3A_444] {strides = array<i32>} : memref<80x128xf32, #tpu.memory_space<vmem>>, vector<16xf32>,
        %get3A_446 = arith.index_cast %add3A_384 : i32 to index
        %get3A_447 = arith.constant 96 : index
        %get3A_448 = tpu.vector_load %arg19[%get3A_446, %get3A_447] {strides = array<i32>} : memref<80x128xf32, #tpu.memory_space<vmem>>, vector<16xf32>,
        %add3A_449 = arith.addf %get3A_445, %get3A_448 : vector<16xf32>
        %swap3A_450 = arith.index_cast %add3A_384 : i32 to index
        %swap3A_451 = arith.constant 96 : index
        %swap3A_452 = tpu.vector_load %arg18[%swap3A_450, %swap3A_451] {strides = array<i32>} : memref<80x128xf32, #tpu.memory_space<vmem>>, vector<16xf32>,
        tpu.vector_store %arg18[%swap3A_450, %swap3A_451], %add3A_449 {strides = array<i32>} : memref<80x128xf32, #tpu.memory_space<vmem>>, vector<16xf32>,
        %get3A_453 = arith.index_cast %add3A_384 : i32 to index
        %get3A_454 = arith.constant 112 : index
        %get3A_455 = tpu.vector_load %arg18[%get3A_453, %get3A_454] {strides = array<i32>} : memref<80x128xf32, #tpu.memory_space<vmem>>, vector<16xf32>,
        %get3A_456 = arith.index_cast %add3A_384 : i32 to index
        %get3A_457 = arith.constant 112 : index
        %get3A_458 = tpu.vector_load %arg19[%get3A_456, %get3A_457] {strides = array<i32>} : memref<80x128xf32, #tpu.memory_space<vmem>>, vector<16xf32>,
        %add3A_459 = arith.addf %get3A_455, %get3A_458 : vector<16xf32>
        %swap3A_460 = arith.index_cast %add3A_384 : i32 to index
        %swap3A_461 = arith.constant 112 : index
        %swap3A_462 = tpu.vector_load %arg18[%swap3A_460, %swap3A_461] {strides = array<i32>} : memref<80x128xf32, #tpu.memory_space<vmem>>, vector<16xf32>,
        tpu.vector_store %arg18[%swap3A_460, %swap3A_461], %add3A_459 {strides = array<i32>} : memref<80x128xf32, #tpu.memory_space<vmem>>, vector<16xf32>,
        %mul3A_463 = arith.constant 2 : i32
        %mul3A_464 = arith.muli %scan3A_380, %mul3A_463 : i32
        %add3A_465 = arith.constant 1 : i32
        %add3A_466 = arith.addi %mul3A_464, %add3A_465 : i32
        %get3A_467 = arith.index_cast %add3A_466 : i32 to index
        %get3A_468 = arith.constant 0 : index
        %get3A_469 = tpu.vector_load %arg18[%get3A_467, %get3A_468] {strides = array<i32>} : memref<80x128xf32, #tpu.memory_space<vmem>>, vector<16xf32>,
        %get3A_470 = arith.index_cast %add3A_466 : i32 to index
        %get3A_471 = arith.constant 0 : index
        %get3A_472 = tpu.vector_load %arg19[%get3A_470, %get3A_471] {strides = array<i32>} : memref<80x128xf32, #tpu.memory_space<vmem>>, vector<16xf32>,
        %add3A_473 = arith.addf %get3A_469, %get3A_472 : vector<16xf32>
        %swap3A_474 = arith.index_cast %add3A_466 : i32 to index
        %swap3A_475 = arith.constant 0 : index
        %swap3A_476 = tpu.vector_load %arg18[%swap3A_474, %swap3A_475] {strides = array<i32>} : memref<80x128xf32, #tpu.memory_space<vmem>>, vector<16xf32>,
        tpu.vector_store %arg18[%swap3A_474, %swap3A_475], %add3A_473 {strides = array<i32>} : memref<80x128xf32, #tpu.memory_space<vmem>>, vector<16xf32>,
        %get3A_477 = arith.index_cast %add3A_466 : i32 to index
        %get3A_478 = arith.constant 16 : index
        %get3A_479 = tpu.vector_load %arg18[%get3A_477, %get3A_478] {strides = array<i32>} : memref<80x128xf32, #tpu.memory_space<vmem>>, vector<16xf32>,
        %get3A_480 = arith.index_cast %add3A_466 : i32 to index
        %get3A_481 = arith.constant 16 : index
        %get3A_482 = tpu.vector_load %arg19[%get3A_480, %get3A_481] {strides = array<i32>} : memref<80x128xf32, #tpu.memory_space<vmem>>, vector<16xf32>,
        %add3A_483 = arith.addf %get3A_479, %get3A_482 : vector<16xf32>
        %swap3A_484 = arith.index_cast %add3A_466 : i32 to index
        %swap3A_485 = arith.constant 16 : index
        %swap3A_486 = tpu.vector_load %arg18[%swap3A_484, %swap3A_485] {strides = array<i32>} : memref<80x128xf32, #tpu.memory_space<vmem>>, vector<16xf32>,
        tpu.vector_store %arg18[%swap3A_484, %swap3A_485], %add3A_483 {strides = array<i32>} : memref<80x128xf32, #tpu.memory_space<vmem>>, vector<16xf32>,
        %get3A_487 = arith.index_cast %add3A_466 : i32 to index
        %get3A_488 = arith.constant 32 : index
        %get3A_489 = tpu.vector_load %arg18[%get3A_487, %get3A_488] {strides = array<i32>} : memref<80x128xf32, #tpu.memory_space<vmem>>, vector<16xf32>,
        %get3A_490 = arith.index_cast %add3A_466 : i32 to index
        %get3A_491 = arith.constant 32 : index
        %get3A_492 = tpu.vector_load %arg19[%get3A_490, %get3A_491] {strides = array<i32>} : memref<80x128xf32, #tpu.memory_space<vmem>>, vector<16xf32>,
        %add3A_493 = arith.addf %get3A_489, %get3A_492 : vector<16xf32>
        %swap3A_494 = arith.index_cast %add3A_466 : i32 to index
        %swap3A_495 = arith.constant 32 : index
        %swap3A_496 = tpu.vector_load %arg18[%swap3A_494, %swap3A_495] {strides = array<i32>} : memref<80x128xf32, #tpu.memory_space<vmem>>, vector<16xf32>,
        tpu.vector_store %arg18[%swap3A_494, %swap3A_495], %add3A_493 {strides = array<i32>} : memref<80x128xf32, #tpu.memory_space<vmem>>, vector<16xf32>,
        %get3A_497 = arith.index_cast %add3A_466 : i32 to index
        %get3A_498 = arith.constant 48 : index
        %get3A_499 = tpu.vector_load %arg18[%get3A_497, %get3A_498] {strides = array<i32>} : memref<80x128xf32, #tpu.memory_space<vmem>>, vector<16xf32>,
        %get3A_500 = arith.index_cast %add3A_466 : i32 to index
        %get3A_501 = arith.constant 48 : index
        %get3A_502 = tpu.vector_load %arg19[%get3A_500, %get3A_501] {strides = array<i32>} : memref<80x128xf32, #tpu.memory_space<vmem>>, vector<16xf32>,
        %add3A_503 = arith.addf %get3A_499, %get3A_502 : vector<16xf32>
        %swap3A_504 = arith.index_cast %add3A_466 : i32 to index
        %swap3A_505 = arith.constant 48 : index
        %swap3A_506 = tpu.vector_load %arg18[%swap3A_504, %swap3A_505] {strides = array<i32>} : memref<80x128xf32, #tpu.memory_space<vmem>>, vector<16xf32>,
        tpu.vector_store %arg18[%swap3A_504, %swap3A_505], %add3A_503 {strides = array<i32>} : memref<80x128xf32, #tpu.memory_space<vmem>>, vector<16xf32>,
        %get3A_507 = arith.index_cast %add3A_466 : i32 to index
        %get3A_508 = arith.constant 64 : index
        %get3A_509 = tpu.vector_load %arg18[%get3A_507, %get3A_508] {strides = array<i32>} : memref<80x128xf32, #tpu.memory_space<vmem>>, vector<16xf32>,
        %get3A_510 = arith.index_cast %add3A_466 : i32 to index
        %get3A_511 = arith.constant 64 : index
        %get3A_512 = tpu.vector_load %arg19[%get3A_510, %get3A_511] {strides = array<i32>} : memref<80x128xf32, #tpu.memory_space<vmem>>, vector<16xf32>,
        %add3A_513 = arith.addf %get3A_509, %get3A_512 : vector<16xf32>
        %swap3A_514 = arith.index_cast %add3A_466 : i32 to index
        %swap3A_515 = arith.constant 64 : index
        %swap3A_516 = tpu.vector_load %arg18[%swap3A_514, %swap3A_515] {strides = array<i32>} : memref<80x128xf32, #tpu.memory_space<vmem>>, vector<16xf32>,
        tpu.vector_store %arg18[%swap3A_514, %swap3A_515], %add3A_513 {strides = array<i32>} : memref<80x128xf32, #tpu.memory_space<vmem>>, vector<16xf32>,
        %get3A_517 = arith.index_cast %add3A_466 : i32 to index
        %get3A_518 = arith.constant 80 : index
        %get3A_519 = tpu.vector_load %arg18[%get3A_517, %get3A_518] {strides = array<i32>} : memref<80x128xf32, #tpu.memory_space<vmem>>, vector<16xf32>,
        %get3A_520 = arith.index_cast %add3A_466 : i32 to index
        %get3A_521 = arith.constant 80 : index
        %get3A_522 = tpu.vector_load %arg19[%get3A_520, %get3A_521] {strides = array<i32>} : memref<80x128xf32, #tpu.memory_space<vmem>>, vector<16xf32>,
        %add3A_523 = arith.addf %get3A_519, %get3A_522 : vector<16xf32>
        %swap3A_524 = arith.index_cast %add3A_466 : i32 to index
        %swap3A_525 = arith.constant 80 : index
        %swap3A_526 = tpu.vector_load %arg18[%swap3A_524, %swap3A_525] {strides = array<i32>} : memref<80x128xf32, #tpu.memory_space<vmem>>, vector<16xf32>,
        tpu.vector_store %arg18[%swap3A_524, %swap3A_525], %add3A_523 {strides = array<i32>} : memref<80x128xf32, #tpu.memory_space<vmem>>, vector<16xf32>,
        %get3A_527 = arith.index_cast %add3A_466 : i32 to index
        %get3A_528 = arith.constant 96 : index
        %get3A_529 = tpu.vector_load %arg18[%get3A_527, %get3A_528] {strides = array<i32>} : memref<80x128xf32, #tpu.memory_space<vmem>>, vector<16xf32>,
        %get3A_530 = arith.index_cast %add3A_466 : i32 to index
        %get3A_531 = arith.constant 96 : index
        %get3A_532 = tpu.vector_load %arg19[%get3A_530, %get3A_531] {strides = array<i32>} : memref<80x128xf32, #tpu.memory_space<vmem>>, vector<16xf32>,
        %add3A_533 = arith.addf %get3A_529, %get3A_532 : vector<16xf32>
        %swap3A_534 = arith.index_cast %add3A_466 : i32 to index
        %swap3A_535 = arith.constant 96 : index
        %swap3A_536 = tpu.vector_load %arg18[%swap3A_534, %swap3A_535] {strides = array<i32>} : memref<80x128xf32, #tpu.memory_space<vmem>>, vector<16xf32>,
        tpu.vector_store %arg18[%swap3A_534, %swap3A_535], %add3A_533 {strides = array<i32>} : memref<80x128xf32, #tpu.memory_space<vmem>>, vector<16xf32>,
        %get3A_537 = arith.index_cast %add3A_466 : i32 to index
        %get3A_538 = arith.constant 112 : index
        %get3A_539 = tpu.vector_load %arg18[%get3A_537, %get3A_538] {strides = array<i32>} : memref<80x128xf32, #tpu.memory_space<vmem>>, vector<16xf32>,
        %get3A_540 = arith.index_cast %add3A_466 : i32 to index
        %get3A_541 = arith.constant 112 : index
        %get3A_542 = tpu.vector_load %arg19[%get3A_540, %get3A_541] {strides = array<i32>} : memref<80x128xf32, #tpu.memory_space<vmem>>, vector<16xf32>,
        %add3A_543 = arith.addf %get3A_539, %get3A_542 : vector<16xf32>
        %swap3A_544 = arith.index_cast %add3A_466 : i32 to index
        %swap3A_545 = arith.constant 112 : index
        %swap3A_546 = tpu.vector_load %arg18[%swap3A_544, %swap3A_545] {strides = array<i32>} : memref<80x128xf32, #tpu.memory_space<vmem>>, vector<16xf32>,
        tpu.vector_store %arg18[%swap3A_544, %swap3A_545], %add3A_543 {strides = array<i32>} : memref<80x128xf32, #tpu.memory_space<vmem>>, vector<16xf32>,
      }
      %scan3A_243 = arith.constant 40 : i32
      %dma_start3A_244 = tpu.memref_slice %arg10[%add3A_225] : memref<320000xf32, #tpu.memory_space<hbm>> -> memref<80xf32, #tpu.memory_space<hbm>>
      %dma_start3A_245 = tpu.memref_slice %arg10[%add3A_225] : memref<320000xf32, #tpu.memory_space<hbm>> -> memref<80xf32, #tpu.memory_space<hbm>>
      tpu.enqueue_dma source(%arg25 : memref<80xf32, #tpu.memory_space<vmem>>) target(%dma_start3A_245 : memref<80xf32, #tpu.memory_space<hbm>>) target_semaphore(%arg36 : memref<!tpu.dma_semaphore, #tpu.memory_space<semaphore_mem>>)
      %dma_start3A_246 = tpu.memref_slice %arg11[%add3A_225] : memref<320000xf32, #tpu.memory_space<hbm>> -> memref<80xf32, #tpu.memory_space<hbm>>
      %dma_start3A_247 = tpu.memref_slice %arg11[%add3A_225] : memref<320000xf32, #tpu.memory_space<hbm>> -> memref<80xf32, #tpu.memory_space<hbm>>
      tpu.enqueue_dma source(%arg26 : memref<80xf32, #tpu.memory_space<vmem>>) target(%dma_start3A_247 : memref<80xf32, #tpu.memory_space<hbm>>) target_semaphore(%arg36 : memref<!tpu.dma_semaphore, #tpu.memory_space<semaphore_mem>>)
      %dma_start3A_248 = tpu.memref_slice %arg12[%add3A_225] : memref<320000xf32, #tpu.memory_space<hbm>> -> memref<80xf32, #tpu.memory_space<hbm>>
      %dma_start3A_249 = tpu.memref_slice %arg12[%add3A_225] : memref<320000xf32, #tpu.memory_space<hbm>> -> memref<80xf32, #tpu.memory_space<hbm>>
      tpu.enqueue_dma source(%arg27 : memref<80xf32, #tpu.memory_space<vmem>>) target(%dma_start3A_249 : memref<80xf32, #tpu.memory_space<hbm>>) target_semaphore(%arg36 : memref<!tpu.dma_semaphore, #tpu.memory_space<semaphore_mem>>)
      %dma_start3A_250 = tpu.memref_slice %arg13[%add3A_225] : memref<320000xf32, #tpu.memory_space<hbm>> -> memref<80xf32, #tpu.memory_space<hbm>>
      %dma_start3A_251 = tpu.memref_slice %arg13[%add3A_225] : memref<320000xf32, #tpu.memory_space<hbm>> -> memref<80xf32, #tpu.memory_space<hbm>>
      tpu.enqueue_dma source(%arg28 : memref<80xf32, #tpu.memory_space<vmem>>) target(%dma_start3A_251 : memref<80xf32, #tpu.memory_space<hbm>>) target_semaphore(%arg36 : memref<!tpu.dma_semaphore, #tpu.memory_space<semaphore_mem>>)
      %dma_start3A_252 = arith.constant 0 : i32
      %dma_start3A_253 = tpu.memref_slice %arg9[%add3A_225, %dma_start3A_252] : memref<327680x128xf32, #tpu.memory_space<hbm>> -> memref<80x128xf32, #tpu.memory_space<hbm>>
      %dma_start3A_254 = arith.constant 0 : i32
      %dma_start3A_255 = tpu.memref_slice %arg9[%add3A_225, %dma_start3A_254] : memref<327680x128xf32, #tpu.memory_space<hbm>> -> memref<80x128xf32, #tpu.memory_space<hbm>>
      tpu.enqueue_dma source(%arg18 : memref<80x128xf32, #tpu.memory_space<vmem>>) target(%dma_start3A_255 : memref<80x128xf32, #tpu.memory_space<hbm>>) target_semaphore(%arg36 : memref<!tpu.dma_semaphore, #tpu.memory_space<semaphore_mem>>)
      %sub3A_256 = arith.constant 80 : i32
      %sub3A_257 = arith.subi %add3A_225, %sub3A_256 : i32
      %dma_wait3A_258 = tpu.memref_slice %arg10[%sub3A_257] : memref<320000xf32, #tpu.memory_space<hbm>> -> memref<80xf32, #tpu.memory_space<hbm>>
      %dma_wait3A_259 = tpu.memref_slice %arg10[%sub3A_257] : memref<320000xf32, #tpu.memory_space<hbm>> -> memref<80xf32, #tpu.memory_space<hbm>>
      tpu.wait_dma2 semaphore(%arg36 : memref<!tpu.dma_semaphore, #tpu.memory_space<semaphore_mem>>) src(%arg29 : memref<80xf32, #tpu.memory_space<vmem>>) dst(%dma_wait3A_259 : memref<80xf32, #tpu.memory_space<hbm>>)
      %dma_wait3A_260 = tpu.memref_slice %arg11[%sub3A_257] : memref<320000xf32, #tpu.memory_space<hbm>> -> memref<80xf32, #tpu.memory_space<hbm>>
      %dma_wait3A_261 = tpu.memref_slice %arg11[%sub3A_257] : memref<320000xf32, #tpu.memory_space<hbm>> -> memref<80xf32, #tpu.memory_space<hbm>>
      tpu.wait_dma2 semaphore(%arg36 : memref<!tpu.dma_semaphore, #tpu.memory_space<semaphore_mem>>) src(%arg30 : memref<80xf32, #tpu.memory_space<vmem>>) dst(%dma_wait3A_261 : memref<80xf32, #tpu.memory_space<hbm>>)
      %dma_wait3A_262 = tpu.memref_slice %arg12[%sub3A_257] : memref<320000xf32, #tpu.memory_space<hbm>> -> memref<80xf32, #tpu.memory_space<hbm>>
      %dma_wait3A_263 = tpu.memref_slice %arg12[%sub3A_257] : memref<320000xf32, #tpu.memory_space<hbm>> -> memref<80xf32, #tpu.memory_space<hbm>>
      tpu.wait_dma2 semaphore(%arg36 : memref<!tpu.dma_semaphore, #tpu.memory_space<semaphore_mem>>) src(%arg31 : memref<80xf32, #tpu.memory_space<vmem>>) dst(%dma_wait3A_263 : memref<80xf32, #tpu.memory_space<hbm>>)
      %dma_wait3A_264 = tpu.memref_slice %arg13[%sub3A_257] : memref<320000xf32, #tpu.memory_space<hbm>> -> memref<80xf32, #tpu.memory_space<hbm>>
      %dma_wait3A_265 = tpu.memref_slice %arg13[%sub3A_257] : memref<320000xf32, #tpu.memory_space<hbm>> -> memref<80xf32, #tpu.memory_space<hbm>>
      tpu.wait_dma2 semaphore(%arg36 : memref<!tpu.dma_semaphore, #tpu.memory_space<semaphore_mem>>) src(%arg32 : memref<80xf32, #tpu.memory_space<vmem>>) dst(%dma_wait3A_265 : memref<80xf32, #tpu.memory_space<hbm>>)
      %dma_wait3A_266 = arith.constant 0 : i32
      %dma_wait3A_267 = tpu.memref_slice %arg9[%sub3A_257, %dma_wait3A_266] : memref<327680x128xf32, #tpu.memory_space<hbm>> -> memref<80x128xf32, #tpu.memory_space<hbm>>
      %dma_wait3A_268 = arith.constant 0 : i32
      %dma_wait3A_269 = tpu.memref_slice %arg9[%sub3A_257, %dma_wait3A_268] : memref<327680x128xf32, #tpu.memory_space<hbm>> -> memref<80x128xf32, #tpu.memory_space<hbm>>
      tpu.wait_dma2 semaphore(%arg36 : memref<!tpu.dma_semaphore, #tpu.memory_space<semaphore_mem>>) src(%arg20 : memref<80x128xf32, #tpu.memory_space<vmem>>) dst(%dma_wait3A_269 : memref<80x128xf32, #tpu.memory_space<hbm>>)
      %add3A_270 = arith.constant 0 : i32
      %add3A_271 = arith.addi %mul3A_220, %add3A_270 : i32
      %add3A_272 = arith.constant 1 : i32
      %add3A_273 = arith.addi %add3A_271, %add3A_272 : i32
      %rem3A_274 = arith.constant 125 : i32
      %rem3A_275 = arith.remsi %add3A_273, %rem3A_274 : i32
      %mul3A_276 = arith.constant 80 : i32
      %mul3A_277 = arith.muli %rem3A_275, %mul3A_276 : i32
      %add3A_278 = arith.addi %mul3A_4, %mul3A_277 : i32
      %dma_wait3A_279 = tpu.memref_slice %arg4[%add3A_278] : memref<320000xi32, #tpu.memory_space<hbm>> -> memref<80xi32, #tpu.memory_space<hbm>>
      %dma_wait3A_280 = tpu.memref_slice %arg4[%add3A_278] : memref<320000xi32, #tpu.memory_space<hbm>> -> memref<80xi32, #tpu.memory_space<hbm>>
      tpu.wait_dma2 semaphore(%arg33 : memref<!tpu.dma_semaphore, #tpu.memory_space<semaphore_mem>>) src(%dma_wait3A_280 : memref<80xi32, #tpu.memory_space<hbm>>) dst(%arg16 : memref<80xi32, #tpu.memory_space<vmem>>)
      %dma_wait3A_281 = tpu.memref_slice %arg5[%add3A_278] : memref<320000xi32, #tpu.memory_space<hbm>> -> memref<80xi32, #tpu.memory_space<hbm>>
      %dma_wait3A_282 = tpu.memref_slice %arg5[%add3A_278] : memref<320000xi32, #tpu.memory_space<hbm>> -> memref<80xi32, #tpu.memory_space<hbm>>
      tpu.wait_dma2 semaphore(%arg33 : memref<!tpu.dma_semaphore, #tpu.memory_space<semaphore_mem>>) src(%dma_wait3A_282 : memref<80xi32, #tpu.memory_space<hbm>>) dst(%arg17 : memref<80xi32, #tpu.memory_space<vmem>>)
      %dma_start3A_283 = arith.constant 0 : i32
      %dma_start3A_284 = arith.constant 0 : i32
      %dma_start3A_285 = tpu.memref_slice %arg2[%dma_start3A_283, %dma_start3A_284] : memref<10000x128xf32, #tpu.memory_space<hbm>> -> memref<10000x128xf32, #tpu.memory_space<hbm>>
      tpu.enqueue_indirect_dma source(%dma_start3A_285 : memref<10000x128xf32, #tpu.memory_space<hbm>>) target(%arg20 : memref<80x128xf32, #tpu.memory_space<vmem>>) offsets(%arg16 : memref<80xi32, #tpu.memory_space<vmem>>) semaphore(%arg35 : memref<!tpu.dma_semaphore, #tpu.memory_space<semaphore_mem>>)
      %dma_start3A_286 = arith.constant 0 : i32
      %dma_start3A_287 = arith.constant 0 : i32
      %dma_start3A_288 = tpu.memref_slice %arg3[%dma_start3A_286, %dma_start3A_287] : memref<10000x128xf32, #tpu.memory_space<hbm>> -> memref<10000x128xf32, #tpu.memory_space<hbm>>
      tpu.enqueue_indirect_dma source(%dma_start3A_288 : memref<10000x128xf32, #tpu.memory_space<hbm>>) target(%arg21 : memref<80x128xf32, #tpu.memory_space<vmem>>) offsets(%arg17 : memref<80xi32, #tpu.memory_space<vmem>>) semaphore(%arg35 : memref<!tpu.dma_semaphore, #tpu.memory_space<semaphore_mem>>)
      %add3A_289 = arith.constant 0 : i32
      %add3A_290 = arith.addi %mul3A_220, %add3A_289 : i32
      %add3A_291 = arith.constant 2 : i32
      %add3A_292 = arith.addi %add3A_290, %add3A_291 : i32
      %rem3A_293 = arith.constant 125 : i32
      %rem3A_294 = arith.remsi %add3A_292, %rem3A_293 : i32
      %mul3A_295 = arith.constant 80 : i32
      %mul3A_296 = arith.muli %rem3A_294, %mul3A_295 : i32
      %add3A_297 = arith.addi %mul3A_4, %mul3A_296 : i32
      %dma_start3A_298 = tpu.memref_slice %arg4[%add3A_297] : memref<320000xi32, #tpu.memory_space<hbm>> -> memref<80xi32, #tpu.memory_space<hbm>>
      %dma_start3A_299 = tpu.memref_slice %arg4[%add3A_297] : memref<320000xi32, #tpu.memory_space<hbm>> -> memref<80xi32, #tpu.memory_space<hbm>>
      tpu.enqueue_dma source(%dma_start3A_299 : memref<80xi32, #tpu.memory_space<hbm>>) target(%arg14 : memref<80xi32, #tpu.memory_space<vmem>>) target_semaphore(%arg33 : memref<!tpu.dma_semaphore, #tpu.memory_space<semaphore_mem>>)
      %dma_start3A_300 = tpu.memref_slice %arg5[%add3A_297] : memref<320000xi32, #tpu.memory_space<hbm>> -> memref<80xi32, #tpu.memory_space<hbm>>
      %dma_start3A_301 = tpu.memref_slice %arg5[%add3A_297] : memref<320000xi32, #tpu.memory_space<hbm>> -> memref<80xi32, #tpu.memory_space<hbm>>
      tpu.enqueue_dma source(%dma_start3A_301 : memref<80xi32, #tpu.memory_space<hbm>>) target(%arg15 : memref<80xi32, #tpu.memory_space<vmem>>) target_semaphore(%arg33 : memref<!tpu.dma_semaphore, #tpu.memory_space<semaphore_mem>>)
      %add3A_302 = arith.constant 80 : i32
      %add3A_303 = arith.addi %add3A_223, %add3A_302 : i32
      %dma_wait3A_304 = arith.constant 0 : i32
      %dma_wait3A_305 = arith.constant 0 : i32
      %dma_wait3A_306 = tpu.memref_slice %arg2[%dma_wait3A_304, %dma_wait3A_305] : memref<10000x128xf32, #tpu.memory_space<hbm>> -> memref<10000x128xf32, #tpu.memory_space<hbm>>
      tpu.wait_indirect_dma semaphore(%arg35 : memref<!tpu.dma_semaphore, #tpu.memory_space<semaphore_mem>>) src(%dma_wait3A_306 : memref<10000x128xf32, #tpu.memory_space<hbm>>) dst(%arg20 : memref<80x128xf32, #tpu.memory_space<vmem>>)
      %dma_wait3A_307 = arith.constant 0 : i32
      %dma_wait3A_308 = arith.constant 0 : i32
      %dma_wait3A_309 = tpu.memref_slice %arg3[%dma_wait3A_307, %dma_wait3A_308] : memref<10000x128xf32, #tpu.memory_space<hbm>> -> memref<10000x128xf32, #tpu.memory_space<hbm>>
      tpu.wait_indirect_dma semaphore(%arg35 : memref<!tpu.dma_semaphore, #tpu.memory_space<semaphore_mem>>) src(%dma_wait3A_309 : memref<10000x128xf32, #tpu.memory_space<hbm>>) dst(%arg21 : memref<80x128xf32, #tpu.memory_space<vmem>>)
      %scan3A_310 = arith.constant 0 : i32
      %scan3A_311 = arith.constant 0 : i32
      %scan3A_312 = arith.constant 5 : i32
      %scan3A_313 = arith.addi %scan3A_311, %scan3A_312 : i32
      %scan3A_314 = arith.constant 1 : i32
      scf.for %scan3A_380 = %scan3A_311 to %scan3A_313 step %scan3A_314  : i32 {
        %mul3A_381 = arith.constant 16 : i32
        %mul3A_382 = arith.muli %scan3A_380, %mul3A_381 : i32
        %get3A = arith.index_cast %mul3A_382 : i32 to index
        %get3A_383 = tpu.vector_load %arg16[%get3A] {strides = array<i32>} : memref<80xi32, #tpu.memory_space<vmem>>, vector<16xi32>,
        %get3A_384 = arith.index_cast %mul3A_382 : i32 to index
        %get3A_385 = tpu.vector_load %arg17[%get3A_384] {strides = array<i32>} : memref<80xi32, #tpu.memory_space<vmem>>, vector<16xi32>,
        %gather3A = tpu.vector_load_idx %arg22[%get3A_383] : memref<10000xf32, #tpu.memory_space<vmem>>[vector<16xi32>], vector<16xf32>,
        %gather3A_386 = tpu.vector_load_idx %arg22[%get3A_385] : memref<10000xf32, #tpu.memory_space<vmem>>[vector<16xi32>], vector<16xf32>,
        %sub3A_387 = arith.subf %gather3A, %gather3A_386 : vector<16xf32>
        %gather3A_388 = tpu.vector_load_idx %arg23[%get3A_383] : memref<10000xf32, #tpu.memory_space<vmem>>[vector<16xi32>], vector<16xf32>,
        %gather3A_389 = tpu.vector_load_idx %arg23[%get3A_385] : memref<10000xf32, #tpu.memory_space<vmem>>[vector<16xi32>], vector<16xf32>,
        %sub3A_390 = arith.subf %gather3A_388, %gather3A_389 : vector<16xf32>
        %gather3A_391 = tpu.vector_load_idx %arg24[%get3A_383] : memref<10000xf32, #tpu.memory_space<vmem>>[vector<16xi32>], vector<16xf32>,
        %gather3A_392 = tpu.vector_load_idx %arg24[%get3A_385] : memref<10000xf32, #tpu.memory_space<vmem>>[vector<16xi32>], vector<16xf32>,
        %sub3A_393 = arith.subf %gather3A_391, %gather3A_392 : vector<16xf32>
        %mul3A_394 = arith.mulf %sub3A_387, %sub3A_387 : vector<16xf32>
        %mul3A_395 = arith.mulf %sub3A_390, %sub3A_390 : vector<16xf32>
        %add3A_396 = arith.addf %mul3A_394, %mul3A_395 : vector<16xf32>
        %mul3A_397 = arith.mulf %sub3A_393, %sub3A_393 : vector<16xf32>
        %add3A_398 = arith.addf %add3A_396, %mul3A_397 : vector<16xf32>
        %bitcast3A = vector.bitcast %add3A_398 : vector<16xf32> to vector<16xi32>
        %shift_right_logical3A = arith.constant 1 : i32
        %shift_right_logical3A_399 = vector.broadcast %shift_right_logical3A : i32 to vector<16xi32>
        %shift_right_logical3A_400 = arith.shrui %bitcast3A, %shift_right_logical3A_399 : vector<16xi32>
        %sub3A_401 = arith.constant 1597463007 : i32
        %sub3A_402 = vector.broadcast %sub3A_401 : i32 to vector<16xi32>
        %sub3A_403 = arith.subi %sub3A_402, %shift_right_logical3A_400 : vector<16xi32>
        %bitcast3A_404 = vector.bitcast %sub3A_403 : vector<16xi32> to vector<16xf32>
        %mul3A_405 = arith.constant 5.000000e-01 : f32
        %mul3A_406 = vector.broadcast %mul3A_405 : f32 to vector<16xf32>
        %mul3A_407 = arith.mulf %mul3A_406, %add3A_398 : vector<16xf32>
        %mul3A_408 = arith.mulf %mul3A_407, %bitcast3A_404 : vector<16xf32>
        %mul3A_409 = arith.mulf %mul3A_408, %bitcast3A_404 : vector<16xf32>
        %sub3A_410 = arith.constant 1.500000e+00 : f32
        %sub3A_411 = vector.broadcast %sub3A_410 : f32 to vector<16xf32>
        %sub3A_412 = arith.subf %sub3A_411, %mul3A_409 : vector<16xf32>
        %mul3A_413 = arith.mulf %bitcast3A_404, %sub3A_412 : vector<16xf32>
        %mul3A_414 = arith.constant 5.000000e-01 : f32
        %mul3A_415 = vector.broadcast %mul3A_414 : f32 to vector<16xf32>
        %mul3A_416 = arith.mulf %mul3A_415, %add3A_398 : vector<16xf32>
        %mul3A_417 = arith.mulf %mul3A_416, %mul3A_413 : vector<16xf32>
        %mul3A_418 = arith.mulf %mul3A_417, %mul3A_413 : vector<16xf32>
        %sub3A_419 = arith.constant 1.500000e+00 : f32
        %sub3A_420 = vector.broadcast %sub3A_419 : f32 to vector<16xf32>
        %sub3A_421 = arith.subf %sub3A_420, %mul3A_418 : vector<16xf32>
        %mul3A_422 = arith.mulf %mul3A_413, %sub3A_421 : vector<16xf32>
        %mul3A_423 = arith.constant 5.000000e-01 : f32
        %mul3A_424 = vector.broadcast %mul3A_423 : f32 to vector<16xf32>
        %mul3A_425 = arith.mulf %mul3A_424, %add3A_398 : vector<16xf32>
        %mul3A_426 = arith.mulf %mul3A_425, %mul3A_422 : vector<16xf32>
        %mul3A_427 = arith.mulf %mul3A_426, %mul3A_422 : vector<16xf32>
        %sub3A_428 = arith.constant 1.500000e+00 : f32
        %sub3A_429 = vector.broadcast %sub3A_428 : f32 to vector<16xf32>
        %sub3A_430 = arith.subf %sub3A_429, %mul3A_427 : vector<16xf32>
        %mul3A_431 = arith.mulf %mul3A_422, %sub3A_430 : vector<16xf32>
        %gt3A = arith.constant 0.000000e+00 : f32
        %gt3A_432 = vector.broadcast %gt3A : f32 to vector<16xf32>
        %gt3A_433 = arith.cmpf ogt, %add3A_398, %gt3A_432 : vector<16xf32>
        %mul3A_434 = arith.mulf %add3A_398, %mul3A_431 : vector<16xf32>
        %jit3A = arith.constant 0.000000e+00 : f32
        %broadcast_in_dim3A = vector.broadcast %jit3A : f32 to vector<16xf32>
        %select_n3A = arith.select %gt3A_433, %mul3A_434, %broadcast_in_dim3A : vector<16xi1>, vector<16xf32>
        %swap3A = arith.index_cast %mul3A_382 : i32 to index
        %swap3A_435 = tpu.vector_load %arg29[%swap3A] {strides = array<i32>} : memref<80xf32, #tpu.memory_space<vmem>>, vector<16xf32>,
        tpu.vector_store %arg29[%swap3A], %select_n3A {strides = array<i32>} : memref<80xf32, #tpu.memory_space<vmem>>, vector<16xf32>,
        %swap3A_436 = arith.index_cast %mul3A_382 : i32 to index
        %swap3A_437 = tpu.vector_load %arg30[%swap3A_436] {strides = array<i32>} : memref<80xf32, #tpu.memory_space<vmem>>, vector<16xf32>,
        tpu.vector_store %arg30[%swap3A_436], %sub3A_387 {strides = array<i32>} : memref<80xf32, #tpu.memory_space<vmem>>, vector<16xf32>,
        %swap3A_438 = arith.index_cast %mul3A_382 : i32 to index
        %swap3A_439 = tpu.vector_load %arg31[%swap3A_438] {strides = array<i32>} : memref<80xf32, #tpu.memory_space<vmem>>, vector<16xf32>,
        tpu.vector_store %arg31[%swap3A_438], %sub3A_390 {strides = array<i32>} : memref<80xf32, #tpu.memory_space<vmem>>, vector<16xf32>,
        %swap3A_440 = arith.index_cast %mul3A_382 : i32 to index
        %swap3A_441 = tpu.vector_load %arg32[%swap3A_440] {strides = array<i32>} : memref<80xf32, #tpu.memory_space<vmem>>, vector<16xf32>,
        tpu.vector_store %arg32[%swap3A_440], %sub3A_393 {strides = array<i32>} : memref<80xf32, #tpu.memory_space<vmem>>, vector<16xf32>,
      }
      %scan3A_315 = arith.constant 5 : i32
      %scan3A_316 = arith.constant 0 : i32
      %scan3A_317 = arith.constant 0 : i32
      %scan3A_318 = arith.constant 40 : i32
      %scan3A_319 = arith.addi %scan3A_317, %scan3A_318 : i32
      %scan3A_320 = arith.constant 1 : i32
      scf.for %scan3A_380 = %scan3A_317 to %scan3A_319 step %scan3A_320  : i32 {
        %mul3A_381 = arith.constant 2 : i32
        %mul3A_382 = arith.muli %scan3A_380, %mul3A_381 : i32
        %add3A_383 = arith.constant 0 : i32
        %add3A_384 = arith.addi %mul3A_382, %add3A_383 : i32
        %get3A = arith.index_cast %add3A_384 : i32 to index
        %get3A_385 = arith.constant 0 : index
        %get3A_386 = tpu.vector_load %arg20[%get3A, %get3A_385] {strides = array<i32>} : memref<80x128xf32, #tpu.memory_space<vmem>>, vector<16xf32>,
        %get3A_387 = arith.index_cast %add3A_384 : i32 to index
        %get3A_388 = arith.constant 0 : index
        %get3A_389 = tpu.vector_load %arg21[%get3A_387, %get3A_388] {strides = array<i32>} : memref<80x128xf32, #tpu.memory_space<vmem>>, vector<16xf32>,
        %add3A_390 = arith.addf %get3A_386, %get3A_389 : vector<16xf32>
        %swap3A = arith.index_cast %add3A_384 : i32 to index
        %swap3A_391 = arith.constant 0 : index
        %swap3A_392 = tpu.vector_load %arg20[%swap3A, %swap3A_391] {strides = array<i32>} : memref<80x128xf32, #tpu.memory_space<vmem>>, vector<16xf32>,
        tpu.vector_store %arg20[%swap3A, %swap3A_391], %add3A_390 {strides = array<i32>} : memref<80x128xf32, #tpu.memory_space<vmem>>, vector<16xf32>,
        %get3A_393 = arith.index_cast %add3A_384 : i32 to index
        %get3A_394 = arith.constant 16 : index
        %get3A_395 = tpu.vector_load %arg20[%get3A_393, %get3A_394] {strides = array<i32>} : memref<80x128xf32, #tpu.memory_space<vmem>>, vector<16xf32>,
        %get3A_396 = arith.index_cast %add3A_384 : i32 to index
        %get3A_397 = arith.constant 16 : index
        %get3A_398 = tpu.vector_load %arg21[%get3A_396, %get3A_397] {strides = array<i32>} : memref<80x128xf32, #tpu.memory_space<vmem>>, vector<16xf32>,
        %add3A_399 = arith.addf %get3A_395, %get3A_398 : vector<16xf32>
        %swap3A_400 = arith.index_cast %add3A_384 : i32 to index
        %swap3A_401 = arith.constant 16 : index
        %swap3A_402 = tpu.vector_load %arg20[%swap3A_400, %swap3A_401] {strides = array<i32>} : memref<80x128xf32, #tpu.memory_space<vmem>>, vector<16xf32>,
        tpu.vector_store %arg20[%swap3A_400, %swap3A_401], %add3A_399 {strides = array<i32>} : memref<80x128xf32, #tpu.memory_space<vmem>>, vector<16xf32>,
        %get3A_403 = arith.index_cast %add3A_384 : i32 to index
        %get3A_404 = arith.constant 32 : index
        %get3A_405 = tpu.vector_load %arg20[%get3A_403, %get3A_404] {strides = array<i32>} : memref<80x128xf32, #tpu.memory_space<vmem>>, vector<16xf32>,
        %get3A_406 = arith.index_cast %add3A_384 : i32 to index
        %get3A_407 = arith.constant 32 : index
        %get3A_408 = tpu.vector_load %arg21[%get3A_406, %get3A_407] {strides = array<i32>} : memref<80x128xf32, #tpu.memory_space<vmem>>, vector<16xf32>,
        %add3A_409 = arith.addf %get3A_405, %get3A_408 : vector<16xf32>
        %swap3A_410 = arith.index_cast %add3A_384 : i32 to index
        %swap3A_411 = arith.constant 32 : index
        %swap3A_412 = tpu.vector_load %arg20[%swap3A_410, %swap3A_411] {strides = array<i32>} : memref<80x128xf32, #tpu.memory_space<vmem>>, vector<16xf32>,
        tpu.vector_store %arg20[%swap3A_410, %swap3A_411], %add3A_409 {strides = array<i32>} : memref<80x128xf32, #tpu.memory_space<vmem>>, vector<16xf32>,
        %get3A_413 = arith.index_cast %add3A_384 : i32 to index
        %get3A_414 = arith.constant 48 : index
        %get3A_415 = tpu.vector_load %arg20[%get3A_413, %get3A_414] {strides = array<i32>} : memref<80x128xf32, #tpu.memory_space<vmem>>, vector<16xf32>,
        %get3A_416 = arith.index_cast %add3A_384 : i32 to index
        %get3A_417 = arith.constant 48 : index
        %get3A_418 = tpu.vector_load %arg21[%get3A_416, %get3A_417] {strides = array<i32>} : memref<80x128xf32, #tpu.memory_space<vmem>>, vector<16xf32>,
        %add3A_419 = arith.addf %get3A_415, %get3A_418 : vector<16xf32>
        %swap3A_420 = arith.index_cast %add3A_384 : i32 to index
        %swap3A_421 = arith.constant 48 : index
        %swap3A_422 = tpu.vector_load %arg20[%swap3A_420, %swap3A_421] {strides = array<i32>} : memref<80x128xf32, #tpu.memory_space<vmem>>, vector<16xf32>,
        tpu.vector_store %arg20[%swap3A_420, %swap3A_421], %add3A_419 {strides = array<i32>} : memref<80x128xf32, #tpu.memory_space<vmem>>, vector<16xf32>,
        %get3A_423 = arith.index_cast %add3A_384 : i32 to index
        %get3A_424 = arith.constant 64 : index
        %get3A_425 = tpu.vector_load %arg20[%get3A_423, %get3A_424] {strides = array<i32>} : memref<80x128xf32, #tpu.memory_space<vmem>>, vector<16xf32>,
        %get3A_426 = arith.index_cast %add3A_384 : i32 to index
        %get3A_427 = arith.constant 64 : index
        %get3A_428 = tpu.vector_load %arg21[%get3A_426, %get3A_427] {strides = array<i32>} : memref<80x128xf32, #tpu.memory_space<vmem>>, vector<16xf32>,
        %add3A_429 = arith.addf %get3A_425, %get3A_428 : vector<16xf32>
        %swap3A_430 = arith.index_cast %add3A_384 : i32 to index
        %swap3A_431 = arith.constant 64 : index
        %swap3A_432 = tpu.vector_load %arg20[%swap3A_430, %swap3A_431] {strides = array<i32>} : memref<80x128xf32, #tpu.memory_space<vmem>>, vector<16xf32>,
        tpu.vector_store %arg20[%swap3A_430, %swap3A_431], %add3A_429 {strides = array<i32>} : memref<80x128xf32, #tpu.memory_space<vmem>>, vector<16xf32>,
        %get3A_433 = arith.index_cast %add3A_384 : i32 to index
        %get3A_434 = arith.constant 80 : index
        %get3A_435 = tpu.vector_load %arg20[%get3A_433, %get3A_434] {strides = array<i32>} : memref<80x128xf32, #tpu.memory_space<vmem>>, vector<16xf32>,
        %get3A_436 = arith.index_cast %add3A_384 : i32 to index
        %get3A_437 = arith.constant 80 : index
        %get3A_438 = tpu.vector_load %arg21[%get3A_436, %get3A_437] {strides = array<i32>} : memref<80x128xf32, #tpu.memory_space<vmem>>, vector<16xf32>,
        %add3A_439 = arith.addf %get3A_435, %get3A_438 : vector<16xf32>
        %swap3A_440 = arith.index_cast %add3A_384 : i32 to index
        %swap3A_441 = arith.constant 80 : index
        %swap3A_442 = tpu.vector_load %arg20[%swap3A_440, %swap3A_441] {strides = array<i32>} : memref<80x128xf32, #tpu.memory_space<vmem>>, vector<16xf32>,
        tpu.vector_store %arg20[%swap3A_440, %swap3A_441], %add3A_439 {strides = array<i32>} : memref<80x128xf32, #tpu.memory_space<vmem>>, vector<16xf32>,
        %get3A_443 = arith.index_cast %add3A_384 : i32 to index
        %get3A_444 = arith.constant 96 : index
        %get3A_445 = tpu.vector_load %arg20[%get3A_443, %get3A_444] {strides = array<i32>} : memref<80x128xf32, #tpu.memory_space<vmem>>, vector<16xf32>,
        %get3A_446 = arith.index_cast %add3A_384 : i32 to index
        %get3A_447 = arith.constant 96 : index
        %get3A_448 = tpu.vector_load %arg21[%get3A_446, %get3A_447] {strides = array<i32>} : memref<80x128xf32, #tpu.memory_space<vmem>>, vector<16xf32>,
        %add3A_449 = arith.addf %get3A_445, %get3A_448 : vector<16xf32>
        %swap3A_450 = arith.index_cast %add3A_384 : i32 to index
        %swap3A_451 = arith.constant 96 : index
        %swap3A_452 = tpu.vector_load %arg20[%swap3A_450, %swap3A_451] {strides = array<i32>} : memref<80x128xf32, #tpu.memory_space<vmem>>, vector<16xf32>,
        tpu.vector_store %arg20[%swap3A_450, %swap3A_451], %add3A_449 {strides = array<i32>} : memref<80x128xf32, #tpu.memory_space<vmem>>, vector<16xf32>,
        %get3A_453 = arith.index_cast %add3A_384 : i32 to index
        %get3A_454 = arith.constant 112 : index
        %get3A_455 = tpu.vector_load %arg20[%get3A_453, %get3A_454] {strides = array<i32>} : memref<80x128xf32, #tpu.memory_space<vmem>>, vector<16xf32>,
        %get3A_456 = arith.index_cast %add3A_384 : i32 to index
        %get3A_457 = arith.constant 112 : index
        %get3A_458 = tpu.vector_load %arg21[%get3A_456, %get3A_457] {strides = array<i32>} : memref<80x128xf32, #tpu.memory_space<vmem>>, vector<16xf32>,
        %add3A_459 = arith.addf %get3A_455, %get3A_458 : vector<16xf32>
        %swap3A_460 = arith.index_cast %add3A_384 : i32 to index
        %swap3A_461 = arith.constant 112 : index
        %swap3A_462 = tpu.vector_load %arg20[%swap3A_460, %swap3A_461] {strides = array<i32>} : memref<80x128xf32, #tpu.memory_space<vmem>>, vector<16xf32>,
        tpu.vector_store %arg20[%swap3A_460, %swap3A_461], %add3A_459 {strides = array<i32>} : memref<80x128xf32, #tpu.memory_space<vmem>>, vector<16xf32>,
        %mul3A_463 = arith.constant 2 : i32
        %mul3A_464 = arith.muli %scan3A_380, %mul3A_463 : i32
        %add3A_465 = arith.constant 1 : i32
        %add3A_466 = arith.addi %mul3A_464, %add3A_465 : i32
        %get3A_467 = arith.index_cast %add3A_466 : i32 to index
        %get3A_468 = arith.constant 0 : index
        %get3A_469 = tpu.vector_load %arg20[%get3A_467, %get3A_468] {strides = array<i32>} : memref<80x128xf32, #tpu.memory_space<vmem>>, vector<16xf32>,
        %get3A_470 = arith.index_cast %add3A_466 : i32 to index
        %get3A_471 = arith.constant 0 : index
        %get3A_472 = tpu.vector_load %arg21[%get3A_470, %get3A_471] {strides = array<i32>} : memref<80x128xf32, #tpu.memory_space<vmem>>, vector<16xf32>,
        %add3A_473 = arith.addf %get3A_469, %get3A_472 : vector<16xf32>
        %swap3A_474 = arith.index_cast %add3A_466 : i32 to index
        %swap3A_475 = arith.constant 0 : index
        %swap3A_476 = tpu.vector_load %arg20[%swap3A_474, %swap3A_475] {strides = array<i32>} : memref<80x128xf32, #tpu.memory_space<vmem>>, vector<16xf32>,
        tpu.vector_store %arg20[%swap3A_474, %swap3A_475], %add3A_473 {strides = array<i32>} : memref<80x128xf32, #tpu.memory_space<vmem>>, vector<16xf32>,
        %get3A_477 = arith.index_cast %add3A_466 : i32 to index
        %get3A_478 = arith.constant 16 : index
        %get3A_479 = tpu.vector_load %arg20[%get3A_477, %get3A_478] {strides = array<i32>} : memref<80x128xf32, #tpu.memory_space<vmem>>, vector<16xf32>,
        %get3A_480 = arith.index_cast %add3A_466 : i32 to index
        %get3A_481 = arith.constant 16 : index
        %get3A_482 = tpu.vector_load %arg21[%get3A_480, %get3A_481] {strides = array<i32>} : memref<80x128xf32, #tpu.memory_space<vmem>>, vector<16xf32>,
        %add3A_483 = arith.addf %get3A_479, %get3A_482 : vector<16xf32>
        %swap3A_484 = arith.index_cast %add3A_466 : i32 to index
        %swap3A_485 = arith.constant 16 : index
        %swap3A_486 = tpu.vector_load %arg20[%swap3A_484, %swap3A_485] {strides = array<i32>} : memref<80x128xf32, #tpu.memory_space<vmem>>, vector<16xf32>,
        tpu.vector_store %arg20[%swap3A_484, %swap3A_485], %add3A_483 {strides = array<i32>} : memref<80x128xf32, #tpu.memory_space<vmem>>, vector<16xf32>,
        %get3A_487 = arith.index_cast %add3A_466 : i32 to index
        %get3A_488 = arith.constant 32 : index
        %get3A_489 = tpu.vector_load %arg20[%get3A_487, %get3A_488] {strides = array<i32>} : memref<80x128xf32, #tpu.memory_space<vmem>>, vector<16xf32>,
        %get3A_490 = arith.index_cast %add3A_466 : i32 to index
        %get3A_491 = arith.constant 32 : index
        %get3A_492 = tpu.vector_load %arg21[%get3A_490, %get3A_491] {strides = array<i32>} : memref<80x128xf32, #tpu.memory_space<vmem>>, vector<16xf32>,
        %add3A_493 = arith.addf %get3A_489, %get3A_492 : vector<16xf32>
        %swap3A_494 = arith.index_cast %add3A_466 : i32 to index
        %swap3A_495 = arith.constant 32 : index
        %swap3A_496 = tpu.vector_load %arg20[%swap3A_494, %swap3A_495] {strides = array<i32>} : memref<80x128xf32, #tpu.memory_space<vmem>>, vector<16xf32>,
        tpu.vector_store %arg20[%swap3A_494, %swap3A_495], %add3A_493 {strides = array<i32>} : memref<80x128xf32, #tpu.memory_space<vmem>>, vector<16xf32>,
        %get3A_497 = arith.index_cast %add3A_466 : i32 to index
        %get3A_498 = arith.constant 48 : index
        %get3A_499 = tpu.vector_load %arg20[%get3A_497, %get3A_498] {strides = array<i32>} : memref<80x128xf32, #tpu.memory_space<vmem>>, vector<16xf32>,
        %get3A_500 = arith.index_cast %add3A_466 : i32 to index
        %get3A_501 = arith.constant 48 : index
        %get3A_502 = tpu.vector_load %arg21[%get3A_500, %get3A_501] {strides = array<i32>} : memref<80x128xf32, #tpu.memory_space<vmem>>, vector<16xf32>,
        %add3A_503 = arith.addf %get3A_499, %get3A_502 : vector<16xf32>
        %swap3A_504 = arith.index_cast %add3A_466 : i32 to index
        %swap3A_505 = arith.constant 48 : index
        %swap3A_506 = tpu.vector_load %arg20[%swap3A_504, %swap3A_505] {strides = array<i32>} : memref<80x128xf32, #tpu.memory_space<vmem>>, vector<16xf32>,
        tpu.vector_store %arg20[%swap3A_504, %swap3A_505], %add3A_503 {strides = array<i32>} : memref<80x128xf32, #tpu.memory_space<vmem>>, vector<16xf32>,
        %get3A_507 = arith.index_cast %add3A_466 : i32 to index
        %get3A_508 = arith.constant 64 : index
        %get3A_509 = tpu.vector_load %arg20[%get3A_507, %get3A_508] {strides = array<i32>} : memref<80x128xf32, #tpu.memory_space<vmem>>, vector<16xf32>,
        %get3A_510 = arith.index_cast %add3A_466 : i32 to index
        %get3A_511 = arith.constant 64 : index
        %get3A_512 = tpu.vector_load %arg21[%get3A_510, %get3A_511] {strides = array<i32>} : memref<80x128xf32, #tpu.memory_space<vmem>>, vector<16xf32>,
        %add3A_513 = arith.addf %get3A_509, %get3A_512 : vector<16xf32>
        %swap3A_514 = arith.index_cast %add3A_466 : i32 to index
        %swap3A_515 = arith.constant 64 : index
        %swap3A_516 = tpu.vector_load %arg20[%swap3A_514, %swap3A_515] {strides = array<i32>} : memref<80x128xf32, #tpu.memory_space<vmem>>, vector<16xf32>,
        tpu.vector_store %arg20[%swap3A_514, %swap3A_515], %add3A_513 {strides = array<i32>} : memref<80x128xf32, #tpu.memory_space<vmem>>, vector<16xf32>,
        %get3A_517 = arith.index_cast %add3A_466 : i32 to index
        %get3A_518 = arith.constant 80 : index
        %get3A_519 = tpu.vector_load %arg20[%get3A_517, %get3A_518] {strides = array<i32>} : memref<80x128xf32, #tpu.memory_space<vmem>>, vector<16xf32>,
        %get3A_520 = arith.index_cast %add3A_466 : i32 to index
        %get3A_521 = arith.constant 80 : index
        %get3A_522 = tpu.vector_load %arg21[%get3A_520, %get3A_521] {strides = array<i32>} : memref<80x128xf32, #tpu.memory_space<vmem>>, vector<16xf32>,
        %add3A_523 = arith.addf %get3A_519, %get3A_522 : vector<16xf32>
        %swap3A_524 = arith.index_cast %add3A_466 : i32 to index
        %swap3A_525 = arith.constant 80 : index
        %swap3A_526 = tpu.vector_load %arg20[%swap3A_524, %swap3A_525] {strides = array<i32>} : memref<80x128xf32, #tpu.memory_space<vmem>>, vector<16xf32>,
        tpu.vector_store %arg20[%swap3A_524, %swap3A_525], %add3A_523 {strides = array<i32>} : memref<80x128xf32, #tpu.memory_space<vmem>>, vector<16xf32>,
        %get3A_527 = arith.index_cast %add3A_466 : i32 to index
        %get3A_528 = arith.constant 96 : index
        %get3A_529 = tpu.vector_load %arg20[%get3A_527, %get3A_528] {strides = array<i32>} : memref<80x128xf32, #tpu.memory_space<vmem>>, vector<16xf32>,
        %get3A_530 = arith.index_cast %add3A_466 : i32 to index
        %get3A_531 = arith.constant 96 : index
        %get3A_532 = tpu.vector_load %arg21[%get3A_530, %get3A_531] {strides = array<i32>} : memref<80x128xf32, #tpu.memory_space<vmem>>, vector<16xf32>,
        %add3A_533 = arith.addf %get3A_529, %get3A_532 : vector<16xf32>
        %swap3A_534 = arith.index_cast %add3A_466 : i32 to index
        %swap3A_535 = arith.constant 96 : index
        %swap3A_536 = tpu.vector_load %arg20[%swap3A_534, %swap3A_535] {strides = array<i32>} : memref<80x128xf32, #tpu.memory_space<vmem>>, vector<16xf32>,
        tpu.vector_store %arg20[%swap3A_534, %swap3A_535], %add3A_533 {strides = array<i32>} : memref<80x128xf32, #tpu.memory_space<vmem>>, vector<16xf32>,
        %get3A_537 = arith.index_cast %add3A_466 : i32 to index
        %get3A_538 = arith.constant 112 : index
        %get3A_539 = tpu.vector_load %arg20[%get3A_537, %get3A_538] {strides = array<i32>} : memref<80x128xf32, #tpu.memory_space<vmem>>, vector<16xf32>,
        %get3A_540 = arith.index_cast %add3A_466 : i32 to index
        %get3A_541 = arith.constant 112 : index
        %get3A_542 = tpu.vector_load %arg21[%get3A_540, %get3A_541] {strides = array<i32>} : memref<80x128xf32, #tpu.memory_space<vmem>>, vector<16xf32>,
        %add3A_543 = arith.addf %get3A_539, %get3A_542 : vector<16xf32>
        %swap3A_544 = arith.index_cast %add3A_466 : i32 to index
        %swap3A_545 = arith.constant 112 : index
        %swap3A_546 = tpu.vector_load %arg20[%swap3A_544, %swap3A_545] {strides = array<i32>} : memref<80x128xf32, #tpu.memory_space<vmem>>, vector<16xf32>,
        tpu.vector_store %arg20[%swap3A_544, %swap3A_545], %add3A_543 {strides = array<i32>} : memref<80x128xf32, #tpu.memory_space<vmem>>, vector<16xf32>,
      }
      %scan3A_321 = arith.constant 40 : i32
      %dma_start3A_322 = tpu.memref_slice %arg10[%add3A_303] : memref<320000xf32, #tpu.memory_space<hbm>> -> memref<80xf32, #tpu.memory_space<hbm>>
      %dma_start3A_323 = tpu.memref_slice %arg10[%add3A_303] : memref<320000xf32, #tpu.memory_space<hbm>> -> memref<80xf32, #tpu.memory_space<hbm>>
      tpu.enqueue_dma source(%arg29 : memref<80xf32, #tpu.memory_space<vmem>>) target(%dma_start3A_323 : memref<80xf32, #tpu.memory_space<hbm>>) target_semaphore(%arg36 : memref<!tpu.dma_semaphore, #tpu.memory_space<semaphore_mem>>)
      %dma_start3A_324 = tpu.memref_slice %arg11[%add3A_303] : memref<320000xf32, #tpu.memory_space<hbm>> -> memref<80xf32, #tpu.memory_space<hbm>>
      %dma_start3A_325 = tpu.memref_slice %arg11[%add3A_303] : memref<320000xf32, #tpu.memory_space<hbm>> -> memref<80xf32, #tpu.memory_space<hbm>>
      tpu.enqueue_dma source(%arg30 : memref<80xf32, #tpu.memory_space<vmem>>) target(%dma_start3A_325 : memref<80xf32, #tpu.memory_space<hbm>>) target_semaphore(%arg36 : memref<!tpu.dma_semaphore, #tpu.memory_space<semaphore_mem>>)
      %dma_start3A_326 = tpu.memref_slice %arg12[%add3A_303] : memref<320000xf32, #tpu.memory_space<hbm>> -> memref<80xf32, #tpu.memory_space<hbm>>
      %dma_start3A_327 = tpu.memref_slice %arg12[%add3A_303] : memref<320000xf32, #tpu.memory_space<hbm>> -> memref<80xf32, #tpu.memory_space<hbm>>
      tpu.enqueue_dma source(%arg31 : memref<80xf32, #tpu.memory_space<vmem>>) target(%dma_start3A_327 : memref<80xf32, #tpu.memory_space<hbm>>) target_semaphore(%arg36 : memref<!tpu.dma_semaphore, #tpu.memory_space<semaphore_mem>>)
      %dma_start3A_328 = tpu.memref_slice %arg13[%add3A_303] : memref<320000xf32, #tpu.memory_space<hbm>> -> memref<80xf32, #tpu.memory_space<hbm>>
      %dma_start3A_329 = tpu.memref_slice %arg13[%add3A_303] : memref<320000xf32, #tpu.memory_space<hbm>> -> memref<80xf32, #tpu.memory_space<hbm>>
      tpu.enqueue_dma source(%arg32 : memref<80xf32, #tpu.memory_space<vmem>>) target(%dma_start3A_329 : memref<80xf32, #tpu.memory_space<hbm>>) target_semaphore(%arg36 : memref<!tpu.dma_semaphore, #tpu.memory_space<semaphore_mem>>)
      %dma_start3A_330 = arith.constant 0 : i32
      %dma_start3A_331 = tpu.memref_slice %arg9[%add3A_303, %dma_start3A_330] : memref<327680x128xf32, #tpu.memory_space<hbm>> -> memref<80x128xf32, #tpu.memory_space<hbm>>
      %dma_start3A_332 = arith.constant 0 : i32
      %dma_start3A_333 = tpu.memref_slice %arg9[%add3A_303, %dma_start3A_332] : memref<327680x128xf32, #tpu.memory_space<hbm>> -> memref<80x128xf32, #tpu.memory_space<hbm>>
      tpu.enqueue_dma source(%arg20 : memref<80x128xf32, #tpu.memory_space<vmem>>) target(%dma_start3A_333 : memref<80x128xf32, #tpu.memory_space<hbm>>) target_semaphore(%arg36 : memref<!tpu.dma_semaphore, #tpu.memory_space<semaphore_mem>>)
      %sub3A_334 = arith.constant 80 : i32
      %sub3A_335 = arith.subi %add3A_303, %sub3A_334 : i32
      %dma_wait3A_336 = tpu.memref_slice %arg10[%sub3A_335] : memref<320000xf32, #tpu.memory_space<hbm>> -> memref<80xf32, #tpu.memory_space<hbm>>
      %dma_wait3A_337 = tpu.memref_slice %arg10[%sub3A_335] : memref<320000xf32, #tpu.memory_space<hbm>> -> memref<80xf32, #tpu.memory_space<hbm>>
      tpu.wait_dma2 semaphore(%arg36 : memref<!tpu.dma_semaphore, #tpu.memory_space<semaphore_mem>>) src(%arg25 : memref<80xf32, #tpu.memory_space<vmem>>) dst(%dma_wait3A_337 : memref<80xf32, #tpu.memory_space<hbm>>)
      %dma_wait3A_338 = tpu.memref_slice %arg11[%sub3A_335] : memref<320000xf32, #tpu.memory_space<hbm>> -> memref<80xf32, #tpu.memory_space<hbm>>
      %dma_wait3A_339 = tpu.memref_slice %arg11[%sub3A_335] : memref<320000xf32, #tpu.memory_space<hbm>> -> memref<80xf32, #tpu.memory_space<hbm>>
      tpu.wait_dma2 semaphore(%arg36 : memref<!tpu.dma_semaphore, #tpu.memory_space<semaphore_mem>>) src(%arg26 : memref<80xf32, #tpu.memory_space<vmem>>) dst(%dma_wait3A_339 : memref<80xf32, #tpu.memory_space<hbm>>)
      %dma_wait3A_340 = tpu.memref_slice %arg12[%sub3A_335] : memref<320000xf32, #tpu.memory_space<hbm>> -> memref<80xf32, #tpu.memory_space<hbm>>
      %dma_wait3A_341 = tpu.memref_slice %arg12[%sub3A_335] : memref<320000xf32, #tpu.memory_space<hbm>> -> memref<80xf32, #tpu.memory_space<hbm>>
      tpu.wait_dma2 semaphore(%arg36 : memref<!tpu.dma_semaphore, #tpu.memory_space<semaphore_mem>>) src(%arg27 : memref<80xf32, #tpu.memory_space<vmem>>) dst(%dma_wait3A_341 : memref<80xf32, #tpu.memory_space<hbm>>)
      %dma_wait3A_342 = tpu.memref_slice %arg13[%sub3A_335] : memref<320000xf32, #tpu.memory_space<hbm>> -> memref<80xf32, #tpu.memory_space<hbm>>
      %dma_wait3A_343 = tpu.memref_slice %arg13[%sub3A_335] : memref<320000xf32, #tpu.memory_space<hbm>> -> memref<80xf32, #tpu.memory_space<hbm>>
      tpu.wait_dma2 semaphore(%arg36 : memref<!tpu.dma_semaphore, #tpu.memory_space<semaphore_mem>>) src(%arg28 : memref<80xf32, #tpu.memory_space<vmem>>) dst(%dma_wait3A_343 : memref<80xf32, #tpu.memory_space<hbm>>)
      %dma_wait3A_344 = arith.constant 0 : i32
      %dma_wait3A_345 = tpu.memref_slice %arg9[%sub3A_335, %dma_wait3A_344] : memref<327680x128xf32, #tpu.memory_space<hbm>> -> memref<80x128xf32, #tpu.memory_space<hbm>>
      %dma_wait3A_346 = arith.constant 0 : i32
      %dma_wait3A_347 = tpu.memref_slice %arg9[%sub3A_335, %dma_wait3A_346] : memref<327680x128xf32, #tpu.memory_space<hbm>> -> memref<80x128xf32, #tpu.memory_space<hbm>>
      tpu.wait_dma2 semaphore(%arg36 : memref<!tpu.dma_semaphore, #tpu.memory_space<semaphore_mem>>) src(%arg18 : memref<80x128xf32, #tpu.memory_space<vmem>>) dst(%dma_wait3A_347 : memref<80x128xf32, #tpu.memory_space<hbm>>)
      %add3A_348 = arith.constant 1 : i32
      %add3A_349 = arith.addi %mul3A_220, %add3A_348 : i32
      %add3A_350 = arith.constant 1 : i32
      %add3A_351 = arith.addi %add3A_349, %add3A_350 : i32
      %rem3A_352 = arith.constant 125 : i32
      %rem3A_353 = arith.remsi %add3A_351, %rem3A_352 : i32
      %mul3A_354 = arith.constant 80 : i32
      %mul3A_355 = arith.muli %rem3A_353, %mul3A_354 : i32
      %add3A_356 = arith.addi %mul3A_4, %mul3A_355 : i32
      %dma_wait3A_357 = tpu.memref_slice %arg4[%add3A_356] : memref<320000xi32, #tpu.memory_space<hbm>> -> memref<80xi32, #tpu.memory_space<hbm>>
      %dma_wait3A_358 = tpu.memref_slice %arg4[%add3A_356] : memref<320000xi32, #tpu.memory_space<hbm>> -> memref<80xi32, #tpu.memory_space<hbm>>
      tpu.wait_dma2 semaphore(%arg33 : memref<!tpu.dma_semaphore, #tpu.memory_space<semaphore_mem>>) src(%dma_wait3A_358 : memref<80xi32, #tpu.memory_space<hbm>>) dst(%arg14 : memref<80xi32, #tpu.memory_space<vmem>>)
      %dma_wait3A_359 = tpu.memref_slice %arg5[%add3A_356] : memref<320000xi32, #tpu.memory_space<hbm>> -> memref<80xi32, #tpu.memory_space<hbm>>
      %dma_wait3A_360 = tpu.memref_slice %arg5[%add3A_356] : memref<320000xi32, #tpu.memory_space<hbm>> -> memref<80xi32, #tpu.memory_space<hbm>>
      tpu.wait_dma2 semaphore(%arg33 : memref<!tpu.dma_semaphore, #tpu.memory_space<semaphore_mem>>) src(%dma_wait3A_360 : memref<80xi32, #tpu.memory_space<hbm>>) dst(%arg15 : memref<80xi32, #tpu.memory_space<vmem>>)
      %dma_start3A_361 = arith.constant 0 : i32
      %dma_start3A_362 = arith.constant 0 : i32
      %dma_start3A_363 = tpu.memref_slice %arg2[%dma_start3A_361, %dma_start3A_362] : memref<10000x128xf32, #tpu.memory_space<hbm>> -> memref<10000x128xf32, #tpu.memory_space<hbm>>
      tpu.enqueue_indirect_dma source(%dma_start3A_363 : memref<10000x128xf32, #tpu.memory_space<hbm>>) target(%arg18 : memref<80x128xf32, #tpu.memory_space<vmem>>) offsets(%arg14 : memref<80xi32, #tpu.memory_space<vmem>>) semaphore(%arg34 : memref<!tpu.dma_semaphore, #tpu.memory_space<semaphore_mem>>)
      %dma_start3A_364 = arith.constant 0 : i32
      %dma_start3A_365 = arith.constant 0 : i32
      %dma_start3A_366 = tpu.memref_slice %arg3[%dma_start3A_364, %dma_start3A_365] : memref<10000x128xf32, #tpu.memory_space<hbm>> -> memref<10000x128xf32, #tpu.memory_space<hbm>>
      tpu.enqueue_indirect_dma source(%dma_start3A_366 : memref<10000x128xf32, #tpu.memory_space<hbm>>) target(%arg19 : memref<80x128xf32, #tpu.memory_space<vmem>>) offsets(%arg15 : memref<80xi32, #tpu.memory_space<vmem>>) semaphore(%arg34 : memref<!tpu.dma_semaphore, #tpu.memory_space<semaphore_mem>>)
      %add3A_367 = arith.constant 1 : i32
      %add3A_368 = arith.addi %mul3A_220, %add3A_367 : i32
      %add3A_369 = arith.constant 2 : i32
      %add3A_370 = arith.addi %add3A_368, %add3A_369 : i32
      %rem3A_371 = arith.constant 125 : i32
      %rem3A_372 = arith.remsi %add3A_370, %rem3A_371 : i32
      %mul3A_373 = arith.constant 80 : i32
      %mul3A_374 = arith.muli %rem3A_372, %mul3A_373 : i32
      %add3A_375 = arith.addi %mul3A_4, %mul3A_374 : i32
      %dma_start3A_376 = tpu.memref_slice %arg4[%add3A_375] : memref<320000xi32, #tpu.memory_space<hbm>> -> memref<80xi32, #tpu.memory_space<hbm>>
      %dma_start3A_377 = tpu.memref_slice %arg4[%add3A_375] : memref<320000xi32, #tpu.memory_space<hbm>> -> memref<80xi32, #tpu.memory_space<hbm>>
      tpu.enqueue_dma source(%dma_start3A_377 : memref<80xi32, #tpu.memory_space<hbm>>) target(%arg16 : memref<80xi32, #tpu.memory_space<vmem>>) target_semaphore(%arg33 : memref<!tpu.dma_semaphore, #tpu.memory_space<semaphore_mem>>)
      %dma_start3A_378 = tpu.memref_slice %arg5[%add3A_375] : memref<320000xi32, #tpu.memory_space<hbm>> -> memref<80xi32, #tpu.memory_space<hbm>>
      %dma_start3A_379 = tpu.memref_slice %arg5[%add3A_375] : memref<320000xi32, #tpu.memory_space<hbm>> -> memref<80xi32, #tpu.memory_space<hbm>>
      tpu.enqueue_dma source(%dma_start3A_379 : memref<80xi32, #tpu.memory_space<hbm>>) target(%arg17 : memref<80xi32, #tpu.memory_space<vmem>>) target_semaphore(%arg33 : memref<!tpu.dma_semaphore, #tpu.memory_space<semaphore_mem>>)
    }
    %scan3A_155 = arith.constant 61 : i32
    %add3A_156 = arith.constant 9920 : i32
    %add3A_157 = arith.addi %mul3A_4, %add3A_156 : i32
    %dma_wait3A_158 = arith.constant 0 : i32
    %dma_wait3A_159 = arith.constant 0 : i32
    %dma_wait3A_160 = tpu.memref_slice %arg2[%dma_wait3A_158, %dma_wait3A_159] : memref<10000x128xf32, #tpu.memory_space<hbm>> -> memref<10000x128xf32, #tpu.memory_space<hbm>>
    tpu.wait_indirect_dma semaphore(%arg34 : memref<!tpu.dma_semaphore, #tpu.memory_space<semaphore_mem>>) src(%dma_wait3A_160 : memref<10000x128xf32, #tpu.memory_space<hbm>>) dst(%arg18 : memref<80x128xf32, #tpu.memory_space<vmem>>)
    %dma_wait3A_161 = arith.constant 0 : i32
    %dma_wait3A_162 = arith.constant 0 : i32
    %dma_wait3A_163 = tpu.memref_slice %arg3[%dma_wait3A_161, %dma_wait3A_162] : memref<10000x128xf32, #tpu.memory_space<hbm>> -> memref<10000x128xf32, #tpu.memory_space<hbm>>
    tpu.wait_indirect_dma semaphore(%arg34 : memref<!tpu.dma_semaphore, #tpu.memory_space<semaphore_mem>>) src(%dma_wait3A_163 : memref<10000x128xf32, #tpu.memory_space<hbm>>) dst(%arg19 : memref<80x128xf32, #tpu.memory_space<vmem>>)
    %scan3A_164 = arith.constant 0 : i32
    %scan3A_165 = arith.constant 0 : i32
    %scan3A_166 = arith.constant 5 : i32
    %scan3A_167 = arith.addi %scan3A_165, %scan3A_166 : i32
    %scan3A_168 = arith.constant 1 : i32
    scf.for %scan3A_218 = %scan3A_165 to %scan3A_167 step %scan3A_168  : i32 {
      %mul3A_219 = arith.constant 16 : i32
      %mul3A_220 = arith.muli %scan3A_218, %mul3A_219 : i32
      %get3A = arith.index_cast %mul3A_220 : i32 to index
      %get3A_221 = tpu.vector_load %arg14[%get3A] {strides = array<i32>} : memref<80xi32, #tpu.memory_space<vmem>>, vector<16xi32>,
      %get3A_222 = arith.index_cast %mul3A_220 : i32 to index
      %get3A_223 = tpu.vector_load %arg15[%get3A_222] {strides = array<i32>} : memref<80xi32, #tpu.memory_space<vmem>>, vector<16xi32>,
      %gather3A = tpu.vector_load_idx %arg22[%get3A_221] : memref<10000xf32, #tpu.memory_space<vmem>>[vector<16xi32>], vector<16xf32>,
      %gather3A_224 = tpu.vector_load_idx %arg22[%get3A_223] : memref<10000xf32, #tpu.memory_space<vmem>>[vector<16xi32>], vector<16xf32>,
      %sub3A_225 = arith.subf %gather3A, %gather3A_224 : vector<16xf32>
      %gather3A_226 = tpu.vector_load_idx %arg23[%get3A_221] : memref<10000xf32, #tpu.memory_space<vmem>>[vector<16xi32>], vector<16xf32>,
      %gather3A_227 = tpu.vector_load_idx %arg23[%get3A_223] : memref<10000xf32, #tpu.memory_space<vmem>>[vector<16xi32>], vector<16xf32>,
      %sub3A_228 = arith.subf %gather3A_226, %gather3A_227 : vector<16xf32>
      %gather3A_229 = tpu.vector_load_idx %arg24[%get3A_221] : memref<10000xf32, #tpu.memory_space<vmem>>[vector<16xi32>], vector<16xf32>,
      %gather3A_230 = tpu.vector_load_idx %arg24[%get3A_223] : memref<10000xf32, #tpu.memory_space<vmem>>[vector<16xi32>], vector<16xf32>,
      %sub3A_231 = arith.subf %gather3A_229, %gather3A_230 : vector<16xf32>
      %mul3A_232 = arith.mulf %sub3A_225, %sub3A_225 : vector<16xf32>
      %mul3A_233 = arith.mulf %sub3A_228, %sub3A_228 : vector<16xf32>
      %add3A_234 = arith.addf %mul3A_232, %mul3A_233 : vector<16xf32>
      %mul3A_235 = arith.mulf %sub3A_231, %sub3A_231 : vector<16xf32>
      %add3A_236 = arith.addf %add3A_234, %mul3A_235 : vector<16xf32>
      %bitcast3A = vector.bitcast %add3A_236 : vector<16xf32> to vector<16xi32>
      %shift_right_logical3A = arith.constant 1 : i32
      %shift_right_logical3A_237 = vector.broadcast %shift_right_logical3A : i32 to vector<16xi32>
      %shift_right_logical3A_238 = arith.shrui %bitcast3A, %shift_right_logical3A_237 : vector<16xi32>
      %sub3A_239 = arith.constant 1597463007 : i32
      %sub3A_240 = vector.broadcast %sub3A_239 : i32 to vector<16xi32>
      %sub3A_241 = arith.subi %sub3A_240, %shift_right_logical3A_238 : vector<16xi32>
      %bitcast3A_242 = vector.bitcast %sub3A_241 : vector<16xi32> to vector<16xf32>
      %mul3A_243 = arith.constant 5.000000e-01 : f32
      %mul3A_244 = vector.broadcast %mul3A_243 : f32 to vector<16xf32>
      %mul3A_245 = arith.mulf %mul3A_244, %add3A_236 : vector<16xf32>
      %mul3A_246 = arith.mulf %mul3A_245, %bitcast3A_242 : vector<16xf32>
      %mul3A_247 = arith.mulf %mul3A_246, %bitcast3A_242 : vector<16xf32>
      %sub3A_248 = arith.constant 1.500000e+00 : f32
      %sub3A_249 = vector.broadcast %sub3A_248 : f32 to vector<16xf32>
      %sub3A_250 = arith.subf %sub3A_249, %mul3A_247 : vector<16xf32>
      %mul3A_251 = arith.mulf %bitcast3A_242, %sub3A_250 : vector<16xf32>
      %mul3A_252 = arith.constant 5.000000e-01 : f32
      %mul3A_253 = vector.broadcast %mul3A_252 : f32 to vector<16xf32>
      %mul3A_254 = arith.mulf %mul3A_253, %add3A_236 : vector<16xf32>
      %mul3A_255 = arith.mulf %mul3A_254, %mul3A_251 : vector<16xf32>
      %mul3A_256 = arith.mulf %mul3A_255, %mul3A_251 : vector<16xf32>
      %sub3A_257 = arith.constant 1.500000e+00 : f32
      %sub3A_258 = vector.broadcast %sub3A_257 : f32 to vector<16xf32>
      %sub3A_259 = arith.subf %sub3A_258, %mul3A_256 : vector<16xf32>
      %mul3A_260 = arith.mulf %mul3A_251, %sub3A_259 : vector<16xf32>
      %mul3A_261 = arith.constant 5.000000e-01 : f32
      %mul3A_262 = vector.broadcast %mul3A_261 : f32 to vector<16xf32>
      %mul3A_263 = arith.mulf %mul3A_262, %add3A_236 : vector<16xf32>
      %mul3A_264 = arith.mulf %mul3A_263, %mul3A_260 : vector<16xf32>
      %mul3A_265 = arith.mulf %mul3A_264, %mul3A_260 : vector<16xf32>
      %sub3A_266 = arith.constant 1.500000e+00 : f32
      %sub3A_267 = vector.broadcast %sub3A_266 : f32 to vector<16xf32>
      %sub3A_268 = arith.subf %sub3A_267, %mul3A_265 : vector<16xf32>
      %mul3A_269 = arith.mulf %mul3A_260, %sub3A_268 : vector<16xf32>
      %gt3A = arith.constant 0.000000e+00 : f32
      %gt3A_270 = vector.broadcast %gt3A : f32 to vector<16xf32>
      %gt3A_271 = arith.cmpf ogt, %add3A_236, %gt3A_270 : vector<16xf32>
      %mul3A_272 = arith.mulf %add3A_236, %mul3A_269 : vector<16xf32>
      %jit3A = arith.constant 0.000000e+00 : f32
      %broadcast_in_dim3A = vector.broadcast %jit3A : f32 to vector<16xf32>
      %select_n3A = arith.select %gt3A_271, %mul3A_272, %broadcast_in_dim3A : vector<16xi1>, vector<16xf32>
      %swap3A = arith.index_cast %mul3A_220 : i32 to index
      %swap3A_273 = tpu.vector_load %arg25[%swap3A] {strides = array<i32>} : memref<80xf32, #tpu.memory_space<vmem>>, vector<16xf32>,
      tpu.vector_store %arg25[%swap3A], %select_n3A {strides = array<i32>} : memref<80xf32, #tpu.memory_space<vmem>>, vector<16xf32>,
      %swap3A_274 = arith.index_cast %mul3A_220 : i32 to index
      %swap3A_275 = tpu.vector_load %arg26[%swap3A_274] {strides = array<i32>} : memref<80xf32, #tpu.memory_space<vmem>>, vector<16xf32>,
      tpu.vector_store %arg26[%swap3A_274], %sub3A_225 {strides = array<i32>} : memref<80xf32, #tpu.memory_space<vmem>>, vector<16xf32>,
      %swap3A_276 = arith.index_cast %mul3A_220 : i32 to index
      %swap3A_277 = tpu.vector_load %arg27[%swap3A_276] {strides = array<i32>} : memref<80xf32, #tpu.memory_space<vmem>>, vector<16xf32>,
      tpu.vector_store %arg27[%swap3A_276], %sub3A_228 {strides = array<i32>} : memref<80xf32, #tpu.memory_space<vmem>>, vector<16xf32>,
      %swap3A_278 = arith.index_cast %mul3A_220 : i32 to index
      %swap3A_279 = tpu.vector_load %arg28[%swap3A_278] {strides = array<i32>} : memref<80xf32, #tpu.memory_space<vmem>>, vector<16xf32>,
      tpu.vector_store %arg28[%swap3A_278], %sub3A_231 {strides = array<i32>} : memref<80xf32, #tpu.memory_space<vmem>>, vector<16xf32>,
    }
    %scan3A_169 = arith.constant 5 : i32
    %scan3A_170 = arith.constant 0 : i32
    %scan3A_171 = arith.constant 0 : i32
    %scan3A_172 = arith.constant 40 : i32
    %scan3A_173 = arith.addi %scan3A_171, %scan3A_172 : i32
    %scan3A_174 = arith.constant 1 : i32
    scf.for %scan3A_218 = %scan3A_171 to %scan3A_173 step %scan3A_174  : i32 {
      %mul3A_219 = arith.constant 2 : i32
      %mul3A_220 = arith.muli %scan3A_218, %mul3A_219 : i32
      %add3A_221 = arith.constant 0 : i32
      %add3A_222 = arith.addi %mul3A_220, %add3A_221 : i32
      %get3A = arith.index_cast %add3A_222 : i32 to index
      %get3A_223 = arith.constant 0 : index
      %get3A_224 = tpu.vector_load %arg18[%get3A, %get3A_223] {strides = array<i32>} : memref<80x128xf32, #tpu.memory_space<vmem>>, vector<16xf32>,
      %get3A_225 = arith.index_cast %add3A_222 : i32 to index
      %get3A_226 = arith.constant 0 : index
      %get3A_227 = tpu.vector_load %arg19[%get3A_225, %get3A_226] {strides = array<i32>} : memref<80x128xf32, #tpu.memory_space<vmem>>, vector<16xf32>,
      %add3A_228 = arith.addf %get3A_224, %get3A_227 : vector<16xf32>
      %swap3A = arith.index_cast %add3A_222 : i32 to index
      %swap3A_229 = arith.constant 0 : index
      %swap3A_230 = tpu.vector_load %arg18[%swap3A, %swap3A_229] {strides = array<i32>} : memref<80x128xf32, #tpu.memory_space<vmem>>, vector<16xf32>,
      tpu.vector_store %arg18[%swap3A, %swap3A_229], %add3A_228 {strides = array<i32>} : memref<80x128xf32, #tpu.memory_space<vmem>>, vector<16xf32>,
      %get3A_231 = arith.index_cast %add3A_222 : i32 to index
      %get3A_232 = arith.constant 16 : index
      %get3A_233 = tpu.vector_load %arg18[%get3A_231, %get3A_232] {strides = array<i32>} : memref<80x128xf32, #tpu.memory_space<vmem>>, vector<16xf32>,
      %get3A_234 = arith.index_cast %add3A_222 : i32 to index
      %get3A_235 = arith.constant 16 : index
      %get3A_236 = tpu.vector_load %arg19[%get3A_234, %get3A_235] {strides = array<i32>} : memref<80x128xf32, #tpu.memory_space<vmem>>, vector<16xf32>,
      %add3A_237 = arith.addf %get3A_233, %get3A_236 : vector<16xf32>
      %swap3A_238 = arith.index_cast %add3A_222 : i32 to index
      %swap3A_239 = arith.constant 16 : index
      %swap3A_240 = tpu.vector_load %arg18[%swap3A_238, %swap3A_239] {strides = array<i32>} : memref<80x128xf32, #tpu.memory_space<vmem>>, vector<16xf32>,
      tpu.vector_store %arg18[%swap3A_238, %swap3A_239], %add3A_237 {strides = array<i32>} : memref<80x128xf32, #tpu.memory_space<vmem>>, vector<16xf32>,
      %get3A_241 = arith.index_cast %add3A_222 : i32 to index
      %get3A_242 = arith.constant 32 : index
      %get3A_243 = tpu.vector_load %arg18[%get3A_241, %get3A_242] {strides = array<i32>} : memref<80x128xf32, #tpu.memory_space<vmem>>, vector<16xf32>,
      %get3A_244 = arith.index_cast %add3A_222 : i32 to index
      %get3A_245 = arith.constant 32 : index
      %get3A_246 = tpu.vector_load %arg19[%get3A_244, %get3A_245] {strides = array<i32>} : memref<80x128xf32, #tpu.memory_space<vmem>>, vector<16xf32>,
      %add3A_247 = arith.addf %get3A_243, %get3A_246 : vector<16xf32>
      %swap3A_248 = arith.index_cast %add3A_222 : i32 to index
      %swap3A_249 = arith.constant 32 : index
      %swap3A_250 = tpu.vector_load %arg18[%swap3A_248, %swap3A_249] {strides = array<i32>} : memref<80x128xf32, #tpu.memory_space<vmem>>, vector<16xf32>,
      tpu.vector_store %arg18[%swap3A_248, %swap3A_249], %add3A_247 {strides = array<i32>} : memref<80x128xf32, #tpu.memory_space<vmem>>, vector<16xf32>,
      %get3A_251 = arith.index_cast %add3A_222 : i32 to index
      %get3A_252 = arith.constant 48 : index
      %get3A_253 = tpu.vector_load %arg18[%get3A_251, %get3A_252] {strides = array<i32>} : memref<80x128xf32, #tpu.memory_space<vmem>>, vector<16xf32>,
      %get3A_254 = arith.index_cast %add3A_222 : i32 to index
      %get3A_255 = arith.constant 48 : index
      %get3A_256 = tpu.vector_load %arg19[%get3A_254, %get3A_255] {strides = array<i32>} : memref<80x128xf32, #tpu.memory_space<vmem>>, vector<16xf32>,
      %add3A_257 = arith.addf %get3A_253, %get3A_256 : vector<16xf32>
      %swap3A_258 = arith.index_cast %add3A_222 : i32 to index
      %swap3A_259 = arith.constant 48 : index
      %swap3A_260 = tpu.vector_load %arg18[%swap3A_258, %swap3A_259] {strides = array<i32>} : memref<80x128xf32, #tpu.memory_space<vmem>>, vector<16xf32>,
      tpu.vector_store %arg18[%swap3A_258, %swap3A_259], %add3A_257 {strides = array<i32>} : memref<80x128xf32, #tpu.memory_space<vmem>>, vector<16xf32>,
      %get3A_261 = arith.index_cast %add3A_222 : i32 to index
      %get3A_262 = arith.constant 64 : index
      %get3A_263 = tpu.vector_load %arg18[%get3A_261, %get3A_262] {strides = array<i32>} : memref<80x128xf32, #tpu.memory_space<vmem>>, vector<16xf32>,
      %get3A_264 = arith.index_cast %add3A_222 : i32 to index
      %get3A_265 = arith.constant 64 : index
      %get3A_266 = tpu.vector_load %arg19[%get3A_264, %get3A_265] {strides = array<i32>} : memref<80x128xf32, #tpu.memory_space<vmem>>, vector<16xf32>,
      %add3A_267 = arith.addf %get3A_263, %get3A_266 : vector<16xf32>
      %swap3A_268 = arith.index_cast %add3A_222 : i32 to index
      %swap3A_269 = arith.constant 64 : index
      %swap3A_270 = tpu.vector_load %arg18[%swap3A_268, %swap3A_269] {strides = array<i32>} : memref<80x128xf32, #tpu.memory_space<vmem>>, vector<16xf32>,
      tpu.vector_store %arg18[%swap3A_268, %swap3A_269], %add3A_267 {strides = array<i32>} : memref<80x128xf32, #tpu.memory_space<vmem>>, vector<16xf32>,
      %get3A_271 = arith.index_cast %add3A_222 : i32 to index
      %get3A_272 = arith.constant 80 : index
      %get3A_273 = tpu.vector_load %arg18[%get3A_271, %get3A_272] {strides = array<i32>} : memref<80x128xf32, #tpu.memory_space<vmem>>, vector<16xf32>,
      %get3A_274 = arith.index_cast %add3A_222 : i32 to index
      %get3A_275 = arith.constant 80 : index
      %get3A_276 = tpu.vector_load %arg19[%get3A_274, %get3A_275] {strides = array<i32>} : memref<80x128xf32, #tpu.memory_space<vmem>>, vector<16xf32>,
      %add3A_277 = arith.addf %get3A_273, %get3A_276 : vector<16xf32>
      %swap3A_278 = arith.index_cast %add3A_222 : i32 to index
      %swap3A_279 = arith.constant 80 : index
      %swap3A_280 = tpu.vector_load %arg18[%swap3A_278, %swap3A_279] {strides = array<i32>} : memref<80x128xf32, #tpu.memory_space<vmem>>, vector<16xf32>,
      tpu.vector_store %arg18[%swap3A_278, %swap3A_279], %add3A_277 {strides = array<i32>} : memref<80x128xf32, #tpu.memory_space<vmem>>, vector<16xf32>,
      %get3A_281 = arith.index_cast %add3A_222 : i32 to index
      %get3A_282 = arith.constant 96 : index
      %get3A_283 = tpu.vector_load %arg18[%get3A_281, %get3A_282] {strides = array<i32>} : memref<80x128xf32, #tpu.memory_space<vmem>>, vector<16xf32>,
      %get3A_284 = arith.index_cast %add3A_222 : i32 to index
      %get3A_285 = arith.constant 96 : index
      %get3A_286 = tpu.vector_load %arg19[%get3A_284, %get3A_285] {strides = array<i32>} : memref<80x128xf32, #tpu.memory_space<vmem>>, vector<16xf32>,
      %add3A_287 = arith.addf %get3A_283, %get3A_286 : vector<16xf32>
      %swap3A_288 = arith.index_cast %add3A_222 : i32 to index
      %swap3A_289 = arith.constant 96 : index
      %swap3A_290 = tpu.vector_load %arg18[%swap3A_288, %swap3A_289] {strides = array<i32>} : memref<80x128xf32, #tpu.memory_space<vmem>>, vector<16xf32>,
      tpu.vector_store %arg18[%swap3A_288, %swap3A_289], %add3A_287 {strides = array<i32>} : memref<80x128xf32, #tpu.memory_space<vmem>>, vector<16xf32>,
      %get3A_291 = arith.index_cast %add3A_222 : i32 to index
      %get3A_292 = arith.constant 112 : index
      %get3A_293 = tpu.vector_load %arg18[%get3A_291, %get3A_292] {strides = array<i32>} : memref<80x128xf32, #tpu.memory_space<vmem>>, vector<16xf32>,
      %get3A_294 = arith.index_cast %add3A_222 : i32 to index
      %get3A_295 = arith.constant 112 : index
      %get3A_296 = tpu.vector_load %arg19[%get3A_294, %get3A_295] {strides = array<i32>} : memref<80x128xf32, #tpu.memory_space<vmem>>, vector<16xf32>,
      %add3A_297 = arith.addf %get3A_293, %get3A_296 : vector<16xf32>
      %swap3A_298 = arith.index_cast %add3A_222 : i32 to index
      %swap3A_299 = arith.constant 112 : index
      %swap3A_300 = tpu.vector_load %arg18[%swap3A_298, %swap3A_299] {strides = array<i32>} : memref<80x128xf32, #tpu.memory_space<vmem>>, vector<16xf32>,
      tpu.vector_store %arg18[%swap3A_298, %swap3A_299], %add3A_297 {strides = array<i32>} : memref<80x128xf32, #tpu.memory_space<vmem>>, vector<16xf32>,
      %mul3A_301 = arith.constant 2 : i32
      %mul3A_302 = arith.muli %scan3A_218, %mul3A_301 : i32
      %add3A_303 = arith.constant 1 : i32
      %add3A_304 = arith.addi %mul3A_302, %add3A_303 : i32
      %get3A_305 = arith.index_cast %add3A_304 : i32 to index
      %get3A_306 = arith.constant 0 : index
      %get3A_307 = tpu.vector_load %arg18[%get3A_305, %get3A_306] {strides = array<i32>} : memref<80x128xf32, #tpu.memory_space<vmem>>, vector<16xf32>,
      %get3A_308 = arith.index_cast %add3A_304 : i32 to index
      %get3A_309 = arith.constant 0 : index
      %get3A_310 = tpu.vector_load %arg19[%get3A_308, %get3A_309] {strides = array<i32>} : memref<80x128xf32, #tpu.memory_space<vmem>>, vector<16xf32>,
      %add3A_311 = arith.addf %get3A_307, %get3A_310 : vector<16xf32>
      %swap3A_312 = arith.index_cast %add3A_304 : i32 to index
      %swap3A_313 = arith.constant 0 : index
      %swap3A_314 = tpu.vector_load %arg18[%swap3A_312, %swap3A_313] {strides = array<i32>} : memref<80x128xf32, #tpu.memory_space<vmem>>, vector<16xf32>,
      tpu.vector_store %arg18[%swap3A_312, %swap3A_313], %add3A_311 {strides = array<i32>} : memref<80x128xf32, #tpu.memory_space<vmem>>, vector<16xf32>,
      %get3A_315 = arith.index_cast %add3A_304 : i32 to index
      %get3A_316 = arith.constant 16 : index
      %get3A_317 = tpu.vector_load %arg18[%get3A_315, %get3A_316] {strides = array<i32>} : memref<80x128xf32, #tpu.memory_space<vmem>>, vector<16xf32>,
      %get3A_318 = arith.index_cast %add3A_304 : i32 to index
      %get3A_319 = arith.constant 16 : index
      %get3A_320 = tpu.vector_load %arg19[%get3A_318, %get3A_319] {strides = array<i32>} : memref<80x128xf32, #tpu.memory_space<vmem>>, vector<16xf32>,
      %add3A_321 = arith.addf %get3A_317, %get3A_320 : vector<16xf32>
      %swap3A_322 = arith.index_cast %add3A_304 : i32 to index
      %swap3A_323 = arith.constant 16 : index
      %swap3A_324 = tpu.vector_load %arg18[%swap3A_322, %swap3A_323] {strides = array<i32>} : memref<80x128xf32, #tpu.memory_space<vmem>>, vector<16xf32>,
      tpu.vector_store %arg18[%swap3A_322, %swap3A_323], %add3A_321 {strides = array<i32>} : memref<80x128xf32, #tpu.memory_space<vmem>>, vector<16xf32>,
      %get3A_325 = arith.index_cast %add3A_304 : i32 to index
      %get3A_326 = arith.constant 32 : index
      %get3A_327 = tpu.vector_load %arg18[%get3A_325, %get3A_326] {strides = array<i32>} : memref<80x128xf32, #tpu.memory_space<vmem>>, vector<16xf32>,
      %get3A_328 = arith.index_cast %add3A_304 : i32 to index
      %get3A_329 = arith.constant 32 : index
      %get3A_330 = tpu.vector_load %arg19[%get3A_328, %get3A_329] {strides = array<i32>} : memref<80x128xf32, #tpu.memory_space<vmem>>, vector<16xf32>,
      %add3A_331 = arith.addf %get3A_327, %get3A_330 : vector<16xf32>
      %swap3A_332 = arith.index_cast %add3A_304 : i32 to index
      %swap3A_333 = arith.constant 32 : index
      %swap3A_334 = tpu.vector_load %arg18[%swap3A_332, %swap3A_333] {strides = array<i32>} : memref<80x128xf32, #tpu.memory_space<vmem>>, vector<16xf32>,
      tpu.vector_store %arg18[%swap3A_332, %swap3A_333], %add3A_331 {strides = array<i32>} : memref<80x128xf32, #tpu.memory_space<vmem>>, vector<16xf32>,
      %get3A_335 = arith.index_cast %add3A_304 : i32 to index
      %get3A_336 = arith.constant 48 : index
      %get3A_337 = tpu.vector_load %arg18[%get3A_335, %get3A_336] {strides = array<i32>} : memref<80x128xf32, #tpu.memory_space<vmem>>, vector<16xf32>,
      %get3A_338 = arith.index_cast %add3A_304 : i32 to index
      %get3A_339 = arith.constant 48 : index
      %get3A_340 = tpu.vector_load %arg19[%get3A_338, %get3A_339] {strides = array<i32>} : memref<80x128xf32, #tpu.memory_space<vmem>>, vector<16xf32>,
      %add3A_341 = arith.addf %get3A_337, %get3A_340 : vector<16xf32>
      %swap3A_342 = arith.index_cast %add3A_304 : i32 to index
      %swap3A_343 = arith.constant 48 : index
      %swap3A_344 = tpu.vector_load %arg18[%swap3A_342, %swap3A_343] {strides = array<i32>} : memref<80x128xf32, #tpu.memory_space<vmem>>, vector<16xf32>,
      tpu.vector_store %arg18[%swap3A_342, %swap3A_343], %add3A_341 {strides = array<i32>} : memref<80x128xf32, #tpu.memory_space<vmem>>, vector<16xf32>,
      %get3A_345 = arith.index_cast %add3A_304 : i32 to index
      %get3A_346 = arith.constant 64 : index
      %get3A_347 = tpu.vector_load %arg18[%get3A_345, %get3A_346] {strides = array<i32>} : memref<80x128xf32, #tpu.memory_space<vmem>>, vector<16xf32>,
      %get3A_348 = arith.index_cast %add3A_304 : i32 to index
      %get3A_349 = arith.constant 64 : index
      %get3A_350 = tpu.vector_load %arg19[%get3A_348, %get3A_349] {strides = array<i32>} : memref<80x128xf32, #tpu.memory_space<vmem>>, vector<16xf32>,
      %add3A_351 = arith.addf %get3A_347, %get3A_350 : vector<16xf32>
      %swap3A_352 = arith.index_cast %add3A_304 : i32 to index
      %swap3A_353 = arith.constant 64 : index
      %swap3A_354 = tpu.vector_load %arg18[%swap3A_352, %swap3A_353] {strides = array<i32>} : memref<80x128xf32, #tpu.memory_space<vmem>>, vector<16xf32>,
      tpu.vector_store %arg18[%swap3A_352, %swap3A_353], %add3A_351 {strides = array<i32>} : memref<80x128xf32, #tpu.memory_space<vmem>>, vector<16xf32>,
      %get3A_355 = arith.index_cast %add3A_304 : i32 to index
      %get3A_356 = arith.constant 80 : index
      %get3A_357 = tpu.vector_load %arg18[%get3A_355, %get3A_356] {strides = array<i32>} : memref<80x128xf32, #tpu.memory_space<vmem>>, vector<16xf32>,
      %get3A_358 = arith.index_cast %add3A_304 : i32 to index
      %get3A_359 = arith.constant 80 : index
      %get3A_360 = tpu.vector_load %arg19[%get3A_358, %get3A_359] {strides = array<i32>} : memref<80x128xf32, #tpu.memory_space<vmem>>, vector<16xf32>,
      %add3A_361 = arith.addf %get3A_357, %get3A_360 : vector<16xf32>
      %swap3A_362 = arith.index_cast %add3A_304 : i32 to index
      %swap3A_363 = arith.constant 80 : index
      %swap3A_364 = tpu.vector_load %arg18[%swap3A_362, %swap3A_363] {strides = array<i32>} : memref<80x128xf32, #tpu.memory_space<vmem>>, vector<16xf32>,
      tpu.vector_store %arg18[%swap3A_362, %swap3A_363], %add3A_361 {strides = array<i32>} : memref<80x128xf32, #tpu.memory_space<vmem>>, vector<16xf32>,
      %get3A_365 = arith.index_cast %add3A_304 : i32 to index
      %get3A_366 = arith.constant 96 : index
      %get3A_367 = tpu.vector_load %arg18[%get3A_365, %get3A_366] {strides = array<i32>} : memref<80x128xf32, #tpu.memory_space<vmem>>, vector<16xf32>,
      %get3A_368 = arith.index_cast %add3A_304 : i32 to index
      %get3A_369 = arith.constant 96 : index
      %get3A_370 = tpu.vector_load %arg19[%get3A_368, %get3A_369] {strides = array<i32>} : memref<80x128xf32, #tpu.memory_space<vmem>>, vector<16xf32>,
      %add3A_371 = arith.addf %get3A_367, %get3A_370 : vector<16xf32>
      %swap3A_372 = arith.index_cast %add3A_304 : i32 to index
      %swap3A_373 = arith.constant 96 : index
      %swap3A_374 = tpu.vector_load %arg18[%swap3A_372, %swap3A_373] {strides = array<i32>} : memref<80x128xf32, #tpu.memory_space<vmem>>, vector<16xf32>,
      tpu.vector_store %arg18[%swap3A_372, %swap3A_373], %add3A_371 {strides = array<i32>} : memref<80x128xf32, #tpu.memory_space<vmem>>, vector<16xf32>,
      %get3A_375 = arith.index_cast %add3A_304 : i32 to index
      %get3A_376 = arith.constant 112 : index
      %get3A_377 = tpu.vector_load %arg18[%get3A_375, %get3A_376] {strides = array<i32>} : memref<80x128xf32, #tpu.memory_space<vmem>>, vector<16xf32>,
      %get3A_378 = arith.index_cast %add3A_304 : i32 to index
      %get3A_379 = arith.constant 112 : index
      %get3A_380 = tpu.vector_load %arg19[%get3A_378, %get3A_379] {strides = array<i32>} : memref<80x128xf32, #tpu.memory_space<vmem>>, vector<16xf32>,
      %add3A_381 = arith.addf %get3A_377, %get3A_380 : vector<16xf32>
      %swap3A_382 = arith.index_cast %add3A_304 : i32 to index
      %swap3A_383 = arith.constant 112 : index
      %swap3A_384 = tpu.vector_load %arg18[%swap3A_382, %swap3A_383] {strides = array<i32>} : memref<80x128xf32, #tpu.memory_space<vmem>>, vector<16xf32>,
      tpu.vector_store %arg18[%swap3A_382, %swap3A_383], %add3A_381 {strides = array<i32>} : memref<80x128xf32, #tpu.memory_space<vmem>>, vector<16xf32>,
    }
    %scan3A_175 = arith.constant 40 : i32
    %dma_start3A_176 = tpu.memref_slice %arg10[%add3A_157] : memref<320000xf32, #tpu.memory_space<hbm>> -> memref<80xf32, #tpu.memory_space<hbm>>
    %dma_start3A_177 = tpu.memref_slice %arg10[%add3A_157] : memref<320000xf32, #tpu.memory_space<hbm>> -> memref<80xf32, #tpu.memory_space<hbm>>
    tpu.enqueue_dma source(%arg25 : memref<80xf32, #tpu.memory_space<vmem>>) target(%dma_start3A_177 : memref<80xf32, #tpu.memory_space<hbm>>) target_semaphore(%arg36 : memref<!tpu.dma_semaphore, #tpu.memory_space<semaphore_mem>>)
    %dma_start3A_178 = tpu.memref_slice %arg11[%add3A_157] : memref<320000xf32, #tpu.memory_space<hbm>> -> memref<80xf32, #tpu.memory_space<hbm>>
    %dma_start3A_179 = tpu.memref_slice %arg11[%add3A_157] : memref<320000xf32, #tpu.memory_space<hbm>> -> memref<80xf32, #tpu.memory_space<hbm>>
    tpu.enqueue_dma source(%arg26 : memref<80xf32, #tpu.memory_space<vmem>>) target(%dma_start3A_179 : memref<80xf32, #tpu.memory_space<hbm>>) target_semaphore(%arg36 : memref<!tpu.dma_semaphore, #tpu.memory_space<semaphore_mem>>)
    %dma_start3A_180 = tpu.memref_slice %arg12[%add3A_157] : memref<320000xf32, #tpu.memory_space<hbm>> -> memref<80xf32, #tpu.memory_space<hbm>>
    %dma_start3A_181 = tpu.memref_slice %arg12[%add3A_157] : memref<320000xf32, #tpu.memory_space<hbm>> -> memref<80xf32, #tpu.memory_space<hbm>>
    tpu.enqueue_dma source(%arg27 : memref<80xf32, #tpu.memory_space<vmem>>) target(%dma_start3A_181 : memref<80xf32, #tpu.memory_space<hbm>>) target_semaphore(%arg36 : memref<!tpu.dma_semaphore, #tpu.memory_space<semaphore_mem>>)
    %dma_start3A_182 = tpu.memref_slice %arg13[%add3A_157] : memref<320000xf32, #tpu.memory_space<hbm>> -> memref<80xf32, #tpu.memory_space<hbm>>
    %dma_start3A_183 = tpu.memref_slice %arg13[%add3A_157] : memref<320000xf32, #tpu.memory_space<hbm>> -> memref<80xf32, #tpu.memory_space<hbm>>
    tpu.enqueue_dma source(%arg28 : memref<80xf32, #tpu.memory_space<vmem>>) target(%dma_start3A_183 : memref<80xf32, #tpu.memory_space<hbm>>) target_semaphore(%arg36 : memref<!tpu.dma_semaphore, #tpu.memory_space<semaphore_mem>>)
    %dma_start3A_184 = arith.constant 0 : i32
    %dma_start3A_185 = tpu.memref_slice %arg9[%add3A_157, %dma_start3A_184] : memref<327680x128xf32, #tpu.memory_space<hbm>> -> memref<80x128xf32, #tpu.memory_space<hbm>>
    %dma_start3A_186 = arith.constant 0 : i32
    %dma_start3A_187 = tpu.memref_slice %arg9[%add3A_157, %dma_start3A_186] : memref<327680x128xf32, #tpu.memory_space<hbm>> -> memref<80x128xf32, #tpu.memory_space<hbm>>
    tpu.enqueue_dma source(%arg18 : memref<80x128xf32, #tpu.memory_space<vmem>>) target(%dma_start3A_187 : memref<80x128xf32, #tpu.memory_space<hbm>>) target_semaphore(%arg36 : memref<!tpu.dma_semaphore, #tpu.memory_space<semaphore_mem>>)
    %sub3A_188 = arith.constant 80 : i32
    %sub3A_189 = arith.subi %add3A_157, %sub3A_188 : i32
    %dma_wait3A_190 = tpu.memref_slice %arg10[%sub3A_189] : memref<320000xf32, #tpu.memory_space<hbm>> -> memref<80xf32, #tpu.memory_space<hbm>>
    %dma_wait3A_191 = tpu.memref_slice %arg10[%sub3A_189] : memref<320000xf32, #tpu.memory_space<hbm>> -> memref<80xf32, #tpu.memory_space<hbm>>
    tpu.wait_dma2 semaphore(%arg36 : memref<!tpu.dma_semaphore, #tpu.memory_space<semaphore_mem>>) src(%arg29 : memref<80xf32, #tpu.memory_space<vmem>>) dst(%dma_wait3A_191 : memref<80xf32, #tpu.memory_space<hbm>>)
    %dma_wait3A_192 = tpu.memref_slice %arg11[%sub3A_189] : memref<320000xf32, #tpu.memory_space<hbm>> -> memref<80xf32, #tpu.memory_space<hbm>>
    %dma_wait3A_193 = tpu.memref_slice %arg11[%sub3A_189] : memref<320000xf32, #tpu.memory_space<hbm>> -> memref<80xf32, #tpu.memory_space<hbm>>
    tpu.wait_dma2 semaphore(%arg36 : memref<!tpu.dma_semaphore, #tpu.memory_space<semaphore_mem>>) src(%arg30 : memref<80xf32, #tpu.memory_space<vmem>>) dst(%dma_wait3A_193 : memref<80xf32, #tpu.memory_space<hbm>>)
    %dma_wait3A_194 = tpu.memref_slice %arg12[%sub3A_189] : memref<320000xf32, #tpu.memory_space<hbm>> -> memref<80xf32, #tpu.memory_space<hbm>>
    %dma_wait3A_195 = tpu.memref_slice %arg12[%sub3A_189] : memref<320000xf32, #tpu.memory_space<hbm>> -> memref<80xf32, #tpu.memory_space<hbm>>
    tpu.wait_dma2 semaphore(%arg36 : memref<!tpu.dma_semaphore, #tpu.memory_space<semaphore_mem>>) src(%arg31 : memref<80xf32, #tpu.memory_space<vmem>>) dst(%dma_wait3A_195 : memref<80xf32, #tpu.memory_space<hbm>>)
    %dma_wait3A_196 = tpu.memref_slice %arg13[%sub3A_189] : memref<320000xf32, #tpu.memory_space<hbm>> -> memref<80xf32, #tpu.memory_space<hbm>>
    %dma_wait3A_197 = tpu.memref_slice %arg13[%sub3A_189] : memref<320000xf32, #tpu.memory_space<hbm>> -> memref<80xf32, #tpu.memory_space<hbm>>
    tpu.wait_dma2 semaphore(%arg36 : memref<!tpu.dma_semaphore, #tpu.memory_space<semaphore_mem>>) src(%arg32 : memref<80xf32, #tpu.memory_space<vmem>>) dst(%dma_wait3A_197 : memref<80xf32, #tpu.memory_space<hbm>>)
    %dma_wait3A_198 = arith.constant 0 : i32
    %dma_wait3A_199 = tpu.memref_slice %arg9[%sub3A_189, %dma_wait3A_198] : memref<327680x128xf32, #tpu.memory_space<hbm>> -> memref<80x128xf32, #tpu.memory_space<hbm>>
    %dma_wait3A_200 = arith.constant 0 : i32
    %dma_wait3A_201 = tpu.memref_slice %arg9[%sub3A_189, %dma_wait3A_200] : memref<327680x128xf32, #tpu.memory_space<hbm>> -> memref<80x128xf32, #tpu.memory_space<hbm>>
    tpu.wait_dma2 semaphore(%arg36 : memref<!tpu.dma_semaphore, #tpu.memory_space<semaphore_mem>>) src(%arg20 : memref<80x128xf32, #tpu.memory_space<vmem>>) dst(%dma_wait3A_201 : memref<80x128xf32, #tpu.memory_space<hbm>>)
    %dma_wait3A_202 = tpu.memref_slice %arg10[%add3A_157] : memref<320000xf32, #tpu.memory_space<hbm>> -> memref<80xf32, #tpu.memory_space<hbm>>
    %dma_wait3A_203 = tpu.memref_slice %arg10[%add3A_157] : memref<320000xf32, #tpu.memory_space<hbm>> -> memref<80xf32, #tpu.memory_space<hbm>>
    tpu.wait_dma2 semaphore(%arg36 : memref<!tpu.dma_semaphore, #tpu.memory_space<semaphore_mem>>) src(%arg25 : memref<80xf32, #tpu.memory_space<vmem>>) dst(%dma_wait3A_203 : memref<80xf32, #tpu.memory_space<hbm>>)
    %dma_wait3A_204 = tpu.memref_slice %arg11[%add3A_157] : memref<320000xf32, #tpu.memory_space<hbm>> -> memref<80xf32, #tpu.memory_space<hbm>>
    %dma_wait3A_205 = tpu.memref_slice %arg11[%add3A_157] : memref<320000xf32, #tpu.memory_space<hbm>> -> memref<80xf32, #tpu.memory_space<hbm>>
    tpu.wait_dma2 semaphore(%arg36 : memref<!tpu.dma_semaphore, #tpu.memory_space<semaphore_mem>>) src(%arg26 : memref<80xf32, #tpu.memory_space<vmem>>) dst(%dma_wait3A_205 : memref<80xf32, #tpu.memory_space<hbm>>)
    %dma_wait3A_206 = tpu.memref_slice %arg12[%add3A_157] : memref<320000xf32, #tpu.memory_space<hbm>> -> memref<80xf32, #tpu.memory_space<hbm>>
    %dma_wait3A_207 = tpu.memref_slice %arg12[%add3A_157] : memref<320000xf32, #tpu.memory_space<hbm>> -> memref<80xf32, #tpu.memory_space<hbm>>
    tpu.wait_dma2 semaphore(%arg36 : memref<!tpu.dma_semaphore, #tpu.memory_space<semaphore_mem>>) src(%arg27 : memref<80xf32, #tpu.memory_space<vmem>>) dst(%dma_wait3A_207 : memref<80xf32, #tpu.memory_space<hbm>>)
    %dma_wait3A_208 = tpu.memref_slice %arg13[%add3A_157] : memref<320000xf32, #tpu.memory_space<hbm>> -> memref<80xf32, #tpu.memory_space<hbm>>
    %dma_wait3A_209 = tpu.memref_slice %arg13[%add3A_157] : memref<320000xf32, #tpu.memory_space<hbm>> -> memref<80xf32, #tpu.memory_space<hbm>>
    tpu.wait_dma2 semaphore(%arg36 : memref<!tpu.dma_semaphore, #tpu.memory_space<semaphore_mem>>) src(%arg28 : memref<80xf32, #tpu.memory_space<vmem>>) dst(%dma_wait3A_209 : memref<80xf32, #tpu.memory_space<hbm>>)
    %dma_wait3A_210 = arith.constant 0 : i32
    %dma_wait3A_211 = tpu.memref_slice %arg9[%add3A_157, %dma_wait3A_210] : memref<327680x128xf32, #tpu.memory_space<hbm>> -> memref<80x128xf32, #tpu.memory_space<hbm>>
    %dma_wait3A_212 = arith.constant 0 : i32
    %dma_wait3A_213 = tpu.memref_slice %arg9[%add3A_157, %dma_wait3A_212] : memref<327680x128xf32, #tpu.memory_space<hbm>> -> memref<80x128xf32, #tpu.memory_space<hbm>>
    tpu.wait_dma2 semaphore(%arg36 : memref<!tpu.dma_semaphore, #tpu.memory_space<semaphore_mem>>) src(%arg18 : memref<80x128xf32, #tpu.memory_space<vmem>>) dst(%dma_wait3A_213 : memref<80x128xf32, #tpu.memory_space<hbm>>)
    %dma_wait3A_214 = tpu.memref_slice %arg4[%mul3A_4] : memref<320000xi32, #tpu.memory_space<hbm>> -> memref<80xi32, #tpu.memory_space<hbm>>
    %dma_wait3A_215 = tpu.memref_slice %arg4[%mul3A_4] : memref<320000xi32, #tpu.memory_space<hbm>> -> memref<80xi32, #tpu.memory_space<hbm>>
    tpu.wait_dma2 semaphore(%arg33 : memref<!tpu.dma_semaphore, #tpu.memory_space<semaphore_mem>>) src(%dma_wait3A_215 : memref<80xi32, #tpu.memory_space<hbm>>) dst(%arg16 : memref<80xi32, #tpu.memory_space<vmem>>)
    %dma_wait3A_216 = tpu.memref_slice %arg5[%mul3A_4] : memref<320000xi32, #tpu.memory_space<hbm>> -> memref<80xi32, #tpu.memory_space<hbm>>
    %dma_wait3A_217 = tpu.memref_slice %arg5[%mul3A_4] : memref<320000xi32, #tpu.memory_space<hbm>> -> memref<80xi32, #tpu.memory_space<hbm>>
    tpu.wait_dma2 semaphore(%arg33 : memref<!tpu.dma_semaphore, #tpu.memory_space<semaphore_mem>>) src(%dma_wait3A_217 : memref<80xi32, #tpu.memory_space<hbm>>) dst(%arg17 : memref<80xi32, #tpu.memory_space<vmem>>)
    return
  }
}

#map = affine_map<(d0, d1) -> (0, 0)>
#map1 = affine_map<(d0, d1) -> (0)>
#map2 = affine_map<(d0, d1) -> (0, 0, 0)>
module attributes {stable_mosaic.version = 14 : i64} {
  func.func @_scatter_body(%arg0: i32, %arg1: i32, %arg2: memref<327680x128xf32, #tpu.memory_space<hbm>>, %arg3: memref<320000xi32, #tpu.memory_space<hbm>>, %arg4: memref<327680xf32, #tpu.memory_space<hbm>>, %arg5: memref<320000xf32, #tpu.memory_space<hbm>>, %arg6: memref<320000xf32, #tpu.memory_space<hbm>>, %arg7: memref<320000xf32, #tpu.memory_space<hbm>>, %arg8: memref<2x5120x128xf32, #tpu.memory_space<hbm>>, %arg9: memref<2x640x128xf32, #tpu.memory_space<hbm>>, %arg10: memref<208xi32, #tpu.memory_space<vmem>>, %arg11: memref<208xf32, #tpu.memory_space<vmem>>, %arg12: memref<208xf32, #tpu.memory_space<vmem>>, %arg13: memref<208xf32, #tpu.memory_space<vmem>>, %arg14: memref<208xf32, #tpu.memory_space<vmem>>, %arg15: memref<208x128xf32, #tpu.memory_space<vmem>>, %arg16: memref<208xi32, #tpu.memory_space<vmem>>, %arg17: memref<208xf32, #tpu.memory_space<vmem>>, %arg18: memref<208xf32, #tpu.memory_space<vmem>>, %arg19: memref<208xf32, #tpu.memory_space<vmem>>, %arg20: memref<208xf32, #tpu.memory_space<vmem>>, %arg21: memref<208x128xf32, #tpu.memory_space<vmem>>, %arg22: memref<208xi32, #tpu.memory_space<vmem>>, %arg23: memref<208xi32, #tpu.memory_space<vmem>>, %arg24: memref<208x128xf32, #tpu.memory_space<vmem>>, %arg25: memref<5120x128xf32, #tpu.memory_space<vmem_shared>>, %arg26: memref<640x128xf32, #tpu.memory_space<vmem_shared>>, %arg27: memref<!tpu.dma_semaphore, #tpu.memory_space<semaphore_mem>>) attributes {dimension_semantics = [#tpu.dimension_semantics<core_parallel>, #tpu.dimension_semantics<subcore_parallel>], iteration_bounds = array<i64: 2, 16>, scalar_prefetch = 0 : i64, scratch_operands = 18 : i64, tpu.core_type = #tpu.core_type<sc_vector_subcore>, window_params = [{transform_indices = #map}, {transform_indices = #map1}, {transform_indices = #map1}, {transform_indices = #map1}, {transform_indices = #map1}, {transform_indices = #map1}, {transform_indices = #map2}, {transform_indices = #map2}]} {
    %scan3A = arith.constant 0 : i32
    %scan3A_0 = arith.constant 0 : i32
    %scan3A_1 = arith.constant 208 : i32
    %scan3A_2 = arith.addi %scan3A_0, %scan3A_1 : i32
    %scan3A_3 = arith.constant 1 : i32
    scf.for %scan3A_133 = %scan3A_0 to %scan3A_2 step %scan3A_3  : i32 {
      %broadcast_in_dim3A_134 = arith.constant 0.000000e+00 : f32
      %broadcast_in_dim3A_135 = vector.broadcast %broadcast_in_dim3A_134 : f32 to vector<16xf32>
      %swap3A_136 = arith.index_cast %scan3A_133 : i32 to index
      %swap3A_137 = arith.constant 0 : index
      %swap3A_138 = tpu.vector_load %arg24[%swap3A_136, %swap3A_137] {strides = array<i32>} : memref<208x128xf32, #tpu.memory_space<vmem>>, vector<16xf32>,
      tpu.vector_store %arg24[%swap3A_136, %swap3A_137], %broadcast_in_dim3A_135 {strides = array<i32>} : memref<208x128xf32, #tpu.memory_space<vmem>>, vector<16xf32>,
      %broadcast_in_dim3A_139 = arith.constant 0.000000e+00 : f32
      %broadcast_in_dim3A_140 = vector.broadcast %broadcast_in_dim3A_139 : f32 to vector<16xf32>
      %swap3A_141 = arith.index_cast %scan3A_133 : i32 to index
      %swap3A_142 = arith.constant 16 : index
      %swap3A_143 = tpu.vector_load %arg24[%swap3A_141, %swap3A_142] {strides = array<i32>} : memref<208x128xf32, #tpu.memory_space<vmem>>, vector<16xf32>,
      tpu.vector_store %arg24[%swap3A_141, %swap3A_142], %broadcast_in_dim3A_140 {strides = array<i32>} : memref<208x128xf32, #tpu.memory_space<vmem>>, vector<16xf32>,
      %broadcast_in_dim3A_144 = arith.constant 0.000000e+00 : f32
      %broadcast_in_dim3A_145 = vector.broadcast %broadcast_in_dim3A_144 : f32 to vector<16xf32>
      %swap3A_146 = arith.index_cast %scan3A_133 : i32 to index
      %swap3A_147 = arith.constant 32 : index
      %swap3A_148 = tpu.vector_load %arg24[%swap3A_146, %swap3A_147] {strides = array<i32>} : memref<208x128xf32, #tpu.memory_space<vmem>>, vector<16xf32>,
      tpu.vector_store %arg24[%swap3A_146, %swap3A_147], %broadcast_in_dim3A_145 {strides = array<i32>} : memref<208x128xf32, #tpu.memory_space<vmem>>, vector<16xf32>,
      %broadcast_in_dim3A_149 = arith.constant 0.000000e+00 : f32
      %broadcast_in_dim3A_150 = vector.broadcast %broadcast_in_dim3A_149 : f32 to vector<16xf32>
      %swap3A_151 = arith.index_cast %scan3A_133 : i32 to index
      %swap3A_152 = arith.constant 48 : index
      %swap3A_153 = tpu.vector_load %arg24[%swap3A_151, %swap3A_152] {strides = array<i32>} : memref<208x128xf32, #tpu.memory_space<vmem>>, vector<16xf32>,
      tpu.vector_store %arg24[%swap3A_151, %swap3A_152], %broadcast_in_dim3A_150 {strides = array<i32>} : memref<208x128xf32, #tpu.memory_space<vmem>>, vector<16xf32>,
      %broadcast_in_dim3A_154 = arith.constant 0.000000e+00 : f32
      %broadcast_in_dim3A_155 = vector.broadcast %broadcast_in_dim3A_154 : f32 to vector<16xf32>
      %swap3A_156 = arith.index_cast %scan3A_133 : i32 to index
      %swap3A_157 = arith.constant 64 : index
      %swap3A_158 = tpu.vector_load %arg24[%swap3A_156, %swap3A_157] {strides = array<i32>} : memref<208x128xf32, #tpu.memory_space<vmem>>, vector<16xf32>,
      tpu.vector_store %arg24[%swap3A_156, %swap3A_157], %broadcast_in_dim3A_155 {strides = array<i32>} : memref<208x128xf32, #tpu.memory_space<vmem>>, vector<16xf32>,
      %broadcast_in_dim3A_159 = arith.constant 0.000000e+00 : f32
      %broadcast_in_dim3A_160 = vector.broadcast %broadcast_in_dim3A_159 : f32 to vector<16xf32>
      %swap3A_161 = arith.index_cast %scan3A_133 : i32 to index
      %swap3A_162 = arith.constant 80 : index
      %swap3A_163 = tpu.vector_load %arg24[%swap3A_161, %swap3A_162] {strides = array<i32>} : memref<208x128xf32, #tpu.memory_space<vmem>>, vector<16xf32>,
      tpu.vector_store %arg24[%swap3A_161, %swap3A_162], %broadcast_in_dim3A_160 {strides = array<i32>} : memref<208x128xf32, #tpu.memory_space<vmem>>, vector<16xf32>,
      %broadcast_in_dim3A_164 = arith.constant 0.000000e+00 : f32
      %broadcast_in_dim3A_165 = vector.broadcast %broadcast_in_dim3A_164 : f32 to vector<16xf32>
      %swap3A_166 = arith.index_cast %scan3A_133 : i32 to index
      %swap3A_167 = arith.constant 96 : index
      %swap3A_168 = tpu.vector_load %arg24[%swap3A_166, %swap3A_167] {strides = array<i32>} : memref<208x128xf32, #tpu.memory_space<vmem>>, vector<16xf32>,
      tpu.vector_store %arg24[%swap3A_166, %swap3A_167], %broadcast_in_dim3A_165 {strides = array<i32>} : memref<208x128xf32, #tpu.memory_space<vmem>>, vector<16xf32>,
      %broadcast_in_dim3A_169 = arith.constant 0.000000e+00 : f32
      %broadcast_in_dim3A_170 = vector.broadcast %broadcast_in_dim3A_169 : f32 to vector<16xf32>
      %swap3A_171 = arith.index_cast %scan3A_133 : i32 to index
      %swap3A_172 = arith.constant 112 : index
      %swap3A_173 = tpu.vector_load %arg24[%swap3A_171, %swap3A_172] {strides = array<i32>} : memref<208x128xf32, #tpu.memory_space<vmem>>, vector<16xf32>,
      tpu.vector_store %arg24[%swap3A_171, %swap3A_172], %broadcast_in_dim3A_170 {strides = array<i32>} : memref<208x128xf32, #tpu.memory_space<vmem>>, vector<16xf32>,
    }
    %scan3A_4 = arith.constant 208 : i32
    %broadcast_in_dim3A = arith.constant 0 : i32
    %broadcast_in_dim3A_5 = vector.broadcast %broadcast_in_dim3A : i32 to vector<16xi32>
    %broadcast_in_dim3A_6 = arith.constant 0.000000e+00 : f32
    %broadcast_in_dim3A_7 = vector.broadcast %broadcast_in_dim3A_6 : f32 to vector<16xf32>
    %swap3A = arith.constant 192 : index
    %swap3A_8 = tpu.vector_load %arg10[%swap3A] {strides = array<i32>} : memref<208xi32, #tpu.memory_space<vmem>>, vector<16xi32>,
    tpu.vector_store %arg10[%swap3A], %broadcast_in_dim3A_5 {strides = array<i32>} : memref<208xi32, #tpu.memory_space<vmem>>, vector<16xi32>,
    %swap3A_9 = arith.constant 192 : index
    %swap3A_10 = tpu.vector_load %arg11[%swap3A_9] {strides = array<i32>} : memref<208xf32, #tpu.memory_space<vmem>>, vector<16xf32>,
    tpu.vector_store %arg11[%swap3A_9], %broadcast_in_dim3A_7 {strides = array<i32>} : memref<208xf32, #tpu.memory_space<vmem>>, vector<16xf32>,
    %swap3A_11 = arith.constant 192 : index
    %swap3A_12 = tpu.vector_load %arg12[%swap3A_11] {strides = array<i32>} : memref<208xf32, #tpu.memory_space<vmem>>, vector<16xf32>,
    tpu.vector_store %arg12[%swap3A_11], %broadcast_in_dim3A_7 {strides = array<i32>} : memref<208xf32, #tpu.memory_space<vmem>>, vector<16xf32>,
    %swap3A_13 = arith.constant 192 : index
    %swap3A_14 = tpu.vector_load %arg13[%swap3A_13] {strides = array<i32>} : memref<208xf32, #tpu.memory_space<vmem>>, vector<16xf32>,
    tpu.vector_store %arg13[%swap3A_13], %broadcast_in_dim3A_7 {strides = array<i32>} : memref<208xf32, #tpu.memory_space<vmem>>, vector<16xf32>,
    %swap3A_15 = arith.constant 192 : index
    %swap3A_16 = tpu.vector_load %arg14[%swap3A_15] {strides = array<i32>} : memref<208xf32, #tpu.memory_space<vmem>>, vector<16xf32>,
    tpu.vector_store %arg14[%swap3A_15], %broadcast_in_dim3A_7 {strides = array<i32>} : memref<208xf32, #tpu.memory_space<vmem>>, vector<16xf32>,
    %swap3A_17 = arith.constant 192 : index
    %swap3A_18 = tpu.vector_load %arg16[%swap3A_17] {strides = array<i32>} : memref<208xi32, #tpu.memory_space<vmem>>, vector<16xi32>,
    tpu.vector_store %arg16[%swap3A_17], %broadcast_in_dim3A_5 {strides = array<i32>} : memref<208xi32, #tpu.memory_space<vmem>>, vector<16xi32>,
    %swap3A_19 = arith.constant 192 : index
    %swap3A_20 = tpu.vector_load %arg17[%swap3A_19] {strides = array<i32>} : memref<208xf32, #tpu.memory_space<vmem>>, vector<16xf32>,
    tpu.vector_store %arg17[%swap3A_19], %broadcast_in_dim3A_7 {strides = array<i32>} : memref<208xf32, #tpu.memory_space<vmem>>, vector<16xf32>,
    %swap3A_21 = arith.constant 192 : index
    %swap3A_22 = tpu.vector_load %arg18[%swap3A_21] {strides = array<i32>} : memref<208xf32, #tpu.memory_space<vmem>>, vector<16xf32>,
    tpu.vector_store %arg18[%swap3A_21], %broadcast_in_dim3A_7 {strides = array<i32>} : memref<208xf32, #tpu.memory_space<vmem>>, vector<16xf32>,
    %swap3A_23 = arith.constant 192 : index
    %swap3A_24 = tpu.vector_load %arg19[%swap3A_23] {strides = array<i32>} : memref<208xf32, #tpu.memory_space<vmem>>, vector<16xf32>,
    tpu.vector_store %arg19[%swap3A_23], %broadcast_in_dim3A_7 {strides = array<i32>} : memref<208xf32, #tpu.memory_space<vmem>>, vector<16xf32>,
    %swap3A_25 = arith.constant 192 : index
    %swap3A_26 = tpu.vector_load %arg20[%swap3A_25] {strides = array<i32>} : memref<208xf32, #tpu.memory_space<vmem>>, vector<16xf32>,
    tpu.vector_store %arg20[%swap3A_25], %broadcast_in_dim3A_7 {strides = array<i32>} : memref<208xf32, #tpu.memory_space<vmem>>, vector<16xf32>,
    %scan3A_27 = arith.constant 0 : i32
    %scan3A_28 = arith.constant 0 : i32
    %scan3A_29 = arith.constant 8 : i32
    %scan3A_30 = arith.addi %scan3A_28, %scan3A_29 : i32
    %scan3A_31 = arith.constant 1 : i32
    scf.for %scan3A_133 = %scan3A_28 to %scan3A_30 step %scan3A_31  : i32 {
      %broadcast_in_dim3A_134 = arith.constant 0.000000e+00 : f32
      %broadcast_in_dim3A_135 = vector.broadcast %broadcast_in_dim3A_134 : f32 to vector<16xf32>
      %add3A_136 = arith.constant 200 : i32
      %add3A_137 = arith.addi %add3A_136, %scan3A_133 : i32
      %swap3A_138 = arith.index_cast %add3A_137 : i32 to index
      %swap3A_139 = arith.constant 0 : index
      %swap3A_140 = tpu.vector_load %arg15[%swap3A_138, %swap3A_139] {strides = array<i32>} : memref<208x128xf32, #tpu.memory_space<vmem>>, vector<16xf32>,
      tpu.vector_store %arg15[%swap3A_138, %swap3A_139], %broadcast_in_dim3A_135 {strides = array<i32>} : memref<208x128xf32, #tpu.memory_space<vmem>>, vector<16xf32>,
      %broadcast_in_dim3A_141 = arith.constant 0.000000e+00 : f32
      %broadcast_in_dim3A_142 = vector.broadcast %broadcast_in_dim3A_141 : f32 to vector<16xf32>
      %add3A_143 = arith.constant 200 : i32
      %add3A_144 = arith.addi %add3A_143, %scan3A_133 : i32
      %swap3A_145 = arith.index_cast %add3A_144 : i32 to index
      %swap3A_146 = arith.constant 0 : index
      %swap3A_147 = tpu.vector_load %arg21[%swap3A_145, %swap3A_146] {strides = array<i32>} : memref<208x128xf32, #tpu.memory_space<vmem>>, vector<16xf32>,
      tpu.vector_store %arg21[%swap3A_145, %swap3A_146], %broadcast_in_dim3A_142 {strides = array<i32>} : memref<208x128xf32, #tpu.memory_space<vmem>>, vector<16xf32>,
      %broadcast_in_dim3A_148 = arith.constant 0.000000e+00 : f32
      %broadcast_in_dim3A_149 = vector.broadcast %broadcast_in_dim3A_148 : f32 to vector<16xf32>
      %add3A_150 = arith.constant 200 : i32
      %add3A_151 = arith.addi %add3A_150, %scan3A_133 : i32
      %swap3A_152 = arith.index_cast %add3A_151 : i32 to index
      %swap3A_153 = arith.constant 16 : index
      %swap3A_154 = tpu.vector_load %arg15[%swap3A_152, %swap3A_153] {strides = array<i32>} : memref<208x128xf32, #tpu.memory_space<vmem>>, vector<16xf32>,
      tpu.vector_store %arg15[%swap3A_152, %swap3A_153], %broadcast_in_dim3A_149 {strides = array<i32>} : memref<208x128xf32, #tpu.memory_space<vmem>>, vector<16xf32>,
      %broadcast_in_dim3A_155 = arith.constant 0.000000e+00 : f32
      %broadcast_in_dim3A_156 = vector.broadcast %broadcast_in_dim3A_155 : f32 to vector<16xf32>
      %add3A_157 = arith.constant 200 : i32
      %add3A_158 = arith.addi %add3A_157, %scan3A_133 : i32
      %swap3A_159 = arith.index_cast %add3A_158 : i32 to index
      %swap3A_160 = arith.constant 16 : index
      %swap3A_161 = tpu.vector_load %arg21[%swap3A_159, %swap3A_160] {strides = array<i32>} : memref<208x128xf32, #tpu.memory_space<vmem>>, vector<16xf32>,
      tpu.vector_store %arg21[%swap3A_159, %swap3A_160], %broadcast_in_dim3A_156 {strides = array<i32>} : memref<208x128xf32, #tpu.memory_space<vmem>>, vector<16xf32>,
      %broadcast_in_dim3A_162 = arith.constant 0.000000e+00 : f32
      %broadcast_in_dim3A_163 = vector.broadcast %broadcast_in_dim3A_162 : f32 to vector<16xf32>
      %add3A_164 = arith.constant 200 : i32
      %add3A_165 = arith.addi %add3A_164, %scan3A_133 : i32
      %swap3A_166 = arith.index_cast %add3A_165 : i32 to index
      %swap3A_167 = arith.constant 32 : index
      %swap3A_168 = tpu.vector_load %arg15[%swap3A_166, %swap3A_167] {strides = array<i32>} : memref<208x128xf32, #tpu.memory_space<vmem>>, vector<16xf32>,
      tpu.vector_store %arg15[%swap3A_166, %swap3A_167], %broadcast_in_dim3A_163 {strides = array<i32>} : memref<208x128xf32, #tpu.memory_space<vmem>>, vector<16xf32>,
      %broadcast_in_dim3A_169 = arith.constant 0.000000e+00 : f32
      %broadcast_in_dim3A_170 = vector.broadcast %broadcast_in_dim3A_169 : f32 to vector<16xf32>
      %add3A_171 = arith.constant 200 : i32
      %add3A_172 = arith.addi %add3A_171, %scan3A_133 : i32
      %swap3A_173 = arith.index_cast %add3A_172 : i32 to index
      %swap3A_174 = arith.constant 32 : index
      %swap3A_175 = tpu.vector_load %arg21[%swap3A_173, %swap3A_174] {strides = array<i32>} : memref<208x128xf32, #tpu.memory_space<vmem>>, vector<16xf32>,
      tpu.vector_store %arg21[%swap3A_173, %swap3A_174], %broadcast_in_dim3A_170 {strides = array<i32>} : memref<208x128xf32, #tpu.memory_space<vmem>>, vector<16xf32>,
      %broadcast_in_dim3A_176 = arith.constant 0.000000e+00 : f32
      %broadcast_in_dim3A_177 = vector.broadcast %broadcast_in_dim3A_176 : f32 to vector<16xf32>
      %add3A_178 = arith.constant 200 : i32
      %add3A_179 = arith.addi %add3A_178, %scan3A_133 : i32
      %swap3A_180 = arith.index_cast %add3A_179 : i32 to index
      %swap3A_181 = arith.constant 48 : index
      %swap3A_182 = tpu.vector_load %arg15[%swap3A_180, %swap3A_181] {strides = array<i32>} : memref<208x128xf32, #tpu.memory_space<vmem>>, vector<16xf32>,
      tpu.vector_store %arg15[%swap3A_180, %swap3A_181], %broadcast_in_dim3A_177 {strides = array<i32>} : memref<208x128xf32, #tpu.memory_space<vmem>>, vector<16xf32>,
      %broadcast_in_dim3A_183 = arith.constant 0.000000e+00 : f32
      %broadcast_in_dim3A_184 = vector.broadcast %broadcast_in_dim3A_183 : f32 to vector<16xf32>
      %add3A_185 = arith.constant 200 : i32
      %add3A_186 = arith.addi %add3A_185, %scan3A_133 : i32
      %swap3A_187 = arith.index_cast %add3A_186 : i32 to index
      %swap3A_188 = arith.constant 48 : index
      %swap3A_189 = tpu.vector_load %arg21[%swap3A_187, %swap3A_188] {strides = array<i32>} : memref<208x128xf32, #tpu.memory_space<vmem>>, vector<16xf32>,
      tpu.vector_store %arg21[%swap3A_187, %swap3A_188], %broadcast_in_dim3A_184 {strides = array<i32>} : memref<208x128xf32, #tpu.memory_space<vmem>>, vector<16xf32>,
      %broadcast_in_dim3A_190 = arith.constant 0.000000e+00 : f32
      %broadcast_in_dim3A_191 = vector.broadcast %broadcast_in_dim3A_190 : f32 to vector<16xf32>
      %add3A_192 = arith.constant 200 : i32
      %add3A_193 = arith.addi %add3A_192, %scan3A_133 : i32
      %swap3A_194 = arith.index_cast %add3A_193 : i32 to index
      %swap3A_195 = arith.constant 64 : index
      %swap3A_196 = tpu.vector_load %arg15[%swap3A_194, %swap3A_195] {strides = array<i32>} : memref<208x128xf32, #tpu.memory_space<vmem>>, vector<16xf32>,
      tpu.vector_store %arg15[%swap3A_194, %swap3A_195], %broadcast_in_dim3A_191 {strides = array<i32>} : memref<208x128xf32, #tpu.memory_space<vmem>>, vector<16xf32>,
      %broadcast_in_dim3A_197 = arith.constant 0.000000e+00 : f32
      %broadcast_in_dim3A_198 = vector.broadcast %broadcast_in_dim3A_197 : f32 to vector<16xf32>
      %add3A_199 = arith.constant 200 : i32
      %add3A_200 = arith.addi %add3A_199, %scan3A_133 : i32
      %swap3A_201 = arith.index_cast %add3A_200 : i32 to index
      %swap3A_202 = arith.constant 64 : index
      %swap3A_203 = tpu.vector_load %arg21[%swap3A_201, %swap3A_202] {strides = array<i32>} : memref<208x128xf32, #tpu.memory_space<vmem>>, vector<16xf32>,
      tpu.vector_store %arg21[%swap3A_201, %swap3A_202], %broadcast_in_dim3A_198 {strides = array<i32>} : memref<208x128xf32, #tpu.memory_space<vmem>>, vector<16xf32>,
      %broadcast_in_dim3A_204 = arith.constant 0.000000e+00 : f32
      %broadcast_in_dim3A_205 = vector.broadcast %broadcast_in_dim3A_204 : f32 to vector<16xf32>
      %add3A_206 = arith.constant 200 : i32
      %add3A_207 = arith.addi %add3A_206, %scan3A_133 : i32
      %swap3A_208 = arith.index_cast %add3A_207 : i32 to index
      %swap3A_209 = arith.constant 80 : index
      %swap3A_210 = tpu.vector_load %arg15[%swap3A_208, %swap3A_209] {strides = array<i32>} : memref<208x128xf32, #tpu.memory_space<vmem>>, vector<16xf32>,
      tpu.vector_store %arg15[%swap3A_208, %swap3A_209], %broadcast_in_dim3A_205 {strides = array<i32>} : memref<208x128xf32, #tpu.memory_space<vmem>>, vector<16xf32>,
      %broadcast_in_dim3A_211 = arith.constant 0.000000e+00 : f32
      %broadcast_in_dim3A_212 = vector.broadcast %broadcast_in_dim3A_211 : f32 to vector<16xf32>
      %add3A_213 = arith.constant 200 : i32
      %add3A_214 = arith.addi %add3A_213, %scan3A_133 : i32
      %swap3A_215 = arith.index_cast %add3A_214 : i32 to index
      %swap3A_216 = arith.constant 80 : index
      %swap3A_217 = tpu.vector_load %arg21[%swap3A_215, %swap3A_216] {strides = array<i32>} : memref<208x128xf32, #tpu.memory_space<vmem>>, vector<16xf32>,
      tpu.vector_store %arg21[%swap3A_215, %swap3A_216], %broadcast_in_dim3A_212 {strides = array<i32>} : memref<208x128xf32, #tpu.memory_space<vmem>>, vector<16xf32>,
      %broadcast_in_dim3A_218 = arith.constant 0.000000e+00 : f32
      %broadcast_in_dim3A_219 = vector.broadcast %broadcast_in_dim3A_218 : f32 to vector<16xf32>
      %add3A_220 = arith.constant 200 : i32
      %add3A_221 = arith.addi %add3A_220, %scan3A_133 : i32
      %swap3A_222 = arith.index_cast %add3A_221 : i32 to index
      %swap3A_223 = arith.constant 96 : index
      %swap3A_224 = tpu.vector_load %arg15[%swap3A_222, %swap3A_223] {strides = array<i32>} : memref<208x128xf32, #tpu.memory_space<vmem>>, vector<16xf32>,
      tpu.vector_store %arg15[%swap3A_222, %swap3A_223], %broadcast_in_dim3A_219 {strides = array<i32>} : memref<208x128xf32, #tpu.memory_space<vmem>>, vector<16xf32>,
      %broadcast_in_dim3A_225 = arith.constant 0.000000e+00 : f32
      %broadcast_in_dim3A_226 = vector.broadcast %broadcast_in_dim3A_225 : f32 to vector<16xf32>
      %add3A_227 = arith.constant 200 : i32
      %add3A_228 = arith.addi %add3A_227, %scan3A_133 : i32
      %swap3A_229 = arith.index_cast %add3A_228 : i32 to index
      %swap3A_230 = arith.constant 96 : index
      %swap3A_231 = tpu.vector_load %arg21[%swap3A_229, %swap3A_230] {strides = array<i32>} : memref<208x128xf32, #tpu.memory_space<vmem>>, vector<16xf32>,
      tpu.vector_store %arg21[%swap3A_229, %swap3A_230], %broadcast_in_dim3A_226 {strides = array<i32>} : memref<208x128xf32, #tpu.memory_space<vmem>>, vector<16xf32>,
      %broadcast_in_dim3A_232 = arith.constant 0.000000e+00 : f32
      %broadcast_in_dim3A_233 = vector.broadcast %broadcast_in_dim3A_232 : f32 to vector<16xf32>
      %add3A_234 = arith.constant 200 : i32
      %add3A_235 = arith.addi %add3A_234, %scan3A_133 : i32
      %swap3A_236 = arith.index_cast %add3A_235 : i32 to index
      %swap3A_237 = arith.constant 112 : index
      %swap3A_238 = tpu.vector_load %arg15[%swap3A_236, %swap3A_237] {strides = array<i32>} : memref<208x128xf32, #tpu.memory_space<vmem>>, vector<16xf32>,
      tpu.vector_store %arg15[%swap3A_236, %swap3A_237], %broadcast_in_dim3A_233 {strides = array<i32>} : memref<208x128xf32, #tpu.memory_space<vmem>>, vector<16xf32>,
      %broadcast_in_dim3A_239 = arith.constant 0.000000e+00 : f32
      %broadcast_in_dim3A_240 = vector.broadcast %broadcast_in_dim3A_239 : f32 to vector<16xf32>
      %add3A_241 = arith.constant 200 : i32
      %add3A_242 = arith.addi %add3A_241, %scan3A_133 : i32
      %swap3A_243 = arith.index_cast %add3A_242 : i32 to index
      %swap3A_244 = arith.constant 112 : index
      %swap3A_245 = tpu.vector_load %arg21[%swap3A_243, %swap3A_244] {strides = array<i32>} : memref<208x128xf32, #tpu.memory_space<vmem>>, vector<16xf32>,
      tpu.vector_store %arg21[%swap3A_243, %swap3A_244], %broadcast_in_dim3A_240 {strides = array<i32>} : memref<208x128xf32, #tpu.memory_space<vmem>>, vector<16xf32>,
    }
    %scan3A_32 = arith.constant 8 : i32
    %mul3A = arith.constant 320 : i32
    %mul3A_33 = arith.muli %arg1, %mul3A : i32
    %multiple_of3A = tpu.assume_multiple %mul3A_33, 8 : i32
    "tpu.region"() ({
      %run_scoped3A = tpu.sem_alloc : memref<!tpu.dma_semaphore, #tpu.memory_space<semaphore_mem>>
      %dma_start3A_133 = arith.constant 0 : i32
      %dma_start3A_134 = tpu.memref_slice %arg25[%multiple_of3A, %dma_start3A_133] : memref<5120x128xf32, #tpu.memory_space<vmem_shared>> -> memref<208x128xf32, #tpu.memory_space<vmem_shared>>
      %dma_start3A_135 = arith.constant 0 : i32
      %dma_start3A_136 = tpu.memref_slice %arg25[%multiple_of3A, %dma_start3A_135] : memref<5120x128xf32, #tpu.memory_space<vmem_shared>> -> memref<208x128xf32, #tpu.memory_space<vmem_shared>>
      tpu.enqueue_dma source(%arg24 : memref<208x128xf32, #tpu.memory_space<vmem>>) target(%dma_start3A_136 : memref<208x128xf32, #tpu.memory_space<vmem_shared>>) target_semaphore(%run_scoped3A : memref<!tpu.dma_semaphore, #tpu.memory_space<semaphore_mem>>)
      %dma_wait3A_137 = arith.constant 0 : i32
      %dma_wait3A_138 = tpu.memref_slice %arg25[%multiple_of3A, %dma_wait3A_137] : memref<5120x128xf32, #tpu.memory_space<vmem_shared>> -> memref<208x128xf32, #tpu.memory_space<vmem_shared>>
      %dma_wait3A_139 = arith.constant 0 : i32
      %dma_wait3A_140 = tpu.memref_slice %arg25[%multiple_of3A, %dma_wait3A_139] : memref<5120x128xf32, #tpu.memory_space<vmem_shared>> -> memref<208x128xf32, #tpu.memory_space<vmem_shared>>
      tpu.wait_dma2 semaphore(%run_scoped3A : memref<!tpu.dma_semaphore, #tpu.memory_space<semaphore_mem>>) src(%arg24 : memref<208x128xf32, #tpu.memory_space<vmem>>) dst(%dma_wait3A_140 : memref<208x128xf32, #tpu.memory_space<vmem_shared>>)
      tpu.yield
    }) : () -> ()
    %add3A = arith.constant 208 : i32
    %add3A_34 = arith.addi %multiple_of3A, %add3A : i32
    "tpu.region"() ({
      %run_scoped3A = tpu.sem_alloc : memref<!tpu.dma_semaphore, #tpu.memory_space<semaphore_mem>>
      %dma_start3A_133 = arith.constant 0 : i32
      %dma_start3A_134 = arith.constant 0 : i32
      %dma_start3A_135 = tpu.memref_slice %arg24[%dma_start3A_133, %dma_start3A_134] : memref<208x128xf32, #tpu.memory_space<vmem>> -> memref<112x128xf32, #tpu.memory_space<vmem>>
      %dma_start3A_136 = arith.constant 0 : i32
      %dma_start3A_137 = tpu.memref_slice %arg25[%add3A_34, %dma_start3A_136] : memref<5120x128xf32, #tpu.memory_space<vmem_shared>> -> memref<112x128xf32, #tpu.memory_space<vmem_shared>>
      %dma_start3A_138 = arith.constant 0 : i32
      %dma_start3A_139 = tpu.memref_slice %arg25[%add3A_34, %dma_start3A_138] : memref<5120x128xf32, #tpu.memory_space<vmem_shared>> -> memref<112x128xf32, #tpu.memory_space<vmem_shared>>
      %dma_start3A_140 = arith.constant 0 : i32
      %dma_start3A_141 = arith.constant 0 : i32
      %dma_start3A_142 = tpu.memref_slice %arg24[%dma_start3A_140, %dma_start3A_141] : memref<208x128xf32, #tpu.memory_space<vmem>> -> memref<112x128xf32, #tpu.memory_space<vmem>>
      tpu.enqueue_dma source(%dma_start3A_142 : memref<112x128xf32, #tpu.memory_space<vmem>>) target(%dma_start3A_139 : memref<112x128xf32, #tpu.memory_space<vmem_shared>>) target_semaphore(%run_scoped3A : memref<!tpu.dma_semaphore, #tpu.memory_space<semaphore_mem>>)
      %dma_wait3A_143 = arith.constant 0 : i32
      %dma_wait3A_144 = arith.constant 0 : i32
      %dma_wait3A_145 = tpu.memref_slice %arg24[%dma_wait3A_143, %dma_wait3A_144] : memref<208x128xf32, #tpu.memory_space<vmem>> -> memref<112x128xf32, #tpu.memory_space<vmem>>
      %dma_wait3A_146 = arith.constant 0 : i32
      %dma_wait3A_147 = tpu.memref_slice %arg25[%add3A_34, %dma_wait3A_146] : memref<5120x128xf32, #tpu.memory_space<vmem_shared>> -> memref<112x128xf32, #tpu.memory_space<vmem_shared>>
      %dma_wait3A_148 = arith.constant 0 : i32
      %dma_wait3A_149 = tpu.memref_slice %arg25[%add3A_34, %dma_wait3A_148] : memref<5120x128xf32, #tpu.memory_space<vmem_shared>> -> memref<112x128xf32, #tpu.memory_space<vmem_shared>>
      %dma_wait3A_150 = arith.constant 0 : i32
      %dma_wait3A_151 = arith.constant 0 : i32
      %dma_wait3A_152 = tpu.memref_slice %arg24[%dma_wait3A_150, %dma_wait3A_151] : memref<208x128xf32, #tpu.memory_space<vmem>> -> memref<112x128xf32, #tpu.memory_space<vmem>>
      tpu.wait_dma2 semaphore(%run_scoped3A : memref<!tpu.dma_semaphore, #tpu.memory_space<semaphore_mem>>) src(%dma_wait3A_152 : memref<112x128xf32, #tpu.memory_space<vmem>>) dst(%dma_wait3A_149 : memref<112x128xf32, #tpu.memory_space<vmem_shared>>)
      tpu.yield
    }) : () -> ()
    %mul3A_35 = arith.constant 40 : i32
    %mul3A_36 = arith.muli %arg1, %mul3A_35 : i32
    %multiple_of3A_37 = tpu.assume_multiple %mul3A_36, 8 : i32
    "tpu.region"() ({
      %run_scoped3A = tpu.sem_alloc : memref<!tpu.dma_semaphore, #tpu.memory_space<semaphore_mem>>
      %dma_start3A_133 = arith.constant 0 : i32
      %dma_start3A_134 = arith.constant 0 : i32
      %dma_start3A_135 = tpu.memref_slice %arg24[%dma_start3A_133, %dma_start3A_134] : memref<208x128xf32, #tpu.memory_space<vmem>> -> memref<40x128xf32, #tpu.memory_space<vmem>>
      %dma_start3A_136 = arith.constant 0 : i32
      %dma_start3A_137 = tpu.memref_slice %arg26[%multiple_of3A_37, %dma_start3A_136] : memref<640x128xf32, #tpu.memory_space<vmem_shared>> -> memref<40x128xf32, #tpu.memory_space<vmem_shared>>
      %dma_start3A_138 = arith.constant 0 : i32
      %dma_start3A_139 = tpu.memref_slice %arg26[%multiple_of3A_37, %dma_start3A_138] : memref<640x128xf32, #tpu.memory_space<vmem_shared>> -> memref<40x128xf32, #tpu.memory_space<vmem_shared>>
      %dma_start3A_140 = arith.constant 0 : i32
      %dma_start3A_141 = arith.constant 0 : i32
      %dma_start3A_142 = tpu.memref_slice %arg24[%dma_start3A_140, %dma_start3A_141] : memref<208x128xf32, #tpu.memory_space<vmem>> -> memref<40x128xf32, #tpu.memory_space<vmem>>
      tpu.enqueue_dma source(%dma_start3A_142 : memref<40x128xf32, #tpu.memory_space<vmem>>) target(%dma_start3A_139 : memref<40x128xf32, #tpu.memory_space<vmem_shared>>) target_semaphore(%run_scoped3A : memref<!tpu.dma_semaphore, #tpu.memory_space<semaphore_mem>>)
      %dma_wait3A_143 = arith.constant 0 : i32
      %dma_wait3A_144 = arith.constant 0 : i32
      %dma_wait3A_145 = tpu.memref_slice %arg24[%dma_wait3A_143, %dma_wait3A_144] : memref<208x128xf32, #tpu.memory_space<vmem>> -> memref<40x128xf32, #tpu.memory_space<vmem>>
      %dma_wait3A_146 = arith.constant 0 : i32
      %dma_wait3A_147 = tpu.memref_slice %arg26[%multiple_of3A_37, %dma_wait3A_146] : memref<640x128xf32, #tpu.memory_space<vmem_shared>> -> memref<40x128xf32, #tpu.memory_space<vmem_shared>>
      %dma_wait3A_148 = arith.constant 0 : i32
      %dma_wait3A_149 = tpu.memref_slice %arg26[%multiple_of3A_37, %dma_wait3A_148] : memref<640x128xf32, #tpu.memory_space<vmem_shared>> -> memref<40x128xf32, #tpu.memory_space<vmem_shared>>
      %dma_wait3A_150 = arith.constant 0 : i32
      %dma_wait3A_151 = arith.constant 0 : i32
      %dma_wait3A_152 = tpu.memref_slice %arg24[%dma_wait3A_150, %dma_wait3A_151] : memref<208x128xf32, #tpu.memory_space<vmem>> -> memref<40x128xf32, #tpu.memory_space<vmem>>
      tpu.wait_dma2 semaphore(%run_scoped3A : memref<!tpu.dma_semaphore, #tpu.memory_space<semaphore_mem>>) src(%dma_wait3A_152 : memref<40x128xf32, #tpu.memory_space<vmem>>) dst(%dma_wait3A_149 : memref<40x128xf32, #tpu.memory_space<vmem_shared>>)
      tpu.yield
    }) : () -> ()
    %barrier3A = arith.constant 0 : index
    tpu.barrier barrier_id(%barrier3A)
    %iota3A = tpu.iota {dimensions = array<i32: 0>} : vector<16xi32>
    %mul3A_38 = arith.constant 5000 : i32
    %mul3A_39 = arith.muli %arg0, %mul3A_38 : i32
    %mul3A_40 = arith.constant 20000 : i32
    %mul3A_41 = arith.muli %arg1, %mul3A_40 : i32
    %dma_start3A = arith.constant 0 : i32
    %dma_start3A_42 = tpu.memref_slice %arg10[%dma_start3A] : memref<208xi32, #tpu.memory_space<vmem>> -> memref<200xi32, #tpu.memory_space<vmem>>
    %dma_start3A_43 = tpu.memref_slice %arg3[%mul3A_41] : memref<320000xi32, #tpu.memory_space<hbm>> -> memref<200xi32, #tpu.memory_space<hbm>>
    %dma_start3A_44 = arith.constant 0 : i32
    %dma_start3A_45 = tpu.memref_slice %arg10[%dma_start3A_44] : memref<208xi32, #tpu.memory_space<vmem>> -> memref<200xi32, #tpu.memory_space<vmem>>
    %dma_start3A_46 = tpu.memref_slice %arg3[%mul3A_41] : memref<320000xi32, #tpu.memory_space<hbm>> -> memref<200xi32, #tpu.memory_space<hbm>>
    tpu.enqueue_dma source(%dma_start3A_46 : memref<200xi32, #tpu.memory_space<hbm>>) target(%dma_start3A_45 : memref<200xi32, #tpu.memory_space<vmem>>) target_semaphore(%arg27 : memref<!tpu.dma_semaphore, #tpu.memory_space<semaphore_mem>>)
    %dma_start3A_47 = arith.constant 0 : i32
    %dma_start3A_48 = tpu.memref_slice %arg11[%dma_start3A_47] : memref<208xf32, #tpu.memory_space<vmem>> -> memref<200xf32, #tpu.memory_space<vmem>>
    %dma_start3A_49 = tpu.memref_slice %arg4[%mul3A_41] : memref<327680xf32, #tpu.memory_space<hbm>> -> memref<200xf32, #tpu.memory_space<hbm>>
    %dma_start3A_50 = arith.constant 0 : i32
    %dma_start3A_51 = tpu.memref_slice %arg11[%dma_start3A_50] : memref<208xf32, #tpu.memory_space<vmem>> -> memref<200xf32, #tpu.memory_space<vmem>>
    %dma_start3A_52 = tpu.memref_slice %arg4[%mul3A_41] : memref<327680xf32, #tpu.memory_space<hbm>> -> memref<200xf32, #tpu.memory_space<hbm>>
    tpu.enqueue_dma source(%dma_start3A_52 : memref<200xf32, #tpu.memory_space<hbm>>) target(%dma_start3A_51 : memref<200xf32, #tpu.memory_space<vmem>>) target_semaphore(%arg27 : memref<!tpu.dma_semaphore, #tpu.memory_space<semaphore_mem>>)
    %dma_start3A_53 = arith.constant 0 : i32
    %dma_start3A_54 = tpu.memref_slice %arg12[%dma_start3A_53] : memref<208xf32, #tpu.memory_space<vmem>> -> memref<200xf32, #tpu.memory_space<vmem>>
    %dma_start3A_55 = tpu.memref_slice %arg5[%mul3A_41] : memref<320000xf32, #tpu.memory_space<hbm>> -> memref<200xf32, #tpu.memory_space<hbm>>
    %dma_start3A_56 = arith.constant 0 : i32
    %dma_start3A_57 = tpu.memref_slice %arg12[%dma_start3A_56] : memref<208xf32, #tpu.memory_space<vmem>> -> memref<200xf32, #tpu.memory_space<vmem>>
    %dma_start3A_58 = tpu.memref_slice %arg5[%mul3A_41] : memref<320000xf32, #tpu.memory_space<hbm>> -> memref<200xf32, #tpu.memory_space<hbm>>
    tpu.enqueue_dma source(%dma_start3A_58 : memref<200xf32, #tpu.memory_space<hbm>>) target(%dma_start3A_57 : memref<200xf32, #tpu.memory_space<vmem>>) target_semaphore(%arg27 : memref<!tpu.dma_semaphore, #tpu.memory_space<semaphore_mem>>)
    %dma_start3A_59 = arith.constant 0 : i32
    %dma_start3A_60 = tpu.memref_slice %arg13[%dma_start3A_59] : memref<208xf32, #tpu.memory_space<vmem>> -> memref<200xf32, #tpu.memory_space<vmem>>
    %dma_start3A_61 = tpu.memref_slice %arg6[%mul3A_41] : memref<320000xf32, #tpu.memory_space<hbm>> -> memref<200xf32, #tpu.memory_space<hbm>>
    %dma_start3A_62 = arith.constant 0 : i32
    %dma_start3A_63 = tpu.memref_slice %arg13[%dma_start3A_62] : memref<208xf32, #tpu.memory_space<vmem>> -> memref<200xf32, #tpu.memory_space<vmem>>
    %dma_start3A_64 = tpu.memref_slice %arg6[%mul3A_41] : memref<320000xf32, #tpu.memory_space<hbm>> -> memref<200xf32, #tpu.memory_space<hbm>>
    tpu.enqueue_dma source(%dma_start3A_64 : memref<200xf32, #tpu.memory_space<hbm>>) target(%dma_start3A_63 : memref<200xf32, #tpu.memory_space<vmem>>) target_semaphore(%arg27 : memref<!tpu.dma_semaphore, #tpu.memory_space<semaphore_mem>>)
    %dma_start3A_65 = arith.constant 0 : i32
    %dma_start3A_66 = tpu.memref_slice %arg14[%dma_start3A_65] : memref<208xf32, #tpu.memory_space<vmem>> -> memref<200xf32, #tpu.memory_space<vmem>>
    %dma_start3A_67 = tpu.memref_slice %arg7[%mul3A_41] : memref<320000xf32, #tpu.memory_space<hbm>> -> memref<200xf32, #tpu.memory_space<hbm>>
    %dma_start3A_68 = arith.constant 0 : i32
    %dma_start3A_69 = tpu.memref_slice %arg14[%dma_start3A_68] : memref<208xf32, #tpu.memory_space<vmem>> -> memref<200xf32, #tpu.memory_space<vmem>>
    %dma_start3A_70 = tpu.memref_slice %arg7[%mul3A_41] : memref<320000xf32, #tpu.memory_space<hbm>> -> memref<200xf32, #tpu.memory_space<hbm>>
    tpu.enqueue_dma source(%dma_start3A_70 : memref<200xf32, #tpu.memory_space<hbm>>) target(%dma_start3A_69 : memref<200xf32, #tpu.memory_space<vmem>>) target_semaphore(%arg27 : memref<!tpu.dma_semaphore, #tpu.memory_space<semaphore_mem>>)
    %dma_start3A_71 = arith.constant 0 : i32
    %dma_start3A_72 = arith.constant 0 : i32
    %dma_start3A_73 = tpu.memref_slice %arg15[%dma_start3A_71, %dma_start3A_72] : memref<208x128xf32, #tpu.memory_space<vmem>> -> memref<200x128xf32, #tpu.memory_space<vmem>>
    %dma_start3A_74 = arith.constant 0 : i32
    %dma_start3A_75 = tpu.memref_slice %arg2[%mul3A_41, %dma_start3A_74] : memref<327680x128xf32, #tpu.memory_space<hbm>> -> memref<200x128xf32, #tpu.memory_space<hbm>>
    %dma_start3A_76 = arith.constant 0 : i32
    %dma_start3A_77 = arith.constant 0 : i32
    %dma_start3A_78 = tpu.memref_slice %arg15[%dma_start3A_76, %dma_start3A_77] : memref<208x128xf32, #tpu.memory_space<vmem>> -> memref<200x128xf32, #tpu.memory_space<vmem>>
    %dma_start3A_79 = arith.constant 0 : i32
    %dma_start3A_80 = tpu.memref_slice %arg2[%mul3A_41, %dma_start3A_79] : memref<327680x128xf32, #tpu.memory_space<hbm>> -> memref<200x128xf32, #tpu.memory_space<hbm>>
    tpu.enqueue_dma source(%dma_start3A_80 : memref<200x128xf32, #tpu.memory_space<hbm>>) target(%dma_start3A_78 : memref<200x128xf32, #tpu.memory_space<vmem>>) target_semaphore(%arg27 : memref<!tpu.dma_semaphore, #tpu.memory_space<semaphore_mem>>)
    %scan3A_81 = arith.constant 0 : i32
    %scan3A_82 = arith.constant 0 : i32
    %scan3A_83 = arith.constant 50 : i32
    %scan3A_84 = arith.addi %scan3A_82, %scan3A_83 : i32
    %scan3A_85 = arith.constant 1 : i32
    scf.for %scan3A_133 = %scan3A_82 to %scan3A_84 step %scan3A_85  : i32 {
      %mul3A_134 = arith.constant 2 : i32
      %mul3A_135 = arith.muli %mul3A_134, %scan3A_133 : i32
      %mul3A_136 = arith.constant 200 : i32
      %mul3A_137 = arith.muli %mul3A_135, %mul3A_136 : i32
      %add3A_138 = arith.addi %mul3A_41, %mul3A_137 : i32
      %add3A_139 = arith.constant 200 : i32
      %add3A_140 = arith.addi %add3A_138, %add3A_139 : i32
      %dma_wait3A_141 = arith.constant 0 : i32
      %dma_wait3A_142 = tpu.memref_slice %arg10[%dma_wait3A_141] : memref<208xi32, #tpu.memory_space<vmem>> -> memref<200xi32, #tpu.memory_space<vmem>>
      %dma_wait3A_143 = tpu.memref_slice %arg3[%add3A_138] : memref<320000xi32, #tpu.memory_space<hbm>> -> memref<200xi32, #tpu.memory_space<hbm>>
      %dma_wait3A_144 = arith.constant 0 : i32
      %dma_wait3A_145 = tpu.memref_slice %arg10[%dma_wait3A_144] : memref<208xi32, #tpu.memory_space<vmem>> -> memref<200xi32, #tpu.memory_space<vmem>>
      %dma_wait3A_146 = tpu.memref_slice %arg3[%add3A_138] : memref<320000xi32, #tpu.memory_space<hbm>> -> memref<200xi32, #tpu.memory_space<hbm>>
      tpu.wait_dma2 semaphore(%arg27 : memref<!tpu.dma_semaphore, #tpu.memory_space<semaphore_mem>>) src(%dma_wait3A_146 : memref<200xi32, #tpu.memory_space<hbm>>) dst(%dma_wait3A_145 : memref<200xi32, #tpu.memory_space<vmem>>)
      %dma_wait3A_147 = arith.constant 0 : i32
      %dma_wait3A_148 = tpu.memref_slice %arg11[%dma_wait3A_147] : memref<208xf32, #tpu.memory_space<vmem>> -> memref<200xf32, #tpu.memory_space<vmem>>
      %dma_wait3A_149 = tpu.memref_slice %arg4[%add3A_138] : memref<327680xf32, #tpu.memory_space<hbm>> -> memref<200xf32, #tpu.memory_space<hbm>>
      %dma_wait3A_150 = arith.constant 0 : i32
      %dma_wait3A_151 = tpu.memref_slice %arg11[%dma_wait3A_150] : memref<208xf32, #tpu.memory_space<vmem>> -> memref<200xf32, #tpu.memory_space<vmem>>
      %dma_wait3A_152 = tpu.memref_slice %arg4[%add3A_138] : memref<327680xf32, #tpu.memory_space<hbm>> -> memref<200xf32, #tpu.memory_space<hbm>>
      tpu.wait_dma2 semaphore(%arg27 : memref<!tpu.dma_semaphore, #tpu.memory_space<semaphore_mem>>) src(%dma_wait3A_152 : memref<200xf32, #tpu.memory_space<hbm>>) dst(%dma_wait3A_151 : memref<200xf32, #tpu.memory_space<vmem>>)
      %dma_wait3A_153 = arith.constant 0 : i32
      %dma_wait3A_154 = tpu.memref_slice %arg12[%dma_wait3A_153] : memref<208xf32, #tpu.memory_space<vmem>> -> memref<200xf32, #tpu.memory_space<vmem>>
      %dma_wait3A_155 = tpu.memref_slice %arg5[%add3A_138] : memref<320000xf32, #tpu.memory_space<hbm>> -> memref<200xf32, #tpu.memory_space<hbm>>
      %dma_wait3A_156 = arith.constant 0 : i32
      %dma_wait3A_157 = tpu.memref_slice %arg12[%dma_wait3A_156] : memref<208xf32, #tpu.memory_space<vmem>> -> memref<200xf32, #tpu.memory_space<vmem>>
      %dma_wait3A_158 = tpu.memref_slice %arg5[%add3A_138] : memref<320000xf32, #tpu.memory_space<hbm>> -> memref<200xf32, #tpu.memory_space<hbm>>
      tpu.wait_dma2 semaphore(%arg27 : memref<!tpu.dma_semaphore, #tpu.memory_space<semaphore_mem>>) src(%dma_wait3A_158 : memref<200xf32, #tpu.memory_space<hbm>>) dst(%dma_wait3A_157 : memref<200xf32, #tpu.memory_space<vmem>>)
      %dma_wait3A_159 = arith.constant 0 : i32
      %dma_wait3A_160 = tpu.memref_slice %arg13[%dma_wait3A_159] : memref<208xf32, #tpu.memory_space<vmem>> -> memref<200xf32, #tpu.memory_space<vmem>>
      %dma_wait3A_161 = tpu.memref_slice %arg6[%add3A_138] : memref<320000xf32, #tpu.memory_space<hbm>> -> memref<200xf32, #tpu.memory_space<hbm>>
      %dma_wait3A_162 = arith.constant 0 : i32
      %dma_wait3A_163 = tpu.memref_slice %arg13[%dma_wait3A_162] : memref<208xf32, #tpu.memory_space<vmem>> -> memref<200xf32, #tpu.memory_space<vmem>>
      %dma_wait3A_164 = tpu.memref_slice %arg6[%add3A_138] : memref<320000xf32, #tpu.memory_space<hbm>> -> memref<200xf32, #tpu.memory_space<hbm>>
      tpu.wait_dma2 semaphore(%arg27 : memref<!tpu.dma_semaphore, #tpu.memory_space<semaphore_mem>>) src(%dma_wait3A_164 : memref<200xf32, #tpu.memory_space<hbm>>) dst(%dma_wait3A_163 : memref<200xf32, #tpu.memory_space<vmem>>)
      %dma_wait3A_165 = arith.constant 0 : i32
      %dma_wait3A_166 = tpu.memref_slice %arg14[%dma_wait3A_165] : memref<208xf32, #tpu.memory_space<vmem>> -> memref<200xf32, #tpu.memory_space<vmem>>
      %dma_wait3A_167 = tpu.memref_slice %arg7[%add3A_138] : memref<320000xf32, #tpu.memory_space<hbm>> -> memref<200xf32, #tpu.memory_space<hbm>>
      %dma_wait3A_168 = arith.constant 0 : i32
      %dma_wait3A_169 = tpu.memref_slice %arg14[%dma_wait3A_168] : memref<208xf32, #tpu.memory_space<vmem>> -> memref<200xf32, #tpu.memory_space<vmem>>
      %dma_wait3A_170 = tpu.memref_slice %arg7[%add3A_138] : memref<320000xf32, #tpu.memory_space<hbm>> -> memref<200xf32, #tpu.memory_space<hbm>>
      tpu.wait_dma2 semaphore(%arg27 : memref<!tpu.dma_semaphore, #tpu.memory_space<semaphore_mem>>) src(%dma_wait3A_170 : memref<200xf32, #tpu.memory_space<hbm>>) dst(%dma_wait3A_169 : memref<200xf32, #tpu.memory_space<vmem>>)
      %dma_wait3A_171 = arith.constant 0 : i32
      %dma_wait3A_172 = arith.constant 0 : i32
      %dma_wait3A_173 = tpu.memref_slice %arg15[%dma_wait3A_171, %dma_wait3A_172] : memref<208x128xf32, #tpu.memory_space<vmem>> -> memref<200x128xf32, #tpu.memory_space<vmem>>
      %dma_wait3A_174 = arith.constant 0 : i32
      %dma_wait3A_175 = tpu.memref_slice %arg2[%add3A_138, %dma_wait3A_174] : memref<327680x128xf32, #tpu.memory_space<hbm>> -> memref<200x128xf32, #tpu.memory_space<hbm>>
      %dma_wait3A_176 = arith.constant 0 : i32
      %dma_wait3A_177 = arith.constant 0 : i32
      %dma_wait3A_178 = tpu.memref_slice %arg15[%dma_wait3A_176, %dma_wait3A_177] : memref<208x128xf32, #tpu.memory_space<vmem>> -> memref<200x128xf32, #tpu.memory_space<vmem>>
      %dma_wait3A_179 = arith.constant 0 : i32
      %dma_wait3A_180 = tpu.memref_slice %arg2[%add3A_138, %dma_wait3A_179] : memref<327680x128xf32, #tpu.memory_space<hbm>> -> memref<200x128xf32, #tpu.memory_space<hbm>>
      tpu.wait_dma2 semaphore(%arg27 : memref<!tpu.dma_semaphore, #tpu.memory_space<semaphore_mem>>) src(%dma_wait3A_180 : memref<200x128xf32, #tpu.memory_space<hbm>>) dst(%dma_wait3A_178 : memref<200x128xf32, #tpu.memory_space<vmem>>)
      %dma_start3A_181 = arith.constant 0 : i32
      %dma_start3A_182 = tpu.memref_slice %arg16[%dma_start3A_181] : memref<208xi32, #tpu.memory_space<vmem>> -> memref<200xi32, #tpu.memory_space<vmem>>
      %dma_start3A_183 = tpu.memref_slice %arg3[%add3A_140] : memref<320000xi32, #tpu.memory_space<hbm>> -> memref<200xi32, #tpu.memory_space<hbm>>
      %dma_start3A_184 = arith.constant 0 : i32
      %dma_start3A_185 = tpu.memref_slice %arg16[%dma_start3A_184] : memref<208xi32, #tpu.memory_space<vmem>> -> memref<200xi32, #tpu.memory_space<vmem>>
      %dma_start3A_186 = tpu.memref_slice %arg3[%add3A_140] : memref<320000xi32, #tpu.memory_space<hbm>> -> memref<200xi32, #tpu.memory_space<hbm>>
      tpu.enqueue_dma source(%dma_start3A_186 : memref<200xi32, #tpu.memory_space<hbm>>) target(%dma_start3A_185 : memref<200xi32, #tpu.memory_space<vmem>>) target_semaphore(%arg27 : memref<!tpu.dma_semaphore, #tpu.memory_space<semaphore_mem>>)
      %dma_start3A_187 = arith.constant 0 : i32
      %dma_start3A_188 = tpu.memref_slice %arg17[%dma_start3A_187] : memref<208xf32, #tpu.memory_space<vmem>> -> memref<200xf32, #tpu.memory_space<vmem>>
      %dma_start3A_189 = tpu.memref_slice %arg4[%add3A_140] : memref<327680xf32, #tpu.memory_space<hbm>> -> memref<200xf32, #tpu.memory_space<hbm>>
      %dma_start3A_190 = arith.constant 0 : i32
      %dma_start3A_191 = tpu.memref_slice %arg17[%dma_start3A_190] : memref<208xf32, #tpu.memory_space<vmem>> -> memref<200xf32, #tpu.memory_space<vmem>>
      %dma_start3A_192 = tpu.memref_slice %arg4[%add3A_140] : memref<327680xf32, #tpu.memory_space<hbm>> -> memref<200xf32, #tpu.memory_space<hbm>>
      tpu.enqueue_dma source(%dma_start3A_192 : memref<200xf32, #tpu.memory_space<hbm>>) target(%dma_start3A_191 : memref<200xf32, #tpu.memory_space<vmem>>) target_semaphore(%arg27 : memref<!tpu.dma_semaphore, #tpu.memory_space<semaphore_mem>>)
      %dma_start3A_193 = arith.constant 0 : i32
      %dma_start3A_194 = tpu.memref_slice %arg18[%dma_start3A_193] : memref<208xf32, #tpu.memory_space<vmem>> -> memref<200xf32, #tpu.memory_space<vmem>>
      %dma_start3A_195 = tpu.memref_slice %arg5[%add3A_140] : memref<320000xf32, #tpu.memory_space<hbm>> -> memref<200xf32, #tpu.memory_space<hbm>>
      %dma_start3A_196 = arith.constant 0 : i32
      %dma_start3A_197 = tpu.memref_slice %arg18[%dma_start3A_196] : memref<208xf32, #tpu.memory_space<vmem>> -> memref<200xf32, #tpu.memory_space<vmem>>
      %dma_start3A_198 = tpu.memref_slice %arg5[%add3A_140] : memref<320000xf32, #tpu.memory_space<hbm>> -> memref<200xf32, #tpu.memory_space<hbm>>
      tpu.enqueue_dma source(%dma_start3A_198 : memref<200xf32, #tpu.memory_space<hbm>>) target(%dma_start3A_197 : memref<200xf32, #tpu.memory_space<vmem>>) target_semaphore(%arg27 : memref<!tpu.dma_semaphore, #tpu.memory_space<semaphore_mem>>)
      %dma_start3A_199 = arith.constant 0 : i32
      %dma_start3A_200 = tpu.memref_slice %arg19[%dma_start3A_199] : memref<208xf32, #tpu.memory_space<vmem>> -> memref<200xf32, #tpu.memory_space<vmem>>
      %dma_start3A_201 = tpu.memref_slice %arg6[%add3A_140] : memref<320000xf32, #tpu.memory_space<hbm>> -> memref<200xf32, #tpu.memory_space<hbm>>
      %dma_start3A_202 = arith.constant 0 : i32
      %dma_start3A_203 = tpu.memref_slice %arg19[%dma_start3A_202] : memref<208xf32, #tpu.memory_space<vmem>> -> memref<200xf32, #tpu.memory_space<vmem>>
      %dma_start3A_204 = tpu.memref_slice %arg6[%add3A_140] : memref<320000xf32, #tpu.memory_space<hbm>> -> memref<200xf32, #tpu.memory_space<hbm>>
      tpu.enqueue_dma source(%dma_start3A_204 : memref<200xf32, #tpu.memory_space<hbm>>) target(%dma_start3A_203 : memref<200xf32, #tpu.memory_space<vmem>>) target_semaphore(%arg27 : memref<!tpu.dma_semaphore, #tpu.memory_space<semaphore_mem>>)
      %dma_start3A_205 = arith.constant 0 : i32
      %dma_start3A_206 = tpu.memref_slice %arg20[%dma_start3A_205] : memref<208xf32, #tpu.memory_space<vmem>> -> memref<200xf32, #tpu.memory_space<vmem>>
      %dma_start3A_207 = tpu.memref_slice %arg7[%add3A_140] : memref<320000xf32, #tpu.memory_space<hbm>> -> memref<200xf32, #tpu.memory_space<hbm>>
      %dma_start3A_208 = arith.constant 0 : i32
      %dma_start3A_209 = tpu.memref_slice %arg20[%dma_start3A_208] : memref<208xf32, #tpu.memory_space<vmem>> -> memref<200xf32, #tpu.memory_space<vmem>>
      %dma_start3A_210 = tpu.memref_slice %arg7[%add3A_140] : memref<320000xf32, #tpu.memory_space<hbm>> -> memref<200xf32, #tpu.memory_space<hbm>>
      tpu.enqueue_dma source(%dma_start3A_210 : memref<200xf32, #tpu.memory_space<hbm>>) target(%dma_start3A_209 : memref<200xf32, #tpu.memory_space<vmem>>) target_semaphore(%arg27 : memref<!tpu.dma_semaphore, #tpu.memory_space<semaphore_mem>>)
      %dma_start3A_211 = arith.constant 0 : i32
      %dma_start3A_212 = arith.constant 0 : i32
      %dma_start3A_213 = tpu.memref_slice %arg21[%dma_start3A_211, %dma_start3A_212] : memref<208x128xf32, #tpu.memory_space<vmem>> -> memref<200x128xf32, #tpu.memory_space<vmem>>
      %dma_start3A_214 = arith.constant 0 : i32
      %dma_start3A_215 = tpu.memref_slice %arg2[%add3A_140, %dma_start3A_214] : memref<327680x128xf32, #tpu.memory_space<hbm>> -> memref<200x128xf32, #tpu.memory_space<hbm>>
      %dma_start3A_216 = arith.constant 0 : i32
      %dma_start3A_217 = arith.constant 0 : i32
      %dma_start3A_218 = tpu.memref_slice %arg21[%dma_start3A_216, %dma_start3A_217] : memref<208x128xf32, #tpu.memory_space<vmem>> -> memref<200x128xf32, #tpu.memory_space<vmem>>
      %dma_start3A_219 = arith.constant 0 : i32
      %dma_start3A_220 = tpu.memref_slice %arg2[%add3A_140, %dma_start3A_219] : memref<327680x128xf32, #tpu.memory_space<hbm>> -> memref<200x128xf32, #tpu.memory_space<hbm>>
      tpu.enqueue_dma source(%dma_start3A_220 : memref<200x128xf32, #tpu.memory_space<hbm>>) target(%dma_start3A_218 : memref<200x128xf32, #tpu.memory_space<vmem>>) target_semaphore(%arg27 : memref<!tpu.dma_semaphore, #tpu.memory_space<semaphore_mem>>)
      %scan3A_221 = arith.constant 0 : i32
      %scan3A_222 = arith.constant 0 : i32
      %scan3A_223 = arith.constant 13 : i32
      %scan3A_224 = arith.addi %scan3A_222, %scan3A_223 : i32
      %scan3A_225 = arith.constant 1 : i32
      scf.for %scan3A_345 = %scan3A_222 to %scan3A_224 step %scan3A_225  : i32 {
        %mul3A_346 = arith.constant 16 : i32
        %mul3A_347 = arith.muli %scan3A_345, %mul3A_346 : i32
        %get3A = arith.index_cast %mul3A_347 : i32 to index
        %get3A_348 = tpu.vector_load %arg10[%get3A] {strides = array<i32>} : memref<208xi32, #tpu.memory_space<vmem>>, vector<16xi32>,
        %sub3A = vector.broadcast %mul3A_39 : i32 to vector<16xi32>
        %sub3A_349 = arith.subi %get3A_348, %sub3A : vector<16xi32>
        %ge3A = arith.constant 0 : i32
        %ge3A_350 = vector.broadcast %ge3A : i32 to vector<16xi32>
        %ge3A_351 = arith.cmpi sge, %sub3A_349, %ge3A_350 : vector<16xi32>
        %lt3A = arith.constant 5000 : i32
        %lt3A_352 = vector.broadcast %lt3A : i32 to vector<16xi32>
        %lt3A_353 = arith.cmpi slt, %sub3A_349, %lt3A_352 : vector<16xi32>
        %and3A = arith.andi %ge3A_351, %lt3A_353 : vector<16xi1>
        %jit3A = arith.constant 5000 : i32
        %broadcast_in_dim3A_354 = vector.broadcast %jit3A : i32 to vector<16xi32>
        %select_n3A = arith.select %and3A, %sub3A_349, %broadcast_in_dim3A_354 : vector<16xi1>, vector<16xi32>
        %swap3A_355 = arith.index_cast %mul3A_347 : i32 to index
        %swap3A_356 = tpu.vector_load %arg22[%swap3A_355] {strides = array<i32>} : memref<208xi32, #tpu.memory_space<vmem>>, vector<16xi32>,
        tpu.vector_store %arg22[%swap3A_355], %select_n3A {strides = array<i32>} : memref<208xi32, #tpu.memory_space<vmem>>, vector<16xi32>,
        %jit3A_357 = arith.constant 8 : i32
        %div3A = vector.broadcast %jit3A_357 : i32 to vector<16xi32>
        %div3A_358 = arith.divsi %sub3A_349, %div3A : vector<16xi32>
        %sign3A = arith.constant 0 : i32
        %sign3A_359 = vector.broadcast %sign3A : i32 to vector<16xi32>
        %sign3A_360 = arith.cmpi sgt, %sub3A_349, %sign3A_359 : vector<16xi32>
        %sign3A_361 = arith.extui %sign3A_360 : vector<16xi1> to vector<16xi32>
        %sign3A_362 = arith.constant 0 : i32
        %sign3A_363 = vector.broadcast %sign3A_362 : i32 to vector<16xi32>
        %sign3A_364 = arith.cmpi slt, %sub3A_349, %sign3A_363 : vector<16xi32>
        %sign3A_365 = arith.extui %sign3A_364 : vector<16xi1> to vector<16xi32>
        %sign3A_366 = arith.subi %sign3A_361, %sign3A_365 : vector<16xi32>
        %sign3A_367 = arith.constant 0 : i32
        %sign3A_368 = arith.cmpi sgt, %jit3A_357, %sign3A_367 : i32
        %sign3A_369 = arith.extui %sign3A_368 : i1 to i32
        %sign3A_370 = arith.constant 0 : i32
        %sign3A_371 = arith.cmpi slt, %jit3A_357, %sign3A_370 : i32
        %sign3A_372 = arith.extui %sign3A_371 : i1 to i32
        %sign3A_373 = arith.subi %sign3A_369, %sign3A_372 : i32
        %ne3A = vector.broadcast %sign3A_373 : i32 to vector<16xi32>
        %ne3A_374 = arith.cmpi ne, %sign3A_366, %ne3A : vector<16xi32>
        %rem3A_375 = vector.broadcast %jit3A_357 : i32 to vector<16xi32>
        %rem3A_376 = arith.remsi %sub3A_349, %rem3A_375 : vector<16xi32>
        %ne3A_377 = arith.constant 0 : i32
        %ne3A_378 = vector.broadcast %ne3A_377 : i32 to vector<16xi32>
        %ne3A_379 = arith.cmpi ne, %rem3A_376, %ne3A_378 : vector<16xi32>
        %and3A_380 = arith.andi %ne3A_374, %ne3A_379 : vector<16xi1>
        %sub3A_381 = arith.constant 1 : i32
        %sub3A_382 = vector.broadcast %sub3A_381 : i32 to vector<16xi32>
        %sub3A_383 = arith.subi %div3A_358, %sub3A_382 : vector<16xi32>
        %select_n3A_384 = arith.select %and3A_380, %sub3A_383, %div3A_358 : vector<16xi1>, vector<16xi32>
        %jit3A_385 = arith.constant 625 : i32
        %broadcast_in_dim3A_386 = vector.broadcast %jit3A_385 : i32 to vector<16xi32>
        %select_n3A_387 = arith.select %and3A, %select_n3A_384, %broadcast_in_dim3A_386 : vector<16xi1>, vector<16xi32>
        %swap3A_388 = arith.index_cast %mul3A_347 : i32 to index
        %swap3A_389 = tpu.vector_load %arg23[%swap3A_388] {strides = array<i32>} : memref<208xi32, #tpu.memory_space<vmem>>, vector<16xi32>,
        tpu.vector_store %arg23[%swap3A_388], %select_n3A_387 {strides = array<i32>} : memref<208xi32, #tpu.memory_space<vmem>>, vector<16xi32>,
      }
      %scan3A_226 = arith.constant 13 : i32
      "tpu.region"() ({
        %run_scoped3A = tpu.sem_alloc : memref<!tpu.dma_semaphore, #tpu.memory_space<semaphore_mem>>
        %dma_start3A_345 = arith.constant 0 : i32
        %dma_start3A_346 = arith.constant 0 : i32
        %dma_start3A_347 = tpu.memref_slice %arg25[%dma_start3A_345, %dma_start3A_346] : memref<5120x128xf32, #tpu.memory_space<vmem_shared>> -> memref<5120x128xf32, #tpu.memory_space<vmem_shared>>
        tpu.enqueue_indirect_dma source(%arg15 : memref<208x128xf32, #tpu.memory_space<vmem>>) target(%dma_start3A_347 : memref<5120x128xf32, #tpu.memory_space<vmem_shared>>) offsets(%arg22 : memref<208xi32, #tpu.memory_space<vmem>>) semaphore(%run_scoped3A : memref<!tpu.dma_semaphore, #tpu.memory_space<semaphore_mem>>) {add = true}
        %dma_wait3A_348 = arith.constant 0 : i32
        %dma_wait3A_349 = arith.constant 0 : i32
        %dma_wait3A_350 = tpu.memref_slice %arg25[%dma_wait3A_348, %dma_wait3A_349] : memref<5120x128xf32, #tpu.memory_space<vmem_shared>> -> memref<5120x128xf32, #tpu.memory_space<vmem_shared>>
        tpu.wait_indirect_dma semaphore(%run_scoped3A : memref<!tpu.dma_semaphore, #tpu.memory_space<semaphore_mem>>) src(%arg15 : memref<208x128xf32, #tpu.memory_space<vmem>>) dst(%dma_wait3A_350 : memref<5120x128xf32, #tpu.memory_space<vmem_shared>>)
        tpu.yield
      }) : () -> ()
      %scan3A_227 = arith.constant 0 : i32
      %scan3A_228 = arith.constant 0 : i32
      %scan3A_229 = arith.constant 13 : i32
      %scan3A_230 = arith.addi %scan3A_228, %scan3A_229 : i32
      %scan3A_231 = arith.constant 1 : i32
      scf.for %scan3A_345 = %scan3A_228 to %scan3A_230 step %scan3A_231  : i32 {
        %mul3A_346 = arith.constant 16 : i32
        %mul3A_347 = arith.muli %scan3A_345, %mul3A_346 : i32
        %get3A = arith.index_cast %mul3A_347 : i32 to index
        %get3A_348 = tpu.vector_load %arg10[%get3A] {strides = array<i32>} : memref<208xi32, #tpu.memory_space<vmem>>, vector<16xi32>,
        %get3A_349 = arith.index_cast %mul3A_347 : i32 to index
        %get3A_350 = tpu.vector_load %arg11[%get3A_349] {strides = array<i32>} : memref<208xf32, #tpu.memory_space<vmem>>, vector<16xf32>,
        %mul3A_351 = arith.constant 16 : i32
        %mul3A_352 = arith.muli %scan3A_345, %mul3A_351 : i32
        %add3A_353 = vector.broadcast %mul3A_352 : i32 to vector<16xi32>
        %add3A_354 = arith.addi %add3A_353, %iota3A : vector<16xi32>
        %jit3A = arith.constant 8 : i32
        %eq3A = arith.constant 0 : i32
        %eq3A_355 = arith.cmpi eq, %jit3A, %eq3A : i32
        %jit3A_356 = arith.constant 1 : i32
        %select_n3A = arith.select %eq3A_355, %jit3A_356, %jit3A : i32
        %rem3A_357 = vector.broadcast %select_n3A : i32 to vector<16xi32>
        %rem3A_358 = arith.remsi %get3A_348, %rem3A_357 : vector<16xi32>
        %ne3A = arith.constant 0 : i32
        %ne3A_359 = vector.broadcast %ne3A : i32 to vector<16xi32>
        %ne3A_360 = arith.cmpi ne, %rem3A_358, %ne3A_359 : vector<16xi32>
        %lt3A = arith.constant 0 : i32
        %lt3A_361 = vector.broadcast %lt3A : i32 to vector<16xi32>
        %lt3A_362 = arith.cmpi slt, %rem3A_358, %lt3A_361 : vector<16xi32>
        %lt3A_363 = arith.constant 0 : i32
        %lt3A_364 = arith.cmpi slt, %select_n3A, %lt3A_363 : i32
        %ne3A_365 = vector.broadcast %lt3A_364 : i1 to vector<16xi1>
        %ne3A_366 = vector.broadcast %ne3A_365 : vector<16xi1> to vector<16xi1>
        %ne3A_367 = arith.xori %lt3A_362, %ne3A_366 : vector<16xi1>
        %and3A = arith.andi %ne3A_367, %ne3A_360 : vector<16xi1>
        %add3A_368 = vector.broadcast %select_n3A : i32 to vector<16xi32>
        %add3A_369 = arith.addi %rem3A_358, %add3A_368 : vector<16xi32>
        %select_n3A_370 = arith.select %and3A, %add3A_369, %rem3A_358 : vector<16xi1>, vector<16xi32>
        %mul3A_371 = arith.constant 16 : i32
        %mul3A_372 = vector.broadcast %mul3A_371 : i32 to vector<16xi32>
        %mul3A_373 = arith.muli %select_n3A_370, %mul3A_372 : vector<16xi32>
        %get3A_374 = arith.index_cast %mul3A_347 : i32 to index
        %get3A_375 = tpu.vector_load %arg12[%get3A_374] {strides = array<i32>} : memref<208xf32, #tpu.memory_space<vmem>>, vector<16xf32>,
        %mul3A_376 = arith.mulf %get3A_375, %get3A_350 : vector<16xf32>
        tpu.vector_store_idx %arg24[%add3A_354, %mul3A_373], %mul3A_376 : memref<208x128xf32, #tpu.memory_space<vmem>>[vector<16xi32>, vector<16xi32>], vector<16xf32>,
        %add3A_377 = arith.constant 1 : i32
        %add3A_378 = vector.broadcast %add3A_377 : i32 to vector<16xi32>
        %add3A_379 = arith.addi %mul3A_373, %add3A_378 : vector<16xi32>
        %get3A_380 = arith.index_cast %mul3A_347 : i32 to index
        %get3A_381 = tpu.vector_load %arg13[%get3A_380] {strides = array<i32>} : memref<208xf32, #tpu.memory_space<vmem>>, vector<16xf32>,
        %mul3A_382 = arith.mulf %get3A_381, %get3A_350 : vector<16xf32>
        tpu.vector_store_idx %arg24[%add3A_354, %add3A_379], %mul3A_382 : memref<208x128xf32, #tpu.memory_space<vmem>>[vector<16xi32>, vector<16xi32>], vector<16xf32>,
        %add3A_383 = arith.constant 2 : i32
        %add3A_384 = vector.broadcast %add3A_383 : i32 to vector<16xi32>
        %add3A_385 = arith.addi %mul3A_373, %add3A_384 : vector<16xi32>
        %get3A_386 = arith.index_cast %mul3A_347 : i32 to index
        %get3A_387 = tpu.vector_load %arg14[%get3A_386] {strides = array<i32>} : memref<208xf32, #tpu.memory_space<vmem>>, vector<16xf32>,
        %mul3A_388 = arith.mulf %get3A_387, %get3A_350 : vector<16xf32>
        tpu.vector_store_idx %arg24[%add3A_354, %add3A_385], %mul3A_388 : memref<208x128xf32, #tpu.memory_space<vmem>>[vector<16xi32>, vector<16xi32>], vector<16xf32>,
      }
      %scan3A_232 = arith.constant 13 : i32
      "tpu.region"() ({
        %run_scoped3A = tpu.sem_alloc : memref<!tpu.dma_semaphore, #tpu.memory_space<semaphore_mem>>
        %dma_start3A_345 = arith.constant 0 : i32
        %dma_start3A_346 = arith.constant 0 : i32
        %dma_start3A_347 = tpu.memref_slice %arg26[%dma_start3A_345, %dma_start3A_346] : memref<640x128xf32, #tpu.memory_space<vmem_shared>> -> memref<640x128xf32, #tpu.memory_space<vmem_shared>>
        tpu.enqueue_indirect_dma source(%arg24 : memref<208x128xf32, #tpu.memory_space<vmem>>) target(%dma_start3A_347 : memref<640x128xf32, #tpu.memory_space<vmem_shared>>) offsets(%arg23 : memref<208xi32, #tpu.memory_space<vmem>>) semaphore(%run_scoped3A : memref<!tpu.dma_semaphore, #tpu.memory_space<semaphore_mem>>) {add = true}
        %dma_wait3A_348 = arith.constant 0 : i32
        %dma_wait3A_349 = arith.constant 0 : i32
        %dma_wait3A_350 = tpu.memref_slice %arg26[%dma_wait3A_348, %dma_wait3A_349] : memref<640x128xf32, #tpu.memory_space<vmem_shared>> -> memref<640x128xf32, #tpu.memory_space<vmem_shared>>
        tpu.wait_indirect_dma semaphore(%run_scoped3A : memref<!tpu.dma_semaphore, #tpu.memory_space<semaphore_mem>>) src(%arg24 : memref<208x128xf32, #tpu.memory_space<vmem>>) dst(%dma_wait3A_350 : memref<640x128xf32, #tpu.memory_space<vmem_shared>>)
        tpu.yield
      }) : () -> ()
      %scan3A_233 = arith.constant 0 : i32
      %scan3A_234 = arith.constant 0 : i32
      %scan3A_235 = arith.constant 13 : i32
      %scan3A_236 = arith.addi %scan3A_234, %scan3A_235 : i32
      %scan3A_237 = arith.constant 1 : i32
      scf.for %scan3A_345 = %scan3A_234 to %scan3A_236 step %scan3A_237  : i32 {
        %mul3A_346 = arith.constant 16 : i32
        %mul3A_347 = arith.muli %scan3A_345, %mul3A_346 : i32
        %get3A = arith.index_cast %mul3A_347 : i32 to index
        %get3A_348 = tpu.vector_load %arg10[%get3A] {strides = array<i32>} : memref<208xi32, #tpu.memory_space<vmem>>, vector<16xi32>,
        %mul3A_349 = arith.constant 16 : i32
        %mul3A_350 = arith.muli %scan3A_345, %mul3A_349 : i32
        %add3A_351 = vector.broadcast %mul3A_350 : i32 to vector<16xi32>
        %add3A_352 = arith.addi %add3A_351, %iota3A : vector<16xi32>
        %jit3A = arith.constant 8 : i32
        %eq3A = arith.constant 0 : i32
        %eq3A_353 = arith.cmpi eq, %jit3A, %eq3A : i32
        %jit3A_354 = arith.constant 1 : i32
        %select_n3A = arith.select %eq3A_353, %jit3A_354, %jit3A : i32
        %rem3A_355 = vector.broadcast %select_n3A : i32 to vector<16xi32>
        %rem3A_356 = arith.remsi %get3A_348, %rem3A_355 : vector<16xi32>
        %ne3A = arith.constant 0 : i32
        %ne3A_357 = vector.broadcast %ne3A : i32 to vector<16xi32>
        %ne3A_358 = arith.cmpi ne, %rem3A_356, %ne3A_357 : vector<16xi32>
        %lt3A = arith.constant 0 : i32
        %lt3A_359 = vector.broadcast %lt3A : i32 to vector<16xi32>
        %lt3A_360 = arith.cmpi slt, %rem3A_356, %lt3A_359 : vector<16xi32>
        %lt3A_361 = arith.constant 0 : i32
        %lt3A_362 = arith.cmpi slt, %select_n3A, %lt3A_361 : i32
        %ne3A_363 = vector.broadcast %lt3A_362 : i1 to vector<16xi1>
        %ne3A_364 = vector.broadcast %ne3A_363 : vector<16xi1> to vector<16xi1>
        %ne3A_365 = arith.xori %lt3A_360, %ne3A_364 : vector<16xi1>
        %and3A = arith.andi %ne3A_365, %ne3A_358 : vector<16xi1>
        %add3A_366 = vector.broadcast %select_n3A : i32 to vector<16xi32>
        %add3A_367 = arith.addi %rem3A_356, %add3A_366 : vector<16xi32>
        %select_n3A_368 = arith.select %and3A, %add3A_367, %rem3A_356 : vector<16xi1>, vector<16xi32>
        %mul3A_369 = arith.constant 16 : i32
        %mul3A_370 = vector.broadcast %mul3A_369 : i32 to vector<16xi32>
        %mul3A_371 = arith.muli %select_n3A_368, %mul3A_370 : vector<16xi32>
        %broadcast_in_dim3A_372 = arith.constant 0.000000e+00 : f32
        %broadcast_in_dim3A_373 = vector.broadcast %broadcast_in_dim3A_372 : f32 to vector<16xf32>
        tpu.vector_store_idx %arg24[%add3A_352, %mul3A_371], %broadcast_in_dim3A_373 : memref<208x128xf32, #tpu.memory_space<vmem>>[vector<16xi32>, vector<16xi32>], vector<16xf32>,
        %add3A_374 = arith.constant 1 : i32
        %add3A_375 = vector.broadcast %add3A_374 : i32 to vector<16xi32>
        %add3A_376 = arith.addi %mul3A_371, %add3A_375 : vector<16xi32>
        tpu.vector_store_idx %arg24[%add3A_352, %add3A_376], %broadcast_in_dim3A_373 : memref<208x128xf32, #tpu.memory_space<vmem>>[vector<16xi32>, vector<16xi32>], vector<16xf32>,
        %add3A_377 = arith.constant 2 : i32
        %add3A_378 = vector.broadcast %add3A_377 : i32 to vector<16xi32>
        %add3A_379 = arith.addi %mul3A_371, %add3A_378 : vector<16xi32>
        tpu.vector_store_idx %arg24[%add3A_352, %add3A_379], %broadcast_in_dim3A_373 : memref<208x128xf32, #tpu.memory_space<vmem>>[vector<16xi32>, vector<16xi32>], vector<16xf32>,
      }
      %scan3A_238 = arith.constant 13 : i32
      %mul3A_239 = arith.constant 2 : i32
      %mul3A_240 = arith.muli %mul3A_239, %scan3A_133 : i32
      %add3A_241 = arith.constant 2 : i32
      %add3A_242 = arith.addi %mul3A_240, %add3A_241 : i32
      %rem3A = arith.constant 100 : i32
      %rem3A_243 = arith.remsi %add3A_242, %rem3A : i32
      %mul3A_244 = arith.constant 200 : i32
      %mul3A_245 = arith.muli %rem3A_243, %mul3A_244 : i32
      %add3A_246 = arith.addi %mul3A_41, %mul3A_245 : i32
      %dma_wait3A_247 = arith.constant 0 : i32
      %dma_wait3A_248 = tpu.memref_slice %arg16[%dma_wait3A_247] : memref<208xi32, #tpu.memory_space<vmem>> -> memref<200xi32, #tpu.memory_space<vmem>>
      %dma_wait3A_249 = tpu.memref_slice %arg3[%add3A_140] : memref<320000xi32, #tpu.memory_space<hbm>> -> memref<200xi32, #tpu.memory_space<hbm>>
      %dma_wait3A_250 = arith.constant 0 : i32
      %dma_wait3A_251 = tpu.memref_slice %arg16[%dma_wait3A_250] : memref<208xi32, #tpu.memory_space<vmem>> -> memref<200xi32, #tpu.memory_space<vmem>>
      %dma_wait3A_252 = tpu.memref_slice %arg3[%add3A_140] : memref<320000xi32, #tpu.memory_space<hbm>> -> memref<200xi32, #tpu.memory_space<hbm>>
      tpu.wait_dma2 semaphore(%arg27 : memref<!tpu.dma_semaphore, #tpu.memory_space<semaphore_mem>>) src(%dma_wait3A_252 : memref<200xi32, #tpu.memory_space<hbm>>) dst(%dma_wait3A_251 : memref<200xi32, #tpu.memory_space<vmem>>)
      %dma_wait3A_253 = arith.constant 0 : i32
      %dma_wait3A_254 = tpu.memref_slice %arg17[%dma_wait3A_253] : memref<208xf32, #tpu.memory_space<vmem>> -> memref<200xf32, #tpu.memory_space<vmem>>
      %dma_wait3A_255 = tpu.memref_slice %arg4[%add3A_140] : memref<327680xf32, #tpu.memory_space<hbm>> -> memref<200xf32, #tpu.memory_space<hbm>>
      %dma_wait3A_256 = arith.constant 0 : i32
      %dma_wait3A_257 = tpu.memref_slice %arg17[%dma_wait3A_256] : memref<208xf32, #tpu.memory_space<vmem>> -> memref<200xf32, #tpu.memory_space<vmem>>
      %dma_wait3A_258 = tpu.memref_slice %arg4[%add3A_140] : memref<327680xf32, #tpu.memory_space<hbm>> -> memref<200xf32, #tpu.memory_space<hbm>>
      tpu.wait_dma2 semaphore(%arg27 : memref<!tpu.dma_semaphore, #tpu.memory_space<semaphore_mem>>) src(%dma_wait3A_258 : memref<200xf32, #tpu.memory_space<hbm>>) dst(%dma_wait3A_257 : memref<200xf32, #tpu.memory_space<vmem>>)
      %dma_wait3A_259 = arith.constant 0 : i32
      %dma_wait3A_260 = tpu.memref_slice %arg18[%dma_wait3A_259] : memref<208xf32, #tpu.memory_space<vmem>> -> memref<200xf32, #tpu.memory_space<vmem>>
      %dma_wait3A_261 = tpu.memref_slice %arg5[%add3A_140] : memref<320000xf32, #tpu.memory_space<hbm>> -> memref<200xf32, #tpu.memory_space<hbm>>
      %dma_wait3A_262 = arith.constant 0 : i32
      %dma_wait3A_263 = tpu.memref_slice %arg18[%dma_wait3A_262] : memref<208xf32, #tpu.memory_space<vmem>> -> memref<200xf32, #tpu.memory_space<vmem>>
      %dma_wait3A_264 = tpu.memref_slice %arg5[%add3A_140] : memref<320000xf32, #tpu.memory_space<hbm>> -> memref<200xf32, #tpu.memory_space<hbm>>
      tpu.wait_dma2 semaphore(%arg27 : memref<!tpu.dma_semaphore, #tpu.memory_space<semaphore_mem>>) src(%dma_wait3A_264 : memref<200xf32, #tpu.memory_space<hbm>>) dst(%dma_wait3A_263 : memref<200xf32, #tpu.memory_space<vmem>>)
      %dma_wait3A_265 = arith.constant 0 : i32
      %dma_wait3A_266 = tpu.memref_slice %arg19[%dma_wait3A_265] : memref<208xf32, #tpu.memory_space<vmem>> -> memref<200xf32, #tpu.memory_space<vmem>>
      %dma_wait3A_267 = tpu.memref_slice %arg6[%add3A_140] : memref<320000xf32, #tpu.memory_space<hbm>> -> memref<200xf32, #tpu.memory_space<hbm>>
      %dma_wait3A_268 = arith.constant 0 : i32
      %dma_wait3A_269 = tpu.memref_slice %arg19[%dma_wait3A_268] : memref<208xf32, #tpu.memory_space<vmem>> -> memref<200xf32, #tpu.memory_space<vmem>>
      %dma_wait3A_270 = tpu.memref_slice %arg6[%add3A_140] : memref<320000xf32, #tpu.memory_space<hbm>> -> memref<200xf32, #tpu.memory_space<hbm>>
      tpu.wait_dma2 semaphore(%arg27 : memref<!tpu.dma_semaphore, #tpu.memory_space<semaphore_mem>>) src(%dma_wait3A_270 : memref<200xf32, #tpu.memory_space<hbm>>) dst(%dma_wait3A_269 : memref<200xf32, #tpu.memory_space<vmem>>)
      %dma_wait3A_271 = arith.constant 0 : i32
      %dma_wait3A_272 = tpu.memref_slice %arg20[%dma_wait3A_271] : memref<208xf32, #tpu.memory_space<vmem>> -> memref<200xf32, #tpu.memory_space<vmem>>
      %dma_wait3A_273 = tpu.memref_slice %arg7[%add3A_140] : memref<320000xf32, #tpu.memory_space<hbm>> -> memref<200xf32, #tpu.memory_space<hbm>>
      %dma_wait3A_274 = arith.constant 0 : i32
      %dma_wait3A_275 = tpu.memref_slice %arg20[%dma_wait3A_274] : memref<208xf32, #tpu.memory_space<vmem>> -> memref<200xf32, #tpu.memory_space<vmem>>
      %dma_wait3A_276 = tpu.memref_slice %arg7[%add3A_140] : memref<320000xf32, #tpu.memory_space<hbm>> -> memref<200xf32, #tpu.memory_space<hbm>>
      tpu.wait_dma2 semaphore(%arg27 : memref<!tpu.dma_semaphore, #tpu.memory_space<semaphore_mem>>) src(%dma_wait3A_276 : memref<200xf32, #tpu.memory_space<hbm>>) dst(%dma_wait3A_275 : memref<200xf32, #tpu.memory_space<vmem>>)
      %dma_wait3A_277 = arith.constant 0 : i32
      %dma_wait3A_278 = arith.constant 0 : i32
      %dma_wait3A_279 = tpu.memref_slice %arg21[%dma_wait3A_277, %dma_wait3A_278] : memref<208x128xf32, #tpu.memory_space<vmem>> -> memref<200x128xf32, #tpu.memory_space<vmem>>
      %dma_wait3A_280 = arith.constant 0 : i32
      %dma_wait3A_281 = tpu.memref_slice %arg2[%add3A_140, %dma_wait3A_280] : memref<327680x128xf32, #tpu.memory_space<hbm>> -> memref<200x128xf32, #tpu.memory_space<hbm>>
      %dma_wait3A_282 = arith.constant 0 : i32
      %dma_wait3A_283 = arith.constant 0 : i32
      %dma_wait3A_284 = tpu.memref_slice %arg21[%dma_wait3A_282, %dma_wait3A_283] : memref<208x128xf32, #tpu.memory_space<vmem>> -> memref<200x128xf32, #tpu.memory_space<vmem>>
      %dma_wait3A_285 = arith.constant 0 : i32
      %dma_wait3A_286 = tpu.memref_slice %arg2[%add3A_140, %dma_wait3A_285] : memref<327680x128xf32, #tpu.memory_space<hbm>> -> memref<200x128xf32, #tpu.memory_space<hbm>>
      tpu.wait_dma2 semaphore(%arg27 : memref<!tpu.dma_semaphore, #tpu.memory_space<semaphore_mem>>) src(%dma_wait3A_286 : memref<200x128xf32, #tpu.memory_space<hbm>>) dst(%dma_wait3A_284 : memref<200x128xf32, #tpu.memory_space<vmem>>)
      %dma_start3A_287 = arith.constant 0 : i32
      %dma_start3A_288 = tpu.memref_slice %arg10[%dma_start3A_287] : memref<208xi32, #tpu.memory_space<vmem>> -> memref<200xi32, #tpu.memory_space<vmem>>
      %dma_start3A_289 = tpu.memref_slice %arg3[%add3A_246] : memref<320000xi32, #tpu.memory_space<hbm>> -> memref<200xi32, #tpu.memory_space<hbm>>
      %dma_start3A_290 = arith.constant 0 : i32
      %dma_start3A_291 = tpu.memref_slice %arg10[%dma_start3A_290] : memref<208xi32, #tpu.memory_space<vmem>> -> memref<200xi32, #tpu.memory_space<vmem>>
      %dma_start3A_292 = tpu.memref_slice %arg3[%add3A_246] : memref<320000xi32, #tpu.memory_space<hbm>> -> memref<200xi32, #tpu.memory_space<hbm>>
      tpu.enqueue_dma source(%dma_start3A_292 : memref<200xi32, #tpu.memory_space<hbm>>) target(%dma_start3A_291 : memref<200xi32, #tpu.memory_space<vmem>>) target_semaphore(%arg27 : memref<!tpu.dma_semaphore, #tpu.memory_space<semaphore_mem>>)
      %dma_start3A_293 = arith.constant 0 : i32
      %dma_start3A_294 = tpu.memref_slice %arg11[%dma_start3A_293] : memref<208xf32, #tpu.memory_space<vmem>> -> memref<200xf32, #tpu.memory_space<vmem>>
      %dma_start3A_295 = tpu.memref_slice %arg4[%add3A_246] : memref<327680xf32, #tpu.memory_space<hbm>> -> memref<200xf32, #tpu.memory_space<hbm>>
      %dma_start3A_296 = arith.constant 0 : i32
      %dma_start3A_297 = tpu.memref_slice %arg11[%dma_start3A_296] : memref<208xf32, #tpu.memory_space<vmem>> -> memref<200xf32, #tpu.memory_space<vmem>>
      %dma_start3A_298 = tpu.memref_slice %arg4[%add3A_246] : memref<327680xf32, #tpu.memory_space<hbm>> -> memref<200xf32, #tpu.memory_space<hbm>>
      tpu.enqueue_dma source(%dma_start3A_298 : memref<200xf32, #tpu.memory_space<hbm>>) target(%dma_start3A_297 : memref<200xf32, #tpu.memory_space<vmem>>) target_semaphore(%arg27 : memref<!tpu.dma_semaphore, #tpu.memory_space<semaphore_mem>>)
      %dma_start3A_299 = arith.constant 0 : i32
      %dma_start3A_300 = tpu.memref_slice %arg12[%dma_start3A_299] : memref<208xf32, #tpu.memory_space<vmem>> -> memref<200xf32, #tpu.memory_space<vmem>>
      %dma_start3A_301 = tpu.memref_slice %arg5[%add3A_246] : memref<320000xf32, #tpu.memory_space<hbm>> -> memref<200xf32, #tpu.memory_space<hbm>>
      %dma_start3A_302 = arith.constant 0 : i32
      %dma_start3A_303 = tpu.memref_slice %arg12[%dma_start3A_302] : memref<208xf32, #tpu.memory_space<vmem>> -> memref<200xf32, #tpu.memory_space<vmem>>
      %dma_start3A_304 = tpu.memref_slice %arg5[%add3A_246] : memref<320000xf32, #tpu.memory_space<hbm>> -> memref<200xf32, #tpu.memory_space<hbm>>
      tpu.enqueue_dma source(%dma_start3A_304 : memref<200xf32, #tpu.memory_space<hbm>>) target(%dma_start3A_303 : memref<200xf32, #tpu.memory_space<vmem>>) target_semaphore(%arg27 : memref<!tpu.dma_semaphore, #tpu.memory_space<semaphore_mem>>)
      %dma_start3A_305 = arith.constant 0 : i32
      %dma_start3A_306 = tpu.memref_slice %arg13[%dma_start3A_305] : memref<208xf32, #tpu.memory_space<vmem>> -> memref<200xf32, #tpu.memory_space<vmem>>
      %dma_start3A_307 = tpu.memref_slice %arg6[%add3A_246] : memref<320000xf32, #tpu.memory_space<hbm>> -> memref<200xf32, #tpu.memory_space<hbm>>
      %dma_start3A_308 = arith.constant 0 : i32
      %dma_start3A_309 = tpu.memref_slice %arg13[%dma_start3A_308] : memref<208xf32, #tpu.memory_space<vmem>> -> memref<200xf32, #tpu.memory_space<vmem>>
      %dma_start3A_310 = tpu.memref_slice %arg6[%add3A_246] : memref<320000xf32, #tpu.memory_space<hbm>> -> memref<200xf32, #tpu.memory_space<hbm>>
      tpu.enqueue_dma source(%dma_start3A_310 : memref<200xf32, #tpu.memory_space<hbm>>) target(%dma_start3A_309 : memref<200xf32, #tpu.memory_space<vmem>>) target_semaphore(%arg27 : memref<!tpu.dma_semaphore, #tpu.memory_space<semaphore_mem>>)
      %dma_start3A_311 = arith.constant 0 : i32
      %dma_start3A_312 = tpu.memref_slice %arg14[%dma_start3A_311] : memref<208xf32, #tpu.memory_space<vmem>> -> memref<200xf32, #tpu.memory_space<vmem>>
      %dma_start3A_313 = tpu.memref_slice %arg7[%add3A_246] : memref<320000xf32, #tpu.memory_space<hbm>> -> memref<200xf32, #tpu.memory_space<hbm>>
      %dma_start3A_314 = arith.constant 0 : i32
      %dma_start3A_315 = tpu.memref_slice %arg14[%dma_start3A_314] : memref<208xf32, #tpu.memory_space<vmem>> -> memref<200xf32, #tpu.memory_space<vmem>>
      %dma_start3A_316 = tpu.memref_slice %arg7[%add3A_246] : memref<320000xf32, #tpu.memory_space<hbm>> -> memref<200xf32, #tpu.memory_space<hbm>>
      tpu.enqueue_dma source(%dma_start3A_316 : memref<200xf32, #tpu.memory_space<hbm>>) target(%dma_start3A_315 : memref<200xf32, #tpu.memory_space<vmem>>) target_semaphore(%arg27 : memref<!tpu.dma_semaphore, #tpu.memory_space<semaphore_mem>>)
      %dma_start3A_317 = arith.constant 0 : i32
      %dma_start3A_318 = arith.constant 0 : i32
      %dma_start3A_319 = tpu.memref_slice %arg15[%dma_start3A_317, %dma_start3A_318] : memref<208x128xf32, #tpu.memory_space<vmem>> -> memref<200x128xf32, #tpu.memory_space<vmem>>
      %dma_start3A_320 = arith.constant 0 : i32
      %dma_start3A_321 = tpu.memref_slice %arg2[%add3A_246, %dma_start3A_320] : memref<327680x128xf32, #tpu.memory_space<hbm>> -> memref<200x128xf32, #tpu.memory_space<hbm>>
      %dma_start3A_322 = arith.constant 0 : i32
      %dma_start3A_323 = arith.constant 0 : i32
      %dma_start3A_324 = tpu.memref_slice %arg15[%dma_start3A_322, %dma_start3A_323] : memref<208x128xf32, #tpu.memory_space<vmem>> -> memref<200x128xf32, #tpu.memory_space<vmem>>
      %dma_start3A_325 = arith.constant 0 : i32
      %dma_start3A_326 = tpu.memref_slice %arg2[%add3A_246, %dma_start3A_325] : memref<327680x128xf32, #tpu.memory_space<hbm>> -> memref<200x128xf32, #tpu.memory_space<hbm>>
      tpu.enqueue_dma source(%dma_start3A_326 : memref<200x128xf32, #tpu.memory_space<hbm>>) target(%dma_start3A_324 : memref<200x128xf32, #tpu.memory_space<vmem>>) target_semaphore(%arg27 : memref<!tpu.dma_semaphore, #tpu.memory_space<semaphore_mem>>)
      %scan3A_327 = arith.constant 0 : i32
      %scan3A_328 = arith.constant 0 : i32
      %scan3A_329 = arith.constant 13 : i32
      %scan3A_330 = arith.addi %scan3A_328, %scan3A_329 : i32
      %scan3A_331 = arith.constant 1 : i32
      scf.for %scan3A_345 = %scan3A_328 to %scan3A_330 step %scan3A_331  : i32 {
        %mul3A_346 = arith.constant 16 : i32
        %mul3A_347 = arith.muli %scan3A_345, %mul3A_346 : i32
        %get3A = arith.index_cast %mul3A_347 : i32 to index
        %get3A_348 = tpu.vector_load %arg16[%get3A] {strides = array<i32>} : memref<208xi32, #tpu.memory_space<vmem>>, vector<16xi32>,
        %sub3A = vector.broadcast %mul3A_39 : i32 to vector<16xi32>
        %sub3A_349 = arith.subi %get3A_348, %sub3A : vector<16xi32>
        %ge3A = arith.constant 0 : i32
        %ge3A_350 = vector.broadcast %ge3A : i32 to vector<16xi32>
        %ge3A_351 = arith.cmpi sge, %sub3A_349, %ge3A_350 : vector<16xi32>
        %lt3A = arith.constant 5000 : i32
        %lt3A_352 = vector.broadcast %lt3A : i32 to vector<16xi32>
        %lt3A_353 = arith.cmpi slt, %sub3A_349, %lt3A_352 : vector<16xi32>
        %and3A = arith.andi %ge3A_351, %lt3A_353 : vector<16xi1>
        %jit3A = arith.constant 5000 : i32
        %broadcast_in_dim3A_354 = vector.broadcast %jit3A : i32 to vector<16xi32>
        %select_n3A = arith.select %and3A, %sub3A_349, %broadcast_in_dim3A_354 : vector<16xi1>, vector<16xi32>
        %swap3A_355 = arith.index_cast %mul3A_347 : i32 to index
        %swap3A_356 = tpu.vector_load %arg22[%swap3A_355] {strides = array<i32>} : memref<208xi32, #tpu.memory_space<vmem>>, vector<16xi32>,
        tpu.vector_store %arg22[%swap3A_355], %select_n3A {strides = array<i32>} : memref<208xi32, #tpu.memory_space<vmem>>, vector<16xi32>,
        %jit3A_357 = arith.constant 8 : i32
        %div3A = vector.broadcast %jit3A_357 : i32 to vector<16xi32>
        %div3A_358 = arith.divsi %sub3A_349, %div3A : vector<16xi32>
        %sign3A = arith.constant 0 : i32
        %sign3A_359 = vector.broadcast %sign3A : i32 to vector<16xi32>
        %sign3A_360 = arith.cmpi sgt, %sub3A_349, %sign3A_359 : vector<16xi32>
        %sign3A_361 = arith.extui %sign3A_360 : vector<16xi1> to vector<16xi32>
        %sign3A_362 = arith.constant 0 : i32
        %sign3A_363 = vector.broadcast %sign3A_362 : i32 to vector<16xi32>
        %sign3A_364 = arith.cmpi slt, %sub3A_349, %sign3A_363 : vector<16xi32>
        %sign3A_365 = arith.extui %sign3A_364 : vector<16xi1> to vector<16xi32>
        %sign3A_366 = arith.subi %sign3A_361, %sign3A_365 : vector<16xi32>
        %sign3A_367 = arith.constant 0 : i32
        %sign3A_368 = arith.cmpi sgt, %jit3A_357, %sign3A_367 : i32
        %sign3A_369 = arith.extui %sign3A_368 : i1 to i32
        %sign3A_370 = arith.constant 0 : i32
        %sign3A_371 = arith.cmpi slt, %jit3A_357, %sign3A_370 : i32
        %sign3A_372 = arith.extui %sign3A_371 : i1 to i32
        %sign3A_373 = arith.subi %sign3A_369, %sign3A_372 : i32
        %ne3A = vector.broadcast %sign3A_373 : i32 to vector<16xi32>
        %ne3A_374 = arith.cmpi ne, %sign3A_366, %ne3A : vector<16xi32>
        %rem3A_375 = vector.broadcast %jit3A_357 : i32 to vector<16xi32>
        %rem3A_376 = arith.remsi %sub3A_349, %rem3A_375 : vector<16xi32>
        %ne3A_377 = arith.constant 0 : i32
        %ne3A_378 = vector.broadcast %ne3A_377 : i32 to vector<16xi32>
        %ne3A_379 = arith.cmpi ne, %rem3A_376, %ne3A_378 : vector<16xi32>
        %and3A_380 = arith.andi %ne3A_374, %ne3A_379 : vector<16xi1>
        %sub3A_381 = arith.constant 1 : i32
        %sub3A_382 = vector.broadcast %sub3A_381 : i32 to vector<16xi32>
        %sub3A_383 = arith.subi %div3A_358, %sub3A_382 : vector<16xi32>
        %select_n3A_384 = arith.select %and3A_380, %sub3A_383, %div3A_358 : vector<16xi1>, vector<16xi32>
        %jit3A_385 = arith.constant 625 : i32
        %broadcast_in_dim3A_386 = vector.broadcast %jit3A_385 : i32 to vector<16xi32>
        %select_n3A_387 = arith.select %and3A, %select_n3A_384, %broadcast_in_dim3A_386 : vector<16xi1>, vector<16xi32>
        %swap3A_388 = arith.index_cast %mul3A_347 : i32 to index
        %swap3A_389 = tpu.vector_load %arg23[%swap3A_388] {strides = array<i32>} : memref<208xi32, #tpu.memory_space<vmem>>, vector<16xi32>,
        tpu.vector_store %arg23[%swap3A_388], %select_n3A_387 {strides = array<i32>} : memref<208xi32, #tpu.memory_space<vmem>>, vector<16xi32>,
      }
      %scan3A_332 = arith.constant 13 : i32
      "tpu.region"() ({
        %run_scoped3A = tpu.sem_alloc : memref<!tpu.dma_semaphore, #tpu.memory_space<semaphore_mem>>
        %dma_start3A_345 = arith.constant 0 : i32
        %dma_start3A_346 = arith.constant 0 : i32
        %dma_start3A_347 = tpu.memref_slice %arg25[%dma_start3A_345, %dma_start3A_346] : memref<5120x128xf32, #tpu.memory_space<vmem_shared>> -> memref<5120x128xf32, #tpu.memory_space<vmem_shared>>
        tpu.enqueue_indirect_dma source(%arg21 : memref<208x128xf32, #tpu.memory_space<vmem>>) target(%dma_start3A_347 : memref<5120x128xf32, #tpu.memory_space<vmem_shared>>) offsets(%arg22 : memref<208xi32, #tpu.memory_space<vmem>>) semaphore(%run_scoped3A : memref<!tpu.dma_semaphore, #tpu.memory_space<semaphore_mem>>) {add = true}
        %dma_wait3A_348 = arith.constant 0 : i32
        %dma_wait3A_349 = arith.constant 0 : i32
        %dma_wait3A_350 = tpu.memref_slice %arg25[%dma_wait3A_348, %dma_wait3A_349] : memref<5120x128xf32, #tpu.memory_space<vmem_shared>> -> memref<5120x128xf32, #tpu.memory_space<vmem_shared>>
        tpu.wait_indirect_dma semaphore(%run_scoped3A : memref<!tpu.dma_semaphore, #tpu.memory_space<semaphore_mem>>) src(%arg21 : memref<208x128xf32, #tpu.memory_space<vmem>>) dst(%dma_wait3A_350 : memref<5120x128xf32, #tpu.memory_space<vmem_shared>>)
        tpu.yield
      }) : () -> ()
      %scan3A_333 = arith.constant 0 : i32
      %scan3A_334 = arith.constant 0 : i32
      %scan3A_335 = arith.constant 13 : i32
      %scan3A_336 = arith.addi %scan3A_334, %scan3A_335 : i32
      %scan3A_337 = arith.constant 1 : i32
      scf.for %scan3A_345 = %scan3A_334 to %scan3A_336 step %scan3A_337  : i32 {
        %mul3A_346 = arith.constant 16 : i32
        %mul3A_347 = arith.muli %scan3A_345, %mul3A_346 : i32
        %get3A = arith.index_cast %mul3A_347 : i32 to index
        %get3A_348 = tpu.vector_load %arg16[%get3A] {strides = array<i32>} : memref<208xi32, #tpu.memory_space<vmem>>, vector<16xi32>,
        %get3A_349 = arith.index_cast %mul3A_347 : i32 to index
        %get3A_350 = tpu.vector_load %arg17[%get3A_349] {strides = array<i32>} : memref<208xf32, #tpu.memory_space<vmem>>, vector<16xf32>,
        %mul3A_351 = arith.constant 16 : i32
        %mul3A_352 = arith.muli %scan3A_345, %mul3A_351 : i32
        %add3A_353 = vector.broadcast %mul3A_352 : i32 to vector<16xi32>
        %add3A_354 = arith.addi %add3A_353, %iota3A : vector<16xi32>
        %jit3A = arith.constant 8 : i32
        %eq3A = arith.constant 0 : i32
        %eq3A_355 = arith.cmpi eq, %jit3A, %eq3A : i32
        %jit3A_356 = arith.constant 1 : i32
        %select_n3A = arith.select %eq3A_355, %jit3A_356, %jit3A : i32
        %rem3A_357 = vector.broadcast %select_n3A : i32 to vector<16xi32>
        %rem3A_358 = arith.remsi %get3A_348, %rem3A_357 : vector<16xi32>
        %ne3A = arith.constant 0 : i32
        %ne3A_359 = vector.broadcast %ne3A : i32 to vector<16xi32>
        %ne3A_360 = arith.cmpi ne, %rem3A_358, %ne3A_359 : vector<16xi32>
        %lt3A = arith.constant 0 : i32
        %lt3A_361 = vector.broadcast %lt3A : i32 to vector<16xi32>
        %lt3A_362 = arith.cmpi slt, %rem3A_358, %lt3A_361 : vector<16xi32>
        %lt3A_363 = arith.constant 0 : i32
        %lt3A_364 = arith.cmpi slt, %select_n3A, %lt3A_363 : i32
        %ne3A_365 = vector.broadcast %lt3A_364 : i1 to vector<16xi1>
        %ne3A_366 = vector.broadcast %ne3A_365 : vector<16xi1> to vector<16xi1>
        %ne3A_367 = arith.xori %lt3A_362, %ne3A_366 : vector<16xi1>
        %and3A = arith.andi %ne3A_367, %ne3A_360 : vector<16xi1>
        %add3A_368 = vector.broadcast %select_n3A : i32 to vector<16xi32>
        %add3A_369 = arith.addi %rem3A_358, %add3A_368 : vector<16xi32>
        %select_n3A_370 = arith.select %and3A, %add3A_369, %rem3A_358 : vector<16xi1>, vector<16xi32>
        %mul3A_371 = arith.constant 16 : i32
        %mul3A_372 = vector.broadcast %mul3A_371 : i32 to vector<16xi32>
        %mul3A_373 = arith.muli %select_n3A_370, %mul3A_372 : vector<16xi32>
        %get3A_374 = arith.index_cast %mul3A_347 : i32 to index
        %get3A_375 = tpu.vector_load %arg18[%get3A_374] {strides = array<i32>} : memref<208xf32, #tpu.memory_space<vmem>>, vector<16xf32>,
        %mul3A_376 = arith.mulf %get3A_375, %get3A_350 : vector<16xf32>
        tpu.vector_store_idx %arg24[%add3A_354, %mul3A_373], %mul3A_376 : memref<208x128xf32, #tpu.memory_space<vmem>>[vector<16xi32>, vector<16xi32>], vector<16xf32>,
        %add3A_377 = arith.constant 1 : i32
        %add3A_378 = vector.broadcast %add3A_377 : i32 to vector<16xi32>
        %add3A_379 = arith.addi %mul3A_373, %add3A_378 : vector<16xi32>
        %get3A_380 = arith.index_cast %mul3A_347 : i32 to index
        %get3A_381 = tpu.vector_load %arg19[%get3A_380] {strides = array<i32>} : memref<208xf32, #tpu.memory_space<vmem>>, vector<16xf32>,
        %mul3A_382 = arith.mulf %get3A_381, %get3A_350 : vector<16xf32>
        tpu.vector_store_idx %arg24[%add3A_354, %add3A_379], %mul3A_382 : memref<208x128xf32, #tpu.memory_space<vmem>>[vector<16xi32>, vector<16xi32>], vector<16xf32>,
        %add3A_383 = arith.constant 2 : i32
        %add3A_384 = vector.broadcast %add3A_383 : i32 to vector<16xi32>
        %add3A_385 = arith.addi %mul3A_373, %add3A_384 : vector<16xi32>
        %get3A_386 = arith.index_cast %mul3A_347 : i32 to index
        %get3A_387 = tpu.vector_load %arg20[%get3A_386] {strides = array<i32>} : memref<208xf32, #tpu.memory_space<vmem>>, vector<16xf32>,
        %mul3A_388 = arith.mulf %get3A_387, %get3A_350 : vector<16xf32>
        tpu.vector_store_idx %arg24[%add3A_354, %add3A_385], %mul3A_388 : memref<208x128xf32, #tpu.memory_space<vmem>>[vector<16xi32>, vector<16xi32>], vector<16xf32>,
      }
      %scan3A_338 = arith.constant 13 : i32
      "tpu.region"() ({
        %run_scoped3A = tpu.sem_alloc : memref<!tpu.dma_semaphore, #tpu.memory_space<semaphore_mem>>
        %dma_start3A_345 = arith.constant 0 : i32
        %dma_start3A_346 = arith.constant 0 : i32
        %dma_start3A_347 = tpu.memref_slice %arg26[%dma_start3A_345, %dma_start3A_346] : memref<640x128xf32, #tpu.memory_space<vmem_shared>> -> memref<640x128xf32, #tpu.memory_space<vmem_shared>>
        tpu.enqueue_indirect_dma source(%arg24 : memref<208x128xf32, #tpu.memory_space<vmem>>) target(%dma_start3A_347 : memref<640x128xf32, #tpu.memory_space<vmem_shared>>) offsets(%arg23 : memref<208xi32, #tpu.memory_space<vmem>>) semaphore(%run_scoped3A : memref<!tpu.dma_semaphore, #tpu.memory_space<semaphore_mem>>) {add = true}
        %dma_wait3A_348 = arith.constant 0 : i32
        %dma_wait3A_349 = arith.constant 0 : i32
        %dma_wait3A_350 = tpu.memref_slice %arg26[%dma_wait3A_348, %dma_wait3A_349] : memref<640x128xf32, #tpu.memory_space<vmem_shared>> -> memref<640x128xf32, #tpu.memory_space<vmem_shared>>
        tpu.wait_indirect_dma semaphore(%run_scoped3A : memref<!tpu.dma_semaphore, #tpu.memory_space<semaphore_mem>>) src(%arg24 : memref<208x128xf32, #tpu.memory_space<vmem>>) dst(%dma_wait3A_350 : memref<640x128xf32, #tpu.memory_space<vmem_shared>>)
        tpu.yield
      }) : () -> ()
      %scan3A_339 = arith.constant 0 : i32
      %scan3A_340 = arith.constant 0 : i32
      %scan3A_341 = arith.constant 13 : i32
      %scan3A_342 = arith.addi %scan3A_340, %scan3A_341 : i32
      %scan3A_343 = arith.constant 1 : i32
      scf.for %scan3A_345 = %scan3A_340 to %scan3A_342 step %scan3A_343  : i32 {
        %mul3A_346 = arith.constant 16 : i32
        %mul3A_347 = arith.muli %scan3A_345, %mul3A_346 : i32
        %get3A = arith.index_cast %mul3A_347 : i32 to index
        %get3A_348 = tpu.vector_load %arg16[%get3A] {strides = array<i32>} : memref<208xi32, #tpu.memory_space<vmem>>, vector<16xi32>,
        %mul3A_349 = arith.constant 16 : i32
        %mul3A_350 = arith.muli %scan3A_345, %mul3A_349 : i32
        %add3A_351 = vector.broadcast %mul3A_350 : i32 to vector<16xi32>
        %add3A_352 = arith.addi %add3A_351, %iota3A : vector<16xi32>
        %jit3A = arith.constant 8 : i32
        %eq3A = arith.constant 0 : i32
        %eq3A_353 = arith.cmpi eq, %jit3A, %eq3A : i32
        %jit3A_354 = arith.constant 1 : i32
        %select_n3A = arith.select %eq3A_353, %jit3A_354, %jit3A : i32
        %rem3A_355 = vector.broadcast %select_n3A : i32 to vector<16xi32>
        %rem3A_356 = arith.remsi %get3A_348, %rem3A_355 : vector<16xi32>
        %ne3A = arith.constant 0 : i32
        %ne3A_357 = vector.broadcast %ne3A : i32 to vector<16xi32>
        %ne3A_358 = arith.cmpi ne, %rem3A_356, %ne3A_357 : vector<16xi32>
        %lt3A = arith.constant 0 : i32
        %lt3A_359 = vector.broadcast %lt3A : i32 to vector<16xi32>
        %lt3A_360 = arith.cmpi slt, %rem3A_356, %lt3A_359 : vector<16xi32>
        %lt3A_361 = arith.constant 0 : i32
        %lt3A_362 = arith.cmpi slt, %select_n3A, %lt3A_361 : i32
        %ne3A_363 = vector.broadcast %lt3A_362 : i1 to vector<16xi1>
        %ne3A_364 = vector.broadcast %ne3A_363 : vector<16xi1> to vector<16xi1>
        %ne3A_365 = arith.xori %lt3A_360, %ne3A_364 : vector<16xi1>
        %and3A = arith.andi %ne3A_365, %ne3A_358 : vector<16xi1>
        %add3A_366 = vector.broadcast %select_n3A : i32 to vector<16xi32>
        %add3A_367 = arith.addi %rem3A_356, %add3A_366 : vector<16xi32>
        %select_n3A_368 = arith.select %and3A, %add3A_367, %rem3A_356 : vector<16xi1>, vector<16xi32>
        %mul3A_369 = arith.constant 16 : i32
        %mul3A_370 = vector.broadcast %mul3A_369 : i32 to vector<16xi32>
        %mul3A_371 = arith.muli %select_n3A_368, %mul3A_370 : vector<16xi32>
        %broadcast_in_dim3A_372 = arith.constant 0.000000e+00 : f32
        %broadcast_in_dim3A_373 = vector.broadcast %broadcast_in_dim3A_372 : f32 to vector<16xf32>
        tpu.vector_store_idx %arg24[%add3A_352, %mul3A_371], %broadcast_in_dim3A_373 : memref<208x128xf32, #tpu.memory_space<vmem>>[vector<16xi32>, vector<16xi32>], vector<16xf32>,
        %add3A_374 = arith.constant 1 : i32
        %add3A_375 = vector.broadcast %add3A_374 : i32 to vector<16xi32>
        %add3A_376 = arith.addi %mul3A_371, %add3A_375 : vector<16xi32>
        tpu.vector_store_idx %arg24[%add3A_352, %add3A_376], %broadcast_in_dim3A_373 : memref<208x128xf32, #tpu.memory_space<vmem>>[vector<16xi32>, vector<16xi32>], vector<16xf32>,
        %add3A_377 = arith.constant 2 : i32
        %add3A_378 = vector.broadcast %add3A_377 : i32 to vector<16xi32>
        %add3A_379 = arith.addi %mul3A_371, %add3A_378 : vector<16xi32>
        tpu.vector_store_idx %arg24[%add3A_352, %add3A_379], %broadcast_in_dim3A_373 : memref<208x128xf32, #tpu.memory_space<vmem>>[vector<16xi32>, vector<16xi32>], vector<16xf32>,
      }
      %scan3A_344 = arith.constant 13 : i32
    }
    %scan3A_86 = arith.constant 50 : i32
    %dma_wait3A = arith.constant 0 : i32
    %dma_wait3A_87 = tpu.memref_slice %arg10[%dma_wait3A] : memref<208xi32, #tpu.memory_space<vmem>> -> memref<200xi32, #tpu.memory_space<vmem>>
    %dma_wait3A_88 = tpu.memref_slice %arg3[%mul3A_41] : memref<320000xi32, #tpu.memory_space<hbm>> -> memref<200xi32, #tpu.memory_space<hbm>>
    %dma_wait3A_89 = arith.constant 0 : i32
    %dma_wait3A_90 = tpu.memref_slice %arg10[%dma_wait3A_89] : memref<208xi32, #tpu.memory_space<vmem>> -> memref<200xi32, #tpu.memory_space<vmem>>
    %dma_wait3A_91 = tpu.memref_slice %arg3[%mul3A_41] : memref<320000xi32, #tpu.memory_space<hbm>> -> memref<200xi32, #tpu.memory_space<hbm>>
    tpu.wait_dma2 semaphore(%arg27 : memref<!tpu.dma_semaphore, #tpu.memory_space<semaphore_mem>>) src(%dma_wait3A_91 : memref<200xi32, #tpu.memory_space<hbm>>) dst(%dma_wait3A_90 : memref<200xi32, #tpu.memory_space<vmem>>)
    %dma_wait3A_92 = arith.constant 0 : i32
    %dma_wait3A_93 = tpu.memref_slice %arg11[%dma_wait3A_92] : memref<208xf32, #tpu.memory_space<vmem>> -> memref<200xf32, #tpu.memory_space<vmem>>
    %dma_wait3A_94 = tpu.memref_slice %arg4[%mul3A_41] : memref<327680xf32, #tpu.memory_space<hbm>> -> memref<200xf32, #tpu.memory_space<hbm>>
    %dma_wait3A_95 = arith.constant 0 : i32
    %dma_wait3A_96 = tpu.memref_slice %arg11[%dma_wait3A_95] : memref<208xf32, #tpu.memory_space<vmem>> -> memref<200xf32, #tpu.memory_space<vmem>>
    %dma_wait3A_97 = tpu.memref_slice %arg4[%mul3A_41] : memref<327680xf32, #tpu.memory_space<hbm>> -> memref<200xf32, #tpu.memory_space<hbm>>
    tpu.wait_dma2 semaphore(%arg27 : memref<!tpu.dma_semaphore, #tpu.memory_space<semaphore_mem>>) src(%dma_wait3A_97 : memref<200xf32, #tpu.memory_space<hbm>>) dst(%dma_wait3A_96 : memref<200xf32, #tpu.memory_space<vmem>>)
    %dma_wait3A_98 = arith.constant 0 : i32
    %dma_wait3A_99 = tpu.memref_slice %arg12[%dma_wait3A_98] : memref<208xf32, #tpu.memory_space<vmem>> -> memref<200xf32, #tpu.memory_space<vmem>>
    %dma_wait3A_100 = tpu.memref_slice %arg5[%mul3A_41] : memref<320000xf32, #tpu.memory_space<hbm>> -> memref<200xf32, #tpu.memory_space<hbm>>
    %dma_wait3A_101 = arith.constant 0 : i32
    %dma_wait3A_102 = tpu.memref_slice %arg12[%dma_wait3A_101] : memref<208xf32, #tpu.memory_space<vmem>> -> memref<200xf32, #tpu.memory_space<vmem>>
    %dma_wait3A_103 = tpu.memref_slice %arg5[%mul3A_41] : memref<320000xf32, #tpu.memory_space<hbm>> -> memref<200xf32, #tpu.memory_space<hbm>>
    tpu.wait_dma2 semaphore(%arg27 : memref<!tpu.dma_semaphore, #tpu.memory_space<semaphore_mem>>) src(%dma_wait3A_103 : memref<200xf32, #tpu.memory_space<hbm>>) dst(%dma_wait3A_102 : memref<200xf32, #tpu.memory_space<vmem>>)
    %dma_wait3A_104 = arith.constant 0 : i32
    %dma_wait3A_105 = tpu.memref_slice %arg13[%dma_wait3A_104] : memref<208xf32, #tpu.memory_space<vmem>> -> memref<200xf32, #tpu.memory_space<vmem>>
    %dma_wait3A_106 = tpu.memref_slice %arg6[%mul3A_41] : memref<320000xf32, #tpu.memory_space<hbm>> -> memref<200xf32, #tpu.memory_space<hbm>>
    %dma_wait3A_107 = arith.constant 0 : i32
    %dma_wait3A_108 = tpu.memref_slice %arg13[%dma_wait3A_107] : memref<208xf32, #tpu.memory_space<vmem>> -> memref<200xf32, #tpu.memory_space<vmem>>
    %dma_wait3A_109 = tpu.memref_slice %arg6[%mul3A_41] : memref<320000xf32, #tpu.memory_space<hbm>> -> memref<200xf32, #tpu.memory_space<hbm>>
    tpu.wait_dma2 semaphore(%arg27 : memref<!tpu.dma_semaphore, #tpu.memory_space<semaphore_mem>>) src(%dma_wait3A_109 : memref<200xf32, #tpu.memory_space<hbm>>) dst(%dma_wait3A_108 : memref<200xf32, #tpu.memory_space<vmem>>)
    %dma_wait3A_110 = arith.constant 0 : i32
    %dma_wait3A_111 = tpu.memref_slice %arg14[%dma_wait3A_110] : memref<208xf32, #tpu.memory_space<vmem>> -> memref<200xf32, #tpu.memory_space<vmem>>
    %dma_wait3A_112 = tpu.memref_slice %arg7[%mul3A_41] : memref<320000xf32, #tpu.memory_space<hbm>> -> memref<200xf32, #tpu.memory_space<hbm>>
    %dma_wait3A_113 = arith.constant 0 : i32
    %dma_wait3A_114 = tpu.memref_slice %arg14[%dma_wait3A_113] : memref<208xf32, #tpu.memory_space<vmem>> -> memref<200xf32, #tpu.memory_space<vmem>>
    %dma_wait3A_115 = tpu.memref_slice %arg7[%mul3A_41] : memref<320000xf32, #tpu.memory_space<hbm>> -> memref<200xf32, #tpu.memory_space<hbm>>
    tpu.wait_dma2 semaphore(%arg27 : memref<!tpu.dma_semaphore, #tpu.memory_space<semaphore_mem>>) src(%dma_wait3A_115 : memref<200xf32, #tpu.memory_space<hbm>>) dst(%dma_wait3A_114 : memref<200xf32, #tpu.memory_space<vmem>>)
    %dma_wait3A_116 = arith.constant 0 : i32
    %dma_wait3A_117 = arith.constant 0 : i32
    %dma_wait3A_118 = tpu.memref_slice %arg15[%dma_wait3A_116, %dma_wait3A_117] : memref<208x128xf32, #tpu.memory_space<vmem>> -> memref<200x128xf32, #tpu.memory_space<vmem>>
    %dma_wait3A_119 = arith.constant 0 : i32
    %dma_wait3A_120 = tpu.memref_slice %arg2[%mul3A_41, %dma_wait3A_119] : memref<327680x128xf32, #tpu.memory_space<hbm>> -> memref<200x128xf32, #tpu.memory_space<hbm>>
    %dma_wait3A_121 = arith.constant 0 : i32
    %dma_wait3A_122 = arith.constant 0 : i32
    %dma_wait3A_123 = tpu.memref_slice %arg15[%dma_wait3A_121, %dma_wait3A_122] : memref<208x128xf32, #tpu.memory_space<vmem>> -> memref<200x128xf32, #tpu.memory_space<vmem>>
    %dma_wait3A_124 = arith.constant 0 : i32
    %dma_wait3A_125 = tpu.memref_slice %arg2[%mul3A_41, %dma_wait3A_124] : memref<327680x128xf32, #tpu.memory_space<hbm>> -> memref<200x128xf32, #tpu.memory_space<hbm>>
    tpu.wait_dma2 semaphore(%arg27 : memref<!tpu.dma_semaphore, #tpu.memory_space<semaphore_mem>>) src(%dma_wait3A_125 : memref<200x128xf32, #tpu.memory_space<hbm>>) dst(%dma_wait3A_123 : memref<200x128xf32, #tpu.memory_space<vmem>>)
    %barrier3A_126 = arith.constant 0 : index
    tpu.barrier barrier_id(%barrier3A_126)
    %mul3A_127 = arith.constant 320 : i32
    %mul3A_128 = arith.muli %arg1, %mul3A_127 : i32
    %multiple_of3A_129 = tpu.assume_multiple %mul3A_128, 8 : i32
    "tpu.region"() ({
      %run_scoped3A = tpu.sem_alloc : memref<!tpu.dma_semaphore, #tpu.memory_space<semaphore_mem>>
      %dma_start3A_133 = arith.constant 0 : i32
      %dma_start3A_134 = tpu.memref_slice %arg8[%arg0, %multiple_of3A_129, %dma_start3A_133] : memref<2x5120x128xf32, #tpu.memory_space<hbm>> -> memref<1x320x128xf32, #tpu.memory_space<hbm>>
      %dma_start3A_135 = tpu.memref_squeeze %dma_start3A_134 : memref<1x320x128xf32, #tpu.memory_space<hbm>> -> memref<320x128xf32, #tpu.memory_space<hbm>>
      %dma_start3A_136 = arith.constant 0 : i32
      %dma_start3A_137 = tpu.memref_slice %arg25[%multiple_of3A_129, %dma_start3A_136] : memref<5120x128xf32, #tpu.memory_space<vmem_shared>> -> memref<320x128xf32, #tpu.memory_space<vmem_shared>>
      tpu.enqueue_dma source(%dma_start3A_137 : memref<320x128xf32, #tpu.memory_space<vmem_shared>>) target(%dma_start3A_135 : memref<320x128xf32, #tpu.memory_space<hbm>>) target_semaphore(%run_scoped3A : memref<!tpu.dma_semaphore, #tpu.memory_space<semaphore_mem>>)
      %dma_wait3A_138 = arith.constant 0 : i32
      %dma_wait3A_139 = tpu.memref_slice %arg8[%arg0, %multiple_of3A_129, %dma_wait3A_138] : memref<2x5120x128xf32, #tpu.memory_space<hbm>> -> memref<1x320x128xf32, #tpu.memory_space<hbm>>
      %dma_wait3A_140 = tpu.memref_squeeze %dma_wait3A_139 : memref<1x320x128xf32, #tpu.memory_space<hbm>> -> memref<320x128xf32, #tpu.memory_space<hbm>>
      %dma_wait3A_141 = arith.constant 0 : i32
      %dma_wait3A_142 = tpu.memref_slice %arg25[%multiple_of3A_129, %dma_wait3A_141] : memref<5120x128xf32, #tpu.memory_space<vmem_shared>> -> memref<320x128xf32, #tpu.memory_space<vmem_shared>>
      tpu.wait_dma2 semaphore(%run_scoped3A : memref<!tpu.dma_semaphore, #tpu.memory_space<semaphore_mem>>) src(%dma_wait3A_142 : memref<320x128xf32, #tpu.memory_space<vmem_shared>>) dst(%dma_wait3A_140 : memref<320x128xf32, #tpu.memory_space<hbm>>)
      tpu.yield
    }) : () -> ()
    %mul3A_130 = arith.constant 40 : i32
    %mul3A_131 = arith.muli %arg1, %mul3A_130 : i32
    %multiple_of3A_132 = tpu.assume_multiple %mul3A_131, 8 : i32
    "tpu.region"() ({
      %run_scoped3A = tpu.sem_alloc : memref<!tpu.dma_semaphore, #tpu.memory_space<semaphore_mem>>
      %dma_start3A_133 = arith.constant 0 : i32
      %dma_start3A_134 = tpu.memref_slice %arg9[%arg0, %multiple_of3A_132, %dma_start3A_133] : memref<2x640x128xf32, #tpu.memory_space<hbm>> -> memref<1x40x128xf32, #tpu.memory_space<hbm>>
      %dma_start3A_135 = tpu.memref_squeeze %dma_start3A_134 : memref<1x40x128xf32, #tpu.memory_space<hbm>> -> memref<40x128xf32, #tpu.memory_space<hbm>>
      %dma_start3A_136 = arith.constant 0 : i32
      %dma_start3A_137 = tpu.memref_slice %arg26[%multiple_of3A_132, %dma_start3A_136] : memref<640x128xf32, #tpu.memory_space<vmem_shared>> -> memref<40x128xf32, #tpu.memory_space<vmem_shared>>
      tpu.enqueue_dma source(%dma_start3A_137 : memref<40x128xf32, #tpu.memory_space<vmem_shared>>) target(%dma_start3A_135 : memref<40x128xf32, #tpu.memory_space<hbm>>) target_semaphore(%run_scoped3A : memref<!tpu.dma_semaphore, #tpu.memory_space<semaphore_mem>>)
      %dma_wait3A_138 = arith.constant 0 : i32
      %dma_wait3A_139 = tpu.memref_slice %arg9[%arg0, %multiple_of3A_132, %dma_wait3A_138] : memref<2x640x128xf32, #tpu.memory_space<hbm>> -> memref<1x40x128xf32, #tpu.memory_space<hbm>>
      %dma_wait3A_140 = tpu.memref_squeeze %dma_wait3A_139 : memref<1x40x128xf32, #tpu.memory_space<hbm>> -> memref<40x128xf32, #tpu.memory_space<hbm>>
      %dma_wait3A_141 = arith.constant 0 : i32
      %dma_wait3A_142 = tpu.memref_slice %arg26[%multiple_of3A_132, %dma_wait3A_141] : memref<640x128xf32, #tpu.memory_space<vmem_shared>> -> memref<40x128xf32, #tpu.memory_space<vmem_shared>>
      tpu.wait_dma2 semaphore(%run_scoped3A : memref<!tpu.dma_semaphore, #tpu.memory_space<semaphore_mem>>) src(%dma_wait3A_142 : memref<40x128xf32, #tpu.memory_space<vmem_shared>>) dst(%dma_wait3A_140 : memref<40x128xf32, #tpu.memory_space<hbm>>)
      tpu.yield
    }) : () -> ()
    return
  }
}

module attributes {stable_mosaic.version = 14 : i64} {
  func.func @_prep_body(%arg0: i32, %arg1: memref<1000x128xf32, #tpu.memory_space<vmem>>, %arg2: memref<128x128xf32, #tpu.memory_space<vmem>>, %arg3: memref<128x128xf32, #tpu.memory_space<vmem>>, %arg4: memref<1x128xf32, #tpu.memory_space<vmem>>, %arg5: memref<1000x128xf32, #tpu.memory_space<vmem>>, %arg6: memref<1000x128xf32, #tpu.memory_space<vmem>>) attributes {dimension_semantics = [#tpu.dimension_semantics<arbitrary>], iteration_bounds = array<i64: 10>, scalar_prefetch = 0 : i64, scratch_operands = 0 : i64, tpu.core_type = #tpu.core_type<tc>, window_params = [{transform_indices = @transform_0, window_bounds = array<i64: 1000, 128>}, {pipeline_mode = #tpu.pipeline_mode<synchronous>, transform_indices = @transform_1, window_bounds = array<i64: 128, 128>}, {pipeline_mode = #tpu.pipeline_mode<synchronous>, transform_indices = @transform_2, window_bounds = array<i64: 128, 128>}, {pipeline_mode = #tpu.pipeline_mode<synchronous>, transform_indices = @transform_3, window_bounds = array<i64: 1, 128>}, {transform_indices = @transform_4, window_bounds = array<i64: 1000, 128>}, {transform_indices = @transform_5, window_bounds = array<i64: 1000, 128>}]} {
    %get3A = arith.constant 0 : index
    %get3A_0 = arith.constant 0 : index
    %get3A_1 = vector.load %arg1[%get3A, %get3A_0] : memref<1000x128xf32, #tpu.memory_space<vmem>>, vector<1000x128xf32>
    %get3A_2 = arith.constant 0 : index
    %get3A_3 = arith.constant 0 : index
    %get3A_4 = vector.load %arg2[%get3A_2, %get3A_3] : memref<128x128xf32, #tpu.memory_space<vmem>>, vector<128x128xf32>
    %dot_general3A = arith.constant dense<0.000000e+00> : vector<1000x128xf32>
    %dot_general3A_5 = tpu.matmul %get3A_1, %get3A_4, %dot_general3A {dimension_numbers = #tpu.dot_dimension_numbers<[1], [0], [0], [1], [0, 0, 1, 1], [], []>, transpose_lhs_hint = false} : vector<1000x128xf32>, vector<128x128xf32>, vector<1000x128xf32> -> vector<1000x128xf32>
    %get3A_6 = arith.constant 0 : index
    %get3A_7 = arith.constant 0 : index
    %get3A_8 = vector.load %arg4[%get3A_6, %get3A_7] : memref<1x128xf32, #tpu.memory_space<vmem>>, vector<1x128xf32>
    %add3A = vector.broadcast %get3A_8 : vector<1x128xf32> to vector<1000x128xf32>
    %add3A_9 = arith.addf %dot_general3A_5, %add3A : vector<1000x128xf32>
    %swap3A = arith.constant 0 : index
    %swap3A_10 = arith.constant 0 : index
    %swap3A_11 = vector.load %arg5[%swap3A, %swap3A_10] : memref<1000x128xf32, #tpu.memory_space<vmem>>, vector<1000x128xf32>
    tpu.vector_store %arg5[%swap3A, %swap3A_10], %add3A_9 {strides = array<i32>} : memref<1000x128xf32, #tpu.memory_space<vmem>>, vector<1000x128xf32>,
    %get3A_12 = arith.constant 0 : index
    %get3A_13 = arith.constant 0 : index
    %get3A_14 = vector.load %arg3[%get3A_12, %get3A_13] : memref<128x128xf32, #tpu.memory_space<vmem>>, vector<128x128xf32>
    %dot_general3A_15 = arith.constant dense<0.000000e+00> : vector<1000x128xf32>
    %dot_general3A_16 = tpu.matmul %get3A_1, %get3A_14, %dot_general3A_15 {dimension_numbers = #tpu.dot_dimension_numbers<[1], [0], [0], [1], [0, 0, 1, 1], [], []>, transpose_lhs_hint = false} : vector<1000x128xf32>, vector<128x128xf32>, vector<1000x128xf32> -> vector<1000x128xf32>
    %swap3A_17 = arith.constant 0 : index
    %swap3A_18 = arith.constant 0 : index
    %swap3A_19 = vector.load %arg6[%swap3A_17, %swap3A_18] : memref<1000x128xf32, #tpu.memory_space<vmem>>, vector<1000x128xf32>
    tpu.vector_store %arg6[%swap3A_17, %swap3A_18], %dot_general3A_16 {strides = array<i32>} : memref<1000x128xf32, #tpu.memory_space<vmem>>, vector<1000x128xf32>,
    return
  }
  func.func @transform_0(%arg0: i32) -> (i32, i32) {
    %c0_i32 = arith.constant 0 : i32
    %c0_i32_0 = arith.constant 0 : i32
    return %arg0, %c0_i32 : i32, i32
  }
  func.func @transform_1(%arg0: i32) -> (i32, i32) {
    %c0_i32 = arith.constant 0 : i32
    %c0_i32_0 = arith.constant 0 : i32
    %c0_i32_1 = arith.constant 0 : i32
    return %c0_i32, %c0_i32_0 : i32, i32
  }
  func.func @transform_2(%arg0: i32) -> (i32, i32) {
    %c0_i32 = arith.constant 0 : i32
    %c0_i32_0 = arith.constant 0 : i32
    %c0_i32_1 = arith.constant 0 : i32
    return %c0_i32, %c0_i32_0 : i32, i32
  }
  func.func @transform_3(%arg0: i32) -> (i32, i32) {
    %c0_i32 = arith.constant 0 : i32
    %c0_i32_0 = arith.constant 0 : i32
    %c0_i32_1 = arith.constant 0 : i32
    return %c0_i32, %c0_i32_0 : i32, i32
  }
  func.func @transform_4(%arg0: i32) -> (i32, i32) {
    %c0_i32 = arith.constant 0 : i32
    %c0_i32_0 = arith.constant 0 : i32
    return %arg0, %c0_i32 : i32, i32
  }
  func.func @transform_5(%arg0: i32) -> (i32, i32) {
    %c0_i32 = arith.constant 0 : i32
    %c0_i32_0 = arith.constant 0 : i32
    return %arg0, %c0_i32 : i32, i32
  }
}

module attributes {stable_mosaic.version = 14 : i64} {
  func.func @_edge_body(%arg0: i32, %arg1: memref<2048x128xf32, #tpu.memory_space<vmem>>, %arg2: memref<2048x17xf32, #tpu.memory_space<vmem>>, %arg3: memref<17x128xf32, #tpu.memory_space<vmem>>, %arg4: memref<128x128xf32, #tpu.memory_space<vmem>>, %arg5: memref<1x128xf32, #tpu.memory_space<vmem>>, %arg6: memref<128x128xf32, #tpu.memory_space<vmem>>, %arg7: memref<1x128xf32, #tpu.memory_space<vmem>>, %arg8: memref<1x128xf32, #tpu.memory_space<vmem>>, %arg9: memref<1x1xf32, #tpu.memory_space<vmem>>, %arg10: memref<2048x128xf32, #tpu.memory_space<vmem>>, %arg11: memref<16x128xf32, #tpu.memory_space<vmem>>) attributes {dimension_semantics = [#tpu.dimension_semantics<arbitrary>], iteration_bounds = array<i64: 160>, scalar_prefetch = 0 : i64, scratch_operands = 0 : i64, tpu.core_type = #tpu.core_type<tc>, window_params = [{transform_indices = @transform_0, window_bounds = array<i64: 2048, 128>}, {transform_indices = @transform_1, window_bounds = array<i64: 2048, 17>}, {pipeline_mode = #tpu.pipeline_mode<synchronous>, transform_indices = @transform_2, window_bounds = array<i64: 17, 128>}, {pipeline_mode = #tpu.pipeline_mode<synchronous>, transform_indices = @transform_3, window_bounds = array<i64: 128, 128>}, {pipeline_mode = #tpu.pipeline_mode<synchronous>, transform_indices = @transform_4, window_bounds = array<i64: 1, 128>}, {pipeline_mode = #tpu.pipeline_mode<synchronous>, transform_indices = @transform_5, window_bounds = array<i64: 128, 128>}, {pipeline_mode = #tpu.pipeline_mode<synchronous>, transform_indices = @transform_6, window_bounds = array<i64: 1, 128>}, {pipeline_mode = #tpu.pipeline_mode<synchronous>, transform_indices = @transform_7, window_bounds = array<i64: 1, 128>}, {pipeline_mode = #tpu.pipeline_mode<synchronous>, transform_indices = @transform_8, window_bounds = array<i64: 1, 1>}, {transform_indices = @transform_9, window_bounds = array<i64: 2048, 128>}, {transform_indices = @transform_10, window_bounds = array<i64: 16, 128>}]} {
    %get3A = arith.constant 0 : index
    %get3A_0 = arith.constant 0 : index
    %get3A_1 = vector.load %arg1[%get3A, %get3A_0] : memref<2048x128xf32, #tpu.memory_space<vmem>>, vector<2048x128xf32>
    %get3A_2 = arith.constant 0 : index
    %get3A_3 = arith.constant 0 : index
    %get3A_4 = vector.load %arg2[%get3A_2, %get3A_3] : memref<2048x17xf32, #tpu.memory_space<vmem>>, vector<2048x17xf32>
    %get3A_5 = arith.constant 0 : index
    %get3A_6 = arith.constant 0 : index
    %get3A_7 = vector.load %arg3[%get3A_5, %get3A_6] : memref<17x128xf32, #tpu.memory_space<vmem>>, vector<17x128xf32>
    %dot_general3A = arith.constant dense<0.000000e+00> : vector<2048x128xf32>
    %dot_general3A_8 = tpu.matmul %get3A_4, %get3A_7, %dot_general3A {dimension_numbers = #tpu.dot_dimension_numbers<[1], [0], [0], [1], [0, 0, 1, 1], [], []>, transpose_lhs_hint = false} : vector<2048x17xf32>, vector<17x128xf32>, vector<2048x128xf32> -> vector<2048x128xf32>
    %add3A = arith.addf %get3A_1, %dot_general3A_8 : vector<2048x128xf32>
    %logistic3A = arith.negf %add3A : vector<2048x128xf32>
    %logistic3A_9 = math.exp %logistic3A : vector<2048x128xf32>
    %logistic3A_10 = arith.constant 1.000000e+00 : f32
    %logistic3A_11 = vector.broadcast %logistic3A_10 : f32 to vector<2048x128xf32>
    %logistic3A_12 = arith.addf %logistic3A_11, %logistic3A_9 : vector<2048x128xf32>
    %logistic3A_13 = arith.divf %logistic3A_11, %logistic3A_12 : vector<2048x128xf32>
    %mul3A = arith.mulf %add3A, %logistic3A_13 : vector<2048x128xf32>
    %get3A_14 = arith.constant 0 : index
    %get3A_15 = arith.constant 0 : index
    %get3A_16 = vector.load %arg4[%get3A_14, %get3A_15] : memref<128x128xf32, #tpu.memory_space<vmem>>, vector<128x128xf32>
    %dot_general3A_17 = arith.constant dense<0.000000e+00> : vector<2048x128xf32>
    %dot_general3A_18 = tpu.matmul %mul3A, %get3A_16, %dot_general3A_17 {dimension_numbers = #tpu.dot_dimension_numbers<[1], [0], [0], [1], [0, 0, 1, 1], [], []>, transpose_lhs_hint = false} : vector<2048x128xf32>, vector<128x128xf32>, vector<2048x128xf32> -> vector<2048x128xf32>
    %get3A_19 = arith.constant 0 : index
    %get3A_20 = arith.constant 0 : index
    %get3A_21 = vector.load %arg5[%get3A_19, %get3A_20] : memref<1x128xf32, #tpu.memory_space<vmem>>, vector<1x128xf32>
    %add3A_22 = vector.broadcast %get3A_21 : vector<1x128xf32> to vector<2048x128xf32>
    %add3A_23 = arith.addf %dot_general3A_18, %add3A_22 : vector<2048x128xf32>
    %logistic3A_24 = arith.negf %add3A_23 : vector<2048x128xf32>
    %logistic3A_25 = math.exp %logistic3A_24 : vector<2048x128xf32>
    %logistic3A_26 = arith.constant 1.000000e+00 : f32
    %logistic3A_27 = vector.broadcast %logistic3A_26 : f32 to vector<2048x128xf32>
    %logistic3A_28 = arith.addf %logistic3A_27, %logistic3A_25 : vector<2048x128xf32>
    %logistic3A_29 = arith.divf %logistic3A_27, %logistic3A_28 : vector<2048x128xf32>
    %mul3A_30 = arith.mulf %add3A_23, %logistic3A_29 : vector<2048x128xf32>
    %swap3A = arith.constant 0 : index
    %swap3A_31 = arith.constant 0 : index
    %swap3A_32 = vector.load %arg10[%swap3A, %swap3A_31] : memref<2048x128xf32, #tpu.memory_space<vmem>>, vector<2048x128xf32>
    tpu.vector_store %arg10[%swap3A, %swap3A_31], %mul3A_30 {strides = array<i32>} : memref<2048x128xf32, #tpu.memory_space<vmem>>, vector<2048x128xf32>,
    %get3A_33 = arith.constant 0 : index
    %get3A_34 = arith.constant 0 : index
    %get3A_35 = vector.load %arg6[%get3A_33, %get3A_34] : memref<128x128xf32, #tpu.memory_space<vmem>>, vector<128x128xf32>
    %dot_general3A_36 = arith.constant dense<0.000000e+00> : vector<2048x128xf32>
    %dot_general3A_37 = tpu.matmul %mul3A_30, %get3A_35, %dot_general3A_36 {dimension_numbers = #tpu.dot_dimension_numbers<[1], [0], [0], [1], [0, 0, 1, 1], [], []>, transpose_lhs_hint = false} : vector<2048x128xf32>, vector<128x128xf32>, vector<2048x128xf32> -> vector<2048x128xf32>
    %get3A_38 = arith.constant 0 : index
    %get3A_39 = arith.constant 0 : index
    %get3A_40 = vector.load %arg7[%get3A_38, %get3A_39] : memref<1x128xf32, #tpu.memory_space<vmem>>, vector<1x128xf32>
    %add3A_41 = vector.broadcast %get3A_40 : vector<1x128xf32> to vector<2048x128xf32>
    %add3A_42 = arith.addf %dot_general3A_37, %add3A_41 : vector<2048x128xf32>
    %logistic3A_43 = arith.negf %add3A_42 : vector<2048x128xf32>
    %logistic3A_44 = math.exp %logistic3A_43 : vector<2048x128xf32>
    %logistic3A_45 = arith.constant 1.000000e+00 : f32
    %logistic3A_46 = vector.broadcast %logistic3A_45 : f32 to vector<2048x128xf32>
    %logistic3A_47 = arith.addf %logistic3A_46, %logistic3A_44 : vector<2048x128xf32>
    %logistic3A_48 = arith.divf %logistic3A_46, %logistic3A_47 : vector<2048x128xf32>
    %mul3A_49 = arith.mulf %add3A_42, %logistic3A_48 : vector<2048x128xf32>
    %get3A_50 = arith.constant 0 : index
    %get3A_51 = arith.constant 0 : index
    %get3A_52 = vector.load %arg8[%get3A_50, %get3A_51] : memref<1x128xf32, #tpu.memory_space<vmem>>, vector<1x128xf32>
    %slice3A = vector.extract_strided_slice %mul3A_49 {offsets = [0, 0], sizes = [128, 128], strides = [1, 1]} : vector<2048x128xf32> to vector<128x128xf32>
    %mul3A_53 = vector.broadcast %get3A_52 : vector<1x128xf32> to vector<128x128xf32>
    %mul3A_54 = arith.mulf %slice3A, %mul3A_53 : vector<128x128xf32>
    %reduce_sum3A = arith.constant dense<0.000000e+00> : vector<128xf32>
    %reduce_sum3A_55 = vector.multi_reduction <add>, %mul3A_54, %reduce_sum3A [1] : vector<128x128xf32> to vector<128xf32>
    %reshape3A = vector.shape_cast %reduce_sum3A_55 : vector<128xf32> to vector<1x128xf32>
    %slice3A_56 = vector.extract_strided_slice %mul3A_49 {offsets = [128, 0], sizes = [128, 128], strides = [1, 1]} : vector<2048x128xf32> to vector<128x128xf32>
    %mul3A_57 = vector.broadcast %get3A_52 : vector<1x128xf32> to vector<128x128xf32>
    %mul3A_58 = arith.mulf %slice3A_56, %mul3A_57 : vector<128x128xf32>
    %reduce_sum3A_59 = arith.constant dense<0.000000e+00> : vector<128xf32>
    %reduce_sum3A_60 = vector.multi_reduction <add>, %mul3A_58, %reduce_sum3A_59 [1] : vector<128x128xf32> to vector<128xf32>
    %reshape3A_61 = vector.shape_cast %reduce_sum3A_60 : vector<128xf32> to vector<1x128xf32>
    %slice3A_62 = vector.extract_strided_slice %mul3A_49 {offsets = [256, 0], sizes = [128, 128], strides = [1, 1]} : vector<2048x128xf32> to vector<128x128xf32>
    %mul3A_63 = vector.broadcast %get3A_52 : vector<1x128xf32> to vector<128x128xf32>
    %mul3A_64 = arith.mulf %slice3A_62, %mul3A_63 : vector<128x128xf32>
    %reduce_sum3A_65 = arith.constant dense<0.000000e+00> : vector<128xf32>
    %reduce_sum3A_66 = vector.multi_reduction <add>, %mul3A_64, %reduce_sum3A_65 [1] : vector<128x128xf32> to vector<128xf32>
    %reshape3A_67 = vector.shape_cast %reduce_sum3A_66 : vector<128xf32> to vector<1x128xf32>
    %slice3A_68 = vector.extract_strided_slice %mul3A_49 {offsets = [384, 0], sizes = [128, 128], strides = [1, 1]} : vector<2048x128xf32> to vector<128x128xf32>
    %mul3A_69 = vector.broadcast %get3A_52 : vector<1x128xf32> to vector<128x128xf32>
    %mul3A_70 = arith.mulf %slice3A_68, %mul3A_69 : vector<128x128xf32>
    %reduce_sum3A_71 = arith.constant dense<0.000000e+00> : vector<128xf32>
    %reduce_sum3A_72 = vector.multi_reduction <add>, %mul3A_70, %reduce_sum3A_71 [1] : vector<128x128xf32> to vector<128xf32>
    %reshape3A_73 = vector.shape_cast %reduce_sum3A_72 : vector<128xf32> to vector<1x128xf32>
    %slice3A_74 = vector.extract_strided_slice %mul3A_49 {offsets = [512, 0], sizes = [128, 128], strides = [1, 1]} : vector<2048x128xf32> to vector<128x128xf32>
    %mul3A_75 = vector.broadcast %get3A_52 : vector<1x128xf32> to vector<128x128xf32>
    %mul3A_76 = arith.mulf %slice3A_74, %mul3A_75 : vector<128x128xf32>
    %reduce_sum3A_77 = arith.constant dense<0.000000e+00> : vector<128xf32>
    %reduce_sum3A_78 = vector.multi_reduction <add>, %mul3A_76, %reduce_sum3A_77 [1] : vector<128x128xf32> to vector<128xf32>
    %reshape3A_79 = vector.shape_cast %reduce_sum3A_78 : vector<128xf32> to vector<1x128xf32>
    %slice3A_80 = vector.extract_strided_slice %mul3A_49 {offsets = [640, 0], sizes = [128, 128], strides = [1, 1]} : vector<2048x128xf32> to vector<128x128xf32>
    %mul3A_81 = vector.broadcast %get3A_52 : vector<1x128xf32> to vector<128x128xf32>
    %mul3A_82 = arith.mulf %slice3A_80, %mul3A_81 : vector<128x128xf32>
    %reduce_sum3A_83 = arith.constant dense<0.000000e+00> : vector<128xf32>
    %reduce_sum3A_84 = vector.multi_reduction <add>, %mul3A_82, %reduce_sum3A_83 [1] : vector<128x128xf32> to vector<128xf32>
    %reshape3A_85 = vector.shape_cast %reduce_sum3A_84 : vector<128xf32> to vector<1x128xf32>
    %slice3A_86 = vector.extract_strided_slice %mul3A_49 {offsets = [768, 0], sizes = [128, 128], strides = [1, 1]} : vector<2048x128xf32> to vector<128x128xf32>
    %mul3A_87 = vector.broadcast %get3A_52 : vector<1x128xf32> to vector<128x128xf32>
    %mul3A_88 = arith.mulf %slice3A_86, %mul3A_87 : vector<128x128xf32>
    %reduce_sum3A_89 = arith.constant dense<0.000000e+00> : vector<128xf32>
    %reduce_sum3A_90 = vector.multi_reduction <add>, %mul3A_88, %reduce_sum3A_89 [1] : vector<128x128xf32> to vector<128xf32>
    %reshape3A_91 = vector.shape_cast %reduce_sum3A_90 : vector<128xf32> to vector<1x128xf32>
    %slice3A_92 = vector.extract_strided_slice %mul3A_49 {offsets = [896, 0], sizes = [128, 128], strides = [1, 1]} : vector<2048x128xf32> to vector<128x128xf32>
    %mul3A_93 = vector.broadcast %get3A_52 : vector<1x128xf32> to vector<128x128xf32>
    %mul3A_94 = arith.mulf %slice3A_92, %mul3A_93 : vector<128x128xf32>
    %reduce_sum3A_95 = arith.constant dense<0.000000e+00> : vector<128xf32>
    %reduce_sum3A_96 = vector.multi_reduction <add>, %mul3A_94, %reduce_sum3A_95 [1] : vector<128x128xf32> to vector<128xf32>
    %reshape3A_97 = vector.shape_cast %reduce_sum3A_96 : vector<128xf32> to vector<1x128xf32>
    %slice3A_98 = vector.extract_strided_slice %mul3A_49 {offsets = [1024, 0], sizes = [128, 128], strides = [1, 1]} : vector<2048x128xf32> to vector<128x128xf32>
    %mul3A_99 = vector.broadcast %get3A_52 : vector<1x128xf32> to vector<128x128xf32>
    %mul3A_100 = arith.mulf %slice3A_98, %mul3A_99 : vector<128x128xf32>
    %reduce_sum3A_101 = arith.constant dense<0.000000e+00> : vector<128xf32>
    %reduce_sum3A_102 = vector.multi_reduction <add>, %mul3A_100, %reduce_sum3A_101 [1] : vector<128x128xf32> to vector<128xf32>
    %reshape3A_103 = vector.shape_cast %reduce_sum3A_102 : vector<128xf32> to vector<1x128xf32>
    %slice3A_104 = vector.extract_strided_slice %mul3A_49 {offsets = [1152, 0], sizes = [128, 128], strides = [1, 1]} : vector<2048x128xf32> to vector<128x128xf32>
    %mul3A_105 = vector.broadcast %get3A_52 : vector<1x128xf32> to vector<128x128xf32>
    %mul3A_106 = arith.mulf %slice3A_104, %mul3A_105 : vector<128x128xf32>
    %reduce_sum3A_107 = arith.constant dense<0.000000e+00> : vector<128xf32>
    %reduce_sum3A_108 = vector.multi_reduction <add>, %mul3A_106, %reduce_sum3A_107 [1] : vector<128x128xf32> to vector<128xf32>
    %reshape3A_109 = vector.shape_cast %reduce_sum3A_108 : vector<128xf32> to vector<1x128xf32>
    %slice3A_110 = vector.extract_strided_slice %mul3A_49 {offsets = [1280, 0], sizes = [128, 128], strides = [1, 1]} : vector<2048x128xf32> to vector<128x128xf32>
    %mul3A_111 = vector.broadcast %get3A_52 : vector<1x128xf32> to vector<128x128xf32>
    %mul3A_112 = arith.mulf %slice3A_110, %mul3A_111 : vector<128x128xf32>
    %reduce_sum3A_113 = arith.constant dense<0.000000e+00> : vector<128xf32>
    %reduce_sum3A_114 = vector.multi_reduction <add>, %mul3A_112, %reduce_sum3A_113 [1] : vector<128x128xf32> to vector<128xf32>
    %reshape3A_115 = vector.shape_cast %reduce_sum3A_114 : vector<128xf32> to vector<1x128xf32>
    %slice3A_116 = vector.extract_strided_slice %mul3A_49 {offsets = [1408, 0], sizes = [128, 128], strides = [1, 1]} : vector<2048x128xf32> to vector<128x128xf32>
    %mul3A_117 = vector.broadcast %get3A_52 : vector<1x128xf32> to vector<128x128xf32>
    %mul3A_118 = arith.mulf %slice3A_116, %mul3A_117 : vector<128x128xf32>
    %reduce_sum3A_119 = arith.constant dense<0.000000e+00> : vector<128xf32>
    %reduce_sum3A_120 = vector.multi_reduction <add>, %mul3A_118, %reduce_sum3A_119 [1] : vector<128x128xf32> to vector<128xf32>
    %reshape3A_121 = vector.shape_cast %reduce_sum3A_120 : vector<128xf32> to vector<1x128xf32>
    %slice3A_122 = vector.extract_strided_slice %mul3A_49 {offsets = [1536, 0], sizes = [128, 128], strides = [1, 1]} : vector<2048x128xf32> to vector<128x128xf32>
    %mul3A_123 = vector.broadcast %get3A_52 : vector<1x128xf32> to vector<128x128xf32>
    %mul3A_124 = arith.mulf %slice3A_122, %mul3A_123 : vector<128x128xf32>
    %reduce_sum3A_125 = arith.constant dense<0.000000e+00> : vector<128xf32>
    %reduce_sum3A_126 = vector.multi_reduction <add>, %mul3A_124, %reduce_sum3A_125 [1] : vector<128x128xf32> to vector<128xf32>
    %reshape3A_127 = vector.shape_cast %reduce_sum3A_126 : vector<128xf32> to vector<1x128xf32>
    %slice3A_128 = vector.extract_strided_slice %mul3A_49 {offsets = [1664, 0], sizes = [128, 128], strides = [1, 1]} : vector<2048x128xf32> to vector<128x128xf32>
    %mul3A_129 = vector.broadcast %get3A_52 : vector<1x128xf32> to vector<128x128xf32>
    %mul3A_130 = arith.mulf %slice3A_128, %mul3A_129 : vector<128x128xf32>
    %reduce_sum3A_131 = arith.constant dense<0.000000e+00> : vector<128xf32>
    %reduce_sum3A_132 = vector.multi_reduction <add>, %mul3A_130, %reduce_sum3A_131 [1] : vector<128x128xf32> to vector<128xf32>
    %reshape3A_133 = vector.shape_cast %reduce_sum3A_132 : vector<128xf32> to vector<1x128xf32>
    %slice3A_134 = vector.extract_strided_slice %mul3A_49 {offsets = [1792, 0], sizes = [128, 128], strides = [1, 1]} : vector<2048x128xf32> to vector<128x128xf32>
    %mul3A_135 = vector.broadcast %get3A_52 : vector<1x128xf32> to vector<128x128xf32>
    %mul3A_136 = arith.mulf %slice3A_134, %mul3A_135 : vector<128x128xf32>
    %reduce_sum3A_137 = arith.constant dense<0.000000e+00> : vector<128xf32>
    %reduce_sum3A_138 = vector.multi_reduction <add>, %mul3A_136, %reduce_sum3A_137 [1] : vector<128x128xf32> to vector<128xf32>
    %reshape3A_139 = vector.shape_cast %reduce_sum3A_138 : vector<128xf32> to vector<1x128xf32>
    %slice3A_140 = vector.extract_strided_slice %mul3A_49 {offsets = [1920, 0], sizes = [128, 128], strides = [1, 1]} : vector<2048x128xf32> to vector<128x128xf32>
    %mul3A_141 = vector.broadcast %get3A_52 : vector<1x128xf32> to vector<128x128xf32>
    %mul3A_142 = arith.mulf %slice3A_140, %mul3A_141 : vector<128x128xf32>
    %reduce_sum3A_143 = arith.constant dense<0.000000e+00> : vector<128xf32>
    %reduce_sum3A_144 = vector.multi_reduction <add>, %mul3A_142, %reduce_sum3A_143 [1] : vector<128x128xf32> to vector<128xf32>
    %reshape3A_145 = vector.shape_cast %reduce_sum3A_144 : vector<128xf32> to vector<1x128xf32>
    %concatenate3A = tpu.concatenate %reshape3A, %reshape3A_61, %reshape3A_67, %reshape3A_73, %reshape3A_79, %reshape3A_85, %reshape3A_91, %reshape3A_97, %reshape3A_103, %reshape3A_109, %reshape3A_115, %reshape3A_121, %reshape3A_127, %reshape3A_133, %reshape3A_139, %reshape3A_145 in 0 : vector<1x128xf32>, vector<1x128xf32>, vector<1x128xf32>, vector<1x128xf32>, vector<1x128xf32>, vector<1x128xf32>, vector<1x128xf32>, vector<1x128xf32>, vector<1x128xf32>, vector<1x128xf32>, vector<1x128xf32>, vector<1x128xf32>, vector<1x128xf32>, vector<1x128xf32>, vector<1x128xf32>, vector<1x128xf32> -> vector<16x128xf32>
    %get3A_146 = arith.constant 0 : index
    %get3A_147 = arith.constant 0 : index
    %get3A_148 = vector.load %arg9[%get3A_146, %get3A_147] : memref<1x1xf32, #tpu.memory_space<vmem>>, vector<1x1xf32>
    %add3A_149 = vector.broadcast %get3A_148 : vector<1x1xf32> to vector<16x128xf32>
    %add3A_150 = arith.addf %concatenate3A, %add3A_149 : vector<16x128xf32>
    %swap3A_151 = arith.constant 0 : index
    %swap3A_152 = arith.constant 0 : index
    %swap3A_153 = vector.load %arg11[%swap3A_151, %swap3A_152] : memref<16x128xf32, #tpu.memory_space<vmem>>, vector<16x128xf32>
    tpu.vector_store %arg11[%swap3A_151, %swap3A_152], %add3A_150 {strides = array<i32>} : memref<16x128xf32, #tpu.memory_space<vmem>>, vector<16x128xf32>,
    return
  }
  func.func @transform_0(%arg0: i32) -> (i32, i32) {
    %c0_i32 = arith.constant 0 : i32
    %c0_i32_0 = arith.constant 0 : i32
    return %arg0, %c0_i32 : i32, i32
  }
  func.func @transform_1(%arg0: i32) -> (i32, i32) {
    %c0_i32 = arith.constant 0 : i32
    %c0_i32_0 = arith.constant 0 : i32
    return %arg0, %c0_i32 : i32, i32
  }
  func.func @transform_2(%arg0: i32) -> (i32, i32) {
    %c0_i32 = arith.constant 0 : i32
    %c0_i32_0 = arith.constant 0 : i32
    %c0_i32_1 = arith.constant 0 : i32
    return %c0_i32, %c0_i32_0 : i32, i32
  }
  func.func @transform_3(%arg0: i32) -> (i32, i32) {
    %c0_i32 = arith.constant 0 : i32
    %c0_i32_0 = arith.constant 0 : i32
    %c0_i32_1 = arith.constant 0 : i32
    return %c0_i32, %c0_i32_0 : i32, i32
  }
  func.func @transform_4(%arg0: i32) -> (i32, i32) {
    %c0_i32 = arith.constant 0 : i32
    %c0_i32_0 = arith.constant 0 : i32
    %c0_i32_1 = arith.constant 0 : i32
    return %c0_i32, %c0_i32_0 : i32, i32
  }
  func.func @transform_5(%arg0: i32) -> (i32, i32) {
    %c0_i32 = arith.constant 0 : i32
    %c0_i32_0 = arith.constant 0 : i32
    %c0_i32_1 = arith.constant 0 : i32
    return %c0_i32, %c0_i32_0 : i32, i32
  }
  func.func @transform_6(%arg0: i32) -> (i32, i32) {
    %c0_i32 = arith.constant 0 : i32
    %c0_i32_0 = arith.constant 0 : i32
    %c0_i32_1 = arith.constant 0 : i32
    return %c0_i32, %c0_i32_0 : i32, i32
  }
  func.func @transform_7(%arg0: i32) -> (i32, i32) {
    %c0_i32 = arith.constant 0 : i32
    %c0_i32_0 = arith.constant 0 : i32
    %c0_i32_1 = arith.constant 0 : i32
    return %c0_i32, %c0_i32_0 : i32, i32
  }
  func.func @transform_8(%arg0: i32) -> (i32, i32) {
    %c0_i32 = arith.constant 0 : i32
    %c0_i32_0 = arith.constant 0 : i32
    %c0_i32_1 = arith.constant 0 : i32
    return %c0_i32, %c0_i32_0 : i32, i32
  }
  func.func @transform_9(%arg0: i32) -> (i32, i32) {
    %c0_i32 = arith.constant 0 : i32
    %c0_i32_0 = arith.constant 0 : i32
    return %arg0, %c0_i32 : i32, i32
  }
  func.func @transform_10(%arg0: i32) -> (i32, i32) {
    %c0_i32 = arith.constant 0 : i32
    %c0_i32_0 = arith.constant 0 : i32
    return %arg0, %c0_i32 : i32, i32
  }
}

module attributes {stable_mosaic.version = 14 : i64} {
  func.func @_node_body(%arg0: i32, %arg1: memref<1000x128xf32, #tpu.memory_space<vmem>>, %arg2: memref<1000x16xf32, #tpu.memory_space<vmem>>, %arg3: memref<1000x128xf32, #tpu.memory_space<vmem>>, %arg4: memref<1000x16xf32, #tpu.memory_space<vmem>>, %arg5: memref<128x128xf32, #tpu.memory_space<vmem>>, %arg6: memref<128x128xf32, #tpu.memory_space<vmem>>, %arg7: memref<1x128xf32, #tpu.memory_space<vmem>>, %arg8: memref<128x128xf32, #tpu.memory_space<vmem>>, %arg9: memref<1x128xf32, #tpu.memory_space<vmem>>, %arg10: memref<1000x128xf32, #tpu.memory_space<vmem>>, %arg11: memref<1000x16xf32, #tpu.memory_space<vmem>>) attributes {dimension_semantics = [#tpu.dimension_semantics<arbitrary>], iteration_bounds = array<i64: 10>, scalar_prefetch = 0 : i64, scratch_operands = 0 : i64, tpu.core_type = #tpu.core_type<tc>, window_params = [{transform_indices = @transform_0, window_bounds = array<i64: 1000, 128>}, {transform_indices = @transform_1, window_bounds = array<i64: 1000, 16>}, {transform_indices = @transform_2, window_bounds = array<i64: 1000, 128>}, {transform_indices = @transform_3, window_bounds = array<i64: 1000, 16>}, {pipeline_mode = #tpu.pipeline_mode<synchronous>, transform_indices = @transform_4, window_bounds = array<i64: 128, 128>}, {pipeline_mode = #tpu.pipeline_mode<synchronous>, transform_indices = @transform_5, window_bounds = array<i64: 128, 128>}, {pipeline_mode = #tpu.pipeline_mode<synchronous>, transform_indices = @transform_6, window_bounds = array<i64: 1, 128>}, {pipeline_mode = #tpu.pipeline_mode<synchronous>, transform_indices = @transform_7, window_bounds = array<i64: 128, 128>}, {pipeline_mode = #tpu.pipeline_mode<synchronous>, transform_indices = @transform_8, window_bounds = array<i64: 1, 128>}, {transform_indices = @transform_9, window_bounds = array<i64: 1000, 128>}, {transform_indices = @transform_10, window_bounds = array<i64: 1000, 16>}]} {
    %get3A = arith.constant 0 : index
    %get3A_0 = arith.constant 0 : index
    %get3A_1 = vector.load %arg1[%get3A, %get3A_0] : memref<1000x128xf32, #tpu.memory_space<vmem>>, vector<1000x128xf32>
    %get3A_2 = arith.constant 0 : index
    %get3A_3 = arith.constant 0 : index
    %get3A_4 = vector.load %arg5[%get3A_2, %get3A_3] : memref<128x128xf32, #tpu.memory_space<vmem>>, vector<128x128xf32>
    %dot_general3A = arith.constant dense<0.000000e+00> : vector<1000x128xf32>
    %dot_general3A_5 = tpu.matmul %get3A_1, %get3A_4, %dot_general3A {dimension_numbers = #tpu.dot_dimension_numbers<[1], [0], [0], [1], [0, 0, 1, 1], [], []>, transpose_lhs_hint = false} : vector<1000x128xf32>, vector<128x128xf32>, vector<1000x128xf32> -> vector<1000x128xf32>
    %get3A_6 = arith.constant 0 : index
    %get3A_7 = arith.constant 0 : index
    %get3A_8 = vector.load %arg3[%get3A_6, %get3A_7] : memref<1000x128xf32, #tpu.memory_space<vmem>>, vector<1000x128xf32>
    %get3A_9 = arith.constant 0 : index
    %get3A_10 = arith.constant 0 : index
    %get3A_11 = vector.load %arg6[%get3A_9, %get3A_10] : memref<128x128xf32, #tpu.memory_space<vmem>>, vector<128x128xf32>
    %dot_general3A_12 = arith.constant dense<0.000000e+00> : vector<1000x128xf32>
    %dot_general3A_13 = tpu.matmul %get3A_8, %get3A_11, %dot_general3A_12 {dimension_numbers = #tpu.dot_dimension_numbers<[1], [0], [0], [1], [0, 0, 1, 1], [], []>, transpose_lhs_hint = false} : vector<1000x128xf32>, vector<128x128xf32>, vector<1000x128xf32> -> vector<1000x128xf32>
    %add3A = arith.addf %dot_general3A_5, %dot_general3A_13 : vector<1000x128xf32>
    %get3A_14 = arith.constant 0 : index
    %get3A_15 = arith.constant 0 : index
    %get3A_16 = vector.load %arg7[%get3A_14, %get3A_15] : memref<1x128xf32, #tpu.memory_space<vmem>>, vector<1x128xf32>
    %add3A_17 = vector.broadcast %get3A_16 : vector<1x128xf32> to vector<1000x128xf32>
    %add3A_18 = arith.addf %add3A, %add3A_17 : vector<1000x128xf32>
    %logistic3A = arith.negf %add3A_18 : vector<1000x128xf32>
    %logistic3A_19 = math.exp %logistic3A : vector<1000x128xf32>
    %logistic3A_20 = arith.constant 1.000000e+00 : f32
    %logistic3A_21 = vector.broadcast %logistic3A_20 : f32 to vector<1000x128xf32>
    %logistic3A_22 = arith.addf %logistic3A_21, %logistic3A_19 : vector<1000x128xf32>
    %logistic3A_23 = arith.divf %logistic3A_21, %logistic3A_22 : vector<1000x128xf32>
    %mul3A = arith.mulf %add3A_18, %logistic3A_23 : vector<1000x128xf32>
    %get3A_24 = arith.constant 0 : index
    %get3A_25 = arith.constant 0 : index
    %get3A_26 = vector.load %arg8[%get3A_24, %get3A_25] : memref<128x128xf32, #tpu.memory_space<vmem>>, vector<128x128xf32>
    %dot_general3A_27 = arith.constant dense<0.000000e+00> : vector<1000x128xf32>
    %dot_general3A_28 = tpu.matmul %mul3A, %get3A_26, %dot_general3A_27 {dimension_numbers = #tpu.dot_dimension_numbers<[1], [0], [0], [1], [0, 0, 1, 1], [], []>, transpose_lhs_hint = false} : vector<1000x128xf32>, vector<128x128xf32>, vector<1000x128xf32> -> vector<1000x128xf32>
    %get3A_29 = arith.constant 0 : index
    %get3A_30 = arith.constant 0 : index
    %get3A_31 = vector.load %arg9[%get3A_29, %get3A_30] : memref<1x128xf32, #tpu.memory_space<vmem>>, vector<1x128xf32>
    %add3A_32 = vector.broadcast %get3A_31 : vector<1x128xf32> to vector<1000x128xf32>
    %add3A_33 = arith.addf %dot_general3A_28, %add3A_32 : vector<1000x128xf32>
    %swap3A = arith.constant 0 : index
    %swap3A_34 = arith.constant 0 : index
    %swap3A_35 = vector.load %arg10[%swap3A, %swap3A_34] : memref<1000x128xf32, #tpu.memory_space<vmem>>, vector<1000x128xf32>
    tpu.vector_store %arg10[%swap3A, %swap3A_34], %add3A_33 {strides = array<i32>} : memref<1000x128xf32, #tpu.memory_space<vmem>>, vector<1000x128xf32>,
    %get3A_36 = arith.constant 0 : index
    %get3A_37 = arith.constant 0 : index
    %get3A_38 = vector.load %arg2[%get3A_36, %get3A_37] : memref<1000x16xf32, #tpu.memory_space<vmem>>, vector<1000x16xf32>
    %get3A_39 = arith.constant 0 : index
    %get3A_40 = arith.constant 0 : index
    %get3A_41 = vector.load %arg4[%get3A_39, %get3A_40] : memref<1000x16xf32, #tpu.memory_space<vmem>>, vector<1000x16xf32>
    %add3A_42 = arith.addf %get3A_38, %get3A_41 : vector<1000x16xf32>
    %swap3A_43 = arith.constant 0 : index
    %swap3A_44 = arith.constant 0 : index
    %swap3A_45 = vector.load %arg11[%swap3A_43, %swap3A_44] : memref<1000x16xf32, #tpu.memory_space<vmem>>, vector<1000x16xf32>
    tpu.vector_store %arg11[%swap3A_43, %swap3A_44], %add3A_42 {strides = array<i32>} : memref<1000x16xf32, #tpu.memory_space<vmem>>, vector<1000x16xf32>,
    return
  }
  func.func @transform_0(%arg0: i32) -> (i32, i32) {
    %c0_i32 = arith.constant 0 : i32
    %c0_i32_0 = arith.constant 0 : i32
    return %arg0, %c0_i32 : i32, i32
  }
  func.func @transform_1(%arg0: i32) -> (i32, i32) {
    %c0_i32 = arith.constant 0 : i32
    %c0_i32_0 = arith.constant 0 : i32
    return %arg0, %c0_i32 : i32, i32
  }
  func.func @transform_2(%arg0: i32) -> (i32, i32) {
    %c0_i32 = arith.constant 0 : i32
    %c0_i32_0 = arith.constant 0 : i32
    return %arg0, %c0_i32 : i32, i32
  }
  func.func @transform_3(%arg0: i32) -> (i32, i32) {
    %c0_i32 = arith.constant 0 : i32
    %c0_i32_0 = arith.constant 0 : i32
    return %arg0, %c0_i32 : i32, i32
  }
  func.func @transform_4(%arg0: i32) -> (i32, i32) {
    %c0_i32 = arith.constant 0 : i32
    %c0_i32_0 = arith.constant 0 : i32
    %c0_i32_1 = arith.constant 0 : i32
    return %c0_i32, %c0_i32_0 : i32, i32
  }
  func.func @transform_5(%arg0: i32) -> (i32, i32) {
    %c0_i32 = arith.constant 0 : i32
    %c0_i32_0 = arith.constant 0 : i32
    %c0_i32_1 = arith.constant 0 : i32
    return %c0_i32, %c0_i32_0 : i32, i32
  }
  func.func @transform_6(%arg0: i32) -> (i32, i32) {
    %c0_i32 = arith.constant 0 : i32
    %c0_i32_0 = arith.constant 0 : i32
    %c0_i32_1 = arith.constant 0 : i32
    return %c0_i32, %c0_i32_0 : i32, i32
  }
  func.func @transform_7(%arg0: i32) -> (i32, i32) {
    %c0_i32 = arith.constant 0 : i32
    %c0_i32_0 = arith.constant 0 : i32
    %c0_i32_1 = arith.constant 0 : i32
    return %c0_i32, %c0_i32_0 : i32, i32
  }
  func.func @transform_8(%arg0: i32) -> (i32, i32) {
    %c0_i32 = arith.constant 0 : i32
    %c0_i32_0 = arith.constant 0 : i32
    %c0_i32_1 = arith.constant 0 : i32
    return %c0_i32, %c0_i32_0 : i32, i32
  }
  func.func @transform_9(%arg0: i32) -> (i32, i32) {
    %c0_i32 = arith.constant 0 : i32
    %c0_i32_0 = arith.constant 0 : i32
    return %arg0, %c0_i32 : i32, i32
  }
  func.func @transform_10(%arg0: i32) -> (i32, i32) {
    %c0_i32 = arith.constant 0 : i32
    %c0_i32_0 = arith.constant 0 : i32
    return %arg0, %c0_i32 : i32, i32
  }
}

</mosaic_0001>

<sc_bundles>
// kernel: kernel.10.cloned.1.call-start
scs
__scs_entry_jumppad:
0x0: {  	(pc) =	sbr.rel $0x88, $3  }
0x1: {  	(tag) =	ssettag $0x0;
	lr =	simm.s32 $0x1  }
0x2: {  	[smem:$0x3F91] =	sst lr;
	_ =	strace $0xD0000000  }
0x3: {  	_ = 	snop  }
0x4: {  	_ = 	snop  }
0x5: {  	_ = 	snop  }
0x6: {  	_ = 	snop  }
0x7: {  	_ = 	snop  }
__scs_overlays_trampoline_lowered:
0x8: {  	[smem:$0x3FA0] =	sst s0  }
0x9: {  	[smem:$0x3FA1] =	sst s1  }
0xa: {  	[smem:$0x3FA2] =	sst s2  }
0xb: {  	[smem:$0x3FA3] =	sst s3  }
0xc: {  	[smem:$0x3FA4] =	sst s4  }
0xd: {  	[smem:$0x3FA5] =	sst s5  }
0xe: {  	[smem:$0x3FA6] =	sst s6  }
0xf: {  	[smem:$0x3FA7] =	sst s7  }
0x10: {  	[smem:$0x3FA8] =	sst s8  }
0x11: {  	[smem:$0x3FA9] =	sst s9;
	s0 =	simm.s32 @!p0 $0x0  }
0x12: {  	s1 =	sld [smem:$0x3F8F];
	s0 =	simm.s32 @p0 $0x1  }
0x13: {  	[smem:$0x3FAA] =	sst s0;
	s0 =	simm.s32 @!p1 $0x0  }
0x14: {  	s2 =	sld [smem:$0x3F8E];
	s0 =	simm.s32 @p1 $0x1  }
0x15: {  	[smem:$0x3FAB] =	sst s0;
	s0 =	simm.s32 @!p2 $0x0  }
0x16: {  	s3 =	sld [smem:$0x3FDB];
	s0 =	simm.s32 @p2 $0x1  }
0x17: {  	s4 =	simm.s32 $0x1BF5;
	[smem:$0x3FAD] =	sst s0  }
0x18: {  	s0 =	sld [smem:$0x3F90];
	_ =	swait.ge [sflag:s4], $0x0  }
0x19: {  	s7 =	sld [smem:$0x3F91]  }
0x1a: {  	s8 =	sadd.s32 $0xFFFFE003, lr  }
0x1b: {  	s9 =	sadd.s32 $0xFFFFFEF7, lr;
	s5 =	simm.s32 $0xFFFFFFFF;
	p2 =	slt.u32 s8, $0xFFFFF086  }
0x1c: {  	p1 =	slt.u32 s9, $0xF7A;
	s5 =	simm.s32 @!p2 $0x0  }
0x1d: {  	s5 =	simm.s32 @p1 $0x1;
	p0 =	seq.s32 s7, s2  }
0x1e: {  	s7 =	smul.u32 @!p0 $0xF7A, s2;
	p2 =	seq.s32 @!p0 s5, $0x0  }
0x1f: {  	s9 =	smul.u32 $0xF7A, s1;
	s8 =	simm.s32 @!p0 $0x1BF5;
	p2 =	por !p2, p0  }
0x20: {  	[sflag:s8] =	ssyncset.s32 @!p0 $0xFFFFF086;
	s6 =	sadd.s32 @!p0 s3, s7;
	s7 =	simm.s32 @!p0 $0x108  }
0x21: {  	s3 =	sadd.s32 s3, s9;
	s6 =	sadd.s32 @!p0 $0x88, s6;
	s7 =	simm.s32 @p2 $0x1082  }
0x22: {  	[simem:s7], [sflag:s8] =	dma.local @!p0 [hbm:s6], $0xF7A  }
0x23: {  	s9 =	sor.u32 $0xD0000000, s2;
	s6 =	simm.s32 $0x108;
	_ =	swait.ge @!p0 [sflag:s8], $0x0  }
0x24: {  	s3 =	sadd.s32 $0x88, s3;
	s6 =	simm.s32 @!p1 $0x1082;
	[sflag:s4] =	ssyncset.s32 $0xFFFFF086  }
0x25: {  	[simem:s6], [sflag:s4] =	dma.local [hbm:s3], $0xF7A  }
0x26: {  	[smem:$0x3F91] =	sst s1;
	(tag) =	ssettag s2;
	_ =	strace s9  }
0x27: {  	s1 =	sld [smem:$0x3FA1]  }
0x28: {  	s2 =	sld [smem:$0x3FA2]  }
0x29: {  	s4 =	sld [smem:$0x3FA4]  }
0x2a: {  	p0 =	seq.s32 s5, $0x0;
	s5 =	sld [smem:$0x3FA5]  }
0x2b: {  	s6 =	sld [smem:$0x3FA6]  }
0x2c: {  	s7 =	sld [smem:$0x3FA7]  }
0x2d: {  	s3 =	simm.s32 $0x108;
	s8 =	sld [smem:$0x3FA8]  }
0x2e: {  	s3 =	simm.s32 @!p0 $0x1082;
	s9 =	sld [smem:$0x3FA9]  }
0x2f: {  	lr =	sadd.s32 s0, s3;
	s0 =	sld [smem:$0x3FA0]  }
0x30: {  	s3 =	sld [smem:$0x3FA3]  }
0x31: {  	[smem:$0x3FAC] =	sst s10  }
0x32: {  	s10 =	sld [smem:$0x3FAA];
	_ =	sdelay $0x3  }
0x33: {  	p0 =	seq.s32 s10, $0x1;
	s10 =	sld [smem:$0x3FAC];
	_ =	sdelay $0x3  }
0x34: {  	[smem:$0x3FAC] =	sst s10  }
0x35: {  	s10 =	sld [smem:$0x3FAB];
	_ =	sdelay $0x3  }
0x36: {  	p1 =	seq.s32 s10, $0x1;
	s10 =	sld [smem:$0x3FAC];
	_ =	sdelay $0x3  }
0x37: {  	[smem:$0x3FAC] =	sst s10  }
0x38: {  	s10 =	sld [smem:$0x3FAD]  }
0x39: {  	_ = 	snop;
	(pc) =	sbr.ind lr, $3  }
0x3a: {  	_ = 	snop  }
0x3b: {  	_ = 	snop  }
0x3c: {  	p2 =	seq.s32 s10, $0x1;
	s10 =	sld [smem:$0x3FAC]  }
0x3d: {  	_ =	shalt  }
0x3e: {  	_ =	shalt  }
0x3f: {  	_ =	shalt  }
0x40: {  	_ =	shalt  }
0x41: {  	_ =	shalt  }
0x42: {  	_ =	shalt  }
0x43: {  	_ =	shalt  }
0x44: {  	_ =	shalt  }
0x45: {  	_ =	shalt  }
0x46: {  	_ =	shalt  }
0x47: {  	_ =	shalt  }
0x48: {  	_ =	shalt  }
0x49: {  	_ =	shalt  }
0x4a: {  	_ =	shalt  }
0x4b: {  	_ =	shalt  }
0x4c: {  	_ =	shalt  }
0x4d: {  	_ =	shalt  }
0x4e: {  	_ =	shalt  }
0x4f: {  	_ =	shalt  }
0x50: {  	_ =	shalt  }
0x51: {  	_ =	shalt  }
0x52: {  	_ =	shalt  }
0x53: {  	_ =	shalt  }
0x54: {  	_ =	shalt  }
0x55: {  	_ =	shalt  }
0x56: {  	_ =	shalt  }
0x57: {  	_ =	shalt  }
0x58: {  	_ =	shalt  }
0x59: {  	_ =	shalt  }
0x5a: {  	_ =	shalt  }
0x5b: {  	_ =	shalt  }
0x5c: {  	_ =	shalt  }
0x5d: {  	_ =	shalt  }
0x5e: {  	_ =	shalt  }
0x5f: {  	_ =	shalt  }
0x60: {  	_ =	shalt  }
0x61: {  	_ =	shalt  }
0x62: {  	_ =	shalt  }
0x63: {  	_ =	shalt  }
0x64: {  	_ =	shalt  }
0x65: {  	_ =	shalt  }
0x66: {  	_ =	shalt  }
0x67: {  	_ =	shalt  }
0x68: {  	_ =	shalt  }
0x69: {  	_ =	shalt  }
0x6a: {  	_ =	shalt  }
0x6b: {  	_ =	shalt  }
0x6c: {  	_ =	shalt  }
0x6d: {  	_ =	shalt  }
0x6e: {  	_ =	shalt  }
0x6f: {  	_ =	shalt  }
0x70: {  	_ =	shalt  }
0x71: {  	_ =	shalt  }
0x72: {  	_ =	shalt  }
0x73: {  	_ =	shalt  }
0x74: {  	_ =	shalt  }
0x75: {  	_ =	shalt  }
0x76: {  	_ =	shalt  }
0x77: {  	_ =	shalt  }
0x78: {  	_ =	shalt  }
0x79: {  	_ =	shalt  }
0x7a: {  	_ =	shalt  }
0x7b: {  	_ =	shalt  }
0x7c: {  	_ =	shalt  }
0x7d: {  	_ =	shalt  }
0x7e: {  	_ =	shalt  }
0x7f: {  	_ =	shalt  }
0x80: {  	_ =	shalt  }
0x81: {  	_ =	shalt  }
0x82: {  	_ =	shalt  }
0x83: {  	_ =	shalt  }
0x84: {  	_ =	shalt  }
0x85: {  	_ =	shalt  }
0x86: {  	_ =	shalt  }
0x87: {  	_ =	shalt  }
.Lfunc_end0:
.L_simem_size_0:
called_computation.1_lowered:
.L_overlay_start_0:
0x88: {  	s2 =	sld [smem:$0x3FD9]  }
0x89: {  	s3 =	sld [smem:$0x3FFE];
	_ =	sdelay $0x1  }
0x8a: {  	s1 =	srdreg.scid  }
0x8b: {  	s0 =	sand.u32 $0x1, s1  }
0x8c: {  	s14 =	sshll.u32 s0, $0xA;
	s2 =	sadd.s32 s3, s2  }
0x8d: {  	s2 =	sadd.s32 s2, s14  }
0x8e: {  	[smem:$0x3FB8] =	sst s2  }
0x8f: {  	_ = 	snop  }
0x90: {  	s2 =	sld [smem:$0x3FD0];
	_ =	sdelay $0x2  }
0x91: {  	s15 =	simm.s32 $0xA;
	s4 =	simm.s32 $0x10  }
0x92: {  	[smem:s4], [sflag:s15] =	dma.local [hbm:s2], $0x1  }
0x93: {  	_ =	swait.eq [sflag:s15], $0x1  }
0x94: {  	[sflag:s15] =	ssyncset.done $0x0  }
0x95: {  	[sflag:s15] =	ssyncadd.s32 $0xFFFFFFFF  }
0x96: {  	s16 =	sld [smem:$0x10];
	(tm) =	ssettm $0x1  }
0x97: {  	s17 =	sld [smem:$0x3FFB];
	_ =	sdelay $0x3  }
0x98: {  	_ =	strace s17  }
0x99: {  	s3 =	sld [smem:$0x3FFC];
	_ =	sdelay $0x3  }
0x9a: {  	_ =	strace s3  }
0x9b: {  	s3 =	sld [smem:$0x3FFD];
	_ =	sdelay $0x3  }
0x9c: {  	_ =	strace s3  }
0x9d: {  	_ =	strace $0x8FFFFFFF  }
0x9e: {  	s18 =	sld [smem:$0x3FDB];
	_ =	sdelay $0x1  }
0x9f: {  	s19 =	simm.s32 $_scs_section_size  }
0xa0: {  	s5 =	simm.s32 $_size__tile_overlayer_lowered;
	s6 =	simm.s32 $_tile_overlayer_lowered  }
0xa1: {  	s22 =	simm.s32 $0x1BFF;
	s21 =	sshll.u32 s6, $0x1;
	s3 =	sadd.s32 s19, s18  }
0xa2: {  	s7 =	simm.s32 $0x0;
	s20 =	sshll.u32 s5, $0x1;
	s5 =	sadd.s32 s21, s3  }
0xa3: {  	[timem:s7], [sflag:s22] =	dma.local [hbm:s5], s20  }
0xa4: {  	_ =	swait.ge [sflag:s22], s20  }
0xa5: {  	s4 =	ssub.s32 $0x0, s20;
	[sflag:s22] =	ssyncset.done $0x0  }
0xa6: {  	[sflag:s22] =	ssyncadd.s32 s4;
	_ =	sdelay $0x1  }
0xa7: {  	s23 =	simm.s32 $0x1B8B  }
0xa8: {  	_ =	swait.ge [sflag:s23], $0x1  }
0xa9: {  	[sflag:s23] =	ssyncset.done $0x0  }
0xaa: {  	s25 =	simm.s32 $0x1B8E;
	s24 =	sld [smem:$0x3FFE];
	[sflag:s23] =	ssyncadd.s32 $0xFFFFFFFF  }
0xab: {  	s26 =	simm.s32 $execute0_lowered;
	[smem:$0x3FD2] =	sst s25  }
0xac: {  	s5 =	sshll.u32 s26, $0x1;
	_ =	strace $0x80000049;
	[dreg:$0x1] =	wrdreg $0xFFFFFFFF  }
0xad: {  	s28 =	simm.s32 $_size_execute0_lowered;
	s3 =	sadd.s32 s3, s5;
	[dreg:$0x0] =	wrdreg $0x0  }
0xae: {  	s5 =	sshll.u32 s28, $0x1;
	[dreg:$0x2] =	wrdreg s3  }
0xaf: {  	[dreg:$0x3] =	wrdreg s5  }
0xb0: {  	[dreg:$0x4] =	wrdreg $0xC0  }
0xb1: {  	_ =	task [dreg:s7], $0x5FFFF  }
0xb2: {  	[dreg:$0x1] =	wrdreg $0xFFFFFFFF  }
0xb3: {  	[dreg:$0x0] =	wrdreg $0x60  }
0xb4: {  	[dreg:$0x2] =	wrdreg s24  }
0xb5: {  	[dreg:$0x3] =	wrdreg s16  }
0xb6: {  	[dreg:$0x4] =	wrdreg $0x144000  }
0xb7: {  	[dreg:$0x5] =	wrdreg $0x1E4000  }
0xb8: {  	[dreg:$0x6] =	wrdreg $0x9  }
0xb9: {  	_ =	task.clear_ibuf [dreg:s7], $0x7FFFF;
	_ =	strace $0x90000049  }
0xba: {  	s29 =	simm.s32 $0x9;
	_ =	strace $0x8000004B  }
0xbb: {  	_ =	swait.ge [sflag:s29], $0x1  }
0xbc: {  	[sflag:s29] =	ssyncadd.s32 $0xFFFFFFFF  }
0xbd: {  	_ =	strace $0x9000004B  }
0xbe: {  	_ =	sfence  }
0xbf: {  	s30 =	sld [smem:$0x0];
	_ =	sdelay $0x2  }
0xc0: {  	s31 =	sshll.u32 s1, $0xD;
	s1 =	sshrl.u32 s1, $0x2  }
0xc1: {  	s3 =	sand.u32 $0x4000, s31;
	s1 =	sadd.s32 s1, s30  }
0xc2: {  	s0 =	sor.u32 s3, s0;
	s1 =	sshll.u32 s1, $0x11  }
0xc3: {  	s0 =	sor.u32 s1, s0  }
0xc4: {  	s0 =	sadd.s32 $0x8F2B, s0  }
0xc5: {  	[sflag:s0] =	ssyncadd.remote.s32 $0x1  }
0xc6: {  	_ =	sfence.sel $0xFFFF  }
0xc7: {  	[dreg:$0x0] =	wrdreg $0xFFFFFFFF;
	(pc) =	sbr.abs _section_cstart, $3  }
0xc8: {  	[dreg:$0x1] =	wrdreg $0xFFFFFFFF  }
0xc9: {  	_ =	task.clear_ibuf [dreg:s7], $0x2FFFF;
	_ =	strace $0x9FFFFFFF  }
0xca: {  	(tm) =	ssettm $0x7FFFFFFF  }
0xcb: {  	_ =	shalt  }
tec
execute0_lowered:
.L_overlay_start_1:
0x0: {  	(tag) =	ssettag $0x1  }
0x1: {  	s0 =	rddreg [dreg:$0x0]  }
0x2: {  	s1 =	rddreg [dreg:$0x1]  }
0x3: {  	s2 =	rddreg [dreg:$0x2]  }
0x4: {  	s3 =	rddreg [dreg:$0x3];
	s15 =	stileid.u32  }
0x5: {  	s4 =	srdreg.scid;
	s16 =	simm.s32 $0x0;
	s11 =	smul.u32 $0xA000, s15  }
0x6: {  	s28 =	simm.s32 $0x100;
	s29 =	simm.s32 $0x200;
	s13 =	smul.u32 $0x1400, s15  }
0x7: {  	s30 =	simm.s32 $0x300;
	s31 =	simm.s32 $0x400;
	s22 =	smul.u32 $0x28000, s15  }
0x8: {  	s4 =	sand.u32 $0x1, s4;
	[smem:$0x7FF] =	sst s16;
	s14 =	smul.u32 $0x5000, s15  }
0x9: {  	s6 =	sadd.s32 $0xF48E00, s0;
	s7 =	sadd.s32 $0xD600, s0;
	s19 =	smul.u32 $0x4E200, s15  }
0xa: {  	s8 =	sadd.s32 $0x549000, s0;
	s9 =	sadd.s32 $0x552E00, s0;
	s5 =	smul.u32 $0xA0000, s4  }
0xb: {  	s10 =	sadd.s32 $0x55CC00, s0;
	s12 =	smul.u32 $0x14000, s4;
	s23 =	ssub.s32 $0x2, s4  }
0xc: {  	_ =	strace $0x8000004A;
	s24 =	sshrl.u32 s23, $0x1;
	s26 =	sshrl.u32 s14, $0x2  }
0xd: {  	s5 =	sadd.s32 s11, s5;
	s21 =	sadd.s32 s13, s12;
	s12 =	sshrl.u32 s22, $0x2  }
0xe: {  	s18 =	sadd.s32 s26, s3;
	s5 =	sshrl.u32 s5, $0x3;
	s11 =	sshrl.u32 s21, $0x3  }
0xf: {  	s17 =	sadd.s32 s12, s2;
	[dreg:$0x8] =	wrdreg s18;
	s5 =	sadd.s32 s5, s0  }
0x10: {  	s0 =	sadd.s32 s11, s0;
	s25 =	sadd.s32 $0x6800, s17;
	[dreg:$0x6] =	wrdreg s17  }
0x11: {  	s11 =	ssub.s32 s23, s24;
	s24 =	sadd.s32 s6, s19;
	[dreg:$0x7] =	wrdreg s25  }
0x12: {  	s12 =	smul.u32 $0x4E20, s15;
	[dreg:$0xe] =	wrdreg s24;
	s25 =	sadd.s32 $0x17400, s5  }
0x13: {  	s14 =	smul.u32 $0x1388, s4;
	s0 =	sadd.s32 $0x3800, s0;
	[dreg:$0xf] =	wrdreg s25  }
0x14: {  	s13 =	sshrl.u32 s12, $0x3;
	s26 =	smax.u32 s11, $0x1;
	[dreg:$0x10] =	wrdreg s0  }
0x15: {  	s19 =	simm.s32 $0x7200;
	s20 =	sadd.s32 s7, s13;
	[dreg:$0x11] =	wrdreg s26  }
0x16: {  	s24 =	simm.s32 $0x0;
	s21 =	sadd.s32 s1, s13;
	[dreg:$0x9] =	wrdreg s20  }
0x17: {  	s22 =	sadd.s32 s8, s13;
	s23 =	sadd.s32 s9, s13;
	[dreg:$0xa] =	wrdreg s21  }
0x18: {  	s4 =	sadd.s32 s10, s13;
	s25 =	simm.s32 $0xDC00;
	[dreg:$0xb] =	wrdreg s22  }
0x19: {  	s26 =	simm.s32 $0x2;
	s0 =	simm.s32 $0x500;
	[dreg:$0xc] =	wrdreg s23  }
0x1a: {  	v3 =	vlaneseq.u32;
	v1 =	vimm.f32 $0.0e+00;
	[dreg:$0xd] =	wrdreg s4;
	s21 =	sadd.s32 $0xC8, s12;
	s4 =	simm.s32 $0x1  }
0x1b: {  	v2 =	vimm.s32 $0x0;
	v3 =	vmul.u32 $0x80, v3;
	v0 =	vmov s14;
	s20 =	simm.s32 $0xD0;
	s22 =	simm.s32 $0xDA00;
	s23 =	simm.s32 $0xDB00  }
.LBB2_1:
0x1c: {  	s5 =	simm.s32 $0x0;
	s11 =	simm.s32 $0x200  }
.LBB2_2:
0x1d: {  	p0 =	sne.s32 s11, $0x19E00;
	[tilespmem:s5+$0xDC70] =	vst v1  }
0x1e: {  	[tilespmem:s5+$0xDC00] =	vst v1  }
0x1f: {  	[tilespmem:s5+$0xDC10] =	vst v1  }
.Ltmp0:
0x20: {  	[tilespmem:s5+$0xDC20] =	vst v1;
	(pc) =	sbr.rel @p0 .LBB2_2-.Ltmp0, $4  }
0x21: {  	[tilespmem:s5+$0xDC30] =	vst v1  }
0x22: {  	[tilespmem:s5+$0xDC40] =	vst v1  }
0x23: {  	[tilespmem:s5+$0xDC50] =	vst v1  }
0x24: {  	[tilespmem:s5+$0xDC60] =	vst v1;
	s5 =	sshra.s32 s11, $0x2;
	s11 =	sadd.s32 $0x200, s11  }
0x25: {  	[tilespmem:s5+$0xDC70] =	vst v1  }
0x26: {  	[tilespmem:s5+$0xDC00] =	vst v1  }
0x27: {  	[tilespmem:s5+$0xDC10] =	vst v1  }
0x28: {  	[tilespmem:s5+$0xDC20] =	vst v1  }
0x29: {  	[tilespmem:s5+$0xDC30] =	vst v1  }
0x2a: {  	[tilespmem:s5+$0xDC40] =	vst v1  }
0x2b: {  	[tilespmem:s5+$0xDC50] =	vst v1  }
0x2c: {  	[tilespmem:s5+$0xDC60] =	vst v1  }
0x2d: {  	[tilespmem:$0xC0] =	vst v2  }
0x2e: {  	[tilespmem:$0x1C0] =	vst v1  }
0x2f: {  	[tilespmem:$0x2C0] =	vst v1  }
0x30: {  	[tilespmem:$0x3C0] =	vst v1  }
0x31: {  	[tilespmem:$0x4C0] =	vst v1  }
0x32: {  	[tilespmem:$0x6DC0] =	vst v2  }
0x33: {  	[tilespmem:$0x6EC0] =	vst v1  }
0x34: {  	[tilespmem:$0x6FC0] =	vst v1  }
0x35: {  	[tilespmem:$0x70C0] =	vst v1  }
0x36: {  	[dreg:$0x5] =	wrdreg s16;
	s5 =	simm.s32 $0x0;
	s11 =	simm.s32 $0x200;
	[tilespmem:$0x71C0] =	vst v1  }
.LBB2_4:
0x37: {  	p0 =	sne.s32 s11, $0xE00;
	[tilespmem:s5+$0xD670] =	vst v1  }
0x38: {  	[tilespmem:s5+$0x6900] =	vst v1  }
0x39: {  	[tilespmem:s5+$0xD600] =	vst v1  }
0x3a: {  	[tilespmem:s5+$0x6910] =	vst v1  }
0x3b: {  	[tilespmem:s5+$0xD610] =	vst v1  }
0x3c: {  	[tilespmem:s5+$0x6920] =	vst v1  }
0x3d: {  	[tilespmem:s5+$0xD620] =	vst v1  }
0x3e: {  	[tilespmem:s5+$0x6930] =	vst v1  }
0x3f: {  	[tilespmem:s5+$0xD630] =	vst v1  }
0x40: {  	[tilespmem:s5+$0x6940] =	vst v1  }
0x41: {  	[tilespmem:s5+$0xD640] =	vst v1  }
.Ltmp1:
0x42: {  	[tilespmem:s5+$0x6950] =	vst v1;
	(pc) =	sbr.rel @p0 .LBB2_4-.Ltmp1, $4  }
0x43: {  	[tilespmem:s5+$0xD650] =	vst v1  }
0x44: {  	[tilespmem:s5+$0x6960] =	vst v1  }
0x45: {  	[tilespmem:s5+$0xD660] =	vst v1  }
0x46: {  	[tilespmem:s5+$0x6970] =	vst v1;
	s5 =	sshra.s32 s11, $0x2;
	s11 =	sadd.s32 $0x200, s11  }
0x47: {  	[tilespmem:s5+$0xD670] =	vst v1  }
0x48: {  	[tilespmem:s5+$0x6900] =	vst v1  }
0x49: {  	[tilespmem:s5+$0xD600] =	vst v1  }
0x4a: {  	[tilespmem:s5+$0x6910] =	vst v1  }
0x4b: {  	[tilespmem:s5+$0xD610] =	vst v1  }
0x4c: {  	[tilespmem:s5+$0x6920] =	vst v1  }
0x4d: {  	[tilespmem:s5+$0xD620] =	vst v1  }
0x4e: {  	[tilespmem:s5+$0x6930] =	vst v1  }
0x4f: {  	[tilespmem:s5+$0xD630] =	vst v1  }
0x50: {  	[tilespmem:s5+$0x6940] =	vst v1  }
0x51: {  	[tilespmem:s5+$0xD640] =	vst v1  }
0x52: {  	[tilespmem:s5+$0x6950] =	vst v1  }
0x53: {  	[tilespmem:s5+$0xD650] =	vst v1  }
0x54: {  	[tilespmem:s5+$0x6960] =	vst v1  }
0x55: {  	[tilespmem:s5+$0xD660] =	vst v1  }
0x56: {  	[tilespmem:s5+$0x6970] =	vst v1  }
0x57: {  	[spmem:s17] =	stream.linear.scatter [tilespmem:s25], [sflag:$0x2], $0x6800, $0x38;
	[tilespmem:$0x1F800] =	vst v63  }
0x58: {  	_ =	swait.ge [sflag:s26], $0x6800  }
0x59: {  	[sflag:s26] =	ssyncset.done $0x0  }
0x5a: {  	s11 =	rddreg [dreg:$0x7];
	[sflag:s26] =	ssyncadd.s32 $0xFFFF9800  }
0x5b: {  	[spmem:s11] =	stream.linear.scatter [tilespmem:s25], [sflag:$0x2], $0x3800, $0x38;
	[tilespmem:$0x1F800] =	vst v63  }
0x5c: {  	_ =	swait.ge [sflag:s26], $0x3800  }
0x5d: {  	[sflag:s26] =	ssyncset.done $0x0  }
0x5e: {  	[sflag:s26] =	ssyncadd.s32 $0xFFFFC800  }
0x5f: {  	[spmem:s18] =	stream.linear.scatter [tilespmem:s25], [sflag:$0x2], $0x1400, $0x38;
	[tilespmem:$0x1F800] =	vst v63  }
0x60: {  	_ =	swait.ge [sflag:s26], $0x1400  }
0x61: {  	[sflag:s26] =	ssyncset.done $0x0  }
0x62: {  	[sflag:s26] =	ssyncadd.s32 $0xFFFFEC00  }
0x63: {  	[bflag:$0x0] =	sbarrier.arrive $0xFFFF  }
0x64: {  	s13 =	rddreg [dreg:$0x9]  }
0x65: {  	[tilespmem:s24], [sflag:$0x1] =	stream.linear.gather [hbm4b:s13+s24], $0xC8, $0x38;
	[tilespmem:$0x1F800] =	vst v63  }
0x66: {  	s14 =	rddreg [dreg:$0xa]  }
0x67: {  	[tilespmem:s28], [sflag:$0x1] =	stream.linear.gather [hbm4b:s14+s24], $0xC8, $0x38;
	[tilespmem:$0x1F800] =	vst v63  }
0x68: {  	s15 =	rddreg [dreg:$0xb]  }
0x69: {  	[tilespmem:s29], [sflag:$0x1] =	stream.linear.gather [hbm4b:s15+s24], $0xC8, $0x38;
	[tilespmem:$0x1F800] =	vst v63  }
0x6a: {  	s16 =	rddreg [dreg:$0xc]  }
0x6b: {  	[tilespmem:s30], [sflag:$0x1] =	stream.linear.gather [hbm4b:s16+s24], $0xC8, $0x38;
	[tilespmem:$0x1F800] =	vst v63  }
0x6c: {  	s17 =	rddreg [dreg:$0xd]  }
0x6d: {  	[tilespmem:s31], [sflag:$0x1] =	stream.linear.gather [hbm4b:s17+s24], $0xC8, $0x38;
	[tilespmem:$0x1F800] =	vst v63  }
0x6e: {  	s18 =	rddreg [dreg:$0xe];
	s14 =	simm.s32 $0x0  }
0x6f: {  	[tilespmem:s0], [sflag:$0x1] =	stream.linear.gather [hbm4b:s18+s24], $0x6400, $0x38;
	[tilespmem:$0x1F800] =	vst v63  }
.LBB2_6:
0x70: {  	_ =	swait.ge [sflag:s4], $0xC8  }
0x71: {  	[sflag:s4] =	ssyncset.done $0x0  }
0x72: {  	[sflag:s4] =	ssyncadd.s32 $0xFFFFFF38  }
0x73: {  	_ =	swait.ge [sflag:s4], $0xC8  }
0x74: {  	[sflag:s4] =	ssyncset.done $0x0  }
0x75: {  	[sflag:s4] =	ssyncadd.s32 $0xFFFFFF38  }
0x76: {  	_ =	swait.ge [sflag:s4], $0xC8  }
0x77: {  	[sflag:s4] =	ssyncset.done $0x0  }
0x78: {  	[sflag:s4] =	ssyncadd.s32 $0xFFFFFF38  }
0x79: {  	_ =	swait.ge [sflag:s4], $0xC8  }
0x7a: {  	[sflag:s4] =	ssyncset.done $0x0  }
0x7b: {  	[sflag:s4] =	ssyncadd.s32 $0xFFFFFF38  }
0x7c: {  	_ =	swait.ge [sflag:s4], $0xC8  }
0x7d: {  	s5 =	smul.u32 $0x190, s14;
	[sflag:s4] =	ssyncset.done $0x0  }
0x7e: {  	[sflag:s4] =	ssyncadd.s32 $0xFFFFFF38  }
0x7f: {  	s5 =	sadd.s32 s5, s21;
	_ =	swait.ge [sflag:s4], $0x6400  }
0x80: {  	s11 =	sshrl.u32 s5, $0x3;
	[sflag:s4] =	ssyncset.done $0x0  }
0x81: {  	s15 =	simm.s32 $0x6D00;
	s13 =	sadd.s32 s7, s11;
	[sflag:s4] =	ssyncadd.s32 $0xFFFF9C00  }
0x82: {  	[tilespmem:s15], [sflag:$0x1] =	stream.linear.gather [hbm4b:s13+s24], $0xC8, $0x38;
	[tilespmem:$0x1F800] =	vst v63  }
0x83: {  	s16 =	simm.s32 $0x6E00;
	s15 =	sadd.s32 s1, s11  }
0x84: {  	[tilespmem:s16], [sflag:$0x1] =	stream.linear.gather [hbm4b:s15+s24], $0xC8, $0x38;
	[tilespmem:$0x1F800] =	vst v63  }
0x85: {  	s18 =	simm.s32 $0x6F00;
	s17 =	sadd.s32 s8, s11  }
0x86: {  	[tilespmem:s18], [sflag:$0x1] =	stream.linear.gather [hbm4b:s17+s24], $0xC8, $0x38;
	[tilespmem:$0x1F800] =	vst v63  }
0x87: {  	s16 =	sadd.s32 s9, s11;
	s17 =	simm.s32 $0x7000  }
0x88: {  	[tilespmem:s17], [sflag:$0x1] =	stream.linear.gather [hbm4b:s16+s24], $0xC8, $0x38;
	[tilespmem:$0x1F800] =	vst v63  }
0x89: {  	s5 =	sshll.u32 s5, $0x4;
	s11 =	sadd.s32 s10, s11;
	s18 =	simm.s32 $0x7100  }
0x8a: {  	[tilespmem:s18], [sflag:$0x1] =	stream.linear.gather [hbm4b:s11+s24], $0xC8, $0x38;
	[tilespmem:$0x1F800] =	vst v63  }
0x8b: {  	s5 =	sadd.s32 s6, s5  }
0x8c: {  	[tilespmem:s19], [sflag:$0x1] =	stream.linear.gather [hbm4b:s5+s24], $0x6400, $0x38;
	[tilespmem:$0x1F800] =	vst v63  }
0x8d: {  	s5 =	simm.s32 $0x0  }
0x8e: {  	v5 =	vld [tilespmem:s5+$0x0];
	_ =	sdelay $0x3  }
0x8f: {  	s11 =	simm.s32 $0x10  }
0x90: {  	v4 =	vsub.s32 v5, v0;
	vm0 =	vne.s32 v5, v0;
	v9 =	vand.u32 $0x7, v5;
	v5 =	vld [tilespmem:s11+$0x0]  }
0x91: {  	v6 =	vshra.s32 v4, $0x1F;
	v7 =	vsel vm0, $0x1, v2  }
0x92: {  	v8 =	vmin.u32 v4, $0x1388;
	v7 =	vor.u32 v7, v6  }
0x93: {  	vm1 =	vne.s32 v9, $0x0;
	v6 =	vshrl.u32 v6, $0x1D;
	vm0 =	vne.s32 v7, $0x1  }
0x94: {  	s13 =	simm.s32 $0x80;
	[tilespmem:s5+$0xDA00] =	vst v8;
	v6 =	vadd.s32 v6, v4;
	vm0 =	vmand vm1, vm0  }
.LBB2_7:
0x95: {  	s15 =	sshra.s32 s13, $0x2;
	v7 =	vsub.s32 v5, v0;
	v6 =	vshra.s32 v6, $0x3;
	v8 =	vsel vm0, $0xFFFFFFFF, v2;
	v9 =	vmovc v5;
	p0 =	sne.s32 s13, $0x300  }
.Ltmp2:
0x96: {  	s13 =	sadd.s32 $0x40, s13;
	vm1 =	vlt.u32 v4, $0x1388;
	v5 =	vld [tilespmem:s15+$0x0];
	vm0 =	vne.s32 v9, v0;
	v6 =	vadd.s32 v8, v6;
	v4 =	vmovc v7;
	(pc) =	sbr.rel @p0 .LBB2_7-.Ltmp2, $4  }
0x97: {  	v7 =	vshra.s32 v4, $0x1F;
	v8 =	vsel vm0, $0x1, v2;
	v6 =	vnsel vm1, $0x271, v6  }
0x98: {  	v9 =	vand.u32 $0x7, v9;
	v10 =	vmin.u32 v4, $0x1388;
	v8 =	vor.u32 v8, v7;
	[tilespmem:s5+$0xDB00] =	vst v6;
	s5 =	smov.u32 s11;
	s11 =	smov.u32 s15  }
0x99: {  	vm1 =	vne.s32 v9, $0x0;
	v6 =	vshrl.u32 v7, $0x1D;
	[tilespmem:s5+$0xDA00] =	vst v10;
	vm0 =	vne.s32 v8, $0x1  }
0x9a: {  	v6 =	vadd.s32 v6, v4;
	vm0 =	vmand vm1, vm0  }
0x9b: {  	v7 =	vsub.s32 v5, v0;
	vm1 =	vne.s32 v5, v0;
	v5 =	vand.u32 $0x7, v5  }
0x9c: {  	vm14 =	vlt.u32 v4, $0x1388;
	v8 =	vshra.s32 v7, $0x1F;
	v9 =	vsel vm1, $0x1, v2  }
0x9d: {  	vm2 =	vne.s32 v5, $0x0;
	v5 =	vshra.s32 v6, $0x3;
	v9 =	vor.u32 v9, v8  }
0x9e: {  	v6 =	vsel vm0, $0xFFFFFFFF, v2;
	v8 =	vshrl.u32 v8, $0x1D;
	vm13 =	vne.s32 v9, $0x1  }
0x9f: {  	v4 =	vadd.s32 v6, v5;
	v5 =	vadd.s32 v8, v7;
	vm1 =	vmand vm2, vm13  }
0xa0: {  	v4 =	vnsel vm14, $0x271, v4;
	v5 =	vshra.s32 v5, $0x3;
	v6 =	vsel vm1, $0xFFFFFFFF, v2  }
0xa1: {  	v63 =	vmin.u32 v7, $0x1388;
	vm15 =	vlt.u32 v7, $0x1388;
	[tilespmem:s5+$0xDB00] =	vst v4;
	v4 =	vadd.s32 v6, v5  }
0xa2: {  	[tilespmem:s11+$0xDA00] =	vst v63;
	v4 =	vnsel vm15, $0x271, v4  }
0xa3: {  	[tilespmem:s11+$0xDB00] =	vst v4  }
0xa4: {  	[spmem:s2] =	stream.indirect.scatter.add.f32 [tilespmem:s0], [sflag:$0x2], $0x80, s22, s20, $0xb8;
	[tilespmem:$0x1F800] =	vst v63  }
0xa5: {  	_ =	swait.ge [sflag:s26], $0x6800  }
0xa6: {  	[sflag:s26] =	ssyncset.done $0x0  }
0xa7: {  	s11 =	simm.s32 $0x0;
	[sflag:s26] =	ssyncadd.s32 $0xFFFF9800  }
0xa8: {  	v4 =	vld [tilespmem:s11+$0x0];
	_ =	sdelay $0x2  }
0xa9: {  	s5 =	simm.s32 $0x200  }
0xaa: {  	s13 =	simm.s32 $0x100;
	v5 =	vmov s11;
	v6 =	vld [tilespmem:s5+$0x0]  }
0xab: {  	v5 =	vshll.u32 v5, $0x7;
	v7 =	vld [tilespmem:s13+$0x0];
	v4 =	vshll.u32 v4, $0x4  }
0xac: {  	v5 =	vor.u32 v3, v5;
	v4 =	vand.u32 $0x70, v4  }
0xad: {  	v4 =	vor.u32 v5, v4;
	_ =	sdelay $0x2  }
0xae: {  	v5 =	vmul.f32 v6, v7;
	_ =	sdelay $0x1  }
0xaf: {  	s15 =	simm.s32 $0x300;
	[tilespmem:v4+s25+$0x0] =	vst.idx.msk $0xffff, v5  }
0xb0: {  	v5 =	vld [tilespmem:s15+$0x0];
	_ =	sdelay $0x1  }
0xb1: {  	v6 =	vor.u32 $0x1, v4;
	_ =	sdelay $0x2  }
0xb2: {  	v5 =	vmul.f32 v5, v7;
	_ =	sdelay $0x1  }
0xb3: {  	s18 =	simm.s32 $0x400;
	[tilespmem:v6+s25+$0x0] =	vst.idx.msk $0xffff, v5  }
0xb4: {  	v5 =	vld [tilespmem:s18+$0x0];
	_ =	sdelay $0x1  }
0xb5: {  	v4 =	vor.u32 $0x2, v4;
	_ =	sdelay $0x2  }
0xb6: {  	v5 =	vmul.f32 v5, v7  }
0xb7: {  	s16 =	simm.s32 $0x310;
	s17 =	simm.s32 $0x410;
	s15 =	simm.s32 $0x10  }
.LBB2_9:
0xb8: {  	[tilespmem:v4+s25+$0x0] =	vst.idx.msk $0xffff, v5;
	s11 =	sadd.s32 $0x10, s11;
	s13 =	sadd.s32 $0x10, s13;
	s5 =	sadd.s32 $0x10, s5  }
0xb9: {  	p0 =	sne.s32 s15, $0xC0;
	s18 =	smov.u32 s15;
	s15 =	sadd.s32 $0x10, s15;
	v4 =	vld [tilespmem:s11+$0x0]  }
0xba: {  	_ =	sdelay $0x2  }
0xbb: {  	v5 =	vmov s18;
	v6 =	vld [tilespmem:s5+$0x0]  }
0xbc: {  	v5 =	vshll.u32 v5, $0x7;
	v7 =	vld [tilespmem:s13+$0x0];
	v4 =	vshll.u32 v4, $0x4  }
0xbd: {  	v5 =	vor.u32 v3, v5;
	v4 =	vand.u32 $0x70, v4  }
0xbe: {  	v4 =	vor.u32 v5, v4;
	_ =	sdelay $0x2  }
0xbf: {  	v5 =	vmul.f32 v6, v7;
	_ =	sdelay $0x1  }
0xc0: {  	[tilespmem:v4+s25+$0x0] =	vst.idx.msk $0xffff, v5  }
0xc1: {  	v5 =	vld [tilespmem:s16+$0x0];
	_ =	sdelay $0x1  }
0xc2: {  	v6 =	vor.u32 $0x1, v4;
	_ =	sdelay $0x2  }
0xc3: {  	v5 =	vmul.f32 v5, v7;
	_ =	sdelay $0x1  }
0xc4: {  	[tilespmem:v6+s25+$0x0] =	vst.idx.msk $0xffff, v5  }
0xc5: {  	v5 =	vld [tilespmem:s17+$0x0];
	_ =	sdelay $0x1  }
.Ltmp3:
0xc6: {  	v4 =	vor.u32 $0x2, v4;
	(pc) =	sbr.rel @p0 .LBB2_9-.Ltmp3, $3  }
0xc7: {  	_ =	sdelay $0x1  }
0xc8: {  	v5 =	vmul.f32 v5, v7  }
0xc9: {  	s16 =	sadd.s32 $0x10, s16;
	s17 =	sadd.s32 $0x10, s17  }
0xca: {  	_ =	sdelay $0x3  }
0xcb: {  	[tilespmem:v4+s25+$0x0] =	vst.idx.msk $0xffff, v5  }
0xcc: {  	[spmem:s3] =	stream.indirect.scatter.add.f32 [tilespmem:s25], [sflag:$0x2], $0x80, s23, s20, $0xb8;
	[tilespmem:$0x1F800] =	vst v63  }
0xcd: {  	_ =	swait.ge [sflag:s26], $0x6800  }
0xce: {  	[sflag:s26] =	ssyncset.done $0x0  }
0xcf: {  	s5 =	simm.s32 $0x0;
	[sflag:s26] =	ssyncadd.s32 $0xFFFF9800  }
0xd0: {  	v4 =	vld [tilespmem:s5+$0x0]  }
0xd1: {  	s11 =	simm.s32 $0x10;
	s13 =	simm.s32 $0x0  }
.LBB2_11:
0xd2: {  	p0 =	sne.s32 s11, $0xC0;
	_ =	sdelay $0x1  }
0xd3: {  	v5 =	vmov s5;
	s5 =	smov.u32 s11  }
0xd4: {  	v5 =	vshll.u32 v5, $0x7;
	v4 =	vshll.u32 v4, $0x4  }
0xd5: {  	v5 =	vor.u32 v3, v5;
	v4 =	vand.u32 $0x70, v4  }
0xd6: {  	v4 =	vor.u32 v5, v4  }
0xd7: {  	v5 =	vor.u32 $0x1, v4  }
0xd8: {  	v6 =	vor.u32 $0x2, v4;
	_ =	sdelay $0x2  }
.Ltmp4:
0xd9: {  	[tilespmem:v4+s25+$0x0] =	vst.idx.msk $0xffff, v1;
	(pc) =	sbr.rel @p0 .LBB2_11-.Ltmp4, $4  }
0xda: {  	[tilespmem:v5+s25+$0x0] =	vst.idx.msk $0xffff, v1  }
0xdb: {  	s13 =	sadd.s32 $0x10, s13;
	[tilespmem:v6+s25+$0x0] =	vst.idx.msk $0xffff, v1  }
0xdc: {  	v4 =	vld [tilespmem:s13+$0x0]  }
0xdd: {  	s11 =	sadd.s32 $0x10, s11  }
0xde: {  	_ =	sdelay $0x1  }
0xdf: {  	v5 =	vmov s5  }
0xe0: {  	v5 =	vshll.u32 v5, $0x7;
	v4 =	vshll.u32 v4, $0x4  }
0xe1: {  	v5 =	vor.u32 v3, v5;
	v4 =	vand.u32 $0x70, v4  }
0xe2: {  	v4 =	vor.u32 v5, v4  }
0xe3: {  	v5 =	vor.u32 $0x1, v4  }
0xe4: {  	v6 =	vor.u32 $0x2, v4;
	_ =	sdelay $0x2  }
0xe5: {  	[tilespmem:v4+s25+$0x0] =	vst.idx.msk $0xffff, v1  }
0xe6: {  	[tilespmem:v5+s25+$0x0] =	vst.idx.msk $0xffff, v1  }
0xe7: {  	[tilespmem:v6+s25+$0x0] =	vst.idx.msk $0xffff, v1  }
0xe8: {  	_ =	swait.ge [sflag:s4], $0xC8  }
0xe9: {  	[sflag:s4] =	ssyncset.done $0x0  }
0xea: {  	[sflag:s4] =	ssyncadd.s32 $0xFFFFFF38  }
0xeb: {  	_ =	swait.ge [sflag:s4], $0xC8  }
0xec: {  	[sflag:s4] =	ssyncset.done $0x0  }
0xed: {  	[sflag:s4] =	ssyncadd.s32 $0xFFFFFF38  }
0xee: {  	_ =	swait.ge [sflag:s4], $0xC8  }
0xef: {  	[sflag:s4] =	ssyncset.done $0x0  }
0xf0: {  	[sflag:s4] =	ssyncadd.s32 $0xFFFFFF38  }
0xf1: {  	_ =	swait.ge [sflag:s4], $0xC8  }
0xf2: {  	s15 =	sshll.u32 s14, $0x1;
	[sflag:s4] =	ssyncset.done $0x0  }
0xf3: {  	s5 =	sadd.s32 $0x2, s15;
	[sflag:s4] =	ssyncadd.s32 $0xFFFFFF38  }
0xf4: {  	s11 =	smul.u32 $0xC8, s5;
	_ =	swait.ge [sflag:s4], $0xC8  }
0xf5: {  	p0 =	seq.s32 s5, $0x64;
	[sflag:s4] =	ssyncset.done $0x0  }
0xf6: {  	s11 =	simm.s32 @p0 $0x0;
	[sflag:s4] =	ssyncadd.s32 $0xFFFFFF38  }
0xf7: {  	s5 =	sadd.s32 s12, s11;
	_ =	swait.ge [sflag:s4], $0x6400  }
0xf8: {  	s11 =	sshrl.u32 s5, $0x3;
	[sflag:s4] =	ssyncset.done $0x0  }
0xf9: {  	s15 =	simm.s32 $0x0;
	s13 =	sadd.s32 s7, s11;
	[sflag:s4] =	ssyncadd.s32 $0xFFFF9C00  }
0xfa: {  	[tilespmem:s15], [sflag:$0x1] =	stream.linear.gather [hbm4b:s13+s15], $0xC8, $0x38;
	[tilespmem:$0x1F800] =	vst v63  }
0xfb: {  	s16 =	sadd.s32 s1, s11  }
0xfc: {  	[tilespmem:s28], [sflag:$0x1] =	stream.linear.gather [hbm4b:s16+s15], $0xC8, $0x38;
	[tilespmem:$0x1F800] =	vst v63  }
0xfd: {  	s17 =	sadd.s32 s8, s11  }
0xfe: {  	[tilespmem:s29], [sflag:$0x1] =	stream.linear.gather [hbm4b:s17+s15], $0xC8, $0x38;
	[tilespmem:$0x1F800] =	vst v63  }
0xff: {  	s18 =	sadd.s32 s9, s11  }
0x100: {  	[tilespmem:s30], [sflag:$0x1] =	stream.linear.gather [hbm4b:s18+s15], $0xC8, $0x38;
	[tilespmem:$0x1F800] =	vst v63  }
0x101: {  	s5 =	sshll.u32 s5, $0x4;
	s11 =	sadd.s32 s10, s11  }
0x102: {  	[tilespmem:s31], [sflag:$0x1] =	stream.linear.gather [hbm4b:s11+s15], $0xC8, $0x38;
	[tilespmem:$0x1F800] =	vst v63  }
0x103: {  	s5 =	sadd.s32 s6, s5  }
0x104: {  	[tilespmem:s0], [sflag:$0x1] =	stream.linear.gather [hbm4b:s5+s15], $0x6400, $0x38;
	[tilespmem:$0x1F800] =	vst v63  }
0x105: {  	s5 =	simm.s32 $0x0  }
0x106: {  	v5 =	vld [tilespmem:s5+$0x6D00];
	_ =	sdelay $0x3  }
0x107: {  	s11 =	simm.s32 $0x10  }
0x108: {  	v4 =	vsub.s32 v5, v0;
	vm0 =	vne.s32 v5, v0;
	v9 =	vand.u32 $0x7, v5;
	v5 =	vld [tilespmem:s11+$0x6D00]  }
0x109: {  	v6 =	vshra.s32 v4, $0x1F;
	v7 =	vsel vm0, $0x1, v2  }
0x10a: {  	v8 =	vmin.u32 v4, $0x1388;
	v7 =	vor.u32 v7, v6  }
0x10b: {  	vm1 =	vne.s32 v9, $0x0;
	v6 =	vshrl.u32 v6, $0x1D;
	vm0 =	vne.s32 v7, $0x1  }
0x10c: {  	s13 =	simm.s32 $0x80;
	[tilespmem:s5+$0xDA00] =	vst v8;
	v6 =	vadd.s32 v6, v4;
	vm0 =	vmand vm1, vm0  }
.LBB2_13:
0x10d: {  	s15 =	sshra.s32 s13, $0x2;
	v7 =	vsub.s32 v5, v0;
	v6 =	vshra.s32 v6, $0x3;
	v8 =	vsel vm0, $0xFFFFFFFF, v2;
	v9 =	vmovc v5;
	p0 =	sne.s32 s13, $0x300  }
.Ltmp5:
0x10e: {  	s13 =	sadd.s32 $0x40, s13;
	vm1 =	vlt.u32 v4, $0x1388;
	v5 =	vld [tilespmem:s15+$0x6D00];
	vm0 =	vne.s32 v9, v0;
	v6 =	vadd.s32 v8, v6;
	v4 =	vmovc v7;
	(pc) =	sbr.rel @p0 .LBB2_13-.Ltmp5, $4  }
0x10f: {  	v7 =	vshra.s32 v4, $0x1F;
	v8 =	vsel vm0, $0x1, v2;
	v6 =	vnsel vm1, $0x271, v6  }
0x110: {  	v9 =	vand.u32 $0x7, v9;
	v10 =	vmin.u32 v4, $0x1388;
	v8 =	vor.u32 v8, v7;
	[tilespmem:s5+$0xDB00] =	vst v6;
	s5 =	smov.u32 s11;
	s11 =	smov.u32 s15  }
0x111: {  	vm1 =	vne.s32 v9, $0x0;
	v6 =	vshrl.u32 v7, $0x1D;
	[tilespmem:s5+$0xDA00] =	vst v10;
	vm0 =	vne.s32 v8, $0x1  }
0x112: {  	v6 =	vadd.s32 v6, v4;
	vm0 =	vmand vm1, vm0  }
0x113: {  	v7 =	vsub.s32 v5, v0;
	vm1 =	vne.s32 v5, v0;
	v5 =	vand.u32 $0x7, v5  }
0x114: {  	vm14 =	vlt.u32 v4, $0x1388;
	v8 =	vshra.s32 v7, $0x1F;
	v9 =	vsel vm1, $0x1, v2  }
0x115: {  	vm2 =	vne.s32 v5, $0x0;
	v5 =	vshra.s32 v6, $0x3;
	v9 =	vor.u32 v9, v8  }
0x116: {  	v6 =	vsel vm0, $0xFFFFFFFF, v2;
	v8 =	vshrl.u32 v8, $0x1D;
	vm13 =	vne.s32 v9, $0x1  }
0x117: {  	v4 =	vadd.s32 v6, v5;
	v5 =	vadd.s32 v8, v7;
	vm1 =	vmand vm2, vm13  }
0x118: {  	v4 =	vnsel vm14, $0x271, v4;
	v5 =	vshra.s32 v5, $0x3;
	v6 =	vsel vm1, $0xFFFFFFFF, v2  }
0x119: {  	v63 =	vmin.u32 v7, $0x1388;
	vm15 =	vlt.u32 v7, $0x1388;
	[tilespmem:s5+$0xDB00] =	vst v4;
	v4 =	vadd.s32 v6, v5  }
0x11a: {  	[tilespmem:s11+$0xDA00] =	vst v63;
	v4 =	vnsel vm15, $0x271, v4  }
0x11b: {  	[tilespmem:s11+$0xDB00] =	vst v4  }
0x11c: {  	[spmem:s2] =	stream.indirect.scatter.add.f32 [tilespmem:s19], [sflag:$0x2], $0x80, s22, s20, $0xb8;
	[tilespmem:$0x1F800] =	vst v63  }
0x11d: {  	_ =	swait.ge [sflag:s26], $0x6800  }
0x11e: {  	[sflag:s26] =	ssyncset.done $0x0  }
0x11f: {  	s11 =	simm.s32 $0x6D00;
	[sflag:s26] =	ssyncadd.s32 $0xFFFF9800  }
0x120: {  	v4 =	vld [tilespmem:s11+$0x0];
	_ =	sdelay $0x2  }
0x121: {  	s15 =	simm.s32 $0x0;
	s5 =	simm.s32 $0x6F00  }
0x122: {  	s13 =	simm.s32 $0x6E00;
	v5 =	vmov s15;
	v6 =	vld [tilespmem:s5+$0x0]  }
0x123: {  	v5 =	vshll.u32 v5, $0x7;
	v7 =	vld [tilespmem:s13+$0x0];
	v4 =	vshll.u32 v4, $0x4  }
0x124: {  	v5 =	vor.u32 v3, v5;
	v4 =	vand.u32 $0x70, v4  }
0x125: {  	v4 =	vor.u32 v5, v4;
	_ =	sdelay $0x2  }
0x126: {  	v5 =	vmul.f32 v6, v7;
	_ =	sdelay $0x1  }
0x127: {  	s17 =	simm.s32 $0x7000;
	[tilespmem:v4+s25+$0x0] =	vst.idx.msk $0xffff, v5  }
0x128: {  	v5 =	vld [tilespmem:s17+$0x0];
	_ =	sdelay $0x1  }
0x129: {  	v6 =	vor.u32 $0x1, v4;
	_ =	sdelay $0x2  }
0x12a: {  	v5 =	vmul.f32 v5, v7;
	_ =	sdelay $0x1  }
0x12b: {  	s18 =	simm.s32 $0x7100;
	[tilespmem:v6+s25+$0x0] =	vst.idx.msk $0xffff, v5  }
0x12c: {  	v5 =	vld [tilespmem:s18+$0x0];
	_ =	sdelay $0x1  }
0x12d: {  	v4 =	vor.u32 $0x2, v4;
	_ =	sdelay $0x2  }
0x12e: {  	v5 =	vmul.f32 v5, v7  }
0x12f: {  	s16 =	simm.s32 $0x7010;
	s15 =	simm.s32 $0x10;
	s17 =	simm.s32 $0x7110  }
.LBB2_15:
0x130: {  	[tilespmem:v4+s25+$0x0] =	vst.idx.msk $0xffff, v5;
	s11 =	sadd.s32 $0x10, s11;
	s13 =	sadd.s32 $0x10, s13;
	s5 =	sadd.s32 $0x10, s5  }
0x131: {  	p0 =	sne.s32 s15, $0xC0;
	s18 =	smov.u32 s15;
	s15 =	sadd.s32 $0x10, s15;
	v4 =	vld [tilespmem:s11+$0x0]  }
0x132: {  	_ =	sdelay $0x2  }
0x133: {  	v5 =	vmov s18;
	v6 =	vld [tilespmem:s5+$0x0]  }
0x134: {  	v5 =	vshll.u32 v5, $0x7;
	v7 =	vld [tilespmem:s13+$0x0];
	v4 =	vshll.u32 v4, $0x4  }
0x135: {  	v5 =	vor.u32 v3, v5;
	v4 =	vand.u32 $0x70, v4  }
0x136: {  	v4 =	vor.u32 v5, v4;
	_ =	sdelay $0x2  }
0x137: {  	v5 =	vmul.f32 v6, v7;
	_ =	sdelay $0x1  }
0x138: {  	[tilespmem:v4+s25+$0x0] =	vst.idx.msk $0xffff, v5  }
0x139: {  	v5 =	vld [tilespmem:s16+$0x0];
	_ =	sdelay $0x1  }
0x13a: {  	v6 =	vor.u32 $0x1, v4;
	_ =	sdelay $0x2  }
0x13b: {  	v5 =	vmul.f32 v5, v7;
	_ =	sdelay $0x1  }
0x13c: {  	[tilespmem:v6+s25+$0x0] =	vst.idx.msk $0xffff, v5  }
0x13d: {  	v5 =	vld [tilespmem:s17+$0x0];
	_ =	sdelay $0x1  }
.Ltmp6:
0x13e: {  	v4 =	vor.u32 $0x2, v4;
	(pc) =	sbr.rel @p0 .LBB2_15-.Ltmp6, $3  }
0x13f: {  	_ =	sdelay $0x1  }
0x140: {  	v5 =	vmul.f32 v5, v7  }
0x141: {  	s16 =	sadd.s32 $0x10, s16;
	s17 =	sadd.s32 $0x10, s17  }
0x142: {  	_ =	sdelay $0x3  }
0x143: {  	[tilespmem:v4+s25+$0x0] =	vst.idx.msk $0xffff, v5  }
0x144: {  	[spmem:s3] =	stream.indirect.scatter.add.f32 [tilespmem:s25], [sflag:$0x2], $0x80, s23, s20, $0xb8;
	[tilespmem:$0x1F800] =	vst v63  }
0x145: {  	_ =	swait.ge [sflag:s26], $0x6800  }
0x146: {  	[sflag:s26] =	ssyncset.done $0x0  }
0x147: {  	s5 =	simm.s32 $0x6D00;
	[sflag:s26] =	ssyncadd.s32 $0xFFFF9800  }
0x148: {  	v4 =	vld [tilespmem:s5+$0x0]  }
0x149: {  	s11 =	simm.s32 $0x0;
	s13 =	simm.s32 $0x10  }
.LBB2_17:
0x14a: {  	p0 =	sne.s32 s13, $0xC0;
	_ =	sdelay $0x1  }
0x14b: {  	v5 =	vmov s11;
	s11 =	smov.u32 s13  }
0x14c: {  	v5 =	vshll.u32 v5, $0x7;
	v4 =	vshll.u32 v4, $0x4  }
0x14d: {  	v5 =	vor.u32 v3, v5;
	v4 =	vand.u32 $0x70, v4  }
0x14e: {  	v4 =	vor.u32 v5, v4  }
0x14f: {  	v5 =	vor.u32 $0x1, v4  }
0x150: {  	v6 =	vor.u32 $0x2, v4;
	_ =	sdelay $0x2  }
.Ltmp7:
0x151: {  	[tilespmem:v4+s25+$0x0] =	vst.idx.msk $0xffff, v1;
	(pc) =	sbr.rel @p0 .LBB2_17-.Ltmp7, $4  }
0x152: {  	[tilespmem:v5+s25+$0x0] =	vst.idx.msk $0xffff, v1  }
0x153: {  	s5 =	sadd.s32 $0x10, s5;
	[tilespmem:v6+s25+$0x0] =	vst.idx.msk $0xffff, v1  }
0x154: {  	v4 =	vld [tilespmem:s5+$0x0]  }
0x155: {  	s13 =	sadd.s32 $0x10, s13  }
0x156: {  	_ =	sdelay $0x1  }
0x157: {  	v5 =	vmov s11  }
0x158: {  	v5 =	vshll.u32 v5, $0x7;
	v4 =	vshll.u32 v4, $0x4  }
0x159: {  	v5 =	vor.u32 v3, v5;
	v4 =	vand.u32 $0x70, v4  }
0x15a: {  	v4 =	vor.u32 v5, v4  }
0x15b: {  	s14 =	sadd.s32 $0x1, s14;
	v5 =	vor.u32 $0x1, v4  }
0x15c: {  	p0 =	sne.s32 s14, $0x32;
	v6 =	vor.u32 $0x2, v4  }
.Ltmp8:
0x15d: {  	_ = 	snop;
	(pc) =	sbr.rel @p0 .LBB2_6-.Ltmp8, $4  }
0x15e: {  	_ = 	snop  }
0x15f: {  	[tilespmem:v4+s25+$0x0] =	vst.idx.msk $0xffff, v1  }
0x160: {  	[tilespmem:v5+s25+$0x0] =	vst.idx.msk $0xffff, v1  }
0x161: {  	[tilespmem:v6+s25+$0x0] =	vst.idx.msk $0xffff, v1  }
0x162: {  	_ =	swait.ge [sflag:s4], $0xC8  }
0x163: {  	[sflag:s4] =	ssyncset.done $0x0  }
0x164: {  	[sflag:s4] =	ssyncadd.s32 $0xFFFFFF38  }
0x165: {  	_ =	swait.ge [sflag:s4], $0xC8  }
0x166: {  	[sflag:s4] =	ssyncset.done $0x0  }
0x167: {  	[sflag:s4] =	ssyncadd.s32 $0xFFFFFF38  }
0x168: {  	_ =	swait.ge [sflag:s4], $0xC8  }
0x169: {  	[sflag:s4] =	ssyncset.done $0x0  }
0x16a: {  	[sflag:s4] =	ssyncadd.s32 $0xFFFFFF38  }
0x16b: {  	_ =	swait.ge [sflag:s4], $0xC8  }
0x16c: {  	[sflag:s4] =	ssyncset.done $0x0  }
0x16d: {  	[sflag:s4] =	ssyncadd.s32 $0xFFFFFF38  }
0x16e: {  	_ =	swait.ge [sflag:s4], $0xC8  }
0x16f: {  	[sflag:s4] =	ssyncset.done $0x0  }
0x170: {  	[sflag:s4] =	ssyncadd.s32 $0xFFFFFF38  }
0x171: {  	_ =	swait.ge [sflag:s4], $0x6400  }
0x172: {  	[sflag:s4] =	ssyncset.done $0x0  }
0x173: {  	[sflag:s4] =	ssyncadd.s32 $0xFFFF9C00  }
0x174: {  	s5 =	stileid.u32;
	[bflag:$0x0] =	sbarrier.arrive $0xFFFF  }
0x175: {  	s5 =	sshll.u32 s5, $0x6;
	s17 =	rddreg [dreg:$0x6]  }
0x176: {  	s5 =	sor.u32 $0x1C02, s5;
	s13 =	rddreg [dreg:$0xf];
	s11 =	sshrl.u32 s17, $0x3  }
0x177: {  	[hbm:s13], [sflag:s5] =	dma.local [spmem:s11], $0x1400  }
0x178: {  	_ =	swait.ge [sflag:s26], $0x1400  }
0x179: {  	[sflag:s26] =	ssyncset.done $0x0;
	s18 =	rddreg [dreg:$0x8]  }
0x17a: {  	s14 =	rddreg [dreg:$0x10];
	[sflag:s26] =	ssyncadd.s32 $0xFFFFEC00;
	s13 =	sshrl.u32 s18, $0x3  }
0x17b: {  	[hbm:s14], [sflag:s5] =	dma.local [spmem:s13], $0x280  }
0x17c: {  	_ =	swait.ge [sflag:s26], $0x280  }
0x17d: {  	s16 =	rddreg [dreg:$0x5]  }
0x17e: {  	s15 =	rddreg [dreg:$0x11];
	s16 =	sadd.s32 $0x1, s16  }
0x17f: {  	p0 =	sne.s32 s16, s15  }
.Ltmp9:
0x180: {  	_ = 	snop;
	(pc) =	sbr.rel @p0 .LBB2_1-.Ltmp9, $3  }
0x181: {  	_ =	sdelay $0x1  }
0x182: {  	[sflag:s26] =	ssyncset.done $0x0  }
0x183: {  	[sflag:s26] =	ssyncadd.s32 $0xFFFFFD80  }
0x184: {  	_ =	sfence.sel $0x180000  }
0x185: {  	[bflag:$0x0] =	sbarrier.arrive $0xFFFF  }
0x186: {  	_ =	strace $0x9000004A  }
0x187: {  	s0 =	stileid.u32;
	[bflag:$0x2] =	sbarrier.arrive $0xFFFF  }
0x188: {  	p0 =	sne.s32 s0, $0x0;
	s0 =	rddreg [dreg:$0x4]  }
0x189: {  	s0 =	sadd.s32 @!p0 $0x100000, s0  }
0x18a: {  	[sflag:s0] =	ssyncadd.tile.s32 @!p0 $0x1;
	_ =	shalt  }
.Lfunc_end2:
_tile_overlayer_lowered:
.L_overlay_start_2:
0x18b: {  	(tag) =	ssettag $0x2  }
0x18c: {  	s0 =	rddreg [dreg:$0x0];
	s2 =	stileid.u32  }
0x18d: {  	s1 =	rddreg [dreg:$0x1];
	p0 =	sne.s32 s2, $0x0  }
0x18e: {  	s3 =	rddreg [dreg:$0x2];
	[bflag:$0x3] =	sbarrier.arrive $0xFFFF;
	s2 =	simm.s32 @!p0 $0x1C02  }
0x18f: {  	[timem:s3], [sflag:s2] =	dma.local @!p0 [hbm:s0], s1  }
0x190: {  	s0 =	simm.s32 @!p0 $0x2  }
0x191: {  	_ =	swait.ge @!p0 [sflag:s0], s1  }
0x192: {  	s1 =	ssub.s32 @!p0 $0x0, s1;
	[sflag:s0] =	ssyncset.done @!p0 $0x0  }
0x193: {  	[sflag:s0] =	ssyncadd.s32 @!p0 s1  }
0x194: {  	[bflag:$0x3] =	sbarrier.arrive $0xFFFF  }
0x195: {  	_ =	shalt  }

// kernel: kernel.7.cloned.1.call-start
scs
__scs_entry_jumppad:
0x0: {  	(pc) =	sbr.rel $0x88, $3  }
0x1: {  	(tag) =	ssettag $0x0;
	lr =	simm.s32 $0x1  }
0x2: {  	[smem:$0x3F91] =	sst lr;
	_ =	strace $0xD0000000  }
0x3: {  	_ = 	snop  }
0x4: {  	_ = 	snop  }
0x5: {  	_ = 	snop  }
0x6: {  	_ = 	snop  }
0x7: {  	_ = 	snop  }
__scs_overlays_trampoline_lowered:
0x8: {  	[smem:$0x3FA0] =	sst s0  }
0x9: {  	[smem:$0x3FA1] =	sst s1  }
0xa: {  	[smem:$0x3FA2] =	sst s2  }
0xb: {  	[smem:$0x3FA3] =	sst s3  }
0xc: {  	[smem:$0x3FA4] =	sst s4  }
0xd: {  	[smem:$0x3FA5] =	sst s5  }
0xe: {  	[smem:$0x3FA6] =	sst s6  }
0xf: {  	[smem:$0x3FA7] =	sst s7  }
0x10: {  	[smem:$0x3FA8] =	sst s8  }
0x11: {  	[smem:$0x3FA9] =	sst s9;
	s0 =	simm.s32 @!p0 $0x0  }
0x12: {  	s1 =	sld [smem:$0x3F8F];
	s0 =	simm.s32 @p0 $0x1  }
0x13: {  	[smem:$0x3FAA] =	sst s0;
	s0 =	simm.s32 @!p1 $0x0  }
0x14: {  	s2 =	sld [smem:$0x3F8E];
	s0 =	simm.s32 @p1 $0x1  }
0x15: {  	[smem:$0x3FAB] =	sst s0;
	s0 =	simm.s32 @!p2 $0x0  }
0x16: {  	s3 =	sld [smem:$0x3FDB];
	s0 =	simm.s32 @p2 $0x1  }
0x17: {  	s4 =	simm.s32 $0x1BF5;
	[smem:$0x3FAD] =	sst s0  }
0x18: {  	s0 =	sld [smem:$0x3F90];
	_ =	swait.ge [sflag:s4], $0x0  }
0x19: {  	s7 =	sld [smem:$0x3F91]  }
0x1a: {  	s8 =	sadd.s32 $0xFFFFE003, lr  }
0x1b: {  	s9 =	sadd.s32 $0xFFFFFEF7, lr;
	s5 =	simm.s32 $0xFFFFFFFF;
	p2 =	slt.u32 s8, $0xFFFFF086  }
0x1c: {  	p1 =	slt.u32 s9, $0xF7A;
	s5 =	simm.s32 @!p2 $0x0  }
0x1d: {  	s5 =	simm.s32 @p1 $0x1;
	p0 =	seq.s32 s7, s2  }
0x1e: {  	s7 =	smul.u32 @!p0 $0xF7A, s2;
	p2 =	seq.s32 @!p0 s5, $0x0  }
0x1f: {  	s9 =	smul.u32 $0xF7A, s1;
	s8 =	simm.s32 @!p0 $0x1BF5;
	p2 =	por !p2, p0  }
0x20: {  	[sflag:s8] =	ssyncset.s32 @!p0 $0xFFFFF086;
	s6 =	sadd.s32 @!p0 s3, s7;
	s7 =	simm.s32 @!p0 $0x108  }
0x21: {  	s3 =	sadd.s32 s3, s9;
	s6 =	sadd.s32 @!p0 $0x88, s6;
	s7 =	simm.s32 @p2 $0x1082  }
0x22: {  	[simem:s7], [sflag:s8] =	dma.local @!p0 [hbm:s6], $0xF7A  }
0x23: {  	s9 =	sor.u32 $0xD0000000, s2;
	s6 =	simm.s32 $0x108;
	_ =	swait.ge @!p0 [sflag:s8], $0x0  }
0x24: {  	s3 =	sadd.s32 $0x88, s3;
	s6 =	simm.s32 @!p1 $0x1082;
	[sflag:s4] =	ssyncset.s32 $0xFFFFF086  }
0x25: {  	[simem:s6], [sflag:s4] =	dma.local [hbm:s3], $0xF7A  }
0x26: {  	[smem:$0x3F91] =	sst s1;
	(tag) =	ssettag s2;
	_ =	strace s9  }
0x27: {  	s1 =	sld [smem:$0x3FA1]  }
0x28: {  	s2 =	sld [smem:$0x3FA2]  }
0x29: {  	s4 =	sld [smem:$0x3FA4]  }
0x2a: {  	p0 =	seq.s32 s5, $0x0;
	s5 =	sld [smem:$0x3FA5]  }
0x2b: {  	s6 =	sld [smem:$0x3FA6]  }
0x2c: {  	s7 =	sld [smem:$0x3FA7]  }
0x2d: {  	s3 =	simm.s32 $0x108;
	s8 =	sld [smem:$0x3FA8]  }
0x2e: {  	s3 =	simm.s32 @!p0 $0x1082;
	s9 =	sld [smem:$0x3FA9]  }
0x2f: {  	lr =	sadd.s32 s0, s3;
	s0 =	sld [smem:$0x3FA0]  }
0x30: {  	s3 =	sld [smem:$0x3FA3]  }
0x31: {  	[smem:$0x3FAC] =	sst s10  }
0x32: {  	s10 =	sld [smem:$0x3FAA];
	_ =	sdelay $0x3  }
0x33: {  	p0 =	seq.s32 s10, $0x1;
	s10 =	sld [smem:$0x3FAC];
	_ =	sdelay $0x3  }
0x34: {  	[smem:$0x3FAC] =	sst s10  }
0x35: {  	s10 =	sld [smem:$0x3FAB];
	_ =	sdelay $0x3  }
0x36: {  	p1 =	seq.s32 s10, $0x1;
	s10 =	sld [smem:$0x3FAC];
	_ =	sdelay $0x3  }
0x37: {  	[smem:$0x3FAC] =	sst s10  }
0x38: {  	s10 =	sld [smem:$0x3FAD]  }
0x39: {  	_ = 	snop;
	(pc) =	sbr.ind lr, $3  }
0x3a: {  	_ = 	snop  }
0x3b: {  	_ = 	snop  }
0x3c: {  	p2 =	seq.s32 s10, $0x1;
	s10 =	sld [smem:$0x3FAC]  }
0x3d: {  	_ =	shalt  }
0x3e: {  	_ =	shalt  }
0x3f: {  	_ =	shalt  }
0x40: {  	_ =	shalt  }
0x41: {  	_ =	shalt  }
0x42: {  	_ =	shalt  }
0x43: {  	_ =	shalt  }
0x44: {  	_ =	shalt  }
0x45: {  	_ =	shalt  }
0x46: {  	_ =	shalt  }
0x47: {  	_ =	shalt  }
0x48: {  	_ =	shalt  }
0x49: {  	_ =	shalt  }
0x4a: {  	_ =	shalt  }
0x4b: {  	_ =	shalt  }
0x4c: {  	_ =	shalt  }
0x4d: {  	_ =	shalt  }
0x4e: {  	_ =	shalt  }
0x4f: {  	_ =	shalt  }
0x50: {  	_ =	shalt  }
0x51: {  	_ =	shalt  }
0x52: {  	_ =	shalt  }
0x53: {  	_ =	shalt  }
0x54: {  	_ =	shalt  }
0x55: {  	_ =	shalt  }
0x56: {  	_ =	shalt  }
0x57: {  	_ =	shalt  }
0x58: {  	_ =	shalt  }
0x59: {  	_ =	shalt  }
0x5a: {  	_ =	shalt  }
0x5b: {  	_ =	shalt  }
0x5c: {  	_ =	shalt  }
0x5d: {  	_ =	shalt  }
0x5e: {  	_ =	shalt  }
0x5f: {  	_ =	shalt  }
0x60: {  	_ =	shalt  }
0x61: {  	_ =	shalt  }
0x62: {  	_ =	shalt  }
0x63: {  	_ =	shalt  }
0x64: {  	_ =	shalt  }
0x65: {  	_ =	shalt  }
0x66: {  	_ =	shalt  }
0x67: {  	_ =	shalt  }
0x68: {  	_ =	shalt  }
0x69: {  	_ =	shalt  }
0x6a: {  	_ =	shalt  }
0x6b: {  	_ =	shalt  }
0x6c: {  	_ =	shalt  }
0x6d: {  	_ =	shalt  }
0x6e: {  	_ =	shalt  }
0x6f: {  	_ =	shalt  }
0x70: {  	_ =	shalt  }
0x71: {  	_ =	shalt  }
0x72: {  	_ =	shalt  }
0x73: {  	_ =	shalt  }
0x74: {  	_ =	shalt  }
0x75: {  	_ =	shalt  }
0x76: {  	_ =	shalt  }
0x77: {  	_ =	shalt  }
0x78: {  	_ =	shalt  }
0x79: {  	_ =	shalt  }
0x7a: {  	_ =	shalt  }
0x7b: {  	_ =	shalt  }
0x7c: {  	_ =	shalt  }
0x7d: {  	_ =	shalt  }
0x7e: {  	_ =	shalt  }
0x7f: {  	_ =	shalt  }
0x80: {  	_ =	shalt  }
0x81: {  	_ =	shalt  }
0x82: {  	_ =	shalt  }
0x83: {  	_ =	shalt  }
0x84: {  	_ =	shalt  }
0x85: {  	_ =	shalt  }
0x86: {  	_ =	shalt  }
0x87: {  	_ =	shalt  }
.Lfunc_end0:
.L_simem_size_0:
called_computation_lowered:
.L_overlay_start_0:
0x88: {  	s2 =	sld [smem:$0x3FD9]  }
0x89: {  	s3 =	sld [smem:$0x3FFE];
	_ =	sdelay $0x1  }
0x8a: {  	s1 =	srdreg.scid  }
0x8b: {  	s0 =	sand.u32 $0x1, s1  }
0x8c: {  	s14 =	sshll.u32 s0, $0xA;
	s2 =	sadd.s32 s3, s2  }
0x8d: {  	s2 =	sadd.s32 s2, s14  }
0x8e: {  	[smem:$0x3FB8] =	sst s2  }
0x8f: {  	_ = 	snop  }
0x90: {  	s2 =	sld [smem:$0x3FD0];
	_ =	sdelay $0x2  }
0x91: {  	s15 =	simm.s32 $0xA;
	s4 =	simm.s32 $0x10  }
0x92: {  	[smem:s4], [sflag:s15] =	dma.local [hbm:s2], $0x1  }
0x93: {  	_ =	swait.eq [sflag:s15], $0x1  }
0x94: {  	[sflag:s15] =	ssyncset.done $0x0  }
0x95: {  	s16 =	sld [smem:$0x10];
	[sflag:s15] =	ssyncadd.s32 $0xFFFFFFFF  }
0x96: {  	s17 =	sld [smem:$0x11];
	(tm) =	ssettm $0x1  }
0x97: {  	s18 =	sld [smem:$0x3FFB];
	_ =	sdelay $0x3  }
0x98: {  	_ =	strace s18  }
0x99: {  	s4 =	sld [smem:$0x3FFC];
	_ =	sdelay $0x3  }
0x9a: {  	_ =	strace s4  }
0x9b: {  	s4 =	sld [smem:$0x3FFD];
	_ =	sdelay $0x3  }
0x9c: {  	_ =	strace s4  }
0x9d: {  	_ =	strace $0x8FFFFFFF  }
0x9e: {  	s19 =	sld [smem:$0x3FDB];
	_ =	sdelay $0x1  }
0x9f: {  	s5 =	simm.s32 $_scs_section_size  }
0xa0: {  	s6 =	simm.s32 $_size__tile_overlayer_lowered;
	s7 =	simm.s32 $_tile_overlayer_lowered  }
0xa1: {  	s22 =	simm.s32 $0x1BFF;
	s21 =	sshll.u32 s7, $0x1;
	s4 =	sadd.s32 s5, s19  }
0xa2: {  	s8 =	simm.s32 $0x0;
	s20 =	sshll.u32 s6, $0x1;
	s6 =	sadd.s32 s21, s4  }
0xa3: {  	[timem:s8], [sflag:s22] =	dma.local [hbm:s6], s20  }
0xa4: {  	_ =	swait.ge [sflag:s22], s20  }
0xa5: {  	s5 =	ssub.s32 $0x0, s20;
	[sflag:s22] =	ssyncset.done $0x0  }
0xa6: {  	[sflag:s22] =	ssyncadd.s32 s5;
	_ =	sdelay $0x1  }
0xa7: {  	s23 =	simm.s32 $0x1B8B  }
0xa8: {  	_ =	swait.ge [sflag:s23], $0x1  }
0xa9: {  	[sflag:s23] =	ssyncset.done $0x0  }
0xaa: {  	s25 =	simm.s32 $0x1B8E;
	s24 =	sld [smem:$0x3FFE];
	[sflag:s23] =	ssyncadd.s32 $0xFFFFFFFF  }
0xab: {  	s26 =	simm.s32 $execute0_lowered;
	[smem:$0x3FD2] =	sst s25  }
0xac: {  	s6 =	sshll.u32 s26, $0x1;
	_ =	strace $0x80000046;
	[dreg:$0x1] =	wrdreg $0xFFFFFFFF  }
0xad: {  	s28 =	simm.s32 $_size_execute0_lowered;
	s4 =	sadd.s32 s4, s6;
	[dreg:$0x0] =	wrdreg $0x0  }
0xae: {  	s6 =	sshll.u32 s28, $0x1;
	[dreg:$0x2] =	wrdreg s4  }
0xaf: {  	[dreg:$0x3] =	wrdreg s6  }
0xb0: {  	[dreg:$0x4] =	wrdreg $0xC0  }
0xb1: {  	_ =	task [dreg:s8], $0x5FFFF  }
0xb2: {  	[dreg:$0x1] =	wrdreg $0xFFFFFFFF  }
0xb3: {  	[dreg:$0x0] =	wrdreg $0x60  }
0xb4: {  	[dreg:$0x2] =	wrdreg s16  }
0xb5: {  	[dreg:$0x3] =	wrdreg s24  }
0xb6: {  	[dreg:$0x4] =	wrdreg s17  }
0xb7: {  	[dreg:$0x5] =	wrdreg $0x9  }
0xb8: {  	_ =	task.clear_ibuf [dreg:s8], $0x6FFFF;
	_ =	strace $0x90000046  }
0xb9: {  	s29 =	simm.s32 $0x9;
	_ =	strace $0x80000048  }
0xba: {  	_ =	swait.ge [sflag:s29], $0x1  }
0xbb: {  	[sflag:s29] =	ssyncadd.s32 $0xFFFFFFFF  }
0xbc: {  	_ =	strace $0x90000048  }
0xbd: {  	_ =	sfence  }
0xbe: {  	s30 =	sld [smem:$0x0];
	_ =	sdelay $0x2  }
0xbf: {  	s31 =	sshll.u32 s1, $0xD;
	s1 =	sshrl.u32 s1, $0x2  }
0xc0: {  	s3 =	sand.u32 $0x4000, s31;
	s1 =	sadd.s32 s1, s30  }
0xc1: {  	s0 =	sor.u32 s3, s0;
	s1 =	sshll.u32 s1, $0x11  }
0xc2: {  	s0 =	sor.u32 s1, s0  }
0xc3: {  	s0 =	sadd.s32 $0x8F2B, s0  }
0xc4: {  	[sflag:s0] =	ssyncadd.remote.s32 $0x1  }
0xc5: {  	_ =	sfence.sel $0xFFFF  }
0xc6: {  	[dreg:$0x0] =	wrdreg $0xFFFFFFFF;
	(pc) =	sbr.abs _section_cstart, $3  }
0xc7: {  	[dreg:$0x1] =	wrdreg $0xFFFFFFFF  }
0xc8: {  	_ =	task.clear_ibuf [dreg:s8], $0x2FFFF;
	_ =	strace $0x9FFFFFFF  }
0xc9: {  	(tm) =	ssettm $0x7FFFFFFF  }
tec
execute0_lowered:
.L_overlay_start_1:
0x0: {  	(tag) =	ssettag $0x1  }
0x1: {  	s0 =	rddreg [dreg:$0x1];
	s3 =	simm.s32 $0x0;
	s1 =	srdreg.scid  }
0x2: {  	s2 =	stileid.u32;
	[smem:$0x7FF] =	sst s3;
	s5 =	sadd.s32 $0x18000, s0  }
0x3: {  	s6 =	sadd.s32 $0xD600, s0;
	s7 =	sadd.s32 $0x3800, s0;
	s1 =	sand.u32 $0x1, s1  }
0x4: {  	s2 =	sshll.u32 s2, $0x1;
	s4 =	sadd.s32 $0x17A00, s0;
	s15 =	sadd.s32 $0x17400, s0  }
0x5: {  	s10 =	sadd.s32 $0x49000, s0;
	s11 =	sadd.s32 $0x3F200, s0;
	s13 =	sadd.s32 $0x549000, s0  }
0x6: {  	s14 =	sadd.s32 $0x552E00, s0;
	_ =	strace $0x80000047;
	s2 =	sor.u32 s1, s2  }
0x7: {  	[dreg:$0x4] =	wrdreg s4;
	s1 =	ssub.s32 $0x2, s1;
	s12 =	smul.u32 $0x2710, s2  }
0x8: {  	[dreg:$0x5] =	wrdreg s15;
	s16 =	sshrl.u32 s1, $0x1;
	s2 =	smul.u32 $0x27100, s2  }
0x9: {  	s15 =	sadd.s32 $0x55CC00, s0;
	s0 =	ssub.s32 s1, s16;
	s9 =	sadd.s32 $0xA0, s12  }
0xa: {  	s17 =	sadd.s32 $0x50, s12;
	s2 =	sadd.s32 s10, s2;
	[dreg:$0x6] =	wrdreg s9  }
0xb: {  	s26 =	sshrl.u32 s12, $0x3;
	s0 =	smax.u32 s0, $0x1;
	[dreg:$0x9] =	wrdreg s2  }
0xc: {  	s19 =	sshrl.u32 s9, $0x3;
	s9 =	sadd.s32 s7, s26;
	[dreg:$0x1e] =	wrdreg s0  }
0xd: {  	s8 =	sshrl.u32 s17, $0x3;
	s16 =	sadd.s32 s11, s26;
	[dreg:$0x11] =	wrdreg s9  }
0xe: {  	s31 =	sshll.u32 s17, $0x4;
	s17 =	sadd.s32 s13, s26;
	[dreg:$0x12] =	wrdreg s16  }
0xf: {  	s18 =	sadd.s32 s6, s8;
	[dreg:$0x13] =	wrdreg s17  }
0x10: {  	s20 =	sadd.s32 s7, s8;
	[dreg:$0x7] =	wrdreg s18  }
0x11: {  	s21 =	sadd.s32 s6, s19;
	[dreg:$0x8] =	wrdreg s20  }
0x12: {  	s1 =	sadd.s32 s7, s19;
	[dreg:$0xa] =	wrdreg s21  }
0x13: {  	s22 =	sadd.s32 s11, s8;
	[dreg:$0xb] =	wrdreg s1  }
0x14: {  	s23 =	sadd.s32 s13, s8;
	[dreg:$0xc] =	wrdreg s22  }
0x15: {  	s28 =	simm.s32 $0x1;
	s24 =	sadd.s32 s14, s8;
	[dreg:$0xd] =	wrdreg s23  }
0x16: {  	s29 =	simm.s32 $0x50;
	s25 =	sadd.s32 s15, s8;
	[dreg:$0xe] =	wrdreg s24  }
0x17: {  	s30 =	simm.s32 $0x200;
	s8 =	sadd.s32 s6, s26;
	[dreg:$0xf] =	wrdreg s25  }
0x18: {  	s4 =	simm.s32 $0x180;
	s19 =	sadd.s32 s15, s26;
	[dreg:$0x10] =	wrdreg s8  }
0x19: {  	s0 =	simm.s32 $0x100;
	s2 =	sadd.s32 s10, s31;
	[dreg:$0x15] =	wrdreg s19  }
0x1a: {  	s18 =	sadd.s32 s14, s26;
	s1 =	sadd.s32 $0x1E, s26;
	[dreg:$0x16] =	wrdreg s2  }
0x1b: {  	s20 =	sadd.s32 $0x26C0, s12;
	[dreg:$0x14] =	wrdreg s18;
	s21 =	sadd.s32 s6, s1  }
0x1c: {  	s22 =	sshrl.u32 s20, $0x3;
	s1 =	sadd.s32 s7, s1;
	[dreg:$0x17] =	wrdreg s21  }
0x1d: {  	s2 =	simm.s32 $0x2;
	[dreg:$0x18] =	wrdreg s1;
	s23 =	sadd.s32 s11, s22  }
0x1e: {  	s19 =	simm.s32 $0x5200;
	s24 =	sadd.s32 s13, s22;
	[dreg:$0x19] =	wrdreg s23  }
0x1f: {  	s8 =	simm.s32 $0x0;
	s25 =	sadd.s32 s14, s22;
	[dreg:$0x1a] =	wrdreg s24  }
0x20: {  	s31 =	sshll.u32 s20, $0x4;
	s26 =	sadd.s32 s15, s22;
	[dreg:$0x1b] =	wrdreg s25  }
0x21: {  	s1 =	sadd.s32 s10, s31;
	s22 =	simm.s32 $0xA200;
	[dreg:$0x1c] =	wrdreg s26  }
0x22: {  	s21 =	simm.s32 $0x3;
	[dreg:$0x1d] =	wrdreg s1;
	s24 =	simm.s32 $0xC980  }
0x23: {  	s25 =	simm.s32 $0xF100;
	s26 =	simm.s32 $0x80;
	s23 =	simm.s32 $0x4  }
.LBB2_1:
0x24: {  	[dreg:$0x1f] =	wrdreg s8  }
0x25: {  	s1 =	rddreg [dreg:$0x4];
	s18 =	simm.s32 $0x5  }
0x26: {  	[tilespmem:s22], [sflag:$0x5] =	stream.linear.gather [hbm4b:s1+s3], $0x2780, $0x38;
	[tilespmem:$0x11C80] =	vst v63  }
0x27: {  	_ =	swait.ge [sflag:s18], $0x2780  }
0x28: {  	[sflag:s18] =	ssyncset.done $0x0  }
0x29: {  	s20 =	rddreg [dreg:$0x5];
	[sflag:s18] =	ssyncadd.s32 $0xFFFFD880  }
0x2a: {  	[tilespmem:s24], [sflag:$0x5] =	stream.linear.gather [hbm4b:s20+s3], $0x2780, $0x38;
	[tilespmem:$0x11C80] =	vst v63  }
0x2b: {  	_ =	swait.ge [sflag:s18], $0x2780  }
0x2c: {  	[sflag:s18] =	ssyncset.done $0x0  }
0x2d: {  	[sflag:s18] =	ssyncadd.s32 $0xFFFFD880  }
0x2e: {  	s31 =	rddreg [dreg:$0x2]  }
0x2f: {  	[tilespmem:s25], [sflag:$0x5] =	stream.linear.gather [hbm4b:s31+s3], $0x2780, $0x38;
	[tilespmem:$0x11C80] =	vst v63  }
0x30: {  	_ =	swait.ge [sflag:s18], $0x2780  }
0x31: {  	[sflag:s18] =	ssyncset.done $0x0  }
0x32: {  	s9 =	rddreg [dreg:$0x10];
	[sflag:s18] =	ssyncadd.s32 $0xFFFFD880  }
0x33: {  	[tilespmem:s3], [sflag:$0x1] =	stream.linear.gather [hbm4b:s9+s3], $0x50, $0x38;
	[tilespmem:$0x11C80] =	vst v63  }
0x34: {  	s16 =	rddreg [dreg:$0x11]  }
0x35: {  	[tilespmem:s26], [sflag:$0x1] =	stream.linear.gather [hbm4b:s16+s3], $0x50, $0x38;
	[tilespmem:$0x11C80] =	vst v63  }
0x36: {  	_ =	swait.ge [sflag:s28], $0x50  }
0x37: {  	[sflag:s28] =	ssyncset.done $0x0  }
0x38: {  	[sflag:s28] =	ssyncadd.s32 $0xFFFFFFB0  }
0x39: {  	_ =	swait.ge [sflag:s28], $0x50  }
0x3a: {  	[sflag:s28] =	ssyncset.done $0x0  }
0x3b: {  	[sflag:s28] =	ssyncadd.s32 $0xFFFFFFB0  }
0x3c: {  	s17 =	rddreg [dreg:$0x0]  }
0x3d: {  	[tilespmem:s30], [sflag:$0x2] =	stream.indirect.gather [hbm4b:s17+s29], $0x80, s3, s29, $0xb8;
	[tilespmem:$0x11C80] =	vst v63  }
0x3e: {  	s18 =	simm.s32 $0x2A00  }
0x3f: {  	[tilespmem:s18], [sflag:$0x2] =	stream.indirect.gather [hbm4b:s5+s29], $0x80, s26, s29, $0xb8;
	[tilespmem:$0x11C80] =	vst v63  }
0x40: {  	s20 =	rddreg [dreg:$0x7]  }
0x41: {  	[tilespmem:s0], [sflag:$0x1] =	stream.linear.gather [hbm4b:s20+s3], $0x50, $0x38;
	[tilespmem:$0x11C80] =	vst v63  }
0x42: {  	s31 =	rddreg [dreg:$0x8]  }
0x43: {  	[tilespmem:s4], [sflag:$0x1] =	stream.linear.gather [hbm4b:s31+s3], $0x50, $0x38;
	[tilespmem:$0x11C80] =	vst v63  }
0x44: {  	_ =	swait.ge [sflag:s2], $0x2800  }
0x45: {  	[sflag:s2] =	ssyncset.done $0x0  }
0x46: {  	[sflag:s2] =	ssyncadd.s32 $0xFFFFD800  }
0x47: {  	_ =	swait.ge [sflag:s2], $0x2800  }
0x48: {  	[sflag:s2] =	ssyncset.done $0x0  }
0x49: {  	s17 =	simm.s32 $0x0;
	[sflag:s2] =	ssyncadd.s32 $0xFFFFD800  }
0x4a: {  	v5 =	vld [tilespmem:s17+$0x0];
	_ =	sdelay $0x1  }
0x4b: {  	v4 =	vld [tilespmem:s17+$0x80];
	_ =	sdelay $0x5  }
0x4c: {  	v0 =	vld.idx.msk [tilespmem:v5+s22+$0x0], $0xffff  }
0x4d: {  	v1 =	vld.idx.msk [tilespmem:v5+s24+$0x0], $0xffff  }
0x4e: {  	v2 =	vld.idx.msk [tilespmem:v4+s25+$0x0], $0xffff  }
0x4f: {  	v3 =	vld.idx.msk [tilespmem:v4+s22+$0x0], $0xffff  }
0x50: {  	v4 =	vld.idx.msk [tilespmem:v4+s24+$0x0], $0xffff  }
0x51: {  	s8 =	simm.s32 $0x20;
	s9 =	simm.s32 $0x10;
	s18 =	simm.s32 $0xC0;
	v5 =	vld.idx.msk [tilespmem:v5+s25+$0x0], $0xffff  }
.LBB2_2:
0x52: {  	_ = 	snop  }
0x53: {  	p0 =	sne.s32 s18, $0x100;
	s16 =	smov.u32 s18;
	s18 =	sadd.s32 $0x40, s18  }
0x54: {  	v0 =	vsub.f32 v0, v3  }
0x55: {  	v1 =	vsub.f32 v1, v4  }
0x56: {  	v2 =	vsub.f32 v5, v2;
	v3 =	vmul.f32 v0, v0;
	[tilespmem:s17+$0x11900] =	vst v0  }
0x57: {  	v0 =	vmul.f32 v1, v1;
	[tilespmem:s17+$0x11980] =	vst v1  }
0x58: {  	v1 =	vmul.f32 v2, v2;
	[tilespmem:s17+$0x11A00] =	vst v2  }
0x59: {  	v0 =	vadd.f32 v0, v3;
	_ =	sdelay $0x1  }
0x5a: {  	v0 =	vadd.f32 v1, v0;
	_ =	sdelay $0x1  }
0x5b: {  	v1 =	vshrl.u32 v0, $0x1;
	v2 =	vmul.f32 $5.000000000e-01, v0  }
0x5c: {  	v1 =	vsub.s32 $0x5F3759DF, v1  }
0x5d: {  	v3 =	vmul.f32 v1, v2;
	_ =	sdelay $0x1  }
0x5e: {  	v3 =	vmul.f32 v1, v3;
	_ =	sdelay $0x1  }
0x5f: {  	v3 =	vsub.f32 $1.500000000e+00, v3;
	_ =	sdelay $0x1  }
0x60: {  	v1 =	vmul.f32 v1, v3;
	_ =	sdelay $0x1  }
0x61: {  	v3 =	vmul.f32 v1, v2;
	_ =	sdelay $0x1  }
0x62: {  	v3 =	vmul.f32 v3, v1;
	_ =	sdelay $0x1  }
0x63: {  	v3 =	vsub.f32 $1.500000000e+00, v3;
	_ =	sdelay $0x1  }
0x64: {  	v1 =	vmul.f32 v3, v1;
	_ =	sdelay $0x1  }
0x65: {  	v2 =	vmul.f32 v1, v2;
	_ =	sdelay $0x1  }
0x66: {  	v2 =	vmul.f32 v2, v1;
	_ =	sdelay $0x1  }
0x67: {  	v5 =	vld [tilespmem:s9+$0x0];
	v2 =	vsub.f32 $1.500000000e+00, v2;
	_ =	sdelay $0x1  }
0x68: {  	v4 =	vld [tilespmem:s9+$0x80];
	v1 =	vmul.f32 v2, v1;
	_ =	sdelay $0x1  }
0x69: {  	vm0 =	vgt.f32 v0, $0.0e+00;
	v0 =	vmul.f32 v1, v0;
	_ =	sdelay $0x1  }
0x6a: {  	v0 =	vnsel vm0, $0x0, v0  }
0x6b: {  	[tilespmem:s17+$0x11880] =	vst v0;
	s17 =	smov.u32 s9;
	s9 =	smov.u32 s8  }
0x6c: {  	v0 =	vld.idx.msk [tilespmem:v5+s22+$0x0], $0xffff  }
.Ltmp0:
0x6d: {  	v1 =	vld.idx.msk [tilespmem:v5+s24+$0x0], $0xffff;
	(pc) =	sbr.rel @p0 .LBB2_2-.Ltmp0, $4  }
0x6e: {  	v2 =	vld.idx.msk [tilespmem:v4+s25+$0x0], $0xffff  }
0x6f: {  	v3 =	vld.idx.msk [tilespmem:v4+s22+$0x0], $0xffff  }
0x70: {  	s8 =	sshra.s32 s16, $0x2;
	v4 =	vld.idx.msk [tilespmem:v4+s24+$0x0], $0xffff  }
0x71: {  	v5 =	vld.idx.msk [tilespmem:v5+s25+$0x0], $0xffff  }
0x72: {  	_ =	sdelay $0x2  }
0x73: {  	v0 =	vsub.f32 v0, v3;
	v1 =	vsub.f32 v1, v4;
	_ =	sdelay $0x1  }
0x74: {  	v2 =	vsub.f32 v5, v2;
	v3 =	vmul.f32 v0, v0;
	v4 =	vmul.f32 v1, v1;
	_ =	sdelay $0x1  }
0x75: {  	v5 =	vmul.f32 v2, v2;
	v3 =	vadd.f32 v4, v3;
	_ =	sdelay $0x1  }
0x76: {  	v3 =	vadd.f32 v5, v3;
	_ =	sdelay $0x1  }
0x77: {  	v4 =	vshrl.u32 v3, $0x1;
	v5 =	vmul.f32 $5.000000000e-01, v3  }
0x78: {  	v4 =	vsub.s32 $0x5F3759DF, v4  }
0x79: {  	v6 =	vmul.f32 v4, v5;
	_ =	sdelay $0x1  }
0x7a: {  	v6 =	vmul.f32 v4, v6;
	_ =	sdelay $0x1  }
0x7b: {  	v6 =	vsub.f32 $1.500000000e+00, v6;
	_ =	sdelay $0x1  }
0x7c: {  	v4 =	vmul.f32 v4, v6;
	_ =	sdelay $0x1  }
0x7d: {  	v6 =	vmul.f32 v4, v5;
	_ =	sdelay $0x1  }
0x7e: {  	v6 =	vmul.f32 v6, v4;
	_ =	sdelay $0x1  }
0x7f: {  	v6 =	vsub.f32 $1.500000000e+00, v6;
	_ =	sdelay $0x1  }
0x80: {  	v4 =	vmul.f32 v6, v4;
	_ =	sdelay $0x1  }
0x81: {  	v5 =	vmul.f32 v4, v5  }
0x82: {  	[tilespmem:s17+$0x11900] =	vst v0  }
0x83: {  	[tilespmem:s17+$0x11980] =	vst v1;
	v0 =	vmul.f32 v5, v4  }
0x84: {  	[tilespmem:s17+$0x11A00] =	vst v2  }
0x85: {  	v1 =	vld [tilespmem:s9+$0x0];
	v0 =	vsub.f32 $1.500000000e+00, v0;
	_ =	sdelay $0x1  }
0x86: {  	v2 =	vld [tilespmem:s9+$0x80];
	v0 =	vmul.f32 v0, v4;
	_ =	sdelay $0x1  }
0x87: {  	v0 =	vmul.f32 v0, v3  }
0x88: {  	vm0 =	vgt.f32 v3, $0.0e+00  }
0x89: {  	v0 =	vnsel vm0, $0x0, v0  }
0x8a: {  	[tilespmem:s17+$0x11880] =	vst v0  }
0x8b: {  	v0 =	vld.idx.msk [tilespmem:v1+s22+$0x0], $0xffff  }
0x8c: {  	v3 =	vld.idx.msk [tilespmem:v1+s24+$0x0], $0xffff  }
0x8d: {  	v4 =	vld.idx.msk [tilespmem:v2+s22+$0x0], $0xffff  }
0x8e: {  	v5 =	vld.idx.msk [tilespmem:v2+s24+$0x0], $0xffff  }
0x8f: {  	v2 =	vld.idx.msk [tilespmem:v2+s25+$0x0], $0xffff  }
0x90: {  	v1 =	vld.idx.msk [tilespmem:v1+s25+$0x0], $0xffff;
	_ =	sdelay $0x2  }
0x91: {  	v0 =	vsub.f32 v0, v4;
	v3 =	vsub.f32 v3, v5;
	_ =	sdelay $0x1  }
0x92: {  	v1 =	vsub.f32 v1, v2;
	v2 =	vmul.f32 v0, v0;
	v4 =	vmul.f32 v3, v3;
	_ =	sdelay $0x1  }
0x93: {  	v5 =	vmul.f32 v1, v1;
	v2 =	vadd.f32 v4, v2;
	_ =	sdelay $0x1  }
0x94: {  	v2 =	vadd.f32 v5, v2;
	_ =	sdelay $0x1  }
0x95: {  	v4 =	vshrl.u32 v2, $0x1;
	v5 =	vmul.f32 $5.000000000e-01, v2  }
0x96: {  	v4 =	vsub.s32 $0x5F3759DF, v4  }
0x97: {  	v6 =	vmul.f32 v4, v5;
	_ =	sdelay $0x1  }
0x98: {  	v6 =	vmul.f32 v4, v6;
	_ =	sdelay $0x1  }
0x99: {  	v6 =	vsub.f32 $1.500000000e+00, v6;
	_ =	sdelay $0x1  }
0x9a: {  	v4 =	vmul.f32 v4, v6;
	_ =	sdelay $0x1  }
0x9b: {  	v6 =	vmul.f32 v4, v5;
	_ =	sdelay $0x1  }
0x9c: {  	v6 =	vmul.f32 v6, v4;
	_ =	sdelay $0x1  }
0x9d: {  	v6 =	vsub.f32 $1.500000000e+00, v6;
	_ =	sdelay $0x1  }
0x9e: {  	v4 =	vmul.f32 v6, v4;
	_ =	sdelay $0x1  }
0x9f: {  	v5 =	vmul.f32 v4, v5  }
0xa0: {  	[tilespmem:s9+$0x11900] =	vst v0  }
0xa1: {  	[tilespmem:s9+$0x11980] =	vst v3;
	v0 =	vmul.f32 v5, v4  }
0xa2: {  	[tilespmem:s9+$0x11A00] =	vst v1  }
0xa3: {  	v1 =	vld [tilespmem:s8+$0x0];
	v0 =	vsub.f32 $1.500000000e+00, v0;
	_ =	sdelay $0x1  }
0xa4: {  	v3 =	vld [tilespmem:s8+$0x80];
	v0 =	vmul.f32 v0, v4;
	_ =	sdelay $0x1  }
0xa5: {  	v0 =	vmul.f32 v0, v2  }
0xa6: {  	vm14 =	vgt.f32 v2, $0.0e+00  }
0xa7: {  	v0 =	vnsel vm14, $0x0, v0  }
0xa8: {  	[tilespmem:s9+$0x11880] =	vst v0  }
0xa9: {  	v0 =	vld.idx.msk [tilespmem:v1+s22+$0x0], $0xffff  }
0xaa: {  	v2 =	vld.idx.msk [tilespmem:v1+s24+$0x0], $0xffff  }
0xab: {  	v4 =	vld.idx.msk [tilespmem:v3+s22+$0x0], $0xffff  }
0xac: {  	v5 =	vld.idx.msk [tilespmem:v3+s24+$0x0], $0xffff  }
0xad: {  	v3 =	vld.idx.msk [tilespmem:v3+s25+$0x0], $0xffff  }
0xae: {  	v1 =	vld.idx.msk [tilespmem:v1+s25+$0x0], $0xffff;
	_ =	sdelay $0x2  }
0xaf: {  	v0 =	vsub.f32 v0, v4;
	v2 =	vsub.f32 v2, v5;
	_ =	sdelay $0x1  }
0xb0: {  	v1 =	vsub.f32 v1, v3;
	v3 =	vmul.f32 v0, v0;
	v4 =	vmul.f32 v2, v2;
	_ =	sdelay $0x1  }
0xb1: {  	v5 =	vmul.f32 v1, v1;
	v3 =	vadd.f32 v4, v3;
	_ =	sdelay $0x1  }
0xb2: {  	v3 =	vadd.f32 v5, v3;
	_ =	sdelay $0x1  }
0xb3: {  	v4 =	vshrl.u32 v3, $0x1;
	v5 =	vmul.f32 $5.000000000e-01, v3  }
0xb4: {  	v4 =	vsub.s32 $0x5F3759DF, v4  }
0xb5: {  	v6 =	vmul.f32 v4, v5;
	_ =	sdelay $0x1  }
0xb6: {  	v6 =	vmul.f32 v4, v6;
	_ =	sdelay $0x1  }
0xb7: {  	v6 =	vsub.f32 $1.500000000e+00, v6;
	_ =	sdelay $0x1  }
0xb8: {  	v4 =	vmul.f32 v4, v6;
	_ =	sdelay $0x1  }
0xb9: {  	v6 =	vmul.f32 v4, v5;
	_ =	sdelay $0x1  }
0xba: {  	v6 =	vmul.f32 v6, v4;
	_ =	sdelay $0x1  }
0xbb: {  	v6 =	vsub.f32 $1.500000000e+00, v6;
	_ =	sdelay $0x1  }
0xbc: {  	v4 =	vmul.f32 v6, v4;
	_ =	sdelay $0x1  }
0xbd: {  	v5 =	vmul.f32 v4, v5;
	_ =	sdelay $0x1  }
0xbe: {  	v5 =	vmul.f32 v5, v4;
	_ =	sdelay $0x1  }
0xbf: {  	v5 =	vsub.f32 $1.500000000e+00, v5;
	_ =	sdelay $0x1  }
0xc0: {  	v4 =	vmul.f32 v5, v4;
	_ =	sdelay $0x1  }
0xc1: {  	[tilespmem:s8+$0x11900] =	vst v0;
	v0 =	vmul.f32 v4, v3  }
0xc2: {  	[tilespmem:s8+$0x11980] =	vst v2;
	vm15 =	vgt.f32 v3, $0.0e+00  }
0xc3: {  	[tilespmem:s8+$0x11A00] =	vst v1;
	v0 =	vnsel vm15, $0x0, v0  }
0xc4: {  	[tilespmem:s8+$0x11880] =	vst v0;
	s8 =	simm.s32 $0xF0  }
0xc5: {  	v6 =	vld [tilespmem:s8+$0x2910]  }
0xc6: {  	v7 =	vld [tilespmem:s8+$0x2920]  }
0xc7: {  	v8 =	vld [tilespmem:s8+$0x2930]  }
0xc8: {  	v9 =	vld [tilespmem:s8+$0x2940]  }
0xc9: {  	v10 =	vld [tilespmem:s8+$0x2950]  }
0xca: {  	v11 =	vld [tilespmem:s8+$0x2960]  }
0xcb: {  	v12 =	vld [tilespmem:s8+$0x2970]  }
0xcc: {  	v13 =	vld [tilespmem:s8+$0x2980]  }
0xcd: {  	v14 =	vld [tilespmem:s8+$0x2990]  }
0xce: {  	v15 =	vld [tilespmem:s8+$0x29A0]  }
0xcf: {  	v5 =	vld [tilespmem:s8+$0x29B0]  }
0xd0: {  	v4 =	vld [tilespmem:s8+$0x29C0]  }
0xd1: {  	v3 =	vld [tilespmem:s8+$0x29D0]  }
0xd2: {  	v2 =	vld [tilespmem:s8+$0x29E0]  }
0xd3: {  	v1 =	vld [tilespmem:s8+$0x29F0]  }
0xd4: {  	v0 =	vld [tilespmem:s8+$0x2A00]  }
0xd5: {  	v16 =	vld [tilespmem:s8+$0x110]  }
0xd6: {  	v17 =	vld [tilespmem:s8+$0x120]  }
0xd7: {  	v18 =	vld [tilespmem:s8+$0x130]  }
0xd8: {  	v19 =	vld [tilespmem:s8+$0x140]  }
0xd9: {  	v20 =	vld [tilespmem:s8+$0x150]  }
0xda: {  	v60 =	vld [tilespmem:s8+$0x160];
	v6 =	vadd.f32 v6, v16  }
0xdb: {  	v21 =	vld [tilespmem:s8+$0x170];
	v7 =	vadd.f32 v7, v17  }
0xdc: {  	v61 =	vld [tilespmem:s8+$0x180];
	[tilespmem:s8+$0x110] =	vst v6;
	v6 =	vadd.f32 v8, v18  }
0xdd: {  	v62 =	vld [tilespmem:s8+$0x190];
	[tilespmem:s8+$0x120] =	vst v7;
	v7 =	vadd.f32 v9, v19  }
0xde: {  	v63 =	vld [tilespmem:s8+$0x1A0];
	[tilespmem:s8+$0x130] =	vst v6;
	v6 =	vadd.f32 v10, v20  }
0xdf: {  	v8 =	vadd.f32 v11, v60;
	[tilespmem:s8+$0x140] =	vst v7;
	v7 =	vld [tilespmem:s8+$0x1B0]  }
0xe0: {  	v9 =	vadd.f32 v12, v21;
	[tilespmem:s8+$0x150] =	vst v6;
	v6 =	vld [tilespmem:s8+$0x1C0]  }
0xe1: {  	[tilespmem:s8+$0x160] =	vst v8;
	v8 =	vld [tilespmem:s8+$0x1D0];
	v10 =	vadd.f32 v13, v61  }
0xe2: {  	v12 =	vadd.f32 v14, v62;
	[tilespmem:s8+$0x170] =	vst v9;
	v9 =	vld [tilespmem:s8+$0x1E0]  }
0xe3: {  	s9 =	simm.s32 $0x7C0;
	v11 =	vadd.f32 v15, v63;
	[tilespmem:s8+$0x180] =	vst v10;
	v10 =	vld [tilespmem:s8+$0x1F0]  }
.LBB2_4:
0xe4: {  	s1 =	sshra.s32 s9, $0x2;
	p0 =	sne.s32 s9, $0x9FC0;
	[tilespmem:s8+$0x190] =	vst v12;
	v5 =	vadd.f32 v5, v7;
	v7 =	vld [tilespmem:s8+$0x200]  }
0xe5: {  	v12 =	vld [tilespmem:s1+$0x2910];
	[tilespmem:s8+$0x1A0] =	vst v11;
	v4 =	vadd.f32 v4, v6  }
0xe6: {  	v6 =	vld [tilespmem:s1+$0x2920];
	[tilespmem:s8+$0x1B0] =	vst v5;
	v3 =	vadd.f32 v3, v8  }
0xe7: {  	v8 =	vld [tilespmem:s1+$0x2930];
	[tilespmem:s8+$0x1C0] =	vst v4;
	v2 =	vadd.f32 v2, v9  }
0xe8: {  	v9 =	vld [tilespmem:s1+$0x2940];
	[tilespmem:s8+$0x1D0] =	vst v3;
	v1 =	vadd.f32 v1, v10  }
0xe9: {  	v10 =	vld [tilespmem:s1+$0x2950];
	[tilespmem:s8+$0x1E0] =	vst v2;
	v0 =	vadd.f32 v0, v7  }
0xea: {  	v7 =	vld [tilespmem:s1+$0x2960];
	[tilespmem:s8+$0x1F0] =	vst v1  }
0xeb: {  	v11 =	vld [tilespmem:s1+$0x2970];
	[tilespmem:s8+$0x200] =	vst v0;
	s8 =	smov.u32 s1  }
0xec: {  	v13 =	vld [tilespmem:s8+$0x2980]  }
0xed: {  	v14 =	vld [tilespmem:s8+$0x2990]  }
0xee: {  	v15 =	vld [tilespmem:s8+$0x29A0]  }
0xef: {  	v5 =	vld [tilespmem:s8+$0x29B0]  }
0xf0: {  	v4 =	vld [tilespmem:s8+$0x29C0]  }
0xf1: {  	v3 =	vld [tilespmem:s8+$0x29D0]  }
0xf2: {  	v2 =	vld [tilespmem:s8+$0x29E0]  }
0xf3: {  	v1 =	vld [tilespmem:s8+$0x29F0]  }
0xf4: {  	v0 =	vld [tilespmem:s8+$0x2A00]  }
0xf5: {  	v16 =	vld [tilespmem:s8+$0x110]  }
0xf6: {  	v17 =	vld [tilespmem:s8+$0x120]  }
0xf7: {  	v18 =	vld [tilespmem:s8+$0x130]  }
0xf8: {  	v19 =	vld [tilespmem:s8+$0x140]  }
0xf9: {  	v20 =	vld [tilespmem:s8+$0x150]  }
0xfa: {  	v12 =	vadd.f32 v12, v16;
	v16 =	vld [tilespmem:s8+$0x160]  }
0xfb: {  	v6 =	vadd.f32 v6, v17;
	v17 =	vld [tilespmem:s8+$0x170]  }
0xfc: {  	[tilespmem:s8+$0x110] =	vst v12;
	v8 =	vadd.f32 v8, v18;
	v12 =	vld [tilespmem:s8+$0x180]  }
0xfd: {  	[tilespmem:s8+$0x120] =	vst v6;
	v6 =	vadd.f32 v9, v19;
	v9 =	vld [tilespmem:s8+$0x190]  }
0xfe: {  	[tilespmem:s8+$0x130] =	vst v8;
	v8 =	vadd.f32 v10, v20;
	v10 =	vld [tilespmem:s8+$0x1A0]  }
.Ltmp1:
0xff: {  	[tilespmem:s8+$0x140] =	vst v6;
	v16 =	vadd.f32 v7, v16;
	v7 =	vld [tilespmem:s8+$0x1B0];
	(pc) =	sbr.rel @p0 .LBB2_4-.Ltmp1, $4  }
0x100: {  	[tilespmem:s8+$0x150] =	vst v8;
	v11 =	vadd.f32 v11, v17;
	v6 =	vld [tilespmem:s8+$0x1C0]  }
0x101: {  	[tilespmem:s8+$0x160] =	vst v16;
	v13 =	vadd.f32 v13, v12;
	v8 =	vld [tilespmem:s8+$0x1D0]  }
0x102: {  	[tilespmem:s8+$0x170] =	vst v11;
	v12 =	vadd.f32 v14, v9;
	v9 =	vld [tilespmem:s8+$0x1E0]  }
0x103: {  	s9 =	sadd.s32 $0x400, s9;
	[tilespmem:s8+$0x180] =	vst v13;
	v11 =	vadd.f32 v15, v10;
	v10 =	vld [tilespmem:s8+$0x1F0]  }
0x104: {  	[tilespmem:s8+$0x190] =	vst v12;
	v5 =	vadd.f32 v5, v7;
	v7 =	vld [tilespmem:s8+$0x200]  }
0x105: {  	[tilespmem:s8+$0x1A0] =	vst v11;
	v4 =	vadd.f32 v4, v6  }
0x106: {  	[tilespmem:s8+$0x1B0] =	vst v5;
	v3 =	vadd.f32 v3, v8  }
0x107: {  	[tilespmem:s8+$0x1C0] =	vst v4;
	v2 =	vadd.f32 v2, v9  }
0x108: {  	[tilespmem:s8+$0x1D0] =	vst v3;
	v1 =	vadd.f32 v1, v10  }
0x109: {  	[tilespmem:s8+$0x1E0] =	vst v2;
	v0 =	vadd.f32 v0, v7  }
0x10a: {  	[tilespmem:s8+$0x1F0] =	vst v1  }
0x10b: {  	s1 =	simm.s32 $0x0;
	s31 =	rddreg [dreg:$0x12];
	s9 =	simm.s32 $0x11880;
	[tilespmem:s8+$0x200] =	vst v0  }
0x10c: {  	[hbm4b:s31+s1] =	stream.linear.scatter [tilespmem:s9], [sflag:$0x4], $0x50, $0x38;
	[tilespmem:$0x11C80] =	vst v63  }
0x10d: {  	s16 =	simm.s32 $0x11900;
	s9 =	rddreg [dreg:$0x13]  }
0x10e: {  	[hbm4b:s9+s1] =	stream.linear.scatter [tilespmem:s16], [sflag:$0x4], $0x50, $0x38;
	[tilespmem:$0x11C80] =	vst v63  }
0x10f: {  	s17 =	rddreg [dreg:$0x14];
	s18 =	simm.s32 $0x11980  }
0x110: {  	[hbm4b:s17+s1] =	stream.linear.scatter [tilespmem:s18], [sflag:$0x4], $0x50, $0x38;
	[tilespmem:$0x11C80] =	vst v63  }
0x111: {  	s20 =	rddreg [dreg:$0x15];
	s31 =	simm.s32 $0x11A00  }
0x112: {  	[hbm4b:s20+s1] =	stream.linear.scatter [tilespmem:s31], [sflag:$0x4], $0x50, $0x38;
	[tilespmem:$0x11C80] =	vst v63  }
0x113: {  	s16 =	rddreg [dreg:$0x9]  }
0x114: {  	[hbm4b:s16+s1] =	stream.linear.scatter [tilespmem:s30], [sflag:$0x4], $0x2800, $0x38;
	[tilespmem:$0x11C80] =	vst v63  }
0x115: {  	_ =	swait.ge [sflag:s28], $0x50  }
0x116: {  	[sflag:s28] =	ssyncset.done $0x0  }
0x117: {  	[sflag:s28] =	ssyncadd.s32 $0xFFFFFFB0  }
0x118: {  	_ =	swait.ge [sflag:s28], $0x50  }
0x119: {  	[sflag:s28] =	ssyncset.done $0x0  }
0x11a: {  	[sflag:s28] =	ssyncadd.s32 $0xFFFFFFB0  }
0x11b: {  	s17 =	rddreg [dreg:$0x0]  }
0x11c: {  	[tilespmem:s19], [sflag:$0x3] =	stream.indirect.gather [hbm4b:s17+s29], $0x80, s0, s29, $0xb8;
	[tilespmem:$0x11C80] =	vst v63  }
0x11d: {  	s18 =	simm.s32 $0x7A00  }
0x11e: {  	[tilespmem:s18], [sflag:$0x3] =	stream.indirect.gather [hbm4b:s5+s29], $0x80, s4, s29, $0xb8;
	[tilespmem:$0x11C80] =	vst v63  }
0x11f: {  	s20 =	rddreg [dreg:$0xa]  }
0x120: {  	[tilespmem:s1], [sflag:$0x1] =	stream.linear.gather [hbm4b:s20+s1], $0x50, $0x38;
	[tilespmem:$0x11C80] =	vst v63  }
0x121: {  	s31 =	rddreg [dreg:$0xb]  }
0x122: {  	[tilespmem:s26], [sflag:$0x1] =	stream.linear.gather [hbm4b:s31+s1], $0x50, $0x38;
	[tilespmem:$0x11C80] =	vst v63  }
0x123: {  	_ =	swait.ge [sflag:s21], $0x2800  }
0x124: {  	[sflag:s21] =	ssyncset.done $0x0  }
0x125: {  	[sflag:s21] =	ssyncadd.s32 $0xFFFFD800  }
0x126: {  	_ =	swait.ge [sflag:s21], $0x2800  }
0x127: {  	[sflag:s21] =	ssyncset.done $0x0  }
0x128: {  	s17 =	simm.s32 $0x0;
	[sflag:s21] =	ssyncadd.s32 $0xFFFFD800  }
0x129: {  	v5 =	vld [tilespmem:s17+$0x100];
	_ =	sdelay $0x1  }
0x12a: {  	v4 =	vld [tilespmem:s17+$0x180];
	_ =	sdelay $0x5  }
0x12b: {  	v0 =	vld.idx.msk [tilespmem:v5+s22+$0x0], $0xffff  }
0x12c: {  	v1 =	vld.idx.msk [tilespmem:v5+s24+$0x0], $0xffff  }
0x12d: {  	v2 =	vld.idx.msk [tilespmem:v4+s25+$0x0], $0xffff  }
0x12e: {  	v3 =	vld.idx.msk [tilespmem:v4+s22+$0x0], $0xffff  }
0x12f: {  	v4 =	vld.idx.msk [tilespmem:v4+s24+$0x0], $0xffff  }
0x130: {  	s8 =	simm.s32 $0x20;
	s9 =	simm.s32 $0x10;
	s18 =	simm.s32 $0xC0;
	v5 =	vld.idx.msk [tilespmem:v5+s25+$0x0], $0xffff  }
.LBB2_6:
0x131: {  	_ = 	snop  }
0x132: {  	p0 =	sne.s32 s18, $0x100;
	s16 =	smov.u32 s18;
	s18 =	sadd.s32 $0x40, s18  }
0x133: {  	v0 =	vsub.f32 v0, v3  }
0x134: {  	v1 =	vsub.f32 v1, v4  }
0x135: {  	v2 =	vsub.f32 v5, v2;
	v3 =	vmul.f32 v0, v0;
	[tilespmem:s17+$0x11B00] =	vst v0  }
0x136: {  	v0 =	vmul.f32 v1, v1;
	[tilespmem:s17+$0x11B80] =	vst v1  }
0x137: {  	v1 =	vmul.f32 v2, v2;
	[tilespmem:s17+$0x11C00] =	vst v2  }
0x138: {  	v0 =	vadd.f32 v0, v3;
	_ =	sdelay $0x1  }
0x139: {  	v0 =	vadd.f32 v1, v0;
	_ =	sdelay $0x1  }
0x13a: {  	v1 =	vshrl.u32 v0, $0x1;
	v2 =	vmul.f32 $5.000000000e-01, v0  }
0x13b: {  	v1 =	vsub.s32 $0x5F3759DF, v1  }
0x13c: {  	v3 =	vmul.f32 v1, v2;
	_ =	sdelay $0x1  }
0x13d: {  	v3 =	vmul.f32 v1, v3;
	_ =	sdelay $0x1  }
0x13e: {  	v3 =	vsub.f32 $1.500000000e+00, v3;
	_ =	sdelay $0x1  }
0x13f: {  	v1 =	vmul.f32 v1, v3;
	_ =	sdelay $0x1  }
0x140: {  	v3 =	vmul.f32 v1, v2;
	_ =	sdelay $0x1  }
0x141: {  	v3 =	vmul.f32 v3, v1;
	_ =	sdelay $0x1  }
0x142: {  	v3 =	vsub.f32 $1.500000000e+00, v3;
	_ =	sdelay $0x1  }
0x143: {  	v1 =	vmul.f32 v3, v1;
	_ =	sdelay $0x1  }
0x144: {  	v2 =	vmul.f32 v1, v2;
	_ =	sdelay $0x1  }
0x145: {  	v2 =	vmul.f32 v2, v1;
	_ =	sdelay $0x1  }
0x146: {  	v5 =	vld [tilespmem:s9+$0x100];
	v2 =	vsub.f32 $1.500000000e+00, v2;
	_ =	sdelay $0x1  }
0x147: {  	v4 =	vld [tilespmem:s9+$0x180];
	v1 =	vmul.f32 v2, v1;
	_ =	sdelay $0x1  }
0x148: {  	vm0 =	vgt.f32 v0, $0.0e+00;
	v0 =	vmul.f32 v1, v0;
	_ =	sdelay $0x1  }
0x149: {  	v0 =	vnsel vm0, $0x0, v0  }
0x14a: {  	[tilespmem:s17+$0x11A80] =	vst v0;
	s17 =	smov.u32 s9;
	s9 =	smov.u32 s8  }
0x14b: {  	v0 =	vld.idx.msk [tilespmem:v5+s22+$0x0], $0xffff  }
.Ltmp2:
0x14c: {  	v1 =	vld.idx.msk [tilespmem:v5+s24+$0x0], $0xffff;
	(pc) =	sbr.rel @p0 .LBB2_6-.Ltmp2, $4  }
0x14d: {  	v2 =	vld.idx.msk [tilespmem:v4+s25+$0x0], $0xffff  }
0x14e: {  	v3 =	vld.idx.msk [tilespmem:v4+s22+$0x0], $0xffff  }
0x14f: {  	s8 =	sshra.s32 s16, $0x2;
	v4 =	vld.idx.msk [tilespmem:v4+s24+$0x0], $0xffff  }
0x150: {  	v5 =	vld.idx.msk [tilespmem:v5+s25+$0x0], $0xffff  }
0x151: {  	_ =	sdelay $0x2  }
0x152: {  	v0 =	vsub.f32 v0, v3;
	v1 =	vsub.f32 v1, v4;
	_ =	sdelay $0x1  }
0x153: {  	v2 =	vsub.f32 v5, v2;
	v3 =	vmul.f32 v0, v0;
	v4 =	vmul.f32 v1, v1;
	_ =	sdelay $0x1  }
0x154: {  	v5 =	vmul.f32 v2, v2;
	v3 =	vadd.f32 v4, v3;
	_ =	sdelay $0x1  }
0x155: {  	v3 =	vadd.f32 v5, v3;
	_ =	sdelay $0x1  }
0x156: {  	v4 =	vshrl.u32 v3, $0x1;
	v5 =	vmul.f32 $5.000000000e-01, v3  }
0x157: {  	v4 =	vsub.s32 $0x5F3759DF, v4  }
0x158: {  	v6 =	vmul.f32 v4, v5;
	_ =	sdelay $0x1  }
0x159: {  	v6 =	vmul.f32 v4, v6;
	_ =	sdelay $0x1  }
0x15a: {  	v6 =	vsub.f32 $1.500000000e+00, v6;
	_ =	sdelay $0x1  }
0x15b: {  	v4 =	vmul.f32 v4, v6;
	_ =	sdelay $0x1  }
0x15c: {  	v6 =	vmul.f32 v4, v5;
	_ =	sdelay $0x1  }
0x15d: {  	v6 =	vmul.f32 v6, v4;
	_ =	sdelay $0x1  }
0x15e: {  	v6 =	vsub.f32 $1.500000000e+00, v6;
	_ =	sdelay $0x1  }
0x15f: {  	v4 =	vmul.f32 v6, v4;
	_ =	sdelay $0x1  }
0x160: {  	v5 =	vmul.f32 v4, v5  }
0x161: {  	[tilespmem:s17+$0x11B00] =	vst v0  }
0x162: {  	[tilespmem:s17+$0x11B80] =	vst v1;
	v0 =	vmul.f32 v5, v4  }
0x163: {  	[tilespmem:s17+$0x11C00] =	vst v2  }
0x164: {  	v1 =	vld [tilespmem:s9+$0x100];
	v0 =	vsub.f32 $1.500000000e+00, v0;
	_ =	sdelay $0x1  }
0x165: {  	v2 =	vld [tilespmem:s9+$0x180];
	v0 =	vmul.f32 v0, v4;
	_ =	sdelay $0x1  }
0x166: {  	v0 =	vmul.f32 v0, v3  }
0x167: {  	vm0 =	vgt.f32 v3, $0.0e+00  }
0x168: {  	v0 =	vnsel vm0, $0x0, v0  }
0x169: {  	[tilespmem:s17+$0x11A80] =	vst v0  }
0x16a: {  	v0 =	vld.idx.msk [tilespmem:v1+s22+$0x0], $0xffff  }
0x16b: {  	v3 =	vld.idx.msk [tilespmem:v1+s24+$0x0], $0xffff  }
0x16c: {  	v4 =	vld.idx.msk [tilespmem:v2+s22+$0x0], $0xffff  }
0x16d: {  	v5 =	vld.idx.msk [tilespmem:v2+s24+$0x0], $0xffff  }
0x16e: {  	v2 =	vld.idx.msk [tilespmem:v2+s25+$0x0], $0xffff  }
0x16f: {  	v1 =	vld.idx.msk [tilespmem:v1+s25+$0x0], $0xffff;
	_ =	sdelay $0x2  }
0x170: {  	v0 =	vsub.f32 v0, v4;
	v3 =	vsub.f32 v3, v5;
	_ =	sdelay $0x1  }
0x171: {  	v1 =	vsub.f32 v1, v2;
	v2 =	vmul.f32 v0, v0;
	v4 =	vmul.f32 v3, v3;
	_ =	sdelay $0x1  }
0x172: {  	v5 =	vmul.f32 v1, v1;
	v2 =	vadd.f32 v4, v2;
	_ =	sdelay $0x1  }
0x173: {  	v2 =	vadd.f32 v5, v2;
	_ =	sdelay $0x1  }
0x174: {  	v4 =	vshrl.u32 v2, $0x1;
	v5 =	vmul.f32 $5.000000000e-01, v2  }
0x175: {  	v4 =	vsub.s32 $0x5F3759DF, v4  }
0x176: {  	v6 =	vmul.f32 v4, v5;
	_ =	sdelay $0x1  }
0x177: {  	v6 =	vmul.f32 v4, v6;
	_ =	sdelay $0x1  }
0x178: {  	v6 =	vsub.f32 $1.500000000e+00, v6;
	_ =	sdelay $0x1  }
0x179: {  	v4 =	vmul.f32 v4, v6;
	_ =	sdelay $0x1  }
0x17a: {  	v6 =	vmul.f32 v4, v5;
	_ =	sdelay $0x1  }
0x17b: {  	v6 =	vmul.f32 v6, v4;
	_ =	sdelay $0x1  }
0x17c: {  	v6 =	vsub.f32 $1.500000000e+00, v6;
	_ =	sdelay $0x1  }
0x17d: {  	v4 =	vmul.f32 v6, v4;
	_ =	sdelay $0x1  }
0x17e: {  	v5 =	vmul.f32 v4, v5  }
0x17f: {  	[tilespmem:s9+$0x11B00] =	vst v0  }
0x180: {  	[tilespmem:s9+$0x11B80] =	vst v3;
	v0 =	vmul.f32 v5, v4  }
0x181: {  	[tilespmem:s9+$0x11C00] =	vst v1  }
0x182: {  	v1 =	vld [tilespmem:s8+$0x100];
	v0 =	vsub.f32 $1.500000000e+00, v0;
	_ =	sdelay $0x1  }
0x183: {  	v3 =	vld [tilespmem:s8+$0x180];
	v0 =	vmul.f32 v0, v4;
	_ =	sdelay $0x1  }
0x184: {  	v0 =	vmul.f32 v0, v2  }
0x185: {  	vm14 =	vgt.f32 v2, $0.0e+00  }
0x186: {  	v0 =	vnsel vm14, $0x0, v0  }
0x187: {  	[tilespmem:s9+$0x11A80] =	vst v0  }
0x188: {  	v0 =	vld.idx.msk [tilespmem:v1+s22+$0x0], $0xffff  }
0x189: {  	v2 =	vld.idx.msk [tilespmem:v1+s24+$0x0], $0xffff  }
0x18a: {  	v4 =	vld.idx.msk [tilespmem:v3+s22+$0x0], $0xffff  }
0x18b: {  	v5 =	vld.idx.msk [tilespmem:v3+s24+$0x0], $0xffff  }
0x18c: {  	v3 =	vld.idx.msk [tilespmem:v3+s25+$0x0], $0xffff  }
0x18d: {  	v1 =	vld.idx.msk [tilespmem:v1+s25+$0x0], $0xffff;
	_ =	sdelay $0x2  }
0x18e: {  	v0 =	vsub.f32 v0, v4;
	v2 =	vsub.f32 v2, v5;
	_ =	sdelay $0x1  }
0x18f: {  	v1 =	vsub.f32 v1, v3;
	v3 =	vmul.f32 v0, v0;
	v4 =	vmul.f32 v2, v2;
	_ =	sdelay $0x1  }
0x190: {  	v5 =	vmul.f32 v1, v1;
	v3 =	vadd.f32 v4, v3;
	_ =	sdelay $0x1  }
0x191: {  	v3 =	vadd.f32 v5, v3;
	_ =	sdelay $0x1  }
0x192: {  	v4 =	vshrl.u32 v3, $0x1;
	v5 =	vmul.f32 $5.000000000e-01, v3  }
0x193: {  	v4 =	vsub.s32 $0x5F3759DF, v4  }
0x194: {  	v6 =	vmul.f32 v4, v5;
	_ =	sdelay $0x1  }
0x195: {  	v6 =	vmul.f32 v4, v6;
	_ =	sdelay $0x1  }
0x196: {  	v6 =	vsub.f32 $1.500000000e+00, v6;
	_ =	sdelay $0x1  }
0x197: {  	v4 =	vmul.f32 v4, v6;
	_ =	sdelay $0x1  }
0x198: {  	v6 =	vmul.f32 v4, v5;
	_ =	sdelay $0x1  }
0x199: {  	v6 =	vmul.f32 v6, v4;
	_ =	sdelay $0x1  }
0x19a: {  	v6 =	vsub.f32 $1.500000000e+00, v6;
	_ =	sdelay $0x1  }
0x19b: {  	v4 =	vmul.f32 v6, v4;
	_ =	sdelay $0x1  }
0x19c: {  	v5 =	vmul.f32 v4, v5;
	_ =	sdelay $0x1  }
0x19d: {  	v5 =	vmul.f32 v5, v4;
	_ =	sdelay $0x1  }
0x19e: {  	v5 =	vsub.f32 $1.500000000e+00, v5;
	_ =	sdelay $0x1  }
0x19f: {  	v4 =	vmul.f32 v5, v4;
	_ =	sdelay $0x1  }
0x1a0: {  	[tilespmem:s8+$0x11B00] =	vst v0;
	v0 =	vmul.f32 v4, v3  }
0x1a1: {  	[tilespmem:s8+$0x11B80] =	vst v2;
	vm15 =	vgt.f32 v3, $0.0e+00  }
0x1a2: {  	[tilespmem:s8+$0x11C00] =	vst v1;
	v0 =	vnsel vm15, $0x0, v0  }
0x1a3: {  	[tilespmem:s8+$0x11A80] =	vst v0;
	s8 =	simm.s32 $0xF0  }
0x1a4: {  	v6 =	vld [tilespmem:s8+$0x7910]  }
0x1a5: {  	v7 =	vld [tilespmem:s8+$0x7920]  }
0x1a6: {  	v8 =	vld [tilespmem:s8+$0x7930]  }
0x1a7: {  	v9 =	vld [tilespmem:s8+$0x7940]  }
0x1a8: {  	v10 =	vld [tilespmem:s8+$0x7950]  }
0x1a9: {  	v11 =	vld [tilespmem:s8+$0x7960]  }
0x1aa: {  	v12 =	vld [tilespmem:s8+$0x7970]  }
0x1ab: {  	v13 =	vld [tilespmem:s8+$0x7980]  }
0x1ac: {  	v14 =	vld [tilespmem:s8+$0x7990]  }
0x1ad: {  	v15 =	vld [tilespmem:s8+$0x79A0]  }
0x1ae: {  	v5 =	vld [tilespmem:s8+$0x79B0]  }
0x1af: {  	v4 =	vld [tilespmem:s8+$0x79C0]  }
0x1b0: {  	v3 =	vld [tilespmem:s8+$0x79D0]  }
0x1b1: {  	v2 =	vld [tilespmem:s8+$0x79E0]  }
0x1b2: {  	v1 =	vld [tilespmem:s8+$0x79F0]  }
0x1b3: {  	v0 =	vld [tilespmem:s8+$0x7A00]  }
0x1b4: {  	v16 =	vld [tilespmem:s8+$0x5110]  }
0x1b5: {  	v17 =	vld [tilespmem:s8+$0x5120]  }
0x1b6: {  	v18 =	vld [tilespmem:s8+$0x5130]  }
0x1b7: {  	v19 =	vld [tilespmem:s8+$0x5140]  }
0x1b8: {  	v20 =	vld [tilespmem:s8+$0x5150]  }
0x1b9: {  	v60 =	vld [tilespmem:s8+$0x5160];
	v6 =	vadd.f32 v6, v16  }
0x1ba: {  	v21 =	vld [tilespmem:s8+$0x5170];
	v7 =	vadd.f32 v7, v17  }
0x1bb: {  	v61 =	vld [tilespmem:s8+$0x5180];
	[tilespmem:s8+$0x5110] =	vst v6;
	v6 =	vadd.f32 v8, v18  }
0x1bc: {  	v62 =	vld [tilespmem:s8+$0x5190];
	[tilespmem:s8+$0x5120] =	vst v7;
	v7 =	vadd.f32 v9, v19  }
0x1bd: {  	v63 =	vld [tilespmem:s8+$0x51A0];
	[tilespmem:s8+$0x5130] =	vst v6;
	v6 =	vadd.f32 v10, v20  }
0x1be: {  	v8 =	vadd.f32 v11, v60;
	[tilespmem:s8+$0x5140] =	vst v7;
	v7 =	vld [tilespmem:s8+$0x51B0]  }
0x1bf: {  	v9 =	vadd.f32 v12, v21;
	[tilespmem:s8+$0x5150] =	vst v6;
	v6 =	vld [tilespmem:s8+$0x51C0]  }
0x1c0: {  	[tilespmem:s8+$0x5160] =	vst v8;
	v8 =	vld [tilespmem:s8+$0x51D0];
	v10 =	vadd.f32 v13, v61  }
0x1c1: {  	v12 =	vadd.f32 v14, v62;
	[tilespmem:s8+$0x5170] =	vst v9;
	v9 =	vld [tilespmem:s8+$0x51E0]  }
0x1c2: {  	s9 =	simm.s32 $0x7C0;
	v11 =	vadd.f32 v15, v63;
	[tilespmem:s8+$0x5180] =	vst v10;
	v10 =	vld [tilespmem:s8+$0x51F0]  }
.LBB2_8:
0x1c3: {  	s1 =	sshra.s32 s9, $0x2;
	p0 =	sne.s32 s9, $0x9FC0;
	[tilespmem:s8+$0x5190] =	vst v12;
	v5 =	vadd.f32 v5, v7;
	v7 =	vld [tilespmem:s8+$0x5200]  }
0x1c4: {  	v12 =	vld [tilespmem:s1+$0x7910];
	[tilespmem:s8+$0x51A0] =	vst v11;
	v4 =	vadd.f32 v4, v6  }
0x1c5: {  	v6 =	vld [tilespmem:s1+$0x7920];
	[tilespmem:s8+$0x51B0] =	vst v5;
	v3 =	vadd.f32 v3, v8  }
0x1c6: {  	v8 =	vld [tilespmem:s1+$0x7930];
	[tilespmem:s8+$0x51C0] =	vst v4;
	v2 =	vadd.f32 v2, v9  }
0x1c7: {  	v9 =	vld [tilespmem:s1+$0x7940];
	[tilespmem:s8+$0x51D0] =	vst v3;
	v1 =	vadd.f32 v1, v10  }
0x1c8: {  	v10 =	vld [tilespmem:s1+$0x7950];
	[tilespmem:s8+$0x51E0] =	vst v2;
	v0 =	vadd.f32 v0, v7  }
0x1c9: {  	v7 =	vld [tilespmem:s1+$0x7960];
	[tilespmem:s8+$0x51F0] =	vst v1  }
0x1ca: {  	v11 =	vld [tilespmem:s1+$0x7970];
	[tilespmem:s8+$0x5200] =	vst v0;
	s8 =	smov.u32 s1  }
0x1cb: {  	v13 =	vld [tilespmem:s8+$0x7980]  }
0x1cc: {  	v14 =	vld [tilespmem:s8+$0x7990]  }
0x1cd: {  	v15 =	vld [tilespmem:s8+$0x79A0]  }
0x1ce: {  	v5 =	vld [tilespmem:s8+$0x79B0]  }
0x1cf: {  	v4 =	vld [tilespmem:s8+$0x79C0]  }
0x1d0: {  	v3 =	vld [tilespmem:s8+$0x79D0]  }
0x1d1: {  	v2 =	vld [tilespmem:s8+$0x79E0]  }
0x1d2: {  	v1 =	vld [tilespmem:s8+$0x79F0]  }
0x1d3: {  	v0 =	vld [tilespmem:s8+$0x7A00]  }
0x1d4: {  	v16 =	vld [tilespmem:s8+$0x5110]  }
0x1d5: {  	v17 =	vld [tilespmem:s8+$0x5120]  }
0x1d6: {  	v18 =	vld [tilespmem:s8+$0x5130]  }
0x1d7: {  	v19 =	vld [tilespmem:s8+$0x5140]  }
0x1d8: {  	v20 =	vld [tilespmem:s8+$0x5150]  }
0x1d9: {  	v12 =	vadd.f32 v12, v16;
	v16 =	vld [tilespmem:s8+$0x5160]  }
0x1da: {  	v6 =	vadd.f32 v6, v17;
	v17 =	vld [tilespmem:s8+$0x5170]  }
0x1db: {  	[tilespmem:s8+$0x5110] =	vst v12;
	v8 =	vadd.f32 v8, v18;
	v12 =	vld [tilespmem:s8+$0x5180]  }
0x1dc: {  	[tilespmem:s8+$0x5120] =	vst v6;
	v6 =	vadd.f32 v9, v19;
	v9 =	vld [tilespmem:s8+$0x5190]  }
0x1dd: {  	[tilespmem:s8+$0x5130] =	vst v8;
	v8 =	vadd.f32 v10, v20;
	v10 =	vld [tilespmem:s8+$0x51A0]  }
.Ltmp3:
0x1de: {  	[tilespmem:s8+$0x5140] =	vst v6;
	v16 =	vadd.f32 v7, v16;
	v7 =	vld [tilespmem:s8+$0x51B0];
	(pc) =	sbr.rel @p0 .LBB2_8-.Ltmp3, $4  }
0x1df: {  	[tilespmem:s8+$0x5150] =	vst v8;
	v11 =	vadd.f32 v11, v17;
	v6 =	vld [tilespmem:s8+$0x51C0]  }
0x1e0: {  	[tilespmem:s8+$0x5160] =	vst v16;
	v13 =	vadd.f32 v13, v12;
	v8 =	vld [tilespmem:s8+$0x51D0]  }
0x1e1: {  	[tilespmem:s8+$0x5170] =	vst v11;
	v12 =	vadd.f32 v14, v9;
	v9 =	vld [tilespmem:s8+$0x51E0]  }
0x1e2: {  	s9 =	sadd.s32 $0x400, s9;
	[tilespmem:s8+$0x5180] =	vst v13;
	v11 =	vadd.f32 v15, v10;
	v10 =	vld [tilespmem:s8+$0x51F0]  }
0x1e3: {  	[tilespmem:s8+$0x5190] =	vst v12;
	v5 =	vadd.f32 v5, v7;
	v63 =	vld [tilespmem:s8+$0x5200]  }
0x1e4: {  	[tilespmem:s8+$0x51A0] =	vst v11;
	v4 =	vadd.f32 v4, v6  }
0x1e5: {  	[tilespmem:s8+$0x51B0] =	vst v5;
	v3 =	vadd.f32 v3, v8  }
0x1e6: {  	[tilespmem:s8+$0x51C0] =	vst v4;
	v2 =	vadd.f32 v2, v9  }
0x1e7: {  	[tilespmem:s8+$0x51D0] =	vst v3;
	v1 =	vadd.f32 v1, v10  }
0x1e8: {  	[tilespmem:s8+$0x51E0] =	vst v2;
	v0 =	vadd.f32 v0, v63  }
0x1e9: {  	[tilespmem:s8+$0x51F0] =	vst v1  }
0x1ea: {  	s1 =	rddreg [dreg:$0xc];
	s31 =	simm.s32 $0x11A80;
	[tilespmem:s8+$0x5200] =	vst v0  }
0x1eb: {  	[hbm4b:s1+s3] =	stream.linear.scatter [tilespmem:s31], [sflag:$0x4], $0x50, $0x38;
	[tilespmem:$0x11C80] =	vst v63  }
0x1ec: {  	s9 =	rddreg [dreg:$0xd];
	s16 =	simm.s32 $0x11B00  }
0x1ed: {  	[hbm4b:s9+s3] =	stream.linear.scatter [tilespmem:s16], [sflag:$0x4], $0x50, $0x38;
	[tilespmem:$0x11C80] =	vst v63  }
0x1ee: {  	s17 =	rddreg [dreg:$0xe];
	s18 =	simm.s32 $0x11B80  }
0x1ef: {  	[hbm4b:s17+s3] =	stream.linear.scatter [tilespmem:s18], [sflag:$0x4], $0x50, $0x38;
	[tilespmem:$0x11C80] =	vst v63  }
0x1f0: {  	s20 =	rddreg [dreg:$0xf];
	s31 =	simm.s32 $0x11C00  }
0x1f1: {  	[hbm4b:s20+s3] =	stream.linear.scatter [tilespmem:s31], [sflag:$0x4], $0x50, $0x38;
	[tilespmem:$0x11C80] =	vst v63  }
0x1f2: {  	s9 =	rddreg [dreg:$0x16]  }
0x1f3: {  	[hbm4b:s9+s3] =	stream.linear.scatter [tilespmem:s19], [sflag:$0x4], $0x2800, $0x38;
	[tilespmem:$0x11C80] =	vst v63  }
0x1f4: {  	_ =	swait.ge [sflag:s23], $0x50  }
0x1f5: {  	[sflag:s23] =	ssyncset.done $0x0  }
0x1f6: {  	[sflag:s23] =	ssyncadd.s32 $0xFFFFFFB0  }
0x1f7: {  	_ =	swait.ge [sflag:s23], $0x50  }
0x1f8: {  	[sflag:s23] =	ssyncset.done $0x0  }
0x1f9: {  	[sflag:s23] =	ssyncadd.s32 $0xFFFFFFB0  }
0x1fa: {  	_ =	swait.ge [sflag:s23], $0x50  }
0x1fb: {  	[sflag:s23] =	ssyncset.done $0x0  }
0x1fc: {  	[sflag:s23] =	ssyncadd.s32 $0xFFFFFFB0  }
0x1fd: {  	_ =	swait.ge [sflag:s23], $0x50  }
0x1fe: {  	[sflag:s23] =	ssyncset.done $0x0  }
0x1ff: {  	[sflag:s23] =	ssyncadd.s32 $0xFFFFFFB0  }
0x200: {  	_ =	swait.ge [sflag:s23], $0x2800  }
0x201: {  	[sflag:s23] =	ssyncset.done $0x0  }
0x202: {  	s20 =	simm.s32 $0x1;
	[sflag:s23] =	ssyncadd.s32 $0xFFFFD800  }
0x203: {  	_ =	swait.ge [sflag:s20], $0x50  }
0x204: {  	[sflag:s20] =	ssyncset.done $0x0  }
0x205: {  	[sflag:s20] =	ssyncadd.s32 $0xFFFFFFB0  }
0x206: {  	_ =	swait.ge [sflag:s20], $0x50  }
0x207: {  	[sflag:s20] =	ssyncset.done $0x0  }
0x208: {  	[sflag:s20] =	ssyncadd.s32 $0xFFFFFFB0  }
0x209: {  	s16 =	rddreg [dreg:$0x0]  }
0x20a: {  	[tilespmem:s30], [sflag:$0x2] =	stream.indirect.gather [hbm4b:s16+s29], $0x80, s3, s29, $0xb8;
	[tilespmem:$0x11C80] =	vst v63  }
0x20b: {  	s17 =	simm.s32 $0x2A00  }
0x20c: {  	[tilespmem:s17], [sflag:$0x2] =	stream.indirect.gather [hbm4b:s5+s29], $0x80, s26, s29, $0xb8;
	[tilespmem:$0x11C80] =	vst v63  }
0x20d: {  	s18 =	rddreg [dreg:$0x17]  }
0x20e: {  	[tilespmem:s0], [sflag:$0x1] =	stream.linear.gather [hbm4b:s18+s3], $0x50, $0x38;
	[tilespmem:$0x11C80] =	vst v63  }
0x20f: {  	s31 =	rddreg [dreg:$0x18]  }
0x210: {  	[tilespmem:s4], [sflag:$0x1] =	stream.linear.gather [hbm4b:s31+s3], $0x50, $0x38;
	[tilespmem:$0x11C80] =	vst v63  }
.LBB2_10:
0x211: {  	_ =	swait.ge [sflag:s2], $0x2800  }
0x212: {  	[sflag:s2] =	ssyncset.done $0x0  }
0x213: {  	[sflag:s2] =	ssyncadd.s32 $0xFFFFD800  }
0x214: {  	_ =	swait.ge [sflag:s2], $0x2800  }
0x215: {  	[sflag:s2] =	ssyncset.done $0x0  }
0x216: {  	s17 =	simm.s32 $0x0;
	[sflag:s2] =	ssyncadd.s32 $0xFFFFD800  }
0x217: {  	v5 =	vld [tilespmem:s17+$0x0];
	_ =	sdelay $0x1  }
0x218: {  	v4 =	vld [tilespmem:s17+$0x80];
	_ =	sdelay $0x5  }
0x219: {  	v0 =	vld.idx.msk [tilespmem:v5+s22+$0x0], $0xffff  }
0x21a: {  	v1 =	vld.idx.msk [tilespmem:v5+s24+$0x0], $0xffff  }
0x21b: {  	v2 =	vld.idx.msk [tilespmem:v4+s25+$0x0], $0xffff  }
0x21c: {  	v3 =	vld.idx.msk [tilespmem:v4+s22+$0x0], $0xffff  }
0x21d: {  	v4 =	vld.idx.msk [tilespmem:v4+s24+$0x0], $0xffff  }
0x21e: {  	s9 =	simm.s32 $0x10;
	s18 =	simm.s32 $0xC0;
	s8 =	simm.s32 $0x20;
	v5 =	vld.idx.msk [tilespmem:v5+s25+$0x0], $0xffff  }
.LBB2_11:
0x21f: {  	_ = 	snop  }
0x220: {  	p0 =	sne.s32 s18, $0x100;
	s16 =	smov.u32 s18;
	s18 =	sadd.s32 $0x40, s18  }
0x221: {  	v0 =	vsub.f32 v0, v3  }
0x222: {  	v1 =	vsub.f32 v1, v4  }
0x223: {  	v2 =	vsub.f32 v5, v2;
	v3 =	vmul.f32 v0, v0;
	[tilespmem:s17+$0x11900] =	vst v0  }
0x224: {  	v0 =	vmul.f32 v1, v1;
	[tilespmem:s17+$0x11980] =	vst v1  }
0x225: {  	v1 =	vmul.f32 v2, v2;
	[tilespmem:s17+$0x11A00] =	vst v2  }
0x226: {  	v0 =	vadd.f32 v0, v3;
	_ =	sdelay $0x1  }
0x227: {  	v0 =	vadd.f32 v1, v0;
	_ =	sdelay $0x1  }
0x228: {  	v1 =	vshrl.u32 v0, $0x1;
	v2 =	vmul.f32 $5.000000000e-01, v0  }
0x229: {  	v1 =	vsub.s32 $0x5F3759DF, v1  }
0x22a: {  	v3 =	vmul.f32 v1, v2;
	_ =	sdelay $0x1  }
0x22b: {  	v3 =	vmul.f32 v1, v3;
	_ =	sdelay $0x1  }
0x22c: {  	v3 =	vsub.f32 $1.500000000e+00, v3;
	_ =	sdelay $0x1  }
0x22d: {  	v1 =	vmul.f32 v1, v3;
	_ =	sdelay $0x1  }
0x22e: {  	v3 =	vmul.f32 v1, v2;
	_ =	sdelay $0x1  }
0x22f: {  	v3 =	vmul.f32 v3, v1;
	_ =	sdelay $0x1  }
0x230: {  	v3 =	vsub.f32 $1.500000000e+00, v3;
	_ =	sdelay $0x1  }
0x231: {  	v1 =	vmul.f32 v3, v1;
	_ =	sdelay $0x1  }
0x232: {  	v2 =	vmul.f32 v1, v2;
	_ =	sdelay $0x1  }
0x233: {  	v2 =	vmul.f32 v2, v1;
	_ =	sdelay $0x1  }
0x234: {  	v5 =	vld [tilespmem:s9+$0x0];
	v2 =	vsub.f32 $1.500000000e+00, v2;
	_ =	sdelay $0x1  }
0x235: {  	v4 =	vld [tilespmem:s9+$0x80];
	v1 =	vmul.f32 v2, v1;
	_ =	sdelay $0x1  }
0x236: {  	vm0 =	vgt.f32 v0, $0.0e+00;
	v0 =	vmul.f32 v1, v0;
	_ =	sdelay $0x1  }
0x237: {  	v0 =	vnsel vm0, $0x0, v0  }
0x238: {  	[tilespmem:s17+$0x11880] =	vst v0;
	s17 =	smov.u32 s9;
	s9 =	smov.u32 s8  }
0x239: {  	v0 =	vld.idx.msk [tilespmem:v5+s22+$0x0], $0xffff  }
.Ltmp4:
0x23a: {  	v1 =	vld.idx.msk [tilespmem:v5+s24+$0x0], $0xffff;
	(pc) =	sbr.rel @p0 .LBB2_11-.Ltmp4, $4  }
0x23b: {  	v2 =	vld.idx.msk [tilespmem:v4+s25+$0x0], $0xffff  }
0x23c: {  	v3 =	vld.idx.msk [tilespmem:v4+s22+$0x0], $0xffff  }
0x23d: {  	s8 =	sshra.s32 s16, $0x2;
	v4 =	vld.idx.msk [tilespmem:v4+s24+$0x0], $0xffff  }
0x23e: {  	v5 =	vld.idx.msk [tilespmem:v5+s25+$0x0], $0xffff  }
0x23f: {  	_ =	sdelay $0x2  }
0x240: {  	v0 =	vsub.f32 v0, v3;
	v1 =	vsub.f32 v1, v4;
	_ =	sdelay $0x1  }
0x241: {  	v2 =	vsub.f32 v5, v2;
	v3 =	vmul.f32 v0, v0;
	v4 =	vmul.f32 v1, v1;
	_ =	sdelay $0x1  }
0x242: {  	v5 =	vmul.f32 v2, v2;
	v3 =	vadd.f32 v4, v3;
	_ =	sdelay $0x1  }
0x243: {  	v3 =	vadd.f32 v5, v3;
	_ =	sdelay $0x1  }
0x244: {  	v4 =	vshrl.u32 v3, $0x1;
	v5 =	vmul.f32 $5.000000000e-01, v3  }
0x245: {  	v4 =	vsub.s32 $0x5F3759DF, v4  }
0x246: {  	v6 =	vmul.f32 v4, v5;
	_ =	sdelay $0x1  }
0x247: {  	v6 =	vmul.f32 v4, v6;
	_ =	sdelay $0x1  }
0x248: {  	v6 =	vsub.f32 $1.500000000e+00, v6;
	_ =	sdelay $0x1  }
0x249: {  	v4 =	vmul.f32 v4, v6;
	_ =	sdelay $0x1  }
0x24a: {  	v6 =	vmul.f32 v4, v5;
	_ =	sdelay $0x1  }
0x24b: {  	v6 =	vmul.f32 v6, v4;
	_ =	sdelay $0x1  }
0x24c: {  	v6 =	vsub.f32 $1.500000000e+00, v6;
	_ =	sdelay $0x1  }
0x24d: {  	v4 =	vmul.f32 v6, v4;
	_ =	sdelay $0x1  }
0x24e: {  	v5 =	vmul.f32 v4, v5  }
0x24f: {  	[tilespmem:s17+$0x11900] =	vst v0  }
0x250: {  	[tilespmem:s17+$0x11980] =	vst v1;
	v0 =	vmul.f32 v5, v4  }
0x251: {  	[tilespmem:s17+$0x11A00] =	vst v2  }
0x252: {  	v1 =	vld [tilespmem:s9+$0x0];
	v0 =	vsub.f32 $1.500000000e+00, v0;
	_ =	sdelay $0x1  }
0x253: {  	v2 =	vld [tilespmem:s9+$0x80];
	v0 =	vmul.f32 v0, v4;
	_ =	sdelay $0x1  }
0x254: {  	v0 =	vmul.f32 v0, v3  }
0x255: {  	vm0 =	vgt.f32 v3, $0.0e+00  }
0x256: {  	v0 =	vnsel vm0, $0x0, v0  }
0x257: {  	[tilespmem:s17+$0x11880] =	vst v0  }
0x258: {  	v0 =	vld.idx.msk [tilespmem:v1+s22+$0x0], $0xffff  }
0x259: {  	v3 =	vld.idx.msk [tilespmem:v1+s24+$0x0], $0xffff  }
0x25a: {  	v4 =	vld.idx.msk [tilespmem:v2+s22+$0x0], $0xffff  }
0x25b: {  	v5 =	vld.idx.msk [tilespmem:v2+s24+$0x0], $0xffff  }
0x25c: {  	v2 =	vld.idx.msk [tilespmem:v2+s25+$0x0], $0xffff  }
0x25d: {  	v1 =	vld.idx.msk [tilespmem:v1+s25+$0x0], $0xffff;
	_ =	sdelay $0x2  }
0x25e: {  	v0 =	vsub.f32 v0, v4;
	v3 =	vsub.f32 v3, v5;
	_ =	sdelay $0x1  }
0x25f: {  	v1 =	vsub.f32 v1, v2;
	v2 =	vmul.f32 v0, v0;
	v4 =	vmul.f32 v3, v3;
	_ =	sdelay $0x1  }
0x260: {  	v5 =	vmul.f32 v1, v1;
	v2 =	vadd.f32 v4, v2;
	_ =	sdelay $0x1  }
0x261: {  	v2 =	vadd.f32 v5, v2;
	_ =	sdelay $0x1  }
0x262: {  	v4 =	vshrl.u32 v2, $0x1;
	v5 =	vmul.f32 $5.000000000e-01, v2  }
0x263: {  	v4 =	vsub.s32 $0x5F3759DF, v4  }
0x264: {  	v6 =	vmul.f32 v4, v5;
	_ =	sdelay $0x1  }
0x265: {  	v6 =	vmul.f32 v4, v6;
	_ =	sdelay $0x1  }
0x266: {  	v6 =	vsub.f32 $1.500000000e+00, v6;
	_ =	sdelay $0x1  }
0x267: {  	v4 =	vmul.f32 v4, v6;
	_ =	sdelay $0x1  }
0x268: {  	v6 =	vmul.f32 v4, v5;
	_ =	sdelay $0x1  }
0x269: {  	v6 =	vmul.f32 v6, v4;
	_ =	sdelay $0x1  }
0x26a: {  	v6 =	vsub.f32 $1.500000000e+00, v6;
	_ =	sdelay $0x1  }
0x26b: {  	v4 =	vmul.f32 v6, v4;
	_ =	sdelay $0x1  }
0x26c: {  	v5 =	vmul.f32 v4, v5  }
0x26d: {  	[tilespmem:s9+$0x11900] =	vst v0  }
0x26e: {  	[tilespmem:s9+$0x11980] =	vst v3;
	v0 =	vmul.f32 v5, v4  }
0x26f: {  	[tilespmem:s9+$0x11A00] =	vst v1  }
0x270: {  	v1 =	vld [tilespmem:s8+$0x0];
	v0 =	vsub.f32 $1.500000000e+00, v0;
	_ =	sdelay $0x1  }
0x271: {  	v3 =	vld [tilespmem:s8+$0x80];
	v0 =	vmul.f32 v0, v4;
	_ =	sdelay $0x1  }
0x272: {  	v0 =	vmul.f32 v0, v2  }
0x273: {  	vm14 =	vgt.f32 v2, $0.0e+00  }
0x274: {  	v0 =	vnsel vm14, $0x0, v0  }
0x275: {  	[tilespmem:s9+$0x11880] =	vst v0  }
0x276: {  	v0 =	vld.idx.msk [tilespmem:v1+s22+$0x0], $0xffff  }
0x277: {  	v2 =	vld.idx.msk [tilespmem:v1+s24+$0x0], $0xffff  }
0x278: {  	v4 =	vld.idx.msk [tilespmem:v3+s22+$0x0], $0xffff  }
0x279: {  	v5 =	vld.idx.msk [tilespmem:v3+s24+$0x0], $0xffff  }
0x27a: {  	v3 =	vld.idx.msk [tilespmem:v3+s25+$0x0], $0xffff  }
0x27b: {  	v1 =	vld.idx.msk [tilespmem:v1+s25+$0x0], $0xffff;
	_ =	sdelay $0x2  }
0x27c: {  	v0 =	vsub.f32 v0, v4;
	v2 =	vsub.f32 v2, v5;
	_ =	sdelay $0x1  }
0x27d: {  	v1 =	vsub.f32 v1, v3;
	v3 =	vmul.f32 v0, v0;
	v4 =	vmul.f32 v2, v2;
	_ =	sdelay $0x1  }
0x27e: {  	v5 =	vmul.f32 v1, v1;
	v3 =	vadd.f32 v4, v3;
	_ =	sdelay $0x1  }
0x27f: {  	v3 =	vadd.f32 v5, v3;
	_ =	sdelay $0x1  }
0x280: {  	v4 =	vshrl.u32 v3, $0x1;
	v5 =	vmul.f32 $5.000000000e-01, v3  }
0x281: {  	v4 =	vsub.s32 $0x5F3759DF, v4  }
0x282: {  	v6 =	vmul.f32 v4, v5;
	_ =	sdelay $0x1  }
0x283: {  	v6 =	vmul.f32 v4, v6;
	_ =	sdelay $0x1  }
0x284: {  	v6 =	vsub.f32 $1.500000000e+00, v6;
	_ =	sdelay $0x1  }
0x285: {  	v4 =	vmul.f32 v4, v6;
	_ =	sdelay $0x1  }
0x286: {  	v6 =	vmul.f32 v4, v5;
	_ =	sdelay $0x1  }
0x287: {  	v6 =	vmul.f32 v6, v4;
	_ =	sdelay $0x1  }
0x288: {  	v6 =	vsub.f32 $1.500000000e+00, v6;
	_ =	sdelay $0x1  }
0x289: {  	v4 =	vmul.f32 v6, v4;
	_ =	sdelay $0x1  }
0x28a: {  	v5 =	vmul.f32 v4, v5;
	_ =	sdelay $0x1  }
0x28b: {  	v5 =	vmul.f32 v5, v4;
	_ =	sdelay $0x1  }
0x28c: {  	v5 =	vsub.f32 $1.500000000e+00, v5;
	_ =	sdelay $0x1  }
0x28d: {  	v4 =	vmul.f32 v5, v4;
	_ =	sdelay $0x1  }
0x28e: {  	[tilespmem:s8+$0x11900] =	vst v0;
	v0 =	vmul.f32 v4, v3  }
0x28f: {  	[tilespmem:s8+$0x11980] =	vst v2;
	vm15 =	vgt.f32 v3, $0.0e+00  }
0x290: {  	[tilespmem:s8+$0x11A00] =	vst v1;
	v0 =	vnsel vm15, $0x0, v0  }
0x291: {  	[tilespmem:s8+$0x11880] =	vst v0;
	s8 =	simm.s32 $0xF0  }
0x292: {  	v6 =	vld [tilespmem:s8+$0x2910]  }
0x293: {  	v7 =	vld [tilespmem:s8+$0x2920]  }
0x294: {  	v8 =	vld [tilespmem:s8+$0x2930]  }
0x295: {  	v9 =	vld [tilespmem:s8+$0x2940]  }
0x296: {  	v10 =	vld [tilespmem:s8+$0x2950]  }
0x297: {  	v11 =	vld [tilespmem:s8+$0x2960]  }
0x298: {  	v12 =	vld [tilespmem:s8+$0x2970]  }
0x299: {  	v13 =	vld [tilespmem:s8+$0x2980]  }
0x29a: {  	v14 =	vld [tilespmem:s8+$0x2990]  }
0x29b: {  	v15 =	vld [tilespmem:s8+$0x29A0]  }
0x29c: {  	v5 =	vld [tilespmem:s8+$0x29B0]  }
0x29d: {  	v4 =	vld [tilespmem:s8+$0x29C0]  }
0x29e: {  	v3 =	vld [tilespmem:s8+$0x29D0]  }
0x29f: {  	v2 =	vld [tilespmem:s8+$0x29E0]  }
0x2a0: {  	v1 =	vld [tilespmem:s8+$0x29F0]  }
0x2a1: {  	v0 =	vld [tilespmem:s8+$0x2A00]  }
0x2a2: {  	v16 =	vld [tilespmem:s8+$0x110]  }
0x2a3: {  	v17 =	vld [tilespmem:s8+$0x120]  }
0x2a4: {  	v18 =	vld [tilespmem:s8+$0x130]  }
0x2a5: {  	v19 =	vld [tilespmem:s8+$0x140]  }
0x2a6: {  	v20 =	vld [tilespmem:s8+$0x150]  }
0x2a7: {  	v60 =	vld [tilespmem:s8+$0x160];
	v6 =	vadd.f32 v6, v16  }
0x2a8: {  	v21 =	vld [tilespmem:s8+$0x170];
	v7 =	vadd.f32 v7, v17  }
0x2a9: {  	v61 =	vld [tilespmem:s8+$0x180];
	[tilespmem:s8+$0x110] =	vst v6;
	v6 =	vadd.f32 v8, v18  }
0x2aa: {  	v62 =	vld [tilespmem:s8+$0x190];
	[tilespmem:s8+$0x120] =	vst v7;
	v7 =	vadd.f32 v9, v19  }
0x2ab: {  	v63 =	vld [tilespmem:s8+$0x1A0];
	[tilespmem:s8+$0x130] =	vst v6;
	v6 =	vadd.f32 v10, v20  }
0x2ac: {  	v8 =	vadd.f32 v11, v60;
	[tilespmem:s8+$0x140] =	vst v7;
	v7 =	vld [tilespmem:s8+$0x1B0]  }
0x2ad: {  	v9 =	vadd.f32 v12, v21;
	[tilespmem:s8+$0x150] =	vst v6;
	v6 =	vld [tilespmem:s8+$0x1C0]  }
0x2ae: {  	[tilespmem:s8+$0x160] =	vst v8;
	v8 =	vld [tilespmem:s8+$0x1D0];
	v10 =	vadd.f32 v13, v61  }
0x2af: {  	v12 =	vadd.f32 v14, v62;
	[tilespmem:s8+$0x170] =	vst v9;
	v9 =	vld [tilespmem:s8+$0x1E0]  }
0x2b0: {  	s9 =	simm.s32 $0x7C0;
	v11 =	vadd.f32 v15, v63;
	[tilespmem:s8+$0x180] =	vst v10;
	v10 =	vld [tilespmem:s8+$0x1F0]  }
.LBB2_13:
0x2b1: {  	s1 =	sshra.s32 s9, $0x2;
	p0 =	sne.s32 s9, $0x9FC0;
	[tilespmem:s8+$0x190] =	vst v12;
	v5 =	vadd.f32 v5, v7;
	v7 =	vld [tilespmem:s8+$0x200]  }
0x2b2: {  	v12 =	vld [tilespmem:s1+$0x2910];
	[tilespmem:s8+$0x1A0] =	vst v11;
	v4 =	vadd.f32 v4, v6  }
0x2b3: {  	v6 =	vld [tilespmem:s1+$0x2920];
	[tilespmem:s8+$0x1B0] =	vst v5;
	v3 =	vadd.f32 v3, v8  }
0x2b4: {  	v8 =	vld [tilespmem:s1+$0x2930];
	[tilespmem:s8+$0x1C0] =	vst v4;
	v2 =	vadd.f32 v2, v9  }
0x2b5: {  	v9 =	vld [tilespmem:s1+$0x2940];
	[tilespmem:s8+$0x1D0] =	vst v3;
	v1 =	vadd.f32 v1, v10  }
0x2b6: {  	v10 =	vld [tilespmem:s1+$0x2950];
	[tilespmem:s8+$0x1E0] =	vst v2;
	v0 =	vadd.f32 v0, v7  }
0x2b7: {  	v7 =	vld [tilespmem:s1+$0x2960];
	[tilespmem:s8+$0x1F0] =	vst v1  }
0x2b8: {  	v11 =	vld [tilespmem:s1+$0x2970];
	[tilespmem:s8+$0x200] =	vst v0;
	s8 =	smov.u32 s1  }
0x2b9: {  	v13 =	vld [tilespmem:s8+$0x2980]  }
0x2ba: {  	v14 =	vld [tilespmem:s8+$0x2990]  }
0x2bb: {  	v15 =	vld [tilespmem:s8+$0x29A0]  }
0x2bc: {  	v5 =	vld [tilespmem:s8+$0x29B0]  }
0x2bd: {  	v4 =	vld [tilespmem:s8+$0x29C0]  }
0x2be: {  	v3 =	vld [tilespmem:s8+$0x29D0]  }
0x2bf: {  	v2 =	vld [tilespmem:s8+$0x29E0]  }
0x2c0: {  	v1 =	vld [tilespmem:s8+$0x29F0]  }
0x2c1: {  	v0 =	vld [tilespmem:s8+$0x2A00]  }
0x2c2: {  	v16 =	vld [tilespmem:s8+$0x110]  }
0x2c3: {  	v17 =	vld [tilespmem:s8+$0x120]  }
0x2c4: {  	v18 =	vld [tilespmem:s8+$0x130]  }
0x2c5: {  	v19 =	vld [tilespmem:s8+$0x140]  }
0x2c6: {  	v20 =	vld [tilespmem:s8+$0x150]  }
0x2c7: {  	v12 =	vadd.f32 v12, v16;
	v16 =	vld [tilespmem:s8+$0x160]  }
0x2c8: {  	v6 =	vadd.f32 v6, v17;
	v17 =	vld [tilespmem:s8+$0x170]  }
0x2c9: {  	[tilespmem:s8+$0x110] =	vst v12;
	v8 =	vadd.f32 v8, v18;
	v12 =	vld [tilespmem:s8+$0x180]  }
0x2ca: {  	[tilespmem:s8+$0x120] =	vst v6;
	v6 =	vadd.f32 v9, v19;
	v9 =	vld [tilespmem:s8+$0x190]  }
0x2cb: {  	[tilespmem:s8+$0x130] =	vst v8;
	v8 =	vadd.f32 v10, v20;
	v10 =	vld [tilespmem:s8+$0x1A0]  }
.Ltmp5:
0x2cc: {  	[tilespmem:s8+$0x140] =	vst v6;
	v16 =	vadd.f32 v7, v16;
	v7 =	vld [tilespmem:s8+$0x1B0];
	(pc) =	sbr.rel @p0 .LBB2_13-.Ltmp5, $4  }
0x2cd: {  	[tilespmem:s8+$0x150] =	vst v8;
	v11 =	vadd.f32 v11, v17;
	v6 =	vld [tilespmem:s8+$0x1C0]  }
0x2ce: {  	[tilespmem:s8+$0x160] =	vst v16;
	v13 =	vadd.f32 v13, v12;
	v8 =	vld [tilespmem:s8+$0x1D0]  }
0x2cf: {  	[tilespmem:s8+$0x170] =	vst v11;
	v12 =	vadd.f32 v14, v9;
	v9 =	vld [tilespmem:s8+$0x1E0]  }
0x2d0: {  	s9 =	sadd.s32 $0x400, s9;
	[tilespmem:s8+$0x180] =	vst v13;
	v11 =	vadd.f32 v15, v10;
	v10 =	vld [tilespmem:s8+$0x1F0]  }
0x2d1: {  	[tilespmem:s8+$0x190] =	vst v12;
	v5 =	vadd.f32 v5, v7;
	v7 =	vld [tilespmem:s8+$0x200]  }
0x2d2: {  	[tilespmem:s8+$0x1A0] =	vst v11;
	v4 =	vadd.f32 v4, v6  }
0x2d3: {  	[tilespmem:s8+$0x1B0] =	vst v5;
	v3 =	vadd.f32 v3, v8  }
0x2d4: {  	s1 =	smul.u32 $0xA0, s20;
	[tilespmem:s8+$0x1C0] =	vst v4;
	v2 =	vadd.f32 v2, v9  }
0x2d5: {  	[tilespmem:s8+$0x1D0] =	vst v3;
	v1 =	vadd.f32 v1, v10  }
0x2d6: {  	s31 =	sadd.s32 s12, s1;
	[tilespmem:s8+$0x1E0] =	vst v2;
	v0 =	vadd.f32 v0, v7  }
0x2d7: {  	s9 =	sshrl.u32 s31, $0x3;
	[tilespmem:s8+$0x1F0] =	vst v1  }
0x2d8: {  	s16 =	simm.s32 $0x0;
	s17 =	simm.s32 $0x11880;
	s18 =	sadd.s32 s11, s9;
	[tilespmem:s8+$0x200] =	vst v0  }
0x2d9: {  	[hbm4b:s18+s16] =	stream.linear.scatter [tilespmem:s17], [sflag:$0x4], $0x50, $0x38;
	[tilespmem:$0x11C80] =	vst v63  }
0x2da: {  	s17 =	sadd.s32 s13, s9;
	s18 =	simm.s32 $0x11900  }
0x2db: {  	[hbm4b:s17+s16] =	stream.linear.scatter [tilespmem:s18], [sflag:$0x4], $0x50, $0x38;
	[tilespmem:$0x11C80] =	vst v63  }
0x2dc: {  	s17 =	sadd.s32 s14, s9;
	s18 =	simm.s32 $0x11980  }
0x2dd: {  	[hbm4b:s17+s16] =	stream.linear.scatter [tilespmem:s18], [sflag:$0x4], $0x50, $0x38;
	[tilespmem:$0x11C80] =	vst v63  }
0x2de: {  	s17 =	sadd.s32 s15, s9;
	s18 =	simm.s32 $0x11A00  }
0x2df: {  	[hbm4b:s17+s16] =	stream.linear.scatter [tilespmem:s18], [sflag:$0x4], $0x50, $0x38;
	[tilespmem:$0x11C80] =	vst v63  }
0x2e0: {  	s17 =	sshll.u32 s31, $0x4  }
0x2e1: {  	s8 =	sadd.s32 s10, s17  }
0x2e2: {  	[hbm4b:s8+s16] =	stream.linear.scatter [tilespmem:s30], [sflag:$0x4], $0x2800, $0x38;
	[tilespmem:$0x11C80] =	vst v63  }
0x2e3: {  	_ =	swait.ge [sflag:s23], $0x50  }
0x2e4: {  	[sflag:s23] =	ssyncset.done $0x0  }
0x2e5: {  	[sflag:s23] =	ssyncadd.s32 $0xFFFFFFB0  }
0x2e6: {  	_ =	swait.ge [sflag:s23], $0x50  }
0x2e7: {  	[sflag:s23] =	ssyncset.done $0x0  }
0x2e8: {  	[sflag:s23] =	ssyncadd.s32 $0xFFFFFFB0  }
0x2e9: {  	_ =	swait.ge [sflag:s23], $0x50  }
0x2ea: {  	[sflag:s23] =	ssyncset.done $0x0  }
0x2eb: {  	[sflag:s23] =	ssyncadd.s32 $0xFFFFFFB0  }
0x2ec: {  	_ =	swait.ge [sflag:s23], $0x50  }
0x2ed: {  	[sflag:s23] =	ssyncset.done $0x0  }
0x2ee: {  	[sflag:s23] =	ssyncadd.s32 $0xFFFFFFB0  }
0x2ef: {  	_ =	swait.ge [sflag:s23], $0x2800  }
0x2f0: {  	[sflag:s23] =	ssyncset.done $0x0  }
0x2f1: {  	[sflag:s23] =	ssyncadd.s32 $0xFFFFD800  }
0x2f2: {  	_ =	swait.ge [sflag:s28], $0x50  }
0x2f3: {  	[sflag:s28] =	ssyncset.done $0x0  }
0x2f4: {  	[sflag:s28] =	ssyncadd.s32 $0xFFFFFFB0  }
0x2f5: {  	_ =	swait.ge [sflag:s28], $0x50  }
0x2f6: {  	[sflag:s28] =	ssyncset.done $0x0  }
0x2f7: {  	s17 =	rddreg [dreg:$0x6];
	[sflag:s28] =	ssyncadd.s32 $0xFFFFFFB0  }
0x2f8: {  	s1 =	sadd.s32 s17, s1;
	s18 =	rddreg [dreg:$0x0]  }
0x2f9: {  	[tilespmem:s19], [sflag:$0x3] =	stream.indirect.gather [hbm4b:s18+s29], $0x80, s0, s29, $0xb8;
	[tilespmem:$0x11C80] =	vst v63  }
0x2fa: {  	s9 =	simm.s32 $0x7A00;
	s1 =	sshrl.u32 s1, $0x3  }
0x2fb: {  	[tilespmem:s9], [sflag:$0x3] =	stream.indirect.gather [hbm4b:s5+s29], $0x80, s4, s29, $0xb8;
	[tilespmem:$0x11C80] =	vst v63  }
0x2fc: {  	s18 =	sadd.s32 s6, s1  }
0x2fd: {  	[tilespmem:s16], [sflag:$0x1] =	stream.linear.gather [hbm4b:s18+s16], $0x50, $0x38;
	[tilespmem:$0x11C80] =	vst v63  }
0x2fe: {  	s1 =	sadd.s32 s7, s1  }
0x2ff: {  	[tilespmem:s26], [sflag:$0x1] =	stream.linear.gather [hbm4b:s1+s16], $0x50, $0x38;
	[tilespmem:$0x11C80] =	vst v63  }
0x300: {  	_ =	swait.ge [sflag:s21], $0x2800  }
0x301: {  	[sflag:s21] =	ssyncset.done $0x0  }
0x302: {  	[sflag:s21] =	ssyncadd.s32 $0xFFFFD800  }
0x303: {  	_ =	swait.ge [sflag:s21], $0x2800  }
0x304: {  	[sflag:s21] =	ssyncset.done $0x0  }
0x305: {  	s18 =	simm.s32 $0x0;
	[sflag:s21] =	ssyncadd.s32 $0xFFFFD800  }
0x306: {  	v5 =	vld [tilespmem:s18+$0x100];
	_ =	sdelay $0x1  }
0x307: {  	v4 =	vld [tilespmem:s18+$0x180];
	_ =	sdelay $0x5  }
0x308: {  	v0 =	vld.idx.msk [tilespmem:v5+s22+$0x0], $0xffff  }
0x309: {  	v1 =	vld.idx.msk [tilespmem:v5+s24+$0x0], $0xffff  }
0x30a: {  	v2 =	vld.idx.msk [tilespmem:v4+s25+$0x0], $0xffff  }
0x30b: {  	v3 =	vld.idx.msk [tilespmem:v4+s22+$0x0], $0xffff  }
0x30c: {  	s8 =	sshll.u32 s20, $0x1;
	v4 =	vld.idx.msk [tilespmem:v4+s24+$0x0], $0xffff  }
0x30d: {  	s17 =	simm.s32 $0x10;
	s9 =	simm.s32 $0x20;
	s16 =	simm.s32 $0xC0;
	v5 =	vld.idx.msk [tilespmem:v5+s25+$0x0], $0xffff  }
.LBB2_15:
0x30e: {  	_ = 	snop  }
0x30f: {  	p0 =	sne.s32 s16, $0x100;
	s1 =	smov.u32 s16;
	s16 =	sadd.s32 $0x40, s16  }
0x310: {  	v0 =	vsub.f32 v0, v3  }
0x311: {  	v1 =	vsub.f32 v1, v4  }
0x312: {  	v2 =	vsub.f32 v5, v2;
	v3 =	vmul.f32 v0, v0;
	[tilespmem:s18+$0x11B00] =	vst v0  }
0x313: {  	v0 =	vmul.f32 v1, v1;
	[tilespmem:s18+$0x11B80] =	vst v1  }
0x314: {  	v1 =	vmul.f32 v2, v2;
	[tilespmem:s18+$0x11C00] =	vst v2  }
0x315: {  	v0 =	vadd.f32 v0, v3;
	_ =	sdelay $0x1  }
0x316: {  	v0 =	vadd.f32 v1, v0;
	_ =	sdelay $0x1  }
0x317: {  	v1 =	vshrl.u32 v0, $0x1;
	v2 =	vmul.f32 $5.000000000e-01, v0  }
0x318: {  	v1 =	vsub.s32 $0x5F3759DF, v1  }
0x319: {  	v3 =	vmul.f32 v1, v2;
	_ =	sdelay $0x1  }
0x31a: {  	v3 =	vmul.f32 v1, v3;
	_ =	sdelay $0x1  }
0x31b: {  	v3 =	vsub.f32 $1.500000000e+00, v3;
	_ =	sdelay $0x1  }
0x31c: {  	v1 =	vmul.f32 v1, v3;
	_ =	sdelay $0x1  }
0x31d: {  	v3 =	vmul.f32 v1, v2;
	_ =	sdelay $0x1  }
0x31e: {  	v3 =	vmul.f32 v3, v1;
	_ =	sdelay $0x1  }
0x31f: {  	v3 =	vsub.f32 $1.500000000e+00, v3;
	_ =	sdelay $0x1  }
0x320: {  	v1 =	vmul.f32 v3, v1;
	_ =	sdelay $0x1  }
0x321: {  	v2 =	vmul.f32 v1, v2;
	_ =	sdelay $0x1  }
0x322: {  	v2 =	vmul.f32 v2, v1;
	_ =	sdelay $0x1  }
0x323: {  	v5 =	vld [tilespmem:s17+$0x100];
	v2 =	vsub.f32 $1.500000000e+00, v2;
	_ =	sdelay $0x1  }
0x324: {  	v4 =	vld [tilespmem:s17+$0x180];
	v1 =	vmul.f32 v2, v1;
	_ =	sdelay $0x1  }
0x325: {  	vm0 =	vgt.f32 v0, $0.0e+00;
	v0 =	vmul.f32 v1, v0;
	_ =	sdelay $0x1  }
0x326: {  	v0 =	vnsel vm0, $0x0, v0  }
0x327: {  	[tilespmem:s18+$0x11A80] =	vst v0;
	s18 =	smov.u32 s17;
	s17 =	smov.u32 s9  }
0x328: {  	v0 =	vld.idx.msk [tilespmem:v5+s22+$0x0], $0xffff  }
.Ltmp6:
0x329: {  	v1 =	vld.idx.msk [tilespmem:v5+s24+$0x0], $0xffff;
	(pc) =	sbr.rel @p0 .LBB2_15-.Ltmp6, $4  }
0x32a: {  	v2 =	vld.idx.msk [tilespmem:v4+s25+$0x0], $0xffff  }
0x32b: {  	v3 =	vld.idx.msk [tilespmem:v4+s22+$0x0], $0xffff  }
0x32c: {  	s9 =	sshra.s32 s1, $0x2;
	v4 =	vld.idx.msk [tilespmem:v4+s24+$0x0], $0xffff  }
0x32d: {  	v5 =	vld.idx.msk [tilespmem:v5+s25+$0x0], $0xffff  }
0x32e: {  	_ =	sdelay $0x2  }
0x32f: {  	v0 =	vsub.f32 v0, v3;
	v1 =	vsub.f32 v1, v4;
	_ =	sdelay $0x1  }
0x330: {  	v2 =	vsub.f32 v5, v2;
	v3 =	vmul.f32 v0, v0;
	v4 =	vmul.f32 v1, v1;
	_ =	sdelay $0x1  }
0x331: {  	v5 =	vmul.f32 v2, v2;
	v3 =	vadd.f32 v4, v3;
	_ =	sdelay $0x1  }
0x332: {  	v3 =	vadd.f32 v5, v3;
	_ =	sdelay $0x1  }
0x333: {  	v4 =	vshrl.u32 v3, $0x1;
	v5 =	vmul.f32 $5.000000000e-01, v3  }
0x334: {  	v4 =	vsub.s32 $0x5F3759DF, v4  }
0x335: {  	v6 =	vmul.f32 v4, v5;
	_ =	sdelay $0x1  }
0x336: {  	v6 =	vmul.f32 v4, v6;
	_ =	sdelay $0x1  }
0x337: {  	v6 =	vsub.f32 $1.500000000e+00, v6;
	_ =	sdelay $0x1  }
0x338: {  	v4 =	vmul.f32 v4, v6;
	_ =	sdelay $0x1  }
0x339: {  	v6 =	vmul.f32 v4, v5;
	_ =	sdelay $0x1  }
0x33a: {  	v6 =	vmul.f32 v6, v4;
	_ =	sdelay $0x1  }
0x33b: {  	v6 =	vsub.f32 $1.500000000e+00, v6;
	_ =	sdelay $0x1  }
0x33c: {  	v4 =	vmul.f32 v6, v4;
	_ =	sdelay $0x1  }
0x33d: {  	v5 =	vmul.f32 v4, v5  }
0x33e: {  	[tilespmem:s18+$0x11B00] =	vst v0  }
0x33f: {  	[tilespmem:s18+$0x11B80] =	vst v1;
	v0 =	vmul.f32 v5, v4  }
0x340: {  	[tilespmem:s18+$0x11C00] =	vst v2  }
0x341: {  	v1 =	vld [tilespmem:s17+$0x100];
	v0 =	vsub.f32 $1.500000000e+00, v0;
	_ =	sdelay $0x1  }
0x342: {  	v2 =	vld [tilespmem:s17+$0x180];
	v0 =	vmul.f32 v0, v4;
	_ =	sdelay $0x1  }
0x343: {  	v0 =	vmul.f32 v0, v3  }
0x344: {  	vm0 =	vgt.f32 v3, $0.0e+00  }
0x345: {  	v0 =	vnsel vm0, $0x0, v0  }
0x346: {  	[tilespmem:s18+$0x11A80] =	vst v0  }
0x347: {  	v0 =	vld.idx.msk [tilespmem:v1+s22+$0x0], $0xffff  }
0x348: {  	v3 =	vld.idx.msk [tilespmem:v1+s24+$0x0], $0xffff  }
0x349: {  	v4 =	vld.idx.msk [tilespmem:v2+s22+$0x0], $0xffff  }
0x34a: {  	v5 =	vld.idx.msk [tilespmem:v2+s24+$0x0], $0xffff  }
0x34b: {  	v2 =	vld.idx.msk [tilespmem:v2+s25+$0x0], $0xffff  }
0x34c: {  	v1 =	vld.idx.msk [tilespmem:v1+s25+$0x0], $0xffff;
	_ =	sdelay $0x2  }
0x34d: {  	v0 =	vsub.f32 v0, v4;
	v3 =	vsub.f32 v3, v5;
	_ =	sdelay $0x1  }
0x34e: {  	v1 =	vsub.f32 v1, v2;
	v2 =	vmul.f32 v0, v0;
	v4 =	vmul.f32 v3, v3;
	_ =	sdelay $0x1  }
0x34f: {  	v5 =	vmul.f32 v1, v1;
	v2 =	vadd.f32 v4, v2;
	_ =	sdelay $0x1  }
0x350: {  	v2 =	vadd.f32 v5, v2;
	_ =	sdelay $0x1  }
0x351: {  	v4 =	vshrl.u32 v2, $0x1;
	v5 =	vmul.f32 $5.000000000e-01, v2  }
0x352: {  	v4 =	vsub.s32 $0x5F3759DF, v4  }
0x353: {  	v6 =	vmul.f32 v4, v5;
	_ =	sdelay $0x1  }
0x354: {  	v6 =	vmul.f32 v4, v6;
	_ =	sdelay $0x1  }
0x355: {  	v6 =	vsub.f32 $1.500000000e+00, v6;
	_ =	sdelay $0x1  }
0x356: {  	v4 =	vmul.f32 v4, v6;
	_ =	sdelay $0x1  }
0x357: {  	v6 =	vmul.f32 v4, v5;
	_ =	sdelay $0x1  }
0x358: {  	v6 =	vmul.f32 v6, v4;
	_ =	sdelay $0x1  }
0x359: {  	v6 =	vsub.f32 $1.500000000e+00, v6;
	_ =	sdelay $0x1  }
0x35a: {  	v4 =	vmul.f32 v6, v4;
	_ =	sdelay $0x1  }
0x35b: {  	v5 =	vmul.f32 v4, v5  }
0x35c: {  	[tilespmem:s17+$0x11B00] =	vst v0  }
0x35d: {  	[tilespmem:s17+$0x11B80] =	vst v3;
	v0 =	vmul.f32 v5, v4  }
0x35e: {  	[tilespmem:s17+$0x11C00] =	vst v1  }
0x35f: {  	v1 =	vld [tilespmem:s9+$0x100];
	v0 =	vsub.f32 $1.500000000e+00, v0;
	_ =	sdelay $0x1  }
0x360: {  	v3 =	vld [tilespmem:s9+$0x180];
	v0 =	vmul.f32 v0, v4;
	_ =	sdelay $0x1  }
0x361: {  	v0 =	vmul.f32 v0, v2  }
0x362: {  	vm14 =	vgt.f32 v2, $0.0e+00  }
0x363: {  	v0 =	vnsel vm14, $0x0, v0  }
0x364: {  	[tilespmem:s17+$0x11A80] =	vst v0  }
0x365: {  	v0 =	vld.idx.msk [tilespmem:v1+s22+$0x0], $0xffff  }
0x366: {  	v2 =	vld.idx.msk [tilespmem:v1+s24+$0x0], $0xffff  }
0x367: {  	v4 =	vld.idx.msk [tilespmem:v3+s22+$0x0], $0xffff  }
0x368: {  	v5 =	vld.idx.msk [tilespmem:v3+s24+$0x0], $0xffff  }
0x369: {  	v3 =	vld.idx.msk [tilespmem:v3+s25+$0x0], $0xffff  }
0x36a: {  	v1 =	vld.idx.msk [tilespmem:v1+s25+$0x0], $0xffff;
	_ =	sdelay $0x2  }
0x36b: {  	v0 =	vsub.f32 v0, v4;
	v2 =	vsub.f32 v2, v5;
	_ =	sdelay $0x1  }
0x36c: {  	v1 =	vsub.f32 v1, v3;
	v3 =	vmul.f32 v0, v0;
	v4 =	vmul.f32 v2, v2;
	_ =	sdelay $0x1  }
0x36d: {  	v5 =	vmul.f32 v1, v1;
	v3 =	vadd.f32 v4, v3;
	_ =	sdelay $0x1  }
0x36e: {  	v3 =	vadd.f32 v5, v3;
	_ =	sdelay $0x1  }
0x36f: {  	v4 =	vshrl.u32 v3, $0x1;
	v5 =	vmul.f32 $5.000000000e-01, v3  }
0x370: {  	v4 =	vsub.s32 $0x5F3759DF, v4  }
0x371: {  	v6 =	vmul.f32 v4, v5;
	_ =	sdelay $0x1  }
0x372: {  	v6 =	vmul.f32 v4, v6;
	_ =	sdelay $0x1  }
0x373: {  	v6 =	vsub.f32 $1.500000000e+00, v6;
	_ =	sdelay $0x1  }
0x374: {  	v4 =	vmul.f32 v4, v6;
	_ =	sdelay $0x1  }
0x375: {  	v6 =	vmul.f32 v4, v5;
	_ =	sdelay $0x1  }
0x376: {  	v6 =	vmul.f32 v6, v4;
	_ =	sdelay $0x1  }
0x377: {  	v6 =	vsub.f32 $1.500000000e+00, v6;
	_ =	sdelay $0x1  }
0x378: {  	v4 =	vmul.f32 v6, v4;
	_ =	sdelay $0x1  }
0x379: {  	v5 =	vmul.f32 v4, v5;
	_ =	sdelay $0x1  }
0x37a: {  	v5 =	vmul.f32 v5, v4;
	_ =	sdelay $0x1  }
0x37b: {  	v5 =	vsub.f32 $1.500000000e+00, v5;
	_ =	sdelay $0x1  }
0x37c: {  	v4 =	vmul.f32 v5, v4;
	_ =	sdelay $0x1  }
0x37d: {  	[tilespmem:s9+$0x11B00] =	vst v0;
	v0 =	vmul.f32 v4, v3  }
0x37e: {  	[tilespmem:s9+$0x11B80] =	vst v2;
	vm15 =	vgt.f32 v3, $0.0e+00  }
0x37f: {  	[tilespmem:s9+$0x11C00] =	vst v1;
	v0 =	vnsel vm15, $0x0, v0  }
0x380: {  	[tilespmem:s9+$0x11A80] =	vst v0;
	s9 =	simm.s32 $0xF0  }
0x381: {  	v6 =	vld [tilespmem:s9+$0x7910]  }
0x382: {  	v7 =	vld [tilespmem:s9+$0x7920]  }
0x383: {  	v8 =	vld [tilespmem:s9+$0x7930]  }
0x384: {  	v9 =	vld [tilespmem:s9+$0x7940]  }
0x385: {  	v10 =	vld [tilespmem:s9+$0x7950]  }
0x386: {  	v11 =	vld [tilespmem:s9+$0x7960]  }
0x387: {  	v12 =	vld [tilespmem:s9+$0x7970]  }
0x388: {  	v13 =	vld [tilespmem:s9+$0x7980]  }
0x389: {  	v14 =	vld [tilespmem:s9+$0x7990]  }
0x38a: {  	v15 =	vld [tilespmem:s9+$0x79A0]  }
0x38b: {  	v5 =	vld [tilespmem:s9+$0x79B0]  }
0x38c: {  	v4 =	vld [tilespmem:s9+$0x79C0]  }
0x38d: {  	v3 =	vld [tilespmem:s9+$0x79D0]  }
0x38e: {  	v2 =	vld [tilespmem:s9+$0x79E0]  }
0x38f: {  	v1 =	vld [tilespmem:s9+$0x79F0]  }
0x390: {  	v0 =	vld [tilespmem:s9+$0x7A00]  }
0x391: {  	v16 =	vld [tilespmem:s9+$0x5110]  }
0x392: {  	v17 =	vld [tilespmem:s9+$0x5120]  }
0x393: {  	v18 =	vld [tilespmem:s9+$0x5130]  }
0x394: {  	v19 =	vld [tilespmem:s9+$0x5140]  }
0x395: {  	v20 =	vld [tilespmem:s9+$0x5150]  }
0x396: {  	v60 =	vld [tilespmem:s9+$0x5160];
	v6 =	vadd.f32 v6, v16  }
0x397: {  	v21 =	vld [tilespmem:s9+$0x5170];
	v7 =	vadd.f32 v7, v17  }
0x398: {  	v61 =	vld [tilespmem:s9+$0x5180];
	[tilespmem:s9+$0x5110] =	vst v6;
	v6 =	vadd.f32 v8, v18  }
0x399: {  	v62 =	vld [tilespmem:s9+$0x5190];
	[tilespmem:s9+$0x5120] =	vst v7;
	v7 =	vadd.f32 v9, v19  }
0x39a: {  	v63 =	vld [tilespmem:s9+$0x51A0];
	[tilespmem:s9+$0x5130] =	vst v6;
	v6 =	vadd.f32 v10, v20  }
0x39b: {  	v8 =	vadd.f32 v11, v60;
	[tilespmem:s9+$0x5140] =	vst v7;
	v7 =	vld [tilespmem:s9+$0x51B0]  }
0x39c: {  	v9 =	vadd.f32 v12, v21;
	[tilespmem:s9+$0x5150] =	vst v6;
	v6 =	vld [tilespmem:s9+$0x51C0]  }
0x39d: {  	[tilespmem:s9+$0x5160] =	vst v8;
	v8 =	vld [tilespmem:s9+$0x51D0];
	v10 =	vadd.f32 v13, v61  }
0x39e: {  	v12 =	vadd.f32 v14, v62;
	[tilespmem:s9+$0x5170] =	vst v9;
	v9 =	vld [tilespmem:s9+$0x51E0]  }
0x39f: {  	s17 =	simm.s32 $0x7C0;
	v11 =	vadd.f32 v15, v63;
	[tilespmem:s9+$0x5180] =	vst v10;
	v10 =	vld [tilespmem:s9+$0x51F0]  }
.LBB2_17:
0x3a0: {  	s1 =	sshra.s32 s17, $0x2;
	p0 =	sne.s32 s17, $0x9FC0;
	[tilespmem:s9+$0x5190] =	vst v12;
	v5 =	vadd.f32 v5, v7;
	v7 =	vld [tilespmem:s9+$0x5200]  }
0x3a1: {  	v12 =	vld [tilespmem:s1+$0x7910];
	[tilespmem:s9+$0x51A0] =	vst v11;
	v4 =	vadd.f32 v4, v6  }
0x3a2: {  	v6 =	vld [tilespmem:s1+$0x7920];
	[tilespmem:s9+$0x51B0] =	vst v5;
	v3 =	vadd.f32 v3, v8  }
0x3a3: {  	v8 =	vld [tilespmem:s1+$0x7930];
	[tilespmem:s9+$0x51C0] =	vst v4;
	v2 =	vadd.f32 v2, v9  }
0x3a4: {  	v9 =	vld [tilespmem:s1+$0x7940];
	[tilespmem:s9+$0x51D0] =	vst v3;
	v1 =	vadd.f32 v1, v10  }
0x3a5: {  	v10 =	vld [tilespmem:s1+$0x7950];
	[tilespmem:s9+$0x51E0] =	vst v2;
	v0 =	vadd.f32 v0, v7  }
0x3a6: {  	v7 =	vld [tilespmem:s1+$0x7960];
	[tilespmem:s9+$0x51F0] =	vst v1  }
0x3a7: {  	v11 =	vld [tilespmem:s1+$0x7970];
	[tilespmem:s9+$0x5200] =	vst v0;
	s9 =	smov.u32 s1  }
0x3a8: {  	v13 =	vld [tilespmem:s9+$0x7980]  }
0x3a9: {  	v14 =	vld [tilespmem:s9+$0x7990]  }
0x3aa: {  	v15 =	vld [tilespmem:s9+$0x79A0]  }
0x3ab: {  	v5 =	vld [tilespmem:s9+$0x79B0]  }
0x3ac: {  	v4 =	vld [tilespmem:s9+$0x79C0]  }
0x3ad: {  	v3 =	vld [tilespmem:s9+$0x79D0]  }
0x3ae: {  	v2 =	vld [tilespmem:s9+$0x79E0]  }
0x3af: {  	v1 =	vld [tilespmem:s9+$0x79F0]  }
0x3b0: {  	v0 =	vld [tilespmem:s9+$0x7A00]  }
0x3b1: {  	v16 =	vld [tilespmem:s9+$0x5110]  }
0x3b2: {  	v17 =	vld [tilespmem:s9+$0x5120]  }
0x3b3: {  	v18 =	vld [tilespmem:s9+$0x5130]  }
0x3b4: {  	v19 =	vld [tilespmem:s9+$0x5140]  }
0x3b5: {  	v20 =	vld [tilespmem:s9+$0x5150]  }
0x3b6: {  	v12 =	vadd.f32 v12, v16;
	v16 =	vld [tilespmem:s9+$0x5160]  }
0x3b7: {  	v6 =	vadd.f32 v6, v17;
	v17 =	vld [tilespmem:s9+$0x5170]  }
0x3b8: {  	[tilespmem:s9+$0x5110] =	vst v12;
	v8 =	vadd.f32 v8, v18;
	v12 =	vld [tilespmem:s9+$0x5180]  }
0x3b9: {  	[tilespmem:s9+$0x5120] =	vst v6;
	v6 =	vadd.f32 v9, v19;
	v9 =	vld [tilespmem:s9+$0x5190]  }
0x3ba: {  	[tilespmem:s9+$0x5130] =	vst v8;
	v8 =	vadd.f32 v10, v20;
	v10 =	vld [tilespmem:s9+$0x51A0]  }
.Ltmp7:
0x3bb: {  	[tilespmem:s9+$0x5140] =	vst v6;
	v16 =	vadd.f32 v7, v16;
	v7 =	vld [tilespmem:s9+$0x51B0];
	(pc) =	sbr.rel @p0 .LBB2_17-.Ltmp7, $4  }
0x3bc: {  	[tilespmem:s9+$0x5150] =	vst v8;
	v11 =	vadd.f32 v11, v17;
	v6 =	vld [tilespmem:s9+$0x51C0]  }
0x3bd: {  	[tilespmem:s9+$0x5160] =	vst v16;
	v13 =	vadd.f32 v13, v12;
	v8 =	vld [tilespmem:s9+$0x51D0]  }
0x3be: {  	[tilespmem:s9+$0x5170] =	vst v11;
	v12 =	vadd.f32 v14, v9;
	v9 =	vld [tilespmem:s9+$0x51E0]  }
0x3bf: {  	s17 =	sadd.s32 $0x400, s17;
	[tilespmem:s9+$0x5180] =	vst v13;
	v11 =	vadd.f32 v15, v10;
	v10 =	vld [tilespmem:s9+$0x51F0]  }
0x3c0: {  	[tilespmem:s9+$0x5190] =	vst v12;
	v5 =	vadd.f32 v5, v7;
	v63 =	vld [tilespmem:s9+$0x5200]  }
0x3c1: {  	[tilespmem:s9+$0x51A0] =	vst v11;
	v4 =	vadd.f32 v4, v6  }
0x3c2: {  	[tilespmem:s9+$0x51B0] =	vst v5;
	v3 =	vadd.f32 v3, v8  }
0x3c3: {  	[tilespmem:s9+$0x51C0] =	vst v4;
	v2 =	vadd.f32 v2, v9  }
0x3c4: {  	[tilespmem:s9+$0x51D0] =	vst v3;
	v1 =	vadd.f32 v1, v10  }
0x3c5: {  	s1 =	sadd.s32 $0x50, s31;
	[tilespmem:s9+$0x51E0] =	vst v2;
	v0 =	vadd.f32 v0, v63  }
0x3c6: {  	s16 =	sshrl.u32 s1, $0x3;
	[tilespmem:s9+$0x51F0] =	vst v1  }
0x3c7: {  	s17 =	simm.s32 $0x11A80;
	s31 =	sadd.s32 s11, s16;
	[tilespmem:s9+$0x5200] =	vst v0  }
0x3c8: {  	[hbm4b:s31+s3] =	stream.linear.scatter [tilespmem:s17], [sflag:$0x4], $0x50, $0x38;
	[tilespmem:$0x11C80] =	vst v63  }
0x3c9: {  	s18 =	sadd.s32 s13, s16;
	s31 =	simm.s32 $0x11B00  }
0x3ca: {  	[hbm4b:s18+s3] =	stream.linear.scatter [tilespmem:s31], [sflag:$0x4], $0x50, $0x38;
	[tilespmem:$0x11C80] =	vst v63  }
0x3cb: {  	s18 =	sadd.s32 s14, s16;
	s31 =	simm.s32 $0x11B80  }
0x3cc: {  	[hbm4b:s18+s3] =	stream.linear.scatter [tilespmem:s31], [sflag:$0x4], $0x50, $0x38;
	[tilespmem:$0x11C80] =	vst v63  }
0x3cd: {  	s1 =	sshll.u32 s1, $0x4;
	s18 =	sadd.s32 s15, s16;
	s31 =	simm.s32 $0x11C00  }
0x3ce: {  	[hbm4b:s18+s3] =	stream.linear.scatter [tilespmem:s31], [sflag:$0x4], $0x50, $0x38;
	[tilespmem:$0x11C80] =	vst v63  }
0x3cf: {  	s1 =	sadd.s32 s10, s1  }
0x3d0: {  	[hbm4b:s1+s3] =	stream.linear.scatter [tilespmem:s19], [sflag:$0x4], $0x2800, $0x38;
	[tilespmem:$0x11C80] =	vst v63  }
0x3d1: {  	_ =	swait.ge [sflag:s23], $0x50  }
0x3d2: {  	[sflag:s23] =	ssyncset.done $0x0  }
0x3d3: {  	[sflag:s23] =	ssyncadd.s32 $0xFFFFFFB0  }
0x3d4: {  	_ =	swait.ge [sflag:s23], $0x50  }
0x3d5: {  	[sflag:s23] =	ssyncset.done $0x0  }
0x3d6: {  	[sflag:s23] =	ssyncadd.s32 $0xFFFFFFB0  }
0x3d7: {  	_ =	swait.ge [sflag:s23], $0x50  }
0x3d8: {  	[sflag:s23] =	ssyncset.done $0x0  }
0x3d9: {  	[sflag:s23] =	ssyncadd.s32 $0xFFFFFFB0  }
0x3da: {  	_ =	swait.ge [sflag:s23], $0x50  }
0x3db: {  	[sflag:s23] =	ssyncset.done $0x0  }
0x3dc: {  	[sflag:s23] =	ssyncadd.s32 $0xFFFFFFB0  }
0x3dd: {  	_ =	swait.ge [sflag:s23], $0x2800  }
0x3de: {  	[sflag:s23] =	ssyncset.done $0x0  }
0x3df: {  	[sflag:s23] =	ssyncadd.s32 $0xFFFFD800  }
0x3e0: {  	_ =	swait.ge [sflag:s28], $0x50  }
0x3e1: {  	[sflag:s28] =	ssyncset.done $0x0  }
0x3e2: {  	[sflag:s28] =	ssyncadd.s32 $0xFFFFFFB0  }
0x3e3: {  	s17 =	sadd.s32 $0x3, s8;
	_ =	swait.ge [sflag:s28], $0x50  }
0x3e4: {  	s8 =	smul.u32 $0x50, s17;
	[sflag:s28] =	ssyncset.done $0x0  }
0x3e5: {  	p0 =	seq.s32 s17, $0x7D;
	[sflag:s28] =	ssyncadd.s32 $0xFFFFFFB0  }
0x3e6: {  	s20 =	sadd.s32 $0x1, s20;
	s8 =	simm.s32 @p0 $0x0;
	s9 =	rddreg [dreg:$0x0]  }
0x3e7: {  	[tilespmem:s30], [sflag:$0x2] =	stream.indirect.gather [hbm4b:s9+s29], $0x80, s3, s29, $0xb8;
	[tilespmem:$0x11C80] =	vst v63  }
0x3e8: {  	p0 =	sne.s32 s20, $0x3E;
	s16 =	simm.s32 $0x2A00;
	s18 =	sadd.s32 s12, s8  }
0x3e9: {  	[tilespmem:s16], [sflag:$0x2] =	stream.indirect.gather [hbm4b:s5+s29], $0x80, s26, s29, $0xb8;
	[tilespmem:$0x11C80] =	vst v63  }
.Ltmp8:
0x3ea: {  	s1 =	sshrl.u32 s18, $0x3;
	(pc) =	sbr.rel @p0 .LBB2_10-.Ltmp8, $4  }
0x3eb: {  	s31 =	sadd.s32 s6, s1  }
0x3ec: {  	[tilespmem:s0], [sflag:$0x1] =	stream.linear.gather [hbm4b:s31+s3], $0x50, $0x38;
	[tilespmem:$0x11C80] =	vst v63  }
0x3ed: {  	s1 =	sadd.s32 s7, s1  }
0x3ee: {  	[tilespmem:s4], [sflag:$0x1] =	stream.linear.gather [hbm4b:s1+s3], $0x50, $0x38;
	[tilespmem:$0x11C80] =	vst v63  }
0x3ef: {  	_ =	swait.ge [sflag:s2], $0x2800  }
0x3f0: {  	[sflag:s2] =	ssyncset.done $0x0  }
0x3f1: {  	[sflag:s2] =	ssyncadd.s32 $0xFFFFD800  }
0x3f2: {  	_ =	swait.ge [sflag:s2], $0x2800  }
0x3f3: {  	[sflag:s2] =	ssyncset.done $0x0  }
0x3f4: {  	s17 =	simm.s32 $0x0;
	[sflag:s2] =	ssyncadd.s32 $0xFFFFD800  }
0x3f5: {  	v5 =	vld [tilespmem:s17+$0x0];
	_ =	sdelay $0x1  }
0x3f6: {  	v4 =	vld [tilespmem:s17+$0x80];
	_ =	sdelay $0x5  }
0x3f7: {  	v0 =	vld.idx.msk [tilespmem:v5+s22+$0x0], $0xffff  }
0x3f8: {  	v1 =	vld.idx.msk [tilespmem:v5+s24+$0x0], $0xffff  }
0x3f9: {  	v2 =	vld.idx.msk [tilespmem:v4+s25+$0x0], $0xffff  }
0x3fa: {  	v3 =	vld.idx.msk [tilespmem:v4+s22+$0x0], $0xffff  }
0x3fb: {  	v4 =	vld.idx.msk [tilespmem:v4+s24+$0x0], $0xffff  }
0x3fc: {  	s9 =	simm.s32 $0x10;
	s16 =	simm.s32 $0xC0;
	s8 =	simm.s32 $0x20;
	v5 =	vld.idx.msk [tilespmem:v5+s25+$0x0], $0xffff  }
.LBB2_20:
0x3fd: {  	_ = 	snop  }
0x3fe: {  	p0 =	sne.s32 s16, $0x100;
	s1 =	smov.u32 s16;
	s16 =	sadd.s32 $0x40, s16  }
0x3ff: {  	v0 =	vsub.f32 v0, v3  }
0x400: {  	v1 =	vsub.f32 v1, v4  }
0x401: {  	v2 =	vsub.f32 v5, v2;
	v3 =	vmul.f32 v0, v0;
	[tilespmem:s17+$0x11900] =	vst v0  }
0x402: {  	v0 =	vmul.f32 v1, v1;
	[tilespmem:s17+$0x11980] =	vst v1  }
0x403: {  	v1 =	vmul.f32 v2, v2;
	[tilespmem:s17+$0x11A00] =	vst v2  }
0x404: {  	v0 =	vadd.f32 v0, v3;
	_ =	sdelay $0x1  }
0x405: {  	v0 =	vadd.f32 v1, v0;
	_ =	sdelay $0x1  }
0x406: {  	v1 =	vshrl.u32 v0, $0x1;
	v2 =	vmul.f32 $5.000000000e-01, v0  }
0x407: {  	v1 =	vsub.s32 $0x5F3759DF, v1  }
0x408: {  	v3 =	vmul.f32 v1, v2;
	_ =	sdelay $0x1  }
0x409: {  	v3 =	vmul.f32 v1, v3;
	_ =	sdelay $0x1  }
0x40a: {  	v3 =	vsub.f32 $1.500000000e+00, v3;
	_ =	sdelay $0x1  }
0x40b: {  	v1 =	vmul.f32 v1, v3;
	_ =	sdelay $0x1  }
0x40c: {  	v3 =	vmul.f32 v1, v2;
	_ =	sdelay $0x1  }
0x40d: {  	v3 =	vmul.f32 v3, v1;
	_ =	sdelay $0x1  }
0x40e: {  	v3 =	vsub.f32 $1.500000000e+00, v3;
	_ =	sdelay $0x1  }
0x40f: {  	v1 =	vmul.f32 v3, v1;
	_ =	sdelay $0x1  }
0x410: {  	v2 =	vmul.f32 v1, v2;
	_ =	sdelay $0x1  }
0x411: {  	v2 =	vmul.f32 v2, v1;
	_ =	sdelay $0x1  }
0x412: {  	v5 =	vld [tilespmem:s9+$0x0];
	v2 =	vsub.f32 $1.500000000e+00, v2;
	_ =	sdelay $0x1  }
0x413: {  	v4 =	vld [tilespmem:s9+$0x80];
	v1 =	vmul.f32 v2, v1;
	_ =	sdelay $0x1  }
0x414: {  	vm0 =	vgt.f32 v0, $0.0e+00;
	v0 =	vmul.f32 v1, v0;
	_ =	sdelay $0x1  }
0x415: {  	v0 =	vnsel vm0, $0x0, v0  }
0x416: {  	[tilespmem:s17+$0x11880] =	vst v0;
	s17 =	smov.u32 s9;
	s9 =	smov.u32 s8  }
0x417: {  	v0 =	vld.idx.msk [tilespmem:v5+s22+$0x0], $0xffff  }
.Ltmp9:
0x418: {  	v1 =	vld.idx.msk [tilespmem:v5+s24+$0x0], $0xffff;
	(pc) =	sbr.rel @p0 .LBB2_20-.Ltmp9, $4  }
0x419: {  	v2 =	vld.idx.msk [tilespmem:v4+s25+$0x0], $0xffff  }
0x41a: {  	v3 =	vld.idx.msk [tilespmem:v4+s22+$0x0], $0xffff  }
0x41b: {  	s8 =	sshra.s32 s1, $0x2;
	v4 =	vld.idx.msk [tilespmem:v4+s24+$0x0], $0xffff  }
0x41c: {  	v5 =	vld.idx.msk [tilespmem:v5+s25+$0x0], $0xffff  }
0x41d: {  	_ =	sdelay $0x2  }
0x41e: {  	v0 =	vsub.f32 v0, v3;
	v1 =	vsub.f32 v1, v4;
	_ =	sdelay $0x1  }
0x41f: {  	v2 =	vsub.f32 v5, v2;
	v3 =	vmul.f32 v0, v0;
	v4 =	vmul.f32 v1, v1;
	_ =	sdelay $0x1  }
0x420: {  	v5 =	vmul.f32 v2, v2;
	v3 =	vadd.f32 v4, v3;
	_ =	sdelay $0x1  }
0x421: {  	v3 =	vadd.f32 v5, v3;
	_ =	sdelay $0x1  }
0x422: {  	v4 =	vshrl.u32 v3, $0x1;
	v5 =	vmul.f32 $5.000000000e-01, v3  }
0x423: {  	v4 =	vsub.s32 $0x5F3759DF, v4  }
0x424: {  	v6 =	vmul.f32 v4, v5;
	_ =	sdelay $0x1  }
0x425: {  	v6 =	vmul.f32 v4, v6;
	_ =	sdelay $0x1  }
0x426: {  	v6 =	vsub.f32 $1.500000000e+00, v6;
	_ =	sdelay $0x1  }
0x427: {  	v4 =	vmul.f32 v4, v6;
	_ =	sdelay $0x1  }
0x428: {  	v6 =	vmul.f32 v4, v5;
	_ =	sdelay $0x1  }
0x429: {  	v6 =	vmul.f32 v6, v4;
	_ =	sdelay $0x1  }
0x42a: {  	v6 =	vsub.f32 $1.500000000e+00, v6;
	_ =	sdelay $0x1  }
0x42b: {  	v4 =	vmul.f32 v6, v4;
	_ =	sdelay $0x1  }
0x42c: {  	v5 =	vmul.f32 v4, v5  }
0x42d: {  	[tilespmem:s17+$0x11900] =	vst v0  }
0x42e: {  	[tilespmem:s17+$0x11980] =	vst v1;
	v0 =	vmul.f32 v5, v4  }
0x42f: {  	[tilespmem:s17+$0x11A00] =	vst v2  }
0x430: {  	v1 =	vld [tilespmem:s9+$0x0];
	v0 =	vsub.f32 $1.500000000e+00, v0;
	_ =	sdelay $0x1  }
0x431: {  	v2 =	vld [tilespmem:s9+$0x80];
	v0 =	vmul.f32 v0, v4;
	_ =	sdelay $0x1  }
0x432: {  	v0 =	vmul.f32 v0, v3  }
0x433: {  	vm0 =	vgt.f32 v3, $0.0e+00  }
0x434: {  	v0 =	vnsel vm0, $0x0, v0  }
0x435: {  	[tilespmem:s17+$0x11880] =	vst v0  }
0x436: {  	v0 =	vld.idx.msk [tilespmem:v1+s22+$0x0], $0xffff  }
0x437: {  	v3 =	vld.idx.msk [tilespmem:v1+s24+$0x0], $0xffff  }
0x438: {  	v4 =	vld.idx.msk [tilespmem:v2+s22+$0x0], $0xffff  }
0x439: {  	v5 =	vld.idx.msk [tilespmem:v2+s24+$0x0], $0xffff  }
0x43a: {  	v2 =	vld.idx.msk [tilespmem:v2+s25+$0x0], $0xffff  }
0x43b: {  	v1 =	vld.idx.msk [tilespmem:v1+s25+$0x0], $0xffff;
	_ =	sdelay $0x2  }
0x43c: {  	v0 =	vsub.f32 v0, v4;
	v3 =	vsub.f32 v3, v5;
	_ =	sdelay $0x1  }
0x43d: {  	v1 =	vsub.f32 v1, v2;
	v2 =	vmul.f32 v0, v0;
	v4 =	vmul.f32 v3, v3;
	_ =	sdelay $0x1  }
0x43e: {  	v5 =	vmul.f32 v1, v1;
	v2 =	vadd.f32 v4, v2;
	_ =	sdelay $0x1  }
0x43f: {  	v2 =	vadd.f32 v5, v2;
	_ =	sdelay $0x1  }
0x440: {  	v4 =	vshrl.u32 v2, $0x1;
	v5 =	vmul.f32 $5.000000000e-01, v2  }
0x441: {  	v4 =	vsub.s32 $0x5F3759DF, v4  }
0x442: {  	v6 =	vmul.f32 v4, v5;
	_ =	sdelay $0x1  }
0x443: {  	v6 =	vmul.f32 v4, v6;
	_ =	sdelay $0x1  }
0x444: {  	v6 =	vsub.f32 $1.500000000e+00, v6;
	_ =	sdelay $0x1  }
0x445: {  	v4 =	vmul.f32 v4, v6;
	_ =	sdelay $0x1  }
0x446: {  	v6 =	vmul.f32 v4, v5;
	_ =	sdelay $0x1  }
0x447: {  	v6 =	vmul.f32 v6, v4;
	_ =	sdelay $0x1  }
0x448: {  	v6 =	vsub.f32 $1.500000000e+00, v6;
	_ =	sdelay $0x1  }
0x449: {  	v4 =	vmul.f32 v6, v4;
	_ =	sdelay $0x1  }
0x44a: {  	v5 =	vmul.f32 v4, v5  }
0x44b: {  	[tilespmem:s9+$0x11900] =	vst v0  }
0x44c: {  	[tilespmem:s9+$0x11980] =	vst v3;
	v0 =	vmul.f32 v5, v4  }
0x44d: {  	[tilespmem:s9+$0x11A00] =	vst v1  }
0x44e: {  	v1 =	vld [tilespmem:s8+$0x0];
	v0 =	vsub.f32 $1.500000000e+00, v0;
	_ =	sdelay $0x1  }
0x44f: {  	v3 =	vld [tilespmem:s8+$0x80];
	v0 =	vmul.f32 v0, v4;
	_ =	sdelay $0x1  }
0x450: {  	v0 =	vmul.f32 v0, v2  }
0x451: {  	vm14 =	vgt.f32 v2, $0.0e+00  }
0x452: {  	v0 =	vnsel vm14, $0x0, v0  }
0x453: {  	[tilespmem:s9+$0x11880] =	vst v0  }
0x454: {  	v0 =	vld.idx.msk [tilespmem:v1+s22+$0x0], $0xffff  }
0x455: {  	v2 =	vld.idx.msk [tilespmem:v1+s24+$0x0], $0xffff  }
0x456: {  	v4 =	vld.idx.msk [tilespmem:v3+s22+$0x0], $0xffff  }
0x457: {  	v5 =	vld.idx.msk [tilespmem:v3+s24+$0x0], $0xffff  }
0x458: {  	v3 =	vld.idx.msk [tilespmem:v3+s25+$0x0], $0xffff  }
0x459: {  	v1 =	vld.idx.msk [tilespmem:v1+s25+$0x0], $0xffff;
	_ =	sdelay $0x2  }
0x45a: {  	v0 =	vsub.f32 v0, v4;
	v2 =	vsub.f32 v2, v5;
	_ =	sdelay $0x1  }
0x45b: {  	v1 =	vsub.f32 v1, v3;
	v3 =	vmul.f32 v0, v0;
	v4 =	vmul.f32 v2, v2;
	_ =	sdelay $0x1  }
0x45c: {  	v5 =	vmul.f32 v1, v1;
	v3 =	vadd.f32 v4, v3;
	_ =	sdelay $0x1  }
0x45d: {  	v3 =	vadd.f32 v5, v3;
	_ =	sdelay $0x1  }
0x45e: {  	v4 =	vshrl.u32 v3, $0x1;
	v5 =	vmul.f32 $5.000000000e-01, v3  }
0x45f: {  	v4 =	vsub.s32 $0x5F3759DF, v4  }
0x460: {  	v6 =	vmul.f32 v4, v5;
	_ =	sdelay $0x1  }
0x461: {  	v6 =	vmul.f32 v4, v6;
	_ =	sdelay $0x1  }
0x462: {  	v6 =	vsub.f32 $1.500000000e+00, v6;
	_ =	sdelay $0x1  }
0x463: {  	v4 =	vmul.f32 v4, v6;
	_ =	sdelay $0x1  }
0x464: {  	v6 =	vmul.f32 v4, v5;
	_ =	sdelay $0x1  }
0x465: {  	v6 =	vmul.f32 v6, v4;
	_ =	sdelay $0x1  }
0x466: {  	v6 =	vsub.f32 $1.500000000e+00, v6;
	_ =	sdelay $0x1  }
0x467: {  	v4 =	vmul.f32 v6, v4;
	_ =	sdelay $0x1  }
0x468: {  	v5 =	vmul.f32 v4, v5;
	_ =	sdelay $0x1  }
0x469: {  	v5 =	vmul.f32 v5, v4;
	_ =	sdelay $0x1  }
0x46a: {  	v5 =	vsub.f32 $1.500000000e+00, v5;
	_ =	sdelay $0x1  }
0x46b: {  	v4 =	vmul.f32 v5, v4;
	_ =	sdelay $0x1  }
0x46c: {  	[tilespmem:s8+$0x11900] =	vst v0;
	v0 =	vmul.f32 v4, v3  }
0x46d: {  	[tilespmem:s8+$0x11980] =	vst v2;
	vm15 =	vgt.f32 v3, $0.0e+00  }
0x46e: {  	[tilespmem:s8+$0x11A00] =	vst v1;
	v0 =	vnsel vm15, $0x0, v0  }
0x46f: {  	[tilespmem:s8+$0x11880] =	vst v0;
	s8 =	simm.s32 $0xF0  }
0x470: {  	v6 =	vld [tilespmem:s8+$0x2910]  }
0x471: {  	v7 =	vld [tilespmem:s8+$0x2920]  }
0x472: {  	v8 =	vld [tilespmem:s8+$0x2930]  }
0x473: {  	v9 =	vld [tilespmem:s8+$0x2940]  }
0x474: {  	v10 =	vld [tilespmem:s8+$0x2950]  }
0x475: {  	v11 =	vld [tilespmem:s8+$0x2960]  }
0x476: {  	v12 =	vld [tilespmem:s8+$0x2970]  }
0x477: {  	v13 =	vld [tilespmem:s8+$0x2980]  }
0x478: {  	v14 =	vld [tilespmem:s8+$0x2990]  }
0x479: {  	v15 =	vld [tilespmem:s8+$0x29A0]  }
0x47a: {  	v5 =	vld [tilespmem:s8+$0x29B0]  }
0x47b: {  	v4 =	vld [tilespmem:s8+$0x29C0]  }
0x47c: {  	v3 =	vld [tilespmem:s8+$0x29D0]  }
0x47d: {  	v2 =	vld [tilespmem:s8+$0x29E0]  }
0x47e: {  	v1 =	vld [tilespmem:s8+$0x29F0]  }
0x47f: {  	v0 =	vld [tilespmem:s8+$0x2A00]  }
0x480: {  	v16 =	vld [tilespmem:s8+$0x110]  }
0x481: {  	v17 =	vld [tilespmem:s8+$0x120]  }
0x482: {  	v18 =	vld [tilespmem:s8+$0x130]  }
0x483: {  	v19 =	vld [tilespmem:s8+$0x140]  }
0x484: {  	v20 =	vld [tilespmem:s8+$0x150]  }
0x485: {  	v60 =	vld [tilespmem:s8+$0x160];
	v6 =	vadd.f32 v6, v16  }
0x486: {  	v21 =	vld [tilespmem:s8+$0x170];
	v7 =	vadd.f32 v7, v17  }
0x487: {  	v61 =	vld [tilespmem:s8+$0x180];
	[tilespmem:s8+$0x110] =	vst v6;
	v6 =	vadd.f32 v8, v18  }
0x488: {  	v62 =	vld [tilespmem:s8+$0x190];
	[tilespmem:s8+$0x120] =	vst v7;
	v7 =	vadd.f32 v9, v19  }
0x489: {  	v63 =	vld [tilespmem:s8+$0x1A0];
	[tilespmem:s8+$0x130] =	vst v6;
	v6 =	vadd.f32 v10, v20  }
0x48a: {  	v8 =	vadd.f32 v11, v60;
	[tilespmem:s8+$0x140] =	vst v7;
	v7 =	vld [tilespmem:s8+$0x1B0]  }
0x48b: {  	v9 =	vadd.f32 v12, v21;
	[tilespmem:s8+$0x150] =	vst v6;
	v6 =	vld [tilespmem:s8+$0x1C0]  }
0x48c: {  	[tilespmem:s8+$0x160] =	vst v8;
	v8 =	vld [tilespmem:s8+$0x1D0];
	v10 =	vadd.f32 v13, v61  }
0x48d: {  	v12 =	vadd.f32 v14, v62;
	[tilespmem:s8+$0x170] =	vst v9;
	v9 =	vld [tilespmem:s8+$0x1E0]  }
0x48e: {  	s9 =	simm.s32 $0x7C0;
	v11 =	vadd.f32 v15, v63;
	[tilespmem:s8+$0x180] =	vst v10;
	v10 =	vld [tilespmem:s8+$0x1F0]  }
.LBB2_22:
0x48f: {  	s1 =	sshra.s32 s9, $0x2;
	p0 =	sne.s32 s9, $0x9FC0;
	[tilespmem:s8+$0x190] =	vst v12;
	v5 =	vadd.f32 v5, v7;
	v7 =	vld [tilespmem:s8+$0x200]  }
0x490: {  	v12 =	vld [tilespmem:s1+$0x2910];
	[tilespmem:s8+$0x1A0] =	vst v11;
	v4 =	vadd.f32 v4, v6  }
0x491: {  	v6 =	vld [tilespmem:s1+$0x2920];
	[tilespmem:s8+$0x1B0] =	vst v5;
	v3 =	vadd.f32 v3, v8  }
0x492: {  	v8 =	vld [tilespmem:s1+$0x2930];
	[tilespmem:s8+$0x1C0] =	vst v4;
	v2 =	vadd.f32 v2, v9  }
0x493: {  	v9 =	vld [tilespmem:s1+$0x2940];
	[tilespmem:s8+$0x1D0] =	vst v3;
	v1 =	vadd.f32 v1, v10  }
0x494: {  	v10 =	vld [tilespmem:s1+$0x2950];
	[tilespmem:s8+$0x1E0] =	vst v2;
	v0 =	vadd.f32 v0, v7  }
0x495: {  	v7 =	vld [tilespmem:s1+$0x2960];
	[tilespmem:s8+$0x1F0] =	vst v1  }
0x496: {  	v11 =	vld [tilespmem:s1+$0x2970];
	[tilespmem:s8+$0x200] =	vst v0;
	s8 =	smov.u32 s1  }
0x497: {  	v13 =	vld [tilespmem:s8+$0x2980]  }
0x498: {  	v14 =	vld [tilespmem:s8+$0x2990]  }
0x499: {  	v15 =	vld [tilespmem:s8+$0x29A0]  }
0x49a: {  	v5 =	vld [tilespmem:s8+$0x29B0]  }
0x49b: {  	v4 =	vld [tilespmem:s8+$0x29C0]  }
0x49c: {  	v3 =	vld [tilespmem:s8+$0x29D0]  }
0x49d: {  	v2 =	vld [tilespmem:s8+$0x29E0]  }
0x49e: {  	v1 =	vld [tilespmem:s8+$0x29F0]  }
0x49f: {  	v0 =	vld [tilespmem:s8+$0x2A00]  }
0x4a0: {  	v16 =	vld [tilespmem:s8+$0x110]  }
0x4a1: {  	v17 =	vld [tilespmem:s8+$0x120]  }
0x4a2: {  	v18 =	vld [tilespmem:s8+$0x130]  }
0x4a3: {  	v19 =	vld [tilespmem:s8+$0x140]  }
0x4a4: {  	v20 =	vld [tilespmem:s8+$0x150]  }
0x4a5: {  	v12 =	vadd.f32 v12, v16;
	v16 =	vld [tilespmem:s8+$0x160]  }
0x4a6: {  	v6 =	vadd.f32 v6, v17;
	v17 =	vld [tilespmem:s8+$0x170]  }
0x4a7: {  	[tilespmem:s8+$0x110] =	vst v12;
	v8 =	vadd.f32 v8, v18;
	v12 =	vld [tilespmem:s8+$0x180]  }
0x4a8: {  	[tilespmem:s8+$0x120] =	vst v6;
	v6 =	vadd.f32 v9, v19;
	v9 =	vld [tilespmem:s8+$0x190]  }
0x4a9: {  	[tilespmem:s8+$0x130] =	vst v8;
	v8 =	vadd.f32 v10, v20;
	v10 =	vld [tilespmem:s8+$0x1A0]  }
.Ltmp10:
0x4aa: {  	[tilespmem:s8+$0x140] =	vst v6;
	v16 =	vadd.f32 v7, v16;
	v7 =	vld [tilespmem:s8+$0x1B0];
	(pc) =	sbr.rel @p0 .LBB2_22-.Ltmp10, $4  }
0x4ab: {  	[tilespmem:s8+$0x150] =	vst v8;
	v11 =	vadd.f32 v11, v17;
	v6 =	vld [tilespmem:s8+$0x1C0]  }
0x4ac: {  	[tilespmem:s8+$0x160] =	vst v16;
	v13 =	vadd.f32 v13, v12;
	v8 =	vld [tilespmem:s8+$0x1D0]  }
0x4ad: {  	[tilespmem:s8+$0x170] =	vst v11;
	v12 =	vadd.f32 v14, v9;
	v9 =	vld [tilespmem:s8+$0x1E0]  }
0x4ae: {  	s9 =	sadd.s32 $0x400, s9;
	[tilespmem:s8+$0x180] =	vst v13;
	v11 =	vadd.f32 v15, v10;
	v10 =	vld [tilespmem:s8+$0x1F0]  }
0x4af: {  	[tilespmem:s8+$0x190] =	vst v12;
	v5 =	vadd.f32 v5, v7;
	v63 =	vld [tilespmem:s8+$0x200]  }
0x4b0: {  	[tilespmem:s8+$0x1A0] =	vst v11;
	v4 =	vadd.f32 v4, v6  }
0x4b1: {  	[tilespmem:s8+$0x1B0] =	vst v5;
	v3 =	vadd.f32 v3, v8  }
0x4b2: {  	[tilespmem:s8+$0x1C0] =	vst v4;
	v2 =	vadd.f32 v2, v9  }
0x4b3: {  	[tilespmem:s8+$0x1D0] =	vst v3;
	v1 =	vadd.f32 v1, v10  }
0x4b4: {  	[tilespmem:s8+$0x1E0] =	vst v2;
	v0 =	vadd.f32 v0, v63  }
0x4b5: {  	[tilespmem:s8+$0x1F0] =	vst v1  }
0x4b6: {  	s1 =	rddreg [dreg:$0x19];
	s18 =	simm.s32 $0x11880;
	[tilespmem:s8+$0x200] =	vst v0  }
0x4b7: {  	[hbm4b:s1+s3] =	stream.linear.scatter [tilespmem:s18], [sflag:$0x4], $0x50, $0x38;
	[tilespmem:$0x11C80] =	vst v63  }
0x4b8: {  	s20 =	rddreg [dreg:$0x1a];
	s31 =	simm.s32 $0x11900  }
0x4b9: {  	[hbm4b:s20+s3] =	stream.linear.scatter [tilespmem:s31], [sflag:$0x4], $0x50, $0x38;
	[tilespmem:$0x11C80] =	vst v63  }
0x4ba: {  	s9 =	simm.s32 $0x11980;
	s8 =	rddreg [dreg:$0x1b]  }
0x4bb: {  	[hbm4b:s8+s3] =	stream.linear.scatter [tilespmem:s9], [sflag:$0x4], $0x50, $0x38;
	[tilespmem:$0x11C80] =	vst v63  }
0x4bc: {  	s16 =	rddreg [dreg:$0x1c];
	s17 =	simm.s32 $0x11A00  }
0x4bd: {  	[hbm4b:s16+s3] =	stream.linear.scatter [tilespmem:s17], [sflag:$0x4], $0x50, $0x38;
	[tilespmem:$0x11C80] =	vst v63  }
0x4be: {  	s18 =	rddreg [dreg:$0x1d]  }
0x4bf: {  	[hbm4b:s18+s3] =	stream.linear.scatter [tilespmem:s30], [sflag:$0x4], $0x2800, $0x38;
	[tilespmem:$0x11C80] =	vst v63  }
0x4c0: {  	_ =	swait.ge [sflag:s23], $0x50  }
0x4c1: {  	[sflag:s23] =	ssyncset.done $0x0  }
0x4c2: {  	[sflag:s23] =	ssyncadd.s32 $0xFFFFFFB0  }
0x4c3: {  	_ =	swait.ge [sflag:s23], $0x50  }
0x4c4: {  	[sflag:s23] =	ssyncset.done $0x0  }
0x4c5: {  	[sflag:s23] =	ssyncadd.s32 $0xFFFFFFB0  }
0x4c6: {  	_ =	swait.ge [sflag:s23], $0x50  }
0x4c7: {  	[sflag:s23] =	ssyncset.done $0x0  }
0x4c8: {  	[sflag:s23] =	ssyncadd.s32 $0xFFFFFFB0  }
0x4c9: {  	_ =	swait.ge [sflag:s23], $0x50  }
0x4ca: {  	[sflag:s23] =	ssyncset.done $0x0  }
0x4cb: {  	[sflag:s23] =	ssyncadd.s32 $0xFFFFFFB0  }
0x4cc: {  	_ =	swait.ge [sflag:s23], $0x2800  }
0x4cd: {  	[sflag:s23] =	ssyncset.done $0x0  }
0x4ce: {  	[sflag:s23] =	ssyncadd.s32 $0xFFFFD800  }
0x4cf: {  	_ =	swait.ge [sflag:s23], $0x50  }
0x4d0: {  	[sflag:s23] =	ssyncset.done $0x0  }
0x4d1: {  	[sflag:s23] =	ssyncadd.s32 $0xFFFFFFB0  }
0x4d2: {  	_ =	swait.ge [sflag:s23], $0x50  }
0x4d3: {  	[sflag:s23] =	ssyncset.done $0x0  }
0x4d4: {  	[sflag:s23] =	ssyncadd.s32 $0xFFFFFFB0  }
0x4d5: {  	_ =	swait.ge [sflag:s23], $0x50  }
0x4d6: {  	[sflag:s23] =	ssyncset.done $0x0  }
0x4d7: {  	[sflag:s23] =	ssyncadd.s32 $0xFFFFFFB0  }
0x4d8: {  	_ =	swait.ge [sflag:s23], $0x50  }
0x4d9: {  	[sflag:s23] =	ssyncset.done $0x0  }
0x4da: {  	[sflag:s23] =	ssyncadd.s32 $0xFFFFFFB0  }
0x4db: {  	_ =	swait.ge [sflag:s23], $0x2800  }
0x4dc: {  	[sflag:s23] =	ssyncset.done $0x0  }
0x4dd: {  	[sflag:s23] =	ssyncadd.s32 $0xFFFFD800  }
0x4de: {  	_ =	swait.ge [sflag:s28], $0x50  }
0x4df: {  	[sflag:s28] =	ssyncset.done $0x0  }
0x4e0: {  	[sflag:s28] =	ssyncadd.s32 $0xFFFFFFB0  }
0x4e1: {  	_ =	swait.ge [sflag:s28], $0x50  }
0x4e2: {  	s20 =	rddreg [dreg:$0x1f]  }
0x4e3: {  	s31 =	rddreg [dreg:$0x1e];
	s8 =	sadd.s32 $0x1, s20  }
0x4e4: {  	p0 =	sne.s32 s8, s31  }
.Ltmp11:
0x4e5: {  	_ = 	snop;
	(pc) =	sbr.rel @p0 .LBB2_1-.Ltmp11, $3  }
0x4e6: {  	_ =	sdelay $0x1  }
0x4e7: {  	[sflag:s28] =	ssyncset.done $0x0  }
0x4e8: {  	[sflag:s28] =	ssyncadd.s32 $0xFFFFFFB0  }
0x4e9: {  	_ =	sfence.sel $0x180000  }
0x4ea: {  	[bflag:$0x0] =	sbarrier.arrive $0xFFFF  }
0x4eb: {  	_ =	strace $0x90000047  }
0x4ec: {  	s0 =	stileid.u32;
	[bflag:$0x2] =	sbarrier.arrive $0xFFFF  }
0x4ed: {  	p0 =	sne.s32 s0, $0x0;
	s0 =	rddreg [dreg:$0x3]  }
0x4ee: {  	s0 =	sadd.s32 @!p0 $0x100000, s0  }
0x4ef: {  	[sflag:s0] =	ssyncadd.tile.s32 @!p0 $0x1;
	_ =	shalt  }
.Lfunc_end2:
_tile_overlayer_lowered:
.L_overlay_start_2:
0x4f0: {  	(tag) =	ssettag $0x2  }
0x4f1: {  	s0 =	rddreg [dreg:$0x0];
	s2 =	stileid.u32  }
0x4f2: {  	s1 =	rddreg [dreg:$0x1];
	p0 =	sne.s32 s2, $0x0  }
0x4f3: {  	s3 =	rddreg [dreg:$0x2];
	[bflag:$0x3] =	sbarrier.arrive $0xFFFF;
	s2 =	simm.s32 @!p0 $0x1C05  }
0x4f4: {  	[timem:s3], [sflag:s2] =	dma.local @!p0 [hbm:s0], s1  }
0x4f5: {  	s0 =	simm.s32 @!p0 $0x5  }
0x4f6: {  	_ =	swait.ge @!p0 [sflag:s0], s1  }
0x4f7: {  	s1 =	ssub.s32 @!p0 $0x0, s1;
	[sflag:s0] =	ssyncset.done @!p0 $0x0  }
0x4f8: {  	[sflag:s0] =	ssyncadd.s32 @!p0 s1  }
0x4f9: {  	[bflag:$0x3] =	sbarrier.arrive $0xFFFF  }
0x4fa: {  	_ =	shalt  }

</sc_bundles>
